<compile_context>
chip_gen: v7x
topology: tpu7x:2x2x1
jax: 0.10.2.dev20260603
libtpu: 0.0.44.dev20260713+nightly
codegen_flags: <defaults>
</compile_context>

<pallas_src>
import jax
import jax.numpy as jnp
from jax import lax
from jax.experimental import pallas as pl
from jax.experimental.pallas import tpu as pltpu
from jax.experimental.pallas import tpu_sc as plsc

PATCH = 48
HEADS = 16
POS_BND = 38
RPE_NUM = 2 * POS_BND + 1
TAB_WORDS = 3 * RPE_NUM * HEADS
JT, JR = PATCH // 8, 8
BTILES, BL = 8, 128
NC, NS = 2, 16
NW = NC * NS
UNITS = PATCH * BTILES
UPW = UNITS // NW


JTH = JT // 2
NHALF = 2 * UPW


def _sc_body(xyz_hbm, tab_hbm, out_hbm, tab_v, xyz_v, out_v,
             isem0, isem1, osem0, osem1):
    wid = lax.axis_index("s") * NC + lax.axis_index("c")
    pltpu.sync_copy(tab_hbm, tab_v)
    isems = (isem0, isem1)
    osems = (osem0, osem1)

    def slices(k):
        uid = wid * UPW + k // 2
        i = uid // BTILES
        bt = uid % BTILES
        jslab = pl.ds((k % 2) * JTH, JTH)
        return (xyz_hbm.at[i, :, jslab, bt], out_hbm.at[:, i, jslab, bt])

    pltpu.make_async_copy(slices(0)[0], xyz_v.at[0], isem0).start()

    def kk_body(kk, carry):
        for b in range(2):
            k = 2 * kk + b

            @pl.when(k + 1 < NHALF)
            def _():
                pltpu.make_async_copy(
                    slices(k + 1)[0], xyz_v.at[1 - b], isems[1 - b]).start()

            pltpu.make_async_copy(slices(k)[0], xyz_v.at[b], isems[b]).wait()

            @pl.when(k >= 2)
            def _():
                pltpu.make_async_copy(
                    out_v.at[b], slices(k - 2)[1], osems[b]).wait()

            @plsc.parallel_loop(0, JTH * JR * (BL // 16), unroll=2)
            def vec_body(t):
                jt = t // (JR * (BL // 16))
                jr = (t // (BL // 16)) % JR
                cc = t % (BL // 16)
                sl = pl.ds(cc * 16, 16)

                def prep(d):
                    g = xyz_v[b, d, jt, jr, sl]
                    g = jnp.minimum(jnp.maximum(g, -POS_BND), POS_BND)
                    return g + (POS_BND + d * RPE_NUM)

                r0, r1, r2 = prep(0), prep(1), prep(2)
                for p in range(HEADS // 2):
                    pb = p * (3 * RPE_NUM)
                    s = (plsc.bitcast(plsc.load_gather(tab_v, [r0 + pb]),
                                      jnp.bfloat16)
                         + plsc.bitcast(plsc.load_gather(tab_v, [r1 + pb]),
                                        jnp.bfloat16)
                         + plsc.bitcast(plsc.load_gather(tab_v, [r2 + pb]),
                                        jnp.bfloat16))
                    lo, hi = plsc.unpack(s, format=plsc.PackFormat.INTERLEAVED)
                    out_v[b, 2 * p, jt, jr, sl] = lo
                    out_v[b, 2 * p + 1, jt, jr, sl] = hi

            pltpu.make_async_copy(out_v.at[b], slices(k)[1], osems[b]).start()
        return carry

    lax.fori_loop(0, UPW, kk_body, 0)
    pltpu.make_async_copy(out_v.at[0], slices(NHALF - 2)[1], osems[0]).wait()
    pltpu.make_async_copy(out_v.at[1], slices(NHALF - 1)[1], osems[1]).wait()


def kernel(xyz, rpe_table):
    B = xyz.shape[0]
    xyz6 = (xyz.astype(jnp.int32)
            .transpose(1, 3, 2, 0)
            .reshape(PATCH, 3, JT, JR, BTILES, BL)
            .transpose(0, 1, 2, 4, 3, 5))
    u = jax.lax.bitcast_convert_type(
        rpe_table.astype(jnp.bfloat16), jnp.uint16).astype(jnp.uint32)
    words = (u[:, 0::2] | (u[:, 1::2] << 16)).astype(jnp.int32)
    tab_flat = words.T.reshape(-1)
    mesh = plsc.VectorSubcoreMesh(core_axis_name="c", subcore_axis_name="s")
    run = pl.kernel(
        _sc_body,
        mesh=mesh,
        compiler_params=pltpu.CompilerParams(needs_layout_passes=False),
        out_type=jax.ShapeDtypeStruct((HEADS, PATCH, JT, BTILES, JR, BL),
                                      jnp.float32),
        scratch_types=[
            pltpu.VMEM((TAB_WORDS // 2,), jnp.int32),
            pltpu.VMEM((2, 3, JTH, JR, BL), jnp.int32),
            pltpu.VMEM((2, HEADS, JTH, JR, BL), jnp.float32),
            pltpu.SemaphoreType.DMA,
            pltpu.SemaphoreType.DMA,
            pltpu.SemaphoreType.DMA,
            pltpu.SemaphoreType.DMA,
        ],
    )
    out6 = run(xyz6, tab_flat)
    return (out6.transpose(0, 1, 2, 4, 3, 5)
            .reshape(HEADS, PATCH, PATCH, B)
            .transpose(3, 0, 1, 2))

# --- scband reference (transcript-rebuilt; emitter-appended) ---
"""Pipeline reference for scband-rpe-4286377361901 (READ-ONLY COPY).

The authoritative reference and input builder live on the scoring server;
editing this copy changes nothing except your own understanding.
"""

import jax, jax.numpy as jnp
import numpy as np

PATCH_SIZE = 48
NUM_HEADS = 16
DILATION = 1
POS_BND = int(0.8 * PATCH_SIZE * DILATION ** 0.5)  # 38
RPE_NUM = 2 * POS_BND + 1  # 77


def setup_inputs(seed: int = 0) -> dict:
    key = jax.random.key(seed)
    k1, k2 = jax.random.split(key)
    xyz = jax.random.randint(k1, (1024, PATCH_SIZE, PATCH_SIZE, 3), 0, 39, dtype=jnp.int64 if jax.config.jax_enable_x64 else jnp.int32)
    rpe_table = jax.random.normal(k2, (3 * RPE_NUM, NUM_HEADS), dtype=jnp.float32) * 0.02
    return {"xyz": xyz, "rpe_table": rpe_table}


def reference(xyz, rpe_table):
    mul = jnp.arange(3, dtype=xyz.dtype) * RPE_NUM
    x = jnp.clip(xyz, -POS_BND, POS_BND)
    idx = x + (POS_BND + mul)  # broadcast over last dim (3)
    out = jnp.take(rpe_table, idx.reshape(-1), axis=0)
    out = out.reshape(idx.shape + (NUM_HEADS,)).sum(axis=3)  # [B, N, N, H]
    out = jnp.transpose(out, (0, 3, 1, 2))  # [B, H, N, N]
    return out

if __name__ == "__main__":
    import jax
    _d = setup_inputs()
    print(jax.jit(kernel)(*tuple(_d.values())))

</pallas_src>

<mosaic_0001>
#map = affine_map<(d0, d1) -> (0, 0, 0, 0, 0, 0)>
#map1 = affine_map<(d0, d1) -> (0)>
module attributes {stable_mosaic.version = 14 : i64} {
  func.func @_sc_body(%arg0: i32, %arg1: i32, %arg2: memref<48x3x6x8x8x128xi32, #tpu.memory_space<hbm>>, %arg3: memref<1848xi32, #tpu.memory_space<hbm>>, %arg4: memref<16x48x6x8x8x128xf32, #tpu.memory_space<hbm>>, %arg5: memref<1848xi32, #tpu.memory_space<vmem>>, %arg6: memref<2x3x3x8x128xi32, #tpu.memory_space<vmem>>, %arg7: memref<2x16x3x8x128xf32, #tpu.memory_space<vmem>>, %arg8: memref<!tpu.dma_semaphore, #tpu.memory_space<semaphore_mem>>, %arg9: memref<!tpu.dma_semaphore, #tpu.memory_space<semaphore_mem>>, %arg10: memref<!tpu.dma_semaphore, #tpu.memory_space<semaphore_mem>>, %arg11: memref<!tpu.dma_semaphore, #tpu.memory_space<semaphore_mem>>) attributes {dimension_semantics = [#tpu.dimension_semantics<core_parallel>, #tpu.dimension_semantics<subcore_parallel>], iteration_bounds = array<i64: 2, 16>, scalar_prefetch = 0 : i64, scratch_operands = 7 : i64, tpu.core_type = #tpu.core_type<sc_vector_subcore>, window_params = [{transform_indices = #map}, {transform_indices = #map1}, {transform_indices = #map}]} {
    %mul3A = arith.constant 2 : i32
    %mul3A_0 = arith.muli %arg1, %mul3A : i32
    %add3A = arith.addi %mul3A_0, %arg0 : i32
    "tpu.region"() ({
      %run_scoped3A = tpu.sem_alloc : memref<!tpu.dma_semaphore, #tpu.memory_space<semaphore_mem>>
      tpu.enqueue_dma source(%arg3 : memref<1848xi32, #tpu.memory_space<hbm>>) target(%arg5 : memref<1848xi32, #tpu.memory_space<vmem>>) target_semaphore(%run_scoped3A : memref<!tpu.dma_semaphore, #tpu.memory_space<semaphore_mem>>)
      tpu.wait_dma2 semaphore(%run_scoped3A : memref<!tpu.dma_semaphore, #tpu.memory_space<semaphore_mem>>) src(%arg3 : memref<1848xi32, #tpu.memory_space<hbm>>) dst(%arg5 : memref<1848xi32, #tpu.memory_space<vmem>>)
      tpu.yield
    }) : () -> ()
    %mul3A_1 = arith.constant 12 : i32
    %mul3A_2 = arith.muli %add3A, %mul3A_1 : i32
    %add3A_3 = arith.constant 0 : i32
    %add3A_4 = arith.addi %mul3A_2, %add3A_3 : i32
    %jit3A = arith.constant 8 : i32
    %div3A = arith.divsi %add3A_4, %jit3A : i32
    %sign3A = arith.constant 0 : i32
    %sign3A_5 = arith.cmpi sgt, %add3A_4, %sign3A : i32
    %sign3A_6 = arith.extui %sign3A_5 : i1 to i32
    %sign3A_7 = arith.constant 0 : i32
    %sign3A_8 = arith.cmpi slt, %add3A_4, %sign3A_7 : i32
    %sign3A_9 = arith.extui %sign3A_8 : i1 to i32
    %sign3A_10 = arith.subi %sign3A_6, %sign3A_9 : i32
    %sign3A_11 = arith.constant 0 : i32
    %sign3A_12 = arith.cmpi sgt, %jit3A, %sign3A_11 : i32
    %sign3A_13 = arith.extui %sign3A_12 : i1 to i32
    %sign3A_14 = arith.constant 0 : i32
    %sign3A_15 = arith.cmpi slt, %jit3A, %sign3A_14 : i32
    %sign3A_16 = arith.extui %sign3A_15 : i1 to i32
    %sign3A_17 = arith.subi %sign3A_13, %sign3A_16 : i32
    %ne3A = arith.cmpi ne, %sign3A_10, %sign3A_17 : i32
    %rem3A = arith.remsi %add3A_4, %jit3A : i32
    %ne3A_18 = arith.constant 0 : i32
    %ne3A_19 = arith.cmpi ne, %rem3A, %ne3A_18 : i32
    %and3A = arith.andi %ne3A, %ne3A_19 : i1
    %sub3A = arith.constant 1 : i32
    %sub3A_20 = arith.subi %div3A, %sub3A : i32
    %select_n3A = arith.select %and3A, %sub3A_20, %div3A : i32
    %jit3A_21 = arith.constant 8 : i32
    %eq3A = arith.constant 0 : i32
    %eq3A_22 = arith.cmpi eq, %jit3A_21, %eq3A : i32
    %jit3A_23 = arith.constant 1 : i32
    %select_n3A_24 = arith.select %eq3A_22, %jit3A_23, %jit3A_21 : i32
    %rem3A_25 = arith.remsi %add3A_4, %select_n3A_24 : i32
    %ne3A_26 = arith.constant 0 : i32
    %ne3A_27 = arith.cmpi ne, %rem3A_25, %ne3A_26 : i32
    %lt3A = arith.constant 0 : i32
    %lt3A_28 = arith.cmpi slt, %rem3A_25, %lt3A : i32
    %lt3A_29 = arith.constant 0 : i32
    %lt3A_30 = arith.cmpi slt, %select_n3A_24, %lt3A_29 : i32
    %ne3A_31 = arith.xori %lt3A_28, %lt3A_30 : i1
    %and3A_32 = arith.andi %ne3A_31, %ne3A_27 : i1
    %add3A_33 = arith.addi %rem3A_25, %select_n3A_24 : i32
    %select_n3A_34 = arith.select %and3A_32, %add3A_33, %rem3A_25 : i32
    %dma_start3A = arith.constant 0 : i32
    %dma_start3A_35 = arith.constant 0 : i32
    %dma_start3A_36 = arith.constant 0 : i32
    %dma_start3A_37 = arith.constant 0 : i32
    %dma_start3A_38 = arith.constant 0 : i32
    %dma_start3A_39 = tpu.memref_slice %arg6[%dma_start3A, %dma_start3A_35, %dma_start3A_36, %dma_start3A_37, %dma_start3A_38] : memref<2x3x3x8x128xi32, #tpu.memory_space<vmem>> -> memref<1x3x3x8x128xi32, #tpu.memory_space<vmem>>
    %dma_start3A_40 = tpu.memref_squeeze %dma_start3A_39 : memref<1x3x3x8x128xi32, #tpu.memory_space<vmem>> -> memref<3x3x8x128xi32, #tpu.memory_space<vmem>>
    %dma_start3A_41 = arith.constant 0 : i32
    %dma_start3A_42 = arith.constant 0 : i32
    %dma_start3A_43 = arith.constant 0 : i32
    %dma_start3A_44 = arith.constant 0 : i32
    %dma_start3A_45 = tpu.memref_slice %arg2[%select_n3A, %dma_start3A_41, %dma_start3A_42, %select_n3A_34, %dma_start3A_43, %dma_start3A_44] : memref<48x3x6x8x8x128xi32, #tpu.memory_space<hbm>> -> memref<1x3x3x1x8x128xi32, #tpu.memory_space<hbm>>
    %dma_start3A_46 = tpu.memref_squeeze %dma_start3A_45 : memref<1x3x3x1x8x128xi32, #tpu.memory_space<hbm>> -> memref<3x3x8x128xi32, #tpu.memory_space<hbm>>
    %dma_start3A_47 = arith.constant 0 : i32
    %dma_start3A_48 = arith.constant 0 : i32
    %dma_start3A_49 = arith.constant 0 : i32
    %dma_start3A_50 = arith.constant 0 : i32
    %dma_start3A_51 = tpu.memref_slice %arg6[%dma_start3A, %dma_start3A_47, %dma_start3A_48, %dma_start3A_49, %dma_start3A_50] : memref<2x3x3x8x128xi32, #tpu.memory_space<vmem>> -> memref<1x3x3x8x128xi32, #tpu.memory_space<vmem>>
    %dma_start3A_52 = tpu.memref_squeeze %dma_start3A_51 : memref<1x3x3x8x128xi32, #tpu.memory_space<vmem>> -> memref<3x3x8x128xi32, #tpu.memory_space<vmem>>
    %dma_start3A_53 = arith.constant 0 : i32
    %dma_start3A_54 = arith.constant 0 : i32
    %dma_start3A_55 = arith.constant 0 : i32
    %dma_start3A_56 = arith.constant 0 : i32
    %dma_start3A_57 = tpu.memref_slice %arg2[%select_n3A, %dma_start3A_53, %dma_start3A_54, %select_n3A_34, %dma_start3A_55, %dma_start3A_56] : memref<48x3x6x8x8x128xi32, #tpu.memory_space<hbm>> -> memref<1x3x3x1x8x128xi32, #tpu.memory_space<hbm>>
    %dma_start3A_58 = tpu.memref_squeeze %dma_start3A_57 : memref<1x3x3x1x8x128xi32, #tpu.memory_space<hbm>> -> memref<3x3x8x128xi32, #tpu.memory_space<hbm>>
    tpu.enqueue_dma source(%dma_start3A_58 : memref<3x3x8x128xi32, #tpu.memory_space<hbm>>) target(%dma_start3A_52 : memref<3x3x8x128xi32, #tpu.memory_space<vmem>>) target_semaphore(%arg8 : memref<!tpu.dma_semaphore, #tpu.memory_space<semaphore_mem>>)
    %scan3A = arith.constant 0 : i32
    %scan3A_59 = arith.constant 0 : i32
    %scan3A_60 = arith.constant 12 : i32
    %scan3A_61 = arith.addi %scan3A_59, %scan3A_60 : i32
    %scan3A_62 = arith.constant 1 : i32
    scf.for %scan3A_201 = %scan3A_59 to %scan3A_61 step %scan3A_62  : i32 {
      %mul3A_202 = arith.constant 2 : i32
      %mul3A_203 = arith.muli %mul3A_202, %scan3A_201 : i32
      %add3A_204 = arith.constant 0 : i32
      %add3A_205 = arith.addi %mul3A_203, %add3A_204 : i32
      %add3A_206 = arith.constant 1 : i32
      %add3A_207 = arith.addi %add3A_205, %add3A_206 : i32
      %lt3A_208 = arith.constant 24 : i32
      %lt3A_209 = arith.cmpi slt, %add3A_207, %lt3A_208 : i32
      %convert_element_type3A = arith.extui %lt3A_209 : i1 to i32
      %cond3A = arith.constant 0 : i32
      %cond3A_210 = arith.cmpi ne, %convert_element_type3A, %cond3A : i32
      scf.if %cond3A_210 {
        %add3A_668 = arith.constant 1 : i32
        %add3A_669 = arith.addi %add3A_205, %add3A_668 : i32
        %mul3A_670 = arith.constant 12 : i32
        %mul3A_671 = arith.muli %add3A, %mul3A_670 : i32
        %jit3A_672 = arith.constant 2 : i32
        %div3A_673 = arith.divsi %add3A_669, %jit3A_672 : i32
        %sign3A_674 = arith.constant 0 : i32
        %sign3A_675 = arith.cmpi sgt, %add3A_669, %sign3A_674 : i32
        %sign3A_676 = arith.extui %sign3A_675 : i1 to i32
        %sign3A_677 = arith.constant 0 : i32
        %sign3A_678 = arith.cmpi slt, %add3A_669, %sign3A_677 : i32
        %sign3A_679 = arith.extui %sign3A_678 : i1 to i32
        %sign3A_680 = arith.subi %sign3A_676, %sign3A_679 : i32
        %sign3A_681 = arith.constant 0 : i32
        %sign3A_682 = arith.cmpi sgt, %jit3A_672, %sign3A_681 : i32
        %sign3A_683 = arith.extui %sign3A_682 : i1 to i32
        %sign3A_684 = arith.constant 0 : i32
        %sign3A_685 = arith.cmpi slt, %jit3A_672, %sign3A_684 : i32
        %sign3A_686 = arith.extui %sign3A_685 : i1 to i32
        %sign3A_687 = arith.subi %sign3A_683, %sign3A_686 : i32
        %ne3A_688 = arith.cmpi ne, %sign3A_680, %sign3A_687 : i32
        %rem3A_689 = arith.remsi %add3A_669, %jit3A_672 : i32
        %ne3A_690 = arith.constant 0 : i32
        %ne3A_691 = arith.cmpi ne, %rem3A_689, %ne3A_690 : i32
        %and3A_692 = arith.andi %ne3A_688, %ne3A_691 : i1
        %sub3A_693 = arith.constant 1 : i32
        %sub3A_694 = arith.subi %div3A_673, %sub3A_693 : i32
        %select_n3A_695 = arith.select %and3A_692, %sub3A_694, %div3A_673 : i32
        %add3A_696 = arith.addi %mul3A_671, %select_n3A_695 : i32
        %jit3A_697 = arith.constant 8 : i32
        %div3A_698 = arith.divsi %add3A_696, %jit3A_697 : i32
        %sign3A_699 = arith.constant 0 : i32
        %sign3A_700 = arith.cmpi sgt, %add3A_696, %sign3A_699 : i32
        %sign3A_701 = arith.extui %sign3A_700 : i1 to i32
        %sign3A_702 = arith.constant 0 : i32
        %sign3A_703 = arith.cmpi slt, %add3A_696, %sign3A_702 : i32
        %sign3A_704 = arith.extui %sign3A_703 : i1 to i32
        %sign3A_705 = arith.subi %sign3A_701, %sign3A_704 : i32
        %sign3A_706 = arith.constant 0 : i32
        %sign3A_707 = arith.cmpi sgt, %jit3A_697, %sign3A_706 : i32
        %sign3A_708 = arith.extui %sign3A_707 : i1 to i32
        %sign3A_709 = arith.constant 0 : i32
        %sign3A_710 = arith.cmpi slt, %jit3A_697, %sign3A_709 : i32
        %sign3A_711 = arith.extui %sign3A_710 : i1 to i32
        %sign3A_712 = arith.subi %sign3A_708, %sign3A_711 : i32
        %ne3A_713 = arith.cmpi ne, %sign3A_705, %sign3A_712 : i32
        %rem3A_714 = arith.remsi %add3A_696, %jit3A_697 : i32
        %ne3A_715 = arith.constant 0 : i32
        %ne3A_716 = arith.cmpi ne, %rem3A_714, %ne3A_715 : i32
        %and3A_717 = arith.andi %ne3A_713, %ne3A_716 : i1
        %sub3A_718 = arith.constant 1 : i32
        %sub3A_719 = arith.subi %div3A_698, %sub3A_718 : i32
        %select_n3A_720 = arith.select %and3A_717, %sub3A_719, %div3A_698 : i32
        %jit3A_721 = arith.constant 8 : i32
        %eq3A_722 = arith.constant 0 : i32
        %eq3A_723 = arith.cmpi eq, %jit3A_721, %eq3A_722 : i32
        %jit3A_724 = arith.constant 1 : i32
        %select_n3A_725 = arith.select %eq3A_723, %jit3A_724, %jit3A_721 : i32
        %rem3A_726 = arith.remsi %add3A_696, %select_n3A_725 : i32
        %ne3A_727 = arith.constant 0 : i32
        %ne3A_728 = arith.cmpi ne, %rem3A_726, %ne3A_727 : i32
        %lt3A_729 = arith.constant 0 : i32
        %lt3A_730 = arith.cmpi slt, %rem3A_726, %lt3A_729 : i32
        %lt3A_731 = arith.constant 0 : i32
        %lt3A_732 = arith.cmpi slt, %select_n3A_725, %lt3A_731 : i32
        %ne3A_733 = arith.xori %lt3A_730, %lt3A_732 : i1
        %and3A_734 = arith.andi %ne3A_733, %ne3A_728 : i1
        %add3A_735 = arith.addi %rem3A_726, %select_n3A_725 : i32
        %select_n3A_736 = arith.select %and3A_734, %add3A_735, %rem3A_726 : i32
        %jit3A_737 = arith.constant 2 : i32
        %eq3A_738 = arith.constant 0 : i32
        %eq3A_739 = arith.cmpi eq, %jit3A_737, %eq3A_738 : i32
        %jit3A_740 = arith.constant 1 : i32
        %select_n3A_741 = arith.select %eq3A_739, %jit3A_740, %jit3A_737 : i32
        %rem3A_742 = arith.remsi %add3A_669, %select_n3A_741 : i32
        %ne3A_743 = arith.constant 0 : i32
        %ne3A_744 = arith.cmpi ne, %rem3A_742, %ne3A_743 : i32
        %lt3A_745 = arith.constant 0 : i32
        %lt3A_746 = arith.cmpi slt, %rem3A_742, %lt3A_745 : i32
        %lt3A_747 = arith.constant 0 : i32
        %lt3A_748 = arith.cmpi slt, %select_n3A_741, %lt3A_747 : i32
        %ne3A_749 = arith.xori %lt3A_746, %lt3A_748 : i1
        %and3A_750 = arith.andi %ne3A_749, %ne3A_744 : i1
        %add3A_751 = arith.addi %rem3A_742, %select_n3A_741 : i32
        %select_n3A_752 = arith.select %and3A_750, %add3A_751, %rem3A_742 : i32
        %mul3A_753 = arith.constant 3 : i32
        %mul3A_754 = arith.muli %select_n3A_752, %mul3A_753 : i32
        %dma_start3A_755 = arith.constant 1 : i32
        %dma_start3A_756 = arith.constant 0 : i32
        %dma_start3A_757 = arith.constant 0 : i32
        %dma_start3A_758 = arith.constant 0 : i32
        %dma_start3A_759 = arith.constant 0 : i32
        %dma_start3A_760 = tpu.memref_slice %arg6[%dma_start3A_755, %dma_start3A_756, %dma_start3A_757, %dma_start3A_758, %dma_start3A_759] : memref<2x3x3x8x128xi32, #tpu.memory_space<vmem>> -> memref<1x3x3x8x128xi32, #tpu.memory_space<vmem>>
        %dma_start3A_761 = tpu.memref_squeeze %dma_start3A_760 : memref<1x3x3x8x128xi32, #tpu.memory_space<vmem>> -> memref<3x3x8x128xi32, #tpu.memory_space<vmem>>
        %dma_start3A_762 = arith.constant 0 : i32
        %dma_start3A_763 = arith.constant 0 : i32
        %dma_start3A_764 = arith.constant 0 : i32
        %dma_start3A_765 = tpu.memref_slice %arg2[%select_n3A_720, %dma_start3A_762, %mul3A_754, %select_n3A_736, %dma_start3A_763, %dma_start3A_764] : memref<48x3x6x8x8x128xi32, #tpu.memory_space<hbm>> -> memref<1x3x3x1x8x128xi32, #tpu.memory_space<hbm>>
        %dma_start3A_766 = tpu.memref_squeeze %dma_start3A_765 : memref<1x3x3x1x8x128xi32, #tpu.memory_space<hbm>> -> memref<3x3x8x128xi32, #tpu.memory_space<hbm>>
        %dma_start3A_767 = arith.constant 0 : i32
        %dma_start3A_768 = arith.constant 0 : i32
        %dma_start3A_769 = arith.constant 0 : i32
        %dma_start3A_770 = arith.constant 0 : i32
        %dma_start3A_771 = tpu.memref_slice %arg6[%dma_start3A_755, %dma_start3A_767, %dma_start3A_768, %dma_start3A_769, %dma_start3A_770] : memref<2x3x3x8x128xi32, #tpu.memory_space<vmem>> -> memref<1x3x3x8x128xi32, #tpu.memory_space<vmem>>
        %dma_start3A_772 = tpu.memref_squeeze %dma_start3A_771 : memref<1x3x3x8x128xi32, #tpu.memory_space<vmem>> -> memref<3x3x8x128xi32, #tpu.memory_space<vmem>>
        %dma_start3A_773 = arith.constant 0 : i32
        %dma_start3A_774 = arith.constant 0 : i32
        %dma_start3A_775 = arith.constant 0 : i32
        %dma_start3A_776 = tpu.memref_slice %arg2[%select_n3A_720, %dma_start3A_773, %mul3A_754, %select_n3A_736, %dma_start3A_774, %dma_start3A_775] : memref<48x3x6x8x8x128xi32, #tpu.memory_space<hbm>> -> memref<1x3x3x1x8x128xi32, #tpu.memory_space<hbm>>
        %dma_start3A_777 = tpu.memref_squeeze %dma_start3A_776 : memref<1x3x3x1x8x128xi32, #tpu.memory_space<hbm>> -> memref<3x3x8x128xi32, #tpu.memory_space<hbm>>
        tpu.enqueue_dma source(%dma_start3A_777 : memref<3x3x8x128xi32, #tpu.memory_space<hbm>>) target(%dma_start3A_772 : memref<3x3x8x128xi32, #tpu.memory_space<vmem>>) target_semaphore(%arg9 : memref<!tpu.dma_semaphore, #tpu.memory_space<semaphore_mem>>)
      } else {
      }
      %mul3A_211 = arith.constant 12 : i32
      %mul3A_212 = arith.muli %add3A, %mul3A_211 : i32
      %jit3A_213 = arith.constant 2 : i32
      %div3A_214 = arith.divsi %add3A_205, %jit3A_213 : i32
      %sign3A_215 = arith.constant 0 : i32
      %sign3A_216 = arith.cmpi sgt, %add3A_205, %sign3A_215 : i32
      %sign3A_217 = arith.extui %sign3A_216 : i1 to i32
      %sign3A_218 = arith.constant 0 : i32
      %sign3A_219 = arith.cmpi slt, %add3A_205, %sign3A_218 : i32
      %sign3A_220 = arith.extui %sign3A_219 : i1 to i32
      %sign3A_221 = arith.subi %sign3A_217, %sign3A_220 : i32
      %sign3A_222 = arith.constant 0 : i32
      %sign3A_223 = arith.cmpi sgt, %jit3A_213, %sign3A_222 : i32
      %sign3A_224 = arith.extui %sign3A_223 : i1 to i32
      %sign3A_225 = arith.constant 0 : i32
      %sign3A_226 = arith.cmpi slt, %jit3A_213, %sign3A_225 : i32
      %sign3A_227 = arith.extui %sign3A_226 : i1 to i32
      %sign3A_228 = arith.subi %sign3A_224, %sign3A_227 : i32
      %ne3A_229 = arith.cmpi ne, %sign3A_221, %sign3A_228 : i32
      %rem3A_230 = arith.remsi %add3A_205, %jit3A_213 : i32
      %ne3A_231 = arith.constant 0 : i32
      %ne3A_232 = arith.cmpi ne, %rem3A_230, %ne3A_231 : i32
      %and3A_233 = arith.andi %ne3A_229, %ne3A_232 : i1
      %sub3A_234 = arith.constant 1 : i32
      %sub3A_235 = arith.subi %div3A_214, %sub3A_234 : i32
      %select_n3A_236 = arith.select %and3A_233, %sub3A_235, %div3A_214 : i32
      %add3A_237 = arith.addi %mul3A_212, %select_n3A_236 : i32
      %jit3A_238 = arith.constant 8 : i32
      %div3A_239 = arith.divsi %add3A_237, %jit3A_238 : i32
      %sign3A_240 = arith.constant 0 : i32
      %sign3A_241 = arith.cmpi sgt, %add3A_237, %sign3A_240 : i32
      %sign3A_242 = arith.extui %sign3A_241 : i1 to i32
      %sign3A_243 = arith.constant 0 : i32
      %sign3A_244 = arith.cmpi slt, %add3A_237, %sign3A_243 : i32
      %sign3A_245 = arith.extui %sign3A_244 : i1 to i32
      %sign3A_246 = arith.subi %sign3A_242, %sign3A_245 : i32
      %sign3A_247 = arith.constant 0 : i32
      %sign3A_248 = arith.cmpi sgt, %jit3A_238, %sign3A_247 : i32
      %sign3A_249 = arith.extui %sign3A_248 : i1 to i32
      %sign3A_250 = arith.constant 0 : i32
      %sign3A_251 = arith.cmpi slt, %jit3A_238, %sign3A_250 : i32
      %sign3A_252 = arith.extui %sign3A_251 : i1 to i32
      %sign3A_253 = arith.subi %sign3A_249, %sign3A_252 : i32
      %ne3A_254 = arith.cmpi ne, %sign3A_246, %sign3A_253 : i32
      %rem3A_255 = arith.remsi %add3A_237, %jit3A_238 : i32
      %ne3A_256 = arith.constant 0 : i32
      %ne3A_257 = arith.cmpi ne, %rem3A_255, %ne3A_256 : i32
      %and3A_258 = arith.andi %ne3A_254, %ne3A_257 : i1
      %sub3A_259 = arith.constant 1 : i32
      %sub3A_260 = arith.subi %div3A_239, %sub3A_259 : i32
      %select_n3A_261 = arith.select %and3A_258, %sub3A_260, %div3A_239 : i32
      %jit3A_262 = arith.constant 8 : i32
      %eq3A_263 = arith.constant 0 : i32
      %eq3A_264 = arith.cmpi eq, %jit3A_262, %eq3A_263 : i32
      %jit3A_265 = arith.constant 1 : i32
      %select_n3A_266 = arith.select %eq3A_264, %jit3A_265, %jit3A_262 : i32
      %rem3A_267 = arith.remsi %add3A_237, %select_n3A_266 : i32
      %ne3A_268 = arith.constant 0 : i32
      %ne3A_269 = arith.cmpi ne, %rem3A_267, %ne3A_268 : i32
      %lt3A_270 = arith.constant 0 : i32
      %lt3A_271 = arith.cmpi slt, %rem3A_267, %lt3A_270 : i32
      %lt3A_272 = arith.constant 0 : i32
      %lt3A_273 = arith.cmpi slt, %select_n3A_266, %lt3A_272 : i32
      %ne3A_274 = arith.xori %lt3A_271, %lt3A_273 : i1
      %and3A_275 = arith.andi %ne3A_274, %ne3A_269 : i1
      %add3A_276 = arith.addi %rem3A_267, %select_n3A_266 : i32
      %select_n3A_277 = arith.select %and3A_275, %add3A_276, %rem3A_267 : i32
      %jit3A_278 = arith.constant 2 : i32
      %eq3A_279 = arith.constant 0 : i32
      %eq3A_280 = arith.cmpi eq, %jit3A_278, %eq3A_279 : i32
      %jit3A_281 = arith.constant 1 : i32
      %select_n3A_282 = arith.select %eq3A_280, %jit3A_281, %jit3A_278 : i32
      %rem3A_283 = arith.remsi %add3A_205, %select_n3A_282 : i32
      %ne3A_284 = arith.constant 0 : i32
      %ne3A_285 = arith.cmpi ne, %rem3A_283, %ne3A_284 : i32
      %lt3A_286 = arith.constant 0 : i32
      %lt3A_287 = arith.cmpi slt, %rem3A_283, %lt3A_286 : i32
      %lt3A_288 = arith.constant 0 : i32
      %lt3A_289 = arith.cmpi slt, %select_n3A_282, %lt3A_288 : i32
      %ne3A_290 = arith.xori %lt3A_287, %lt3A_289 : i1
      %and3A_291 = arith.andi %ne3A_290, %ne3A_285 : i1
      %add3A_292 = arith.addi %rem3A_283, %select_n3A_282 : i32
      %select_n3A_293 = arith.select %and3A_291, %add3A_292, %rem3A_283 : i32
      %mul3A_294 = arith.constant 3 : i32
      %mul3A_295 = arith.muli %select_n3A_293, %mul3A_294 : i32
      %dma_wait3A_296 = arith.constant 0 : i32
      %dma_wait3A_297 = arith.constant 0 : i32
      %dma_wait3A_298 = arith.constant 0 : i32
      %dma_wait3A_299 = arith.constant 0 : i32
      %dma_wait3A_300 = arith.constant 0 : i32
      %dma_wait3A_301 = tpu.memref_slice %arg6[%dma_wait3A_296, %dma_wait3A_297, %dma_wait3A_298, %dma_wait3A_299, %dma_wait3A_300] : memref<2x3x3x8x128xi32, #tpu.memory_space<vmem>> -> memref<1x3x3x8x128xi32, #tpu.memory_space<vmem>>
      %dma_wait3A_302 = tpu.memref_squeeze %dma_wait3A_301 : memref<1x3x3x8x128xi32, #tpu.memory_space<vmem>> -> memref<3x3x8x128xi32, #tpu.memory_space<vmem>>
      %dma_wait3A_303 = arith.constant 0 : i32
      %dma_wait3A_304 = arith.constant 0 : i32
      %dma_wait3A_305 = arith.constant 0 : i32
      %dma_wait3A_306 = tpu.memref_slice %arg2[%select_n3A_261, %dma_wait3A_303, %mul3A_295, %select_n3A_277, %dma_wait3A_304, %dma_wait3A_305] : memref<48x3x6x8x8x128xi32, #tpu.memory_space<hbm>> -> memref<1x3x3x1x8x128xi32, #tpu.memory_space<hbm>>
      %dma_wait3A_307 = tpu.memref_squeeze %dma_wait3A_306 : memref<1x3x3x1x8x128xi32, #tpu.memory_space<hbm>> -> memref<3x3x8x128xi32, #tpu.memory_space<hbm>>
      %dma_wait3A_308 = arith.constant 0 : i32
      %dma_wait3A_309 = arith.constant 0 : i32
      %dma_wait3A_310 = arith.constant 0 : i32
      %dma_wait3A_311 = arith.constant 0 : i32
      %dma_wait3A_312 = tpu.memref_slice %arg6[%dma_wait3A_296, %dma_wait3A_308, %dma_wait3A_309, %dma_wait3A_310, %dma_wait3A_311] : memref<2x3x3x8x128xi32, #tpu.memory_space<vmem>> -> memref<1x3x3x8x128xi32, #tpu.memory_space<vmem>>
      %dma_wait3A_313 = tpu.memref_squeeze %dma_wait3A_312 : memref<1x3x3x8x128xi32, #tpu.memory_space<vmem>> -> memref<3x3x8x128xi32, #tpu.memory_space<vmem>>
      %dma_wait3A_314 = arith.constant 0 : i32
      %dma_wait3A_315 = arith.constant 0 : i32
      %dma_wait3A_316 = arith.constant 0 : i32
      %dma_wait3A_317 = tpu.memref_slice %arg2[%select_n3A_261, %dma_wait3A_314, %mul3A_295, %select_n3A_277, %dma_wait3A_315, %dma_wait3A_316] : memref<48x3x6x8x8x128xi32, #tpu.memory_space<hbm>> -> memref<1x3x3x1x8x128xi32, #tpu.memory_space<hbm>>
      %dma_wait3A_318 = tpu.memref_squeeze %dma_wait3A_317 : memref<1x3x3x1x8x128xi32, #tpu.memory_space<hbm>> -> memref<3x3x8x128xi32, #tpu.memory_space<hbm>>
      tpu.wait_dma2 semaphore(%arg8 : memref<!tpu.dma_semaphore, #tpu.memory_space<semaphore_mem>>) src(%dma_wait3A_318 : memref<3x3x8x128xi32, #tpu.memory_space<hbm>>) dst(%dma_wait3A_313 : memref<3x3x8x128xi32, #tpu.memory_space<vmem>>)
      %ge3A = arith.constant 2 : i32
      %ge3A_319 = arith.cmpi sge, %add3A_205, %ge3A : i32
      %convert_element_type3A_320 = arith.extui %ge3A_319 : i1 to i32
      %cond3A_321 = arith.constant 0 : i32
      %cond3A_322 = arith.cmpi ne, %convert_element_type3A_320, %cond3A_321 : i32
      scf.if %cond3A_322 {
        %sub3A_668 = arith.constant 2 : i32
        %sub3A_669 = arith.subi %add3A_205, %sub3A_668 : i32
        %mul3A_670 = arith.constant 12 : i32
        %mul3A_671 = arith.muli %add3A, %mul3A_670 : i32
        %jit3A_672 = arith.constant 2 : i32
        %div3A_673 = arith.divsi %sub3A_669, %jit3A_672 : i32
        %sign3A_674 = arith.constant 0 : i32
        %sign3A_675 = arith.cmpi sgt, %sub3A_669, %sign3A_674 : i32
        %sign3A_676 = arith.extui %sign3A_675 : i1 to i32
        %sign3A_677 = arith.constant 0 : i32
        %sign3A_678 = arith.cmpi slt, %sub3A_669, %sign3A_677 : i32
        %sign3A_679 = arith.extui %sign3A_678 : i1 to i32
        %sign3A_680 = arith.subi %sign3A_676, %sign3A_679 : i32
        %sign3A_681 = arith.constant 0 : i32
        %sign3A_682 = arith.cmpi sgt, %jit3A_672, %sign3A_681 : i32
        %sign3A_683 = arith.extui %sign3A_682 : i1 to i32
        %sign3A_684 = arith.constant 0 : i32
        %sign3A_685 = arith.cmpi slt, %jit3A_672, %sign3A_684 : i32
        %sign3A_686 = arith.extui %sign3A_685 : i1 to i32
        %sign3A_687 = arith.subi %sign3A_683, %sign3A_686 : i32
        %ne3A_688 = arith.cmpi ne, %sign3A_680, %sign3A_687 : i32
        %rem3A_689 = arith.remsi %sub3A_669, %jit3A_672 : i32
        %ne3A_690 = arith.constant 0 : i32
        %ne3A_691 = arith.cmpi ne, %rem3A_689, %ne3A_690 : i32
        %and3A_692 = arith.andi %ne3A_688, %ne3A_691 : i1
        %sub3A_693 = arith.constant 1 : i32
        %sub3A_694 = arith.subi %div3A_673, %sub3A_693 : i32
        %select_n3A_695 = arith.select %and3A_692, %sub3A_694, %div3A_673 : i32
        %add3A_696 = arith.addi %mul3A_671, %select_n3A_695 : i32
        %jit3A_697 = arith.constant 8 : i32
        %div3A_698 = arith.divsi %add3A_696, %jit3A_697 : i32
        %sign3A_699 = arith.constant 0 : i32
        %sign3A_700 = arith.cmpi sgt, %add3A_696, %sign3A_699 : i32
        %sign3A_701 = arith.extui %sign3A_700 : i1 to i32
        %sign3A_702 = arith.constant 0 : i32
        %sign3A_703 = arith.cmpi slt, %add3A_696, %sign3A_702 : i32
        %sign3A_704 = arith.extui %sign3A_703 : i1 to i32
        %sign3A_705 = arith.subi %sign3A_701, %sign3A_704 : i32
        %sign3A_706 = arith.constant 0 : i32
        %sign3A_707 = arith.cmpi sgt, %jit3A_697, %sign3A_706 : i32
        %sign3A_708 = arith.extui %sign3A_707 : i1 to i32
        %sign3A_709 = arith.constant 0 : i32
        %sign3A_710 = arith.cmpi slt, %jit3A_697, %sign3A_709 : i32
        %sign3A_711 = arith.extui %sign3A_710 : i1 to i32
        %sign3A_712 = arith.subi %sign3A_708, %sign3A_711 : i32
        %ne3A_713 = arith.cmpi ne, %sign3A_705, %sign3A_712 : i32
        %rem3A_714 = arith.remsi %add3A_696, %jit3A_697 : i32
        %ne3A_715 = arith.constant 0 : i32
        %ne3A_716 = arith.cmpi ne, %rem3A_714, %ne3A_715 : i32
        %and3A_717 = arith.andi %ne3A_713, %ne3A_716 : i1
        %sub3A_718 = arith.constant 1 : i32
        %sub3A_719 = arith.subi %div3A_698, %sub3A_718 : i32
        %select_n3A_720 = arith.select %and3A_717, %sub3A_719, %div3A_698 : i32
        %jit3A_721 = arith.constant 8 : i32
        %eq3A_722 = arith.constant 0 : i32
        %eq3A_723 = arith.cmpi eq, %jit3A_721, %eq3A_722 : i32
        %jit3A_724 = arith.constant 1 : i32
        %select_n3A_725 = arith.select %eq3A_723, %jit3A_724, %jit3A_721 : i32
        %rem3A_726 = arith.remsi %add3A_696, %select_n3A_725 : i32
        %ne3A_727 = arith.constant 0 : i32
        %ne3A_728 = arith.cmpi ne, %rem3A_726, %ne3A_727 : i32
        %lt3A_729 = arith.constant 0 : i32
        %lt3A_730 = arith.cmpi slt, %rem3A_726, %lt3A_729 : i32
        %lt3A_731 = arith.constant 0 : i32
        %lt3A_732 = arith.cmpi slt, %select_n3A_725, %lt3A_731 : i32
        %ne3A_733 = arith.xori %lt3A_730, %lt3A_732 : i1
        %and3A_734 = arith.andi %ne3A_733, %ne3A_728 : i1
        %add3A_735 = arith.addi %rem3A_726, %select_n3A_725 : i32
        %select_n3A_736 = arith.select %and3A_734, %add3A_735, %rem3A_726 : i32
        %jit3A_737 = arith.constant 2 : i32
        %eq3A_738 = arith.constant 0 : i32
        %eq3A_739 = arith.cmpi eq, %jit3A_737, %eq3A_738 : i32
        %jit3A_740 = arith.constant 1 : i32
        %select_n3A_741 = arith.select %eq3A_739, %jit3A_740, %jit3A_737 : i32
        %rem3A_742 = arith.remsi %sub3A_669, %select_n3A_741 : i32
        %ne3A_743 = arith.constant 0 : i32
        %ne3A_744 = arith.cmpi ne, %rem3A_742, %ne3A_743 : i32
        %lt3A_745 = arith.constant 0 : i32
        %lt3A_746 = arith.cmpi slt, %rem3A_742, %lt3A_745 : i32
        %lt3A_747 = arith.constant 0 : i32
        %lt3A_748 = arith.cmpi slt, %select_n3A_741, %lt3A_747 : i32
        %ne3A_749 = arith.xori %lt3A_746, %lt3A_748 : i1
        %and3A_750 = arith.andi %ne3A_749, %ne3A_744 : i1
        %add3A_751 = arith.addi %rem3A_742, %select_n3A_741 : i32
        %select_n3A_752 = arith.select %and3A_750, %add3A_751, %rem3A_742 : i32
        %mul3A_753 = arith.constant 3 : i32
        %mul3A_754 = arith.muli %select_n3A_752, %mul3A_753 : i32
        %dma_wait3A_755 = arith.constant 0 : i32
        %dma_wait3A_756 = arith.constant 0 : i32
        %dma_wait3A_757 = arith.constant 0 : i32
        %dma_wait3A_758 = arith.constant 0 : i32
        %dma_wait3A_759 = arith.constant 0 : i32
        %dma_wait3A_760 = tpu.memref_slice %arg7[%dma_wait3A_755, %dma_wait3A_756, %dma_wait3A_757, %dma_wait3A_758, %dma_wait3A_759] : memref<2x16x3x8x128xf32, #tpu.memory_space<vmem>> -> memref<1x16x3x8x128xf32, #tpu.memory_space<vmem>>
        %dma_wait3A_761 = tpu.memref_squeeze %dma_wait3A_760 : memref<1x16x3x8x128xf32, #tpu.memory_space<vmem>> -> memref<16x3x8x128xf32, #tpu.memory_space<vmem>>
        %dma_wait3A_762 = arith.constant 0 : i32
        %dma_wait3A_763 = arith.constant 0 : i32
        %dma_wait3A_764 = arith.constant 0 : i32
        %dma_wait3A_765 = tpu.memref_slice %arg4[%dma_wait3A_762, %select_n3A_720, %mul3A_754, %select_n3A_736, %dma_wait3A_763, %dma_wait3A_764] : memref<16x48x6x8x8x128xf32, #tpu.memory_space<hbm>> -> memref<16x1x3x1x8x128xf32, #tpu.memory_space<hbm>>
        %dma_wait3A_766 = tpu.memref_squeeze %dma_wait3A_765 : memref<16x1x3x1x8x128xf32, #tpu.memory_space<hbm>> -> memref<16x3x8x128xf32, #tpu.memory_space<hbm>>
        %dma_wait3A_767 = arith.constant 0 : i32
        %dma_wait3A_768 = arith.constant 0 : i32
        %dma_wait3A_769 = arith.constant 0 : i32
        %dma_wait3A_770 = tpu.memref_slice %arg4[%dma_wait3A_767, %select_n3A_720, %mul3A_754, %select_n3A_736, %dma_wait3A_768, %dma_wait3A_769] : memref<16x48x6x8x8x128xf32, #tpu.memory_space<hbm>> -> memref<16x1x3x1x8x128xf32, #tpu.memory_space<hbm>>
        %dma_wait3A_771 = tpu.memref_squeeze %dma_wait3A_770 : memref<16x1x3x1x8x128xf32, #tpu.memory_space<hbm>> -> memref<16x3x8x128xf32, #tpu.memory_space<hbm>>
        %dma_wait3A_772 = arith.constant 0 : i32
        %dma_wait3A_773 = arith.constant 0 : i32
        %dma_wait3A_774 = arith.constant 0 : i32
        %dma_wait3A_775 = arith.constant 0 : i32
        %dma_wait3A_776 = tpu.memref_slice %arg7[%dma_wait3A_755, %dma_wait3A_772, %dma_wait3A_773, %dma_wait3A_774, %dma_wait3A_775] : memref<2x16x3x8x128xf32, #tpu.memory_space<vmem>> -> memref<1x16x3x8x128xf32, #tpu.memory_space<vmem>>
        %dma_wait3A_777 = tpu.memref_squeeze %dma_wait3A_776 : memref<1x16x3x8x128xf32, #tpu.memory_space<vmem>> -> memref<16x3x8x128xf32, #tpu.memory_space<vmem>>
        tpu.wait_dma2 semaphore(%arg10 : memref<!tpu.dma_semaphore, #tpu.memory_space<semaphore_mem>>) src(%dma_wait3A_777 : memref<16x3x8x128xf32, #tpu.memory_space<vmem>>) dst(%dma_wait3A_771 : memref<16x3x8x128xf32, #tpu.memory_space<hbm>>)
      } else {
      }
      %parallel_loop3A = arith.constant 0 : i32
      %parallel_loop3A_323 = arith.constant 192 : i32
      %parallel_loop3A_324 = arith.constant 1 : i32
      scf.for %parallel_loop3A_668 = %parallel_loop3A to %parallel_loop3A_323 step %parallel_loop3A_324  : i32 {
        %parallel_loop3A_669 = arith.constant 64 : i32
        %parallel_loop3A_670 = arith.divsi %parallel_loop3A_668, %parallel_loop3A_669 : i32
        %parallel_loop3A_671 = arith.constant 0 : i32
        %parallel_loop3A_672 = arith.cmpi sgt, %parallel_loop3A_668, %parallel_loop3A_671 : i32
        %parallel_loop3A_673 = arith.extui %parallel_loop3A_672 : i1 to i32
        %parallel_loop3A_674 = arith.constant 0 : i32
        %parallel_loop3A_675 = arith.cmpi slt, %parallel_loop3A_668, %parallel_loop3A_674 : i32
        %parallel_loop3A_676 = arith.extui %parallel_loop3A_675 : i1 to i32
        %parallel_loop3A_677 = arith.subi %parallel_loop3A_673, %parallel_loop3A_676 : i32
        %parallel_loop3A_678 = arith.constant 0 : i32
        %parallel_loop3A_679 = arith.cmpi sgt, %parallel_loop3A_669, %parallel_loop3A_678 : i32
        %parallel_loop3A_680 = arith.extui %parallel_loop3A_679 : i1 to i32
        %parallel_loop3A_681 = arith.constant 0 : i32
        %parallel_loop3A_682 = arith.cmpi slt, %parallel_loop3A_669, %parallel_loop3A_681 : i32
        %parallel_loop3A_683 = arith.extui %parallel_loop3A_682 : i1 to i32
        %parallel_loop3A_684 = arith.subi %parallel_loop3A_680, %parallel_loop3A_683 : i32
        %parallel_loop3A_685 = arith.cmpi ne, %parallel_loop3A_677, %parallel_loop3A_684 : i32
        %parallel_loop3A_686 = arith.remsi %parallel_loop3A_668, %parallel_loop3A_669 : i32
        %parallel_loop3A_687 = arith.constant 0 : i32
        %parallel_loop3A_688 = arith.cmpi ne, %parallel_loop3A_686, %parallel_loop3A_687 : i32
        %parallel_loop3A_689 = arith.andi %parallel_loop3A_685, %parallel_loop3A_688 : i1
        %parallel_loop3A_690 = arith.constant 1 : i32
        %parallel_loop3A_691 = arith.subi %parallel_loop3A_670, %parallel_loop3A_690 : i32
        %parallel_loop3A_692 = arith.select %parallel_loop3A_689, %parallel_loop3A_691, %parallel_loop3A_670 : i32
        %parallel_loop3A_693 = arith.constant 8 : i32
        %parallel_loop3A_694 = arith.divsi %parallel_loop3A_668, %parallel_loop3A_693 : i32
        %parallel_loop3A_695 = arith.constant 0 : i32
        %parallel_loop3A_696 = arith.cmpi sgt, %parallel_loop3A_668, %parallel_loop3A_695 : i32
        %parallel_loop3A_697 = arith.extui %parallel_loop3A_696 : i1 to i32
        %parallel_loop3A_698 = arith.constant 0 : i32
        %parallel_loop3A_699 = arith.cmpi slt, %parallel_loop3A_668, %parallel_loop3A_698 : i32
        %parallel_loop3A_700 = arith.extui %parallel_loop3A_699 : i1 to i32
        %parallel_loop3A_701 = arith.subi %parallel_loop3A_697, %parallel_loop3A_700 : i32
        %parallel_loop3A_702 = arith.constant 0 : i32
        %parallel_loop3A_703 = arith.cmpi sgt, %parallel_loop3A_693, %parallel_loop3A_702 : i32
        %parallel_loop3A_704 = arith.extui %parallel_loop3A_703 : i1 to i32
        %parallel_loop3A_705 = arith.constant 0 : i32
        %parallel_loop3A_706 = arith.cmpi slt, %parallel_loop3A_693, %parallel_loop3A_705 : i32
        %parallel_loop3A_707 = arith.extui %parallel_loop3A_706 : i1 to i32
        %parallel_loop3A_708 = arith.subi %parallel_loop3A_704, %parallel_loop3A_707 : i32
        %parallel_loop3A_709 = arith.cmpi ne, %parallel_loop3A_701, %parallel_loop3A_708 : i32
        %parallel_loop3A_710 = arith.remsi %parallel_loop3A_668, %parallel_loop3A_693 : i32
        %parallel_loop3A_711 = arith.constant 0 : i32
        %parallel_loop3A_712 = arith.cmpi ne, %parallel_loop3A_710, %parallel_loop3A_711 : i32
        %parallel_loop3A_713 = arith.andi %parallel_loop3A_709, %parallel_loop3A_712 : i1
        %parallel_loop3A_714 = arith.constant 1 : i32
        %parallel_loop3A_715 = arith.subi %parallel_loop3A_694, %parallel_loop3A_714 : i32
        %parallel_loop3A_716 = arith.select %parallel_loop3A_713, %parallel_loop3A_715, %parallel_loop3A_694 : i32
        %parallel_loop3A_717 = arith.constant 8 : i32
        %parallel_loop3A_718 = arith.constant 0 : i32
        %parallel_loop3A_719 = arith.cmpi eq, %parallel_loop3A_717, %parallel_loop3A_718 : i32
        %parallel_loop3A_720 = arith.constant 1 : i32
        %parallel_loop3A_721 = arith.select %parallel_loop3A_719, %parallel_loop3A_720, %parallel_loop3A_717 : i32
        %parallel_loop3A_722 = arith.remsi %parallel_loop3A_716, %parallel_loop3A_721 : i32
        %parallel_loop3A_723 = arith.constant 0 : i32
        %parallel_loop3A_724 = arith.cmpi ne, %parallel_loop3A_722, %parallel_loop3A_723 : i32
        %parallel_loop3A_725 = arith.constant 0 : i32
        %parallel_loop3A_726 = arith.cmpi slt, %parallel_loop3A_722, %parallel_loop3A_725 : i32
        %parallel_loop3A_727 = arith.constant 0 : i32
        %parallel_loop3A_728 = arith.cmpi slt, %parallel_loop3A_721, %parallel_loop3A_727 : i32
        %parallel_loop3A_729 = arith.xori %parallel_loop3A_726, %parallel_loop3A_728 : i1
        %parallel_loop3A_730 = arith.andi %parallel_loop3A_729, %parallel_loop3A_724 : i1
        %parallel_loop3A_731 = arith.addi %parallel_loop3A_722, %parallel_loop3A_721 : i32
        %parallel_loop3A_732 = arith.select %parallel_loop3A_730, %parallel_loop3A_731, %parallel_loop3A_722 : i32
        %parallel_loop3A_733 = arith.constant 8 : i32
        %parallel_loop3A_734 = arith.constant 0 : i32
        %parallel_loop3A_735 = arith.cmpi eq, %parallel_loop3A_733, %parallel_loop3A_734 : i32
        %parallel_loop3A_736 = arith.constant 1 : i32
        %parallel_loop3A_737 = arith.select %parallel_loop3A_735, %parallel_loop3A_736, %parallel_loop3A_733 : i32
        %parallel_loop3A_738 = arith.remsi %parallel_loop3A_668, %parallel_loop3A_737 : i32
        %parallel_loop3A_739 = arith.constant 0 : i32
        %parallel_loop3A_740 = arith.cmpi ne, %parallel_loop3A_738, %parallel_loop3A_739 : i32
        %parallel_loop3A_741 = arith.constant 0 : i32
        %parallel_loop3A_742 = arith.cmpi slt, %parallel_loop3A_738, %parallel_loop3A_741 : i32
        %parallel_loop3A_743 = arith.constant 0 : i32
        %parallel_loop3A_744 = arith.cmpi slt, %parallel_loop3A_737, %parallel_loop3A_743 : i32
        %parallel_loop3A_745 = arith.xori %parallel_loop3A_742, %parallel_loop3A_744 : i1
        %parallel_loop3A_746 = arith.andi %parallel_loop3A_745, %parallel_loop3A_740 : i1
        %parallel_loop3A_747 = arith.addi %parallel_loop3A_738, %parallel_loop3A_737 : i32
        %parallel_loop3A_748 = arith.select %parallel_loop3A_746, %parallel_loop3A_747, %parallel_loop3A_738 : i32
        %parallel_loop3A_749 = arith.constant 16 : i32
        %parallel_loop3A_750 = arith.muli %parallel_loop3A_748, %parallel_loop3A_749 : i32
        %parallel_loop3A_751 = arith.constant 0 : i32
        %parallel_loop3A_752 = arith.constant 0 : i32
        %parallel_loop3A_753 = arith.index_cast %parallel_loop3A_751 : i32 to index
        %parallel_loop3A_754 = arith.index_cast %parallel_loop3A_752 : i32 to index
        %parallel_loop3A_755 = arith.index_cast %parallel_loop3A_692 : i32 to index
        %parallel_loop3A_756 = arith.index_cast %parallel_loop3A_732 : i32 to index
        %parallel_loop3A_757 = arith.index_cast %parallel_loop3A_750 : i32 to index
        %parallel_loop3A_758 = tpu.vector_load %arg6[%parallel_loop3A_753, %parallel_loop3A_754, %parallel_loop3A_755, %parallel_loop3A_756, %parallel_loop3A_757] {strides = array<i32>} : memref<2x3x3x8x128xi32, #tpu.memory_space<vmem>>, vector<16xi32>,
        %parallel_loop3A_759 = arith.constant -38 : i32
        %parallel_loop3A_760 = vector.broadcast %parallel_loop3A_759 : i32 to vector<16xi32>
        %parallel_loop3A_761 = arith.maxsi %parallel_loop3A_758, %parallel_loop3A_760 : vector<16xi32>
        %parallel_loop3A_762 = arith.constant 38 : i32
        %parallel_loop3A_763 = vector.broadcast %parallel_loop3A_762 : i32 to vector<16xi32>
        %parallel_loop3A_764 = arith.minsi %parallel_loop3A_761, %parallel_loop3A_763 : vector<16xi32>
        %parallel_loop3A_765 = arith.constant 38 : i32
        %parallel_loop3A_766 = vector.broadcast %parallel_loop3A_765 : i32 to vector<16xi32>
        %parallel_loop3A_767 = arith.addi %parallel_loop3A_764, %parallel_loop3A_766 : vector<16xi32>
        %parallel_loop3A_768 = arith.constant 0 : i32
        %parallel_loop3A_769 = arith.constant 1 : i32
        %parallel_loop3A_770 = arith.index_cast %parallel_loop3A_768 : i32 to index
        %parallel_loop3A_771 = arith.index_cast %parallel_loop3A_769 : i32 to index
        %parallel_loop3A_772 = arith.index_cast %parallel_loop3A_692 : i32 to index
        %parallel_loop3A_773 = arith.index_cast %parallel_loop3A_732 : i32 to index
        %parallel_loop3A_774 = arith.index_cast %parallel_loop3A_750 : i32 to index
        %parallel_loop3A_775 = tpu.vector_load %arg6[%parallel_loop3A_770, %parallel_loop3A_771, %parallel_loop3A_772, %parallel_loop3A_773, %parallel_loop3A_774] {strides = array<i32>} : memref<2x3x3x8x128xi32, #tpu.memory_space<vmem>>, vector<16xi32>,
        %parallel_loop3A_776 = arith.constant -38 : i32
        %parallel_loop3A_777 = vector.broadcast %parallel_loop3A_776 : i32 to vector<16xi32>
        %parallel_loop3A_778 = arith.maxsi %parallel_loop3A_775, %parallel_loop3A_777 : vector<16xi32>
        %parallel_loop3A_779 = arith.constant 38 : i32
        %parallel_loop3A_780 = vector.broadcast %parallel_loop3A_779 : i32 to vector<16xi32>
        %parallel_loop3A_781 = arith.minsi %parallel_loop3A_778, %parallel_loop3A_780 : vector<16xi32>
        %parallel_loop3A_782 = arith.constant 115 : i32
        %parallel_loop3A_783 = vector.broadcast %parallel_loop3A_782 : i32 to vector<16xi32>
        %parallel_loop3A_784 = arith.addi %parallel_loop3A_781, %parallel_loop3A_783 : vector<16xi32>
        %parallel_loop3A_785 = arith.constant 0 : i32
        %parallel_loop3A_786 = arith.constant 2 : i32
        %parallel_loop3A_787 = arith.index_cast %parallel_loop3A_785 : i32 to index
        %parallel_loop3A_788 = arith.index_cast %parallel_loop3A_786 : i32 to index
        %parallel_loop3A_789 = arith.index_cast %parallel_loop3A_692 : i32 to index
        %parallel_loop3A_790 = arith.index_cast %parallel_loop3A_732 : i32 to index
        %parallel_loop3A_791 = arith.index_cast %parallel_loop3A_750 : i32 to index
        %parallel_loop3A_792 = tpu.vector_load %arg6[%parallel_loop3A_787, %parallel_loop3A_788, %parallel_loop3A_789, %parallel_loop3A_790, %parallel_loop3A_791] {strides = array<i32>} : memref<2x3x3x8x128xi32, #tpu.memory_space<vmem>>, vector<16xi32>,
        %parallel_loop3A_793 = arith.constant -38 : i32
        %parallel_loop3A_794 = vector.broadcast %parallel_loop3A_793 : i32 to vector<16xi32>
        %parallel_loop3A_795 = arith.maxsi %parallel_loop3A_792, %parallel_loop3A_794 : vector<16xi32>
        %parallel_loop3A_796 = arith.constant 38 : i32
        %parallel_loop3A_797 = vector.broadcast %parallel_loop3A_796 : i32 to vector<16xi32>
        %parallel_loop3A_798 = arith.minsi %parallel_loop3A_795, %parallel_loop3A_797 : vector<16xi32>
        %parallel_loop3A_799 = arith.constant 192 : i32
        %parallel_loop3A_800 = vector.broadcast %parallel_loop3A_799 : i32 to vector<16xi32>
        %parallel_loop3A_801 = arith.addi %parallel_loop3A_798, %parallel_loop3A_800 : vector<16xi32>
        %parallel_loop3A_802 = arith.constant 0 : i32
        %parallel_loop3A_803 = vector.broadcast %parallel_loop3A_802 : i32 to vector<16xi32>
        %parallel_loop3A_804 = arith.addi %parallel_loop3A_767, %parallel_loop3A_803 : vector<16xi32>
        %parallel_loop3A_805 = tpu.vector_load_idx %arg5[%parallel_loop3A_804] : memref<1848xi32, #tpu.memory_space<vmem>>[vector<16xi32>], vector<16xi32>,
        %parallel_loop3A_806 = vector.bitcast %parallel_loop3A_805 : vector<16xi32> to vector<32xbf16>
        %parallel_loop3A_807 = arith.constant 0 : i32
        %parallel_loop3A_808 = vector.broadcast %parallel_loop3A_807 : i32 to vector<16xi32>
        %parallel_loop3A_809 = arith.addi %parallel_loop3A_784, %parallel_loop3A_808 : vector<16xi32>
        %parallel_loop3A_810 = tpu.vector_load_idx %arg5[%parallel_loop3A_809] : memref<1848xi32, #tpu.memory_space<vmem>>[vector<16xi32>], vector<16xi32>,
        %parallel_loop3A_811 = vector.bitcast %parallel_loop3A_810 : vector<16xi32> to vector<32xbf16>
        %parallel_loop3A_812 = arith.addf %parallel_loop3A_806, %parallel_loop3A_811 : vector<32xbf16>
        %parallel_loop3A_813 = arith.constant 0 : i32
        %parallel_loop3A_814 = vector.broadcast %parallel_loop3A_813 : i32 to vector<16xi32>
        %parallel_loop3A_815 = arith.addi %parallel_loop3A_801, %parallel_loop3A_814 : vector<16xi32>
        %parallel_loop3A_816 = tpu.vector_load_idx %arg5[%parallel_loop3A_815] : memref<1848xi32, #tpu.memory_space<vmem>>[vector<16xi32>], vector<16xi32>,
        %parallel_loop3A_817 = vector.bitcast %parallel_loop3A_816 : vector<16xi32> to vector<32xbf16>
        %parallel_loop3A_818 = arith.addf %parallel_loop3A_812, %parallel_loop3A_817 : vector<32xbf16>
        %parallel_loop3A_819 = tpu.unpack_subelements %parallel_loop3A_818, 0 {pack_format = #tpu.pack_format<interleaved>} : vector<32xbf16> -> vector<16xf32>
        %parallel_loop3A_820 = tpu.unpack_subelements %parallel_loop3A_818, 1 {pack_format = #tpu.pack_format<interleaved>} : vector<32xbf16> -> vector<16xf32>
        %parallel_loop3A_821 = arith.constant 0 : i32
        %parallel_loop3A_822 = arith.constant 0 : i32
        %parallel_loop3A_823 = arith.index_cast %parallel_loop3A_821 : i32 to index
        %parallel_loop3A_824 = arith.index_cast %parallel_loop3A_822 : i32 to index
        %parallel_loop3A_825 = arith.index_cast %parallel_loop3A_692 : i32 to index
        %parallel_loop3A_826 = arith.index_cast %parallel_loop3A_732 : i32 to index
        %parallel_loop3A_827 = arith.index_cast %parallel_loop3A_750 : i32 to index
        %parallel_loop3A_828 = tpu.vector_load %arg7[%parallel_loop3A_823, %parallel_loop3A_824, %parallel_loop3A_825, %parallel_loop3A_826, %parallel_loop3A_827] {strides = array<i32>} : memref<2x16x3x8x128xf32, #tpu.memory_space<vmem>>, vector<16xf32>,
        tpu.vector_store %arg7[%parallel_loop3A_823, %parallel_loop3A_824, %parallel_loop3A_825, %parallel_loop3A_826, %parallel_loop3A_827], %parallel_loop3A_819 {strides = array<i32>} : memref<2x16x3x8x128xf32, #tpu.memory_space<vmem>>, vector<16xf32>,
        %parallel_loop3A_829 = arith.constant 0 : i32
        %parallel_loop3A_830 = arith.constant 1 : i32
        %parallel_loop3A_831 = arith.index_cast %parallel_loop3A_829 : i32 to index
        %parallel_loop3A_832 = arith.index_cast %parallel_loop3A_830 : i32 to index
        %parallel_loop3A_833 = arith.index_cast %parallel_loop3A_692 : i32 to index
        %parallel_loop3A_834 = arith.index_cast %parallel_loop3A_732 : i32 to index
        %parallel_loop3A_835 = arith.index_cast %parallel_loop3A_750 : i32 to index
        %parallel_loop3A_836 = tpu.vector_load %arg7[%parallel_loop3A_831, %parallel_loop3A_832, %parallel_loop3A_833, %parallel_loop3A_834, %parallel_loop3A_835] {strides = array<i32>} : memref<2x16x3x8x128xf32, #tpu.memory_space<vmem>>, vector<16xf32>,
        tpu.vector_store %arg7[%parallel_loop3A_831, %parallel_loop3A_832, %parallel_loop3A_833, %parallel_loop3A_834, %parallel_loop3A_835], %parallel_loop3A_820 {strides = array<i32>} : memref<2x16x3x8x128xf32, #tpu.memory_space<vmem>>, vector<16xf32>,
        %parallel_loop3A_837 = arith.constant 231 : i32
        %parallel_loop3A_838 = vector.broadcast %parallel_loop3A_837 : i32 to vector<16xi32>
        %parallel_loop3A_839 = arith.addi %parallel_loop3A_767, %parallel_loop3A_838 : vector<16xi32>
        %parallel_loop3A_840 = tpu.vector_load_idx %arg5[%parallel_loop3A_839] : memref<1848xi32, #tpu.memory_space<vmem>>[vector<16xi32>], vector<16xi32>,
        %parallel_loop3A_841 = vector.bitcast %parallel_loop3A_840 : vector<16xi32> to vector<32xbf16>
        %parallel_loop3A_842 = arith.constant 231 : i32
        %parallel_loop3A_843 = vector.broadcast %parallel_loop3A_842 : i32 to vector<16xi32>
        %parallel_loop3A_844 = arith.addi %parallel_loop3A_784, %parallel_loop3A_843 : vector<16xi32>
        %parallel_loop3A_845 = tpu.vector_load_idx %arg5[%parallel_loop3A_844] : memref<1848xi32, #tpu.memory_space<vmem>>[vector<16xi32>], vector<16xi32>,
        %parallel_loop3A_846 = vector.bitcast %parallel_loop3A_845 : vector<16xi32> to vector<32xbf16>
        %parallel_loop3A_847 = arith.addf %parallel_loop3A_841, %parallel_loop3A_846 : vector<32xbf16>
        %parallel_loop3A_848 = arith.constant 231 : i32
        %parallel_loop3A_849 = vector.broadcast %parallel_loop3A_848 : i32 to vector<16xi32>
        %parallel_loop3A_850 = arith.addi %parallel_loop3A_801, %parallel_loop3A_849 : vector<16xi32>
        %parallel_loop3A_851 = tpu.vector_load_idx %arg5[%parallel_loop3A_850] : memref<1848xi32, #tpu.memory_space<vmem>>[vector<16xi32>], vector<16xi32>,
        %parallel_loop3A_852 = vector.bitcast %parallel_loop3A_851 : vector<16xi32> to vector<32xbf16>
        %parallel_loop3A_853 = arith.addf %parallel_loop3A_847, %parallel_loop3A_852 : vector<32xbf16>
        %parallel_loop3A_854 = tpu.unpack_subelements %parallel_loop3A_853, 0 {pack_format = #tpu.pack_format<interleaved>} : vector<32xbf16> -> vector<16xf32>
        %parallel_loop3A_855 = tpu.unpack_subelements %parallel_loop3A_853, 1 {pack_format = #tpu.pack_format<interleaved>} : vector<32xbf16> -> vector<16xf32>
        %parallel_loop3A_856 = arith.constant 0 : i32
        %parallel_loop3A_857 = arith.constant 2 : i32
        %parallel_loop3A_858 = arith.index_cast %parallel_loop3A_856 : i32 to index
        %parallel_loop3A_859 = arith.index_cast %parallel_loop3A_857 : i32 to index
        %parallel_loop3A_860 = arith.index_cast %parallel_loop3A_692 : i32 to index
        %parallel_loop3A_861 = arith.index_cast %parallel_loop3A_732 : i32 to index
        %parallel_loop3A_862 = arith.index_cast %parallel_loop3A_750 : i32 to index
        %parallel_loop3A_863 = tpu.vector_load %arg7[%parallel_loop3A_858, %parallel_loop3A_859, %parallel_loop3A_860, %parallel_loop3A_861, %parallel_loop3A_862] {strides = array<i32>} : memref<2x16x3x8x128xf32, #tpu.memory_space<vmem>>, vector<16xf32>,
        tpu.vector_store %arg7[%parallel_loop3A_858, %parallel_loop3A_859, %parallel_loop3A_860, %parallel_loop3A_861, %parallel_loop3A_862], %parallel_loop3A_854 {strides = array<i32>} : memref<2x16x3x8x128xf32, #tpu.memory_space<vmem>>, vector<16xf32>,
        %parallel_loop3A_864 = arith.constant 0 : i32
        %parallel_loop3A_865 = arith.constant 3 : i32
        %parallel_loop3A_866 = arith.index_cast %parallel_loop3A_864 : i32 to index
        %parallel_loop3A_867 = arith.index_cast %parallel_loop3A_865 : i32 to index
        %parallel_loop3A_868 = arith.index_cast %parallel_loop3A_692 : i32 to index
        %parallel_loop3A_869 = arith.index_cast %parallel_loop3A_732 : i32 to index
        %parallel_loop3A_870 = arith.index_cast %parallel_loop3A_750 : i32 to index
        %parallel_loop3A_871 = tpu.vector_load %arg7[%parallel_loop3A_866, %parallel_loop3A_867, %parallel_loop3A_868, %parallel_loop3A_869, %parallel_loop3A_870] {strides = array<i32>} : memref<2x16x3x8x128xf32, #tpu.memory_space<vmem>>, vector<16xf32>,
        tpu.vector_store %arg7[%parallel_loop3A_866, %parallel_loop3A_867, %parallel_loop3A_868, %parallel_loop3A_869, %parallel_loop3A_870], %parallel_loop3A_855 {strides = array<i32>} : memref<2x16x3x8x128xf32, #tpu.memory_space<vmem>>, vector<16xf32>,
        %parallel_loop3A_872 = arith.constant 462 : i32
        %parallel_loop3A_873 = vector.broadcast %parallel_loop3A_872 : i32 to vector<16xi32>
        %parallel_loop3A_874 = arith.addi %parallel_loop3A_767, %parallel_loop3A_873 : vector<16xi32>
        %parallel_loop3A_875 = tpu.vector_load_idx %arg5[%parallel_loop3A_874] : memref<1848xi32, #tpu.memory_space<vmem>>[vector<16xi32>], vector<16xi32>,
        %parallel_loop3A_876 = vector.bitcast %parallel_loop3A_875 : vector<16xi32> to vector<32xbf16>
        %parallel_loop3A_877 = arith.constant 462 : i32
        %parallel_loop3A_878 = vector.broadcast %parallel_loop3A_877 : i32 to vector<16xi32>
        %parallel_loop3A_879 = arith.addi %parallel_loop3A_784, %parallel_loop3A_878 : vector<16xi32>
        %parallel_loop3A_880 = tpu.vector_load_idx %arg5[%parallel_loop3A_879] : memref<1848xi32, #tpu.memory_space<vmem>>[vector<16xi32>], vector<16xi32>,
        %parallel_loop3A_881 = vector.bitcast %parallel_loop3A_880 : vector<16xi32> to vector<32xbf16>
        %parallel_loop3A_882 = arith.addf %parallel_loop3A_876, %parallel_loop3A_881 : vector<32xbf16>
        %parallel_loop3A_883 = arith.constant 462 : i32
        %parallel_loop3A_884 = vector.broadcast %parallel_loop3A_883 : i32 to vector<16xi32>
        %parallel_loop3A_885 = arith.addi %parallel_loop3A_801, %parallel_loop3A_884 : vector<16xi32>
        %parallel_loop3A_886 = tpu.vector_load_idx %arg5[%parallel_loop3A_885] : memref<1848xi32, #tpu.memory_space<vmem>>[vector<16xi32>], vector<16xi32>,
        %parallel_loop3A_887 = vector.bitcast %parallel_loop3A_886 : vector<16xi32> to vector<32xbf16>
        %parallel_loop3A_888 = arith.addf %parallel_loop3A_882, %parallel_loop3A_887 : vector<32xbf16>
        %parallel_loop3A_889 = tpu.unpack_subelements %parallel_loop3A_888, 0 {pack_format = #tpu.pack_format<interleaved>} : vector<32xbf16> -> vector<16xf32>
        %parallel_loop3A_890 = tpu.unpack_subelements %parallel_loop3A_888, 1 {pack_format = #tpu.pack_format<interleaved>} : vector<32xbf16> -> vector<16xf32>
        %parallel_loop3A_891 = arith.constant 0 : i32
        %parallel_loop3A_892 = arith.constant 4 : i32
        %parallel_loop3A_893 = arith.index_cast %parallel_loop3A_891 : i32 to index
        %parallel_loop3A_894 = arith.index_cast %parallel_loop3A_892 : i32 to index
        %parallel_loop3A_895 = arith.index_cast %parallel_loop3A_692 : i32 to index
        %parallel_loop3A_896 = arith.index_cast %parallel_loop3A_732 : i32 to index
        %parallel_loop3A_897 = arith.index_cast %parallel_loop3A_750 : i32 to index
        %parallel_loop3A_898 = tpu.vector_load %arg7[%parallel_loop3A_893, %parallel_loop3A_894, %parallel_loop3A_895, %parallel_loop3A_896, %parallel_loop3A_897] {strides = array<i32>} : memref<2x16x3x8x128xf32, #tpu.memory_space<vmem>>, vector<16xf32>,
        tpu.vector_store %arg7[%parallel_loop3A_893, %parallel_loop3A_894, %parallel_loop3A_895, %parallel_loop3A_896, %parallel_loop3A_897], %parallel_loop3A_889 {strides = array<i32>} : memref<2x16x3x8x128xf32, #tpu.memory_space<vmem>>, vector<16xf32>,
        %parallel_loop3A_899 = arith.constant 0 : i32
        %parallel_loop3A_900 = arith.constant 5 : i32
        %parallel_loop3A_901 = arith.index_cast %parallel_loop3A_899 : i32 to index
        %parallel_loop3A_902 = arith.index_cast %parallel_loop3A_900 : i32 to index
        %parallel_loop3A_903 = arith.index_cast %parallel_loop3A_692 : i32 to index
        %parallel_loop3A_904 = arith.index_cast %parallel_loop3A_732 : i32 to index
        %parallel_loop3A_905 = arith.index_cast %parallel_loop3A_750 : i32 to index
        %parallel_loop3A_906 = tpu.vector_load %arg7[%parallel_loop3A_901, %parallel_loop3A_902, %parallel_loop3A_903, %parallel_loop3A_904, %parallel_loop3A_905] {strides = array<i32>} : memref<2x16x3x8x128xf32, #tpu.memory_space<vmem>>, vector<16xf32>,
        tpu.vector_store %arg7[%parallel_loop3A_901, %parallel_loop3A_902, %parallel_loop3A_903, %parallel_loop3A_904, %parallel_loop3A_905], %parallel_loop3A_890 {strides = array<i32>} : memref<2x16x3x8x128xf32, #tpu.memory_space<vmem>>, vector<16xf32>,
        %parallel_loop3A_907 = arith.constant 693 : i32
        %parallel_loop3A_908 = vector.broadcast %parallel_loop3A_907 : i32 to vector<16xi32>
        %parallel_loop3A_909 = arith.addi %parallel_loop3A_767, %parallel_loop3A_908 : vector<16xi32>
        %parallel_loop3A_910 = tpu.vector_load_idx %arg5[%parallel_loop3A_909] : memref<1848xi32, #tpu.memory_space<vmem>>[vector<16xi32>], vector<16xi32>,
        %parallel_loop3A_911 = vector.bitcast %parallel_loop3A_910 : vector<16xi32> to vector<32xbf16>
        %parallel_loop3A_912 = arith.constant 693 : i32
        %parallel_loop3A_913 = vector.broadcast %parallel_loop3A_912 : i32 to vector<16xi32>
        %parallel_loop3A_914 = arith.addi %parallel_loop3A_784, %parallel_loop3A_913 : vector<16xi32>
        %parallel_loop3A_915 = tpu.vector_load_idx %arg5[%parallel_loop3A_914] : memref<1848xi32, #tpu.memory_space<vmem>>[vector<16xi32>], vector<16xi32>,
        %parallel_loop3A_916 = vector.bitcast %parallel_loop3A_915 : vector<16xi32> to vector<32xbf16>
        %parallel_loop3A_917 = arith.addf %parallel_loop3A_911, %parallel_loop3A_916 : vector<32xbf16>
        %parallel_loop3A_918 = arith.constant 693 : i32
        %parallel_loop3A_919 = vector.broadcast %parallel_loop3A_918 : i32 to vector<16xi32>
        %parallel_loop3A_920 = arith.addi %parallel_loop3A_801, %parallel_loop3A_919 : vector<16xi32>
        %parallel_loop3A_921 = tpu.vector_load_idx %arg5[%parallel_loop3A_920] : memref<1848xi32, #tpu.memory_space<vmem>>[vector<16xi32>], vector<16xi32>,
        %parallel_loop3A_922 = vector.bitcast %parallel_loop3A_921 : vector<16xi32> to vector<32xbf16>
        %parallel_loop3A_923 = arith.addf %parallel_loop3A_917, %parallel_loop3A_922 : vector<32xbf16>
        %parallel_loop3A_924 = tpu.unpack_subelements %parallel_loop3A_923, 0 {pack_format = #tpu.pack_format<interleaved>} : vector<32xbf16> -> vector<16xf32>
        %parallel_loop3A_925 = tpu.unpack_subelements %parallel_loop3A_923, 1 {pack_format = #tpu.pack_format<interleaved>} : vector<32xbf16> -> vector<16xf32>
        %parallel_loop3A_926 = arith.constant 0 : i32
        %parallel_loop3A_927 = arith.constant 6 : i32
        %parallel_loop3A_928 = arith.index_cast %parallel_loop3A_926 : i32 to index
        %parallel_loop3A_929 = arith.index_cast %parallel_loop3A_927 : i32 to index
        %parallel_loop3A_930 = arith.index_cast %parallel_loop3A_692 : i32 to index
        %parallel_loop3A_931 = arith.index_cast %parallel_loop3A_732 : i32 to index
        %parallel_loop3A_932 = arith.index_cast %parallel_loop3A_750 : i32 to index
        %parallel_loop3A_933 = tpu.vector_load %arg7[%parallel_loop3A_928, %parallel_loop3A_929, %parallel_loop3A_930, %parallel_loop3A_931, %parallel_loop3A_932] {strides = array<i32>} : memref<2x16x3x8x128xf32, #tpu.memory_space<vmem>>, vector<16xf32>,
        tpu.vector_store %arg7[%parallel_loop3A_928, %parallel_loop3A_929, %parallel_loop3A_930, %parallel_loop3A_931, %parallel_loop3A_932], %parallel_loop3A_924 {strides = array<i32>} : memref<2x16x3x8x128xf32, #tpu.memory_space<vmem>>, vector<16xf32>,
        %parallel_loop3A_934 = arith.constant 0 : i32
        %parallel_loop3A_935 = arith.constant 7 : i32
        %parallel_loop3A_936 = arith.index_cast %parallel_loop3A_934 : i32 to index
        %parallel_loop3A_937 = arith.index_cast %parallel_loop3A_935 : i32 to index
        %parallel_loop3A_938 = arith.index_cast %parallel_loop3A_692 : i32 to index
        %parallel_loop3A_939 = arith.index_cast %parallel_loop3A_732 : i32 to index
        %parallel_loop3A_940 = arith.index_cast %parallel_loop3A_750 : i32 to index
        %parallel_loop3A_941 = tpu.vector_load %arg7[%parallel_loop3A_936, %parallel_loop3A_937, %parallel_loop3A_938, %parallel_loop3A_939, %parallel_loop3A_940] {strides = array<i32>} : memref<2x16x3x8x128xf32, #tpu.memory_space<vmem>>, vector<16xf32>,
        tpu.vector_store %arg7[%parallel_loop3A_936, %parallel_loop3A_937, %parallel_loop3A_938, %parallel_loop3A_939, %parallel_loop3A_940], %parallel_loop3A_925 {strides = array<i32>} : memref<2x16x3x8x128xf32, #tpu.memory_space<vmem>>, vector<16xf32>,
        %parallel_loop3A_942 = arith.constant 924 : i32
        %parallel_loop3A_943 = vector.broadcast %parallel_loop3A_942 : i32 to vector<16xi32>
        %parallel_loop3A_944 = arith.addi %parallel_loop3A_767, %parallel_loop3A_943 : vector<16xi32>
        %parallel_loop3A_945 = tpu.vector_load_idx %arg5[%parallel_loop3A_944] : memref<1848xi32, #tpu.memory_space<vmem>>[vector<16xi32>], vector<16xi32>,
        %parallel_loop3A_946 = vector.bitcast %parallel_loop3A_945 : vector<16xi32> to vector<32xbf16>
        %parallel_loop3A_947 = arith.constant 924 : i32
        %parallel_loop3A_948 = vector.broadcast %parallel_loop3A_947 : i32 to vector<16xi32>
        %parallel_loop3A_949 = arith.addi %parallel_loop3A_784, %parallel_loop3A_948 : vector<16xi32>
        %parallel_loop3A_950 = tpu.vector_load_idx %arg5[%parallel_loop3A_949] : memref<1848xi32, #tpu.memory_space<vmem>>[vector<16xi32>], vector<16xi32>,
        %parallel_loop3A_951 = vector.bitcast %parallel_loop3A_950 : vector<16xi32> to vector<32xbf16>
        %parallel_loop3A_952 = arith.addf %parallel_loop3A_946, %parallel_loop3A_951 : vector<32xbf16>
        %parallel_loop3A_953 = arith.constant 924 : i32
        %parallel_loop3A_954 = vector.broadcast %parallel_loop3A_953 : i32 to vector<16xi32>
        %parallel_loop3A_955 = arith.addi %parallel_loop3A_801, %parallel_loop3A_954 : vector<16xi32>
        %parallel_loop3A_956 = tpu.vector_load_idx %arg5[%parallel_loop3A_955] : memref<1848xi32, #tpu.memory_space<vmem>>[vector<16xi32>], vector<16xi32>,
        %parallel_loop3A_957 = vector.bitcast %parallel_loop3A_956 : vector<16xi32> to vector<32xbf16>
        %parallel_loop3A_958 = arith.addf %parallel_loop3A_952, %parallel_loop3A_957 : vector<32xbf16>
        %parallel_loop3A_959 = tpu.unpack_subelements %parallel_loop3A_958, 0 {pack_format = #tpu.pack_format<interleaved>} : vector<32xbf16> -> vector<16xf32>
        %parallel_loop3A_960 = tpu.unpack_subelements %parallel_loop3A_958, 1 {pack_format = #tpu.pack_format<interleaved>} : vector<32xbf16> -> vector<16xf32>
        %parallel_loop3A_961 = arith.constant 0 : i32
        %parallel_loop3A_962 = arith.constant 8 : i32
        %parallel_loop3A_963 = arith.index_cast %parallel_loop3A_961 : i32 to index
        %parallel_loop3A_964 = arith.index_cast %parallel_loop3A_962 : i32 to index
        %parallel_loop3A_965 = arith.index_cast %parallel_loop3A_692 : i32 to index
        %parallel_loop3A_966 = arith.index_cast %parallel_loop3A_732 : i32 to index
        %parallel_loop3A_967 = arith.index_cast %parallel_loop3A_750 : i32 to index
        %parallel_loop3A_968 = tpu.vector_load %arg7[%parallel_loop3A_963, %parallel_loop3A_964, %parallel_loop3A_965, %parallel_loop3A_966, %parallel_loop3A_967] {strides = array<i32>} : memref<2x16x3x8x128xf32, #tpu.memory_space<vmem>>, vector<16xf32>,
        tpu.vector_store %arg7[%parallel_loop3A_963, %parallel_loop3A_964, %parallel_loop3A_965, %parallel_loop3A_966, %parallel_loop3A_967], %parallel_loop3A_959 {strides = array<i32>} : memref<2x16x3x8x128xf32, #tpu.memory_space<vmem>>, vector<16xf32>,
        %parallel_loop3A_969 = arith.constant 0 : i32
        %parallel_loop3A_970 = arith.constant 9 : i32
        %parallel_loop3A_971 = arith.index_cast %parallel_loop3A_969 : i32 to index
        %parallel_loop3A_972 = arith.index_cast %parallel_loop3A_970 : i32 to index
        %parallel_loop3A_973 = arith.index_cast %parallel_loop3A_692 : i32 to index
        %parallel_loop3A_974 = arith.index_cast %parallel_loop3A_732 : i32 to index
        %parallel_loop3A_975 = arith.index_cast %parallel_loop3A_750 : i32 to index
        %parallel_loop3A_976 = tpu.vector_load %arg7[%parallel_loop3A_971, %parallel_loop3A_972, %parallel_loop3A_973, %parallel_loop3A_974, %parallel_loop3A_975] {strides = array<i32>} : memref<2x16x3x8x128xf32, #tpu.memory_space<vmem>>, vector<16xf32>,
        tpu.vector_store %arg7[%parallel_loop3A_971, %parallel_loop3A_972, %parallel_loop3A_973, %parallel_loop3A_974, %parallel_loop3A_975], %parallel_loop3A_960 {strides = array<i32>} : memref<2x16x3x8x128xf32, #tpu.memory_space<vmem>>, vector<16xf32>,
        %parallel_loop3A_977 = arith.constant 1155 : i32
        %parallel_loop3A_978 = vector.broadcast %parallel_loop3A_977 : i32 to vector<16xi32>
        %parallel_loop3A_979 = arith.addi %parallel_loop3A_767, %parallel_loop3A_978 : vector<16xi32>
        %parallel_loop3A_980 = tpu.vector_load_idx %arg5[%parallel_loop3A_979] : memref<1848xi32, #tpu.memory_space<vmem>>[vector<16xi32>], vector<16xi32>,
        %parallel_loop3A_981 = vector.bitcast %parallel_loop3A_980 : vector<16xi32> to vector<32xbf16>
        %parallel_loop3A_982 = arith.constant 1155 : i32
        %parallel_loop3A_983 = vector.broadcast %parallel_loop3A_982 : i32 to vector<16xi32>
        %parallel_loop3A_984 = arith.addi %parallel_loop3A_784, %parallel_loop3A_983 : vector<16xi32>
        %parallel_loop3A_985 = tpu.vector_load_idx %arg5[%parallel_loop3A_984] : memref<1848xi32, #tpu.memory_space<vmem>>[vector<16xi32>], vector<16xi32>,
        %parallel_loop3A_986 = vector.bitcast %parallel_loop3A_985 : vector<16xi32> to vector<32xbf16>
        %parallel_loop3A_987 = arith.addf %parallel_loop3A_981, %parallel_loop3A_986 : vector<32xbf16>
        %parallel_loop3A_988 = arith.constant 1155 : i32
        %parallel_loop3A_989 = vector.broadcast %parallel_loop3A_988 : i32 to vector<16xi32>
        %parallel_loop3A_990 = arith.addi %parallel_loop3A_801, %parallel_loop3A_989 : vector<16xi32>
        %parallel_loop3A_991 = tpu.vector_load_idx %arg5[%parallel_loop3A_990] : memref<1848xi32, #tpu.memory_space<vmem>>[vector<16xi32>], vector<16xi32>,
        %parallel_loop3A_992 = vector.bitcast %parallel_loop3A_991 : vector<16xi32> to vector<32xbf16>
        %parallel_loop3A_993 = arith.addf %parallel_loop3A_987, %parallel_loop3A_992 : vector<32xbf16>
        %parallel_loop3A_994 = tpu.unpack_subelements %parallel_loop3A_993, 0 {pack_format = #tpu.pack_format<interleaved>} : vector<32xbf16> -> vector<16xf32>
        %parallel_loop3A_995 = tpu.unpack_subelements %parallel_loop3A_993, 1 {pack_format = #tpu.pack_format<interleaved>} : vector<32xbf16> -> vector<16xf32>
        %parallel_loop3A_996 = arith.constant 0 : i32
        %parallel_loop3A_997 = arith.constant 10 : i32
        %parallel_loop3A_998 = arith.index_cast %parallel_loop3A_996 : i32 to index
        %parallel_loop3A_999 = arith.index_cast %parallel_loop3A_997 : i32 to index
        %parallel_loop3A_1000 = arith.index_cast %parallel_loop3A_692 : i32 to index
        %parallel_loop3A_1001 = arith.index_cast %parallel_loop3A_732 : i32 to index
        %parallel_loop3A_1002 = arith.index_cast %parallel_loop3A_750 : i32 to index
        %parallel_loop3A_1003 = tpu.vector_load %arg7[%parallel_loop3A_998, %parallel_loop3A_999, %parallel_loop3A_1000, %parallel_loop3A_1001, %parallel_loop3A_1002] {strides = array<i32>} : memref<2x16x3x8x128xf32, #tpu.memory_space<vmem>>, vector<16xf32>,
        tpu.vector_store %arg7[%parallel_loop3A_998, %parallel_loop3A_999, %parallel_loop3A_1000, %parallel_loop3A_1001, %parallel_loop3A_1002], %parallel_loop3A_994 {strides = array<i32>} : memref<2x16x3x8x128xf32, #tpu.memory_space<vmem>>, vector<16xf32>,
        %parallel_loop3A_1004 = arith.constant 0 : i32
        %parallel_loop3A_1005 = arith.constant 11 : i32
        %parallel_loop3A_1006 = arith.index_cast %parallel_loop3A_1004 : i32 to index
        %parallel_loop3A_1007 = arith.index_cast %parallel_loop3A_1005 : i32 to index
        %parallel_loop3A_1008 = arith.index_cast %parallel_loop3A_692 : i32 to index
        %parallel_loop3A_1009 = arith.index_cast %parallel_loop3A_732 : i32 to index
        %parallel_loop3A_1010 = arith.index_cast %parallel_loop3A_750 : i32 to index
        %parallel_loop3A_1011 = tpu.vector_load %arg7[%parallel_loop3A_1006, %parallel_loop3A_1007, %parallel_loop3A_1008, %parallel_loop3A_1009, %parallel_loop3A_1010] {strides = array<i32>} : memref<2x16x3x8x128xf32, #tpu.memory_space<vmem>>, vector<16xf32>,
        tpu.vector_store %arg7[%parallel_loop3A_1006, %parallel_loop3A_1007, %parallel_loop3A_1008, %parallel_loop3A_1009, %parallel_loop3A_1010], %parallel_loop3A_995 {strides = array<i32>} : memref<2x16x3x8x128xf32, #tpu.memory_space<vmem>>, vector<16xf32>,
        %parallel_loop3A_1012 = arith.constant 1386 : i32
        %parallel_loop3A_1013 = vector.broadcast %parallel_loop3A_1012 : i32 to vector<16xi32>
        %parallel_loop3A_1014 = arith.addi %parallel_loop3A_767, %parallel_loop3A_1013 : vector<16xi32>
        %parallel_loop3A_1015 = tpu.vector_load_idx %arg5[%parallel_loop3A_1014] : memref<1848xi32, #tpu.memory_space<vmem>>[vector<16xi32>], vector<16xi32>,
        %parallel_loop3A_1016 = vector.bitcast %parallel_loop3A_1015 : vector<16xi32> to vector<32xbf16>
        %parallel_loop3A_1017 = arith.constant 1386 : i32
        %parallel_loop3A_1018 = vector.broadcast %parallel_loop3A_1017 : i32 to vector<16xi32>
        %parallel_loop3A_1019 = arith.addi %parallel_loop3A_784, %parallel_loop3A_1018 : vector<16xi32>
        %parallel_loop3A_1020 = tpu.vector_load_idx %arg5[%parallel_loop3A_1019] : memref<1848xi32, #tpu.memory_space<vmem>>[vector<16xi32>], vector<16xi32>,
        %parallel_loop3A_1021 = vector.bitcast %parallel_loop3A_1020 : vector<16xi32> to vector<32xbf16>
        %parallel_loop3A_1022 = arith.addf %parallel_loop3A_1016, %parallel_loop3A_1021 : vector<32xbf16>
        %parallel_loop3A_1023 = arith.constant 1386 : i32
        %parallel_loop3A_1024 = vector.broadcast %parallel_loop3A_1023 : i32 to vector<16xi32>
        %parallel_loop3A_1025 = arith.addi %parallel_loop3A_801, %parallel_loop3A_1024 : vector<16xi32>
        %parallel_loop3A_1026 = tpu.vector_load_idx %arg5[%parallel_loop3A_1025] : memref<1848xi32, #tpu.memory_space<vmem>>[vector<16xi32>], vector<16xi32>,
        %parallel_loop3A_1027 = vector.bitcast %parallel_loop3A_1026 : vector<16xi32> to vector<32xbf16>
        %parallel_loop3A_1028 = arith.addf %parallel_loop3A_1022, %parallel_loop3A_1027 : vector<32xbf16>
        %parallel_loop3A_1029 = tpu.unpack_subelements %parallel_loop3A_1028, 0 {pack_format = #tpu.pack_format<interleaved>} : vector<32xbf16> -> vector<16xf32>
        %parallel_loop3A_1030 = tpu.unpack_subelements %parallel_loop3A_1028, 1 {pack_format = #tpu.pack_format<interleaved>} : vector<32xbf16> -> vector<16xf32>
        %parallel_loop3A_1031 = arith.constant 0 : i32
        %parallel_loop3A_1032 = arith.constant 12 : i32
        %parallel_loop3A_1033 = arith.index_cast %parallel_loop3A_1031 : i32 to index
        %parallel_loop3A_1034 = arith.index_cast %parallel_loop3A_1032 : i32 to index
        %parallel_loop3A_1035 = arith.index_cast %parallel_loop3A_692 : i32 to index
        %parallel_loop3A_1036 = arith.index_cast %parallel_loop3A_732 : i32 to index
        %parallel_loop3A_1037 = arith.index_cast %parallel_loop3A_750 : i32 to index
        %parallel_loop3A_1038 = tpu.vector_load %arg7[%parallel_loop3A_1033, %parallel_loop3A_1034, %parallel_loop3A_1035, %parallel_loop3A_1036, %parallel_loop3A_1037] {strides = array<i32>} : memref<2x16x3x8x128xf32, #tpu.memory_space<vmem>>, vector<16xf32>,
        tpu.vector_store %arg7[%parallel_loop3A_1033, %parallel_loop3A_1034, %parallel_loop3A_1035, %parallel_loop3A_1036, %parallel_loop3A_1037], %parallel_loop3A_1029 {strides = array<i32>} : memref<2x16x3x8x128xf32, #tpu.memory_space<vmem>>, vector<16xf32>,
        %parallel_loop3A_1039 = arith.constant 0 : i32
        %parallel_loop3A_1040 = arith.constant 13 : i32
        %parallel_loop3A_1041 = arith.index_cast %parallel_loop3A_1039 : i32 to index
        %parallel_loop3A_1042 = arith.index_cast %parallel_loop3A_1040 : i32 to index
        %parallel_loop3A_1043 = arith.index_cast %parallel_loop3A_692 : i32 to index
        %parallel_loop3A_1044 = arith.index_cast %parallel_loop3A_732 : i32 to index
        %parallel_loop3A_1045 = arith.index_cast %parallel_loop3A_750 : i32 to index
        %parallel_loop3A_1046 = tpu.vector_load %arg7[%parallel_loop3A_1041, %parallel_loop3A_1042, %parallel_loop3A_1043, %parallel_loop3A_1044, %parallel_loop3A_1045] {strides = array<i32>} : memref<2x16x3x8x128xf32, #tpu.memory_space<vmem>>, vector<16xf32>,
        tpu.vector_store %arg7[%parallel_loop3A_1041, %parallel_loop3A_1042, %parallel_loop3A_1043, %parallel_loop3A_1044, %parallel_loop3A_1045], %parallel_loop3A_1030 {strides = array<i32>} : memref<2x16x3x8x128xf32, #tpu.memory_space<vmem>>, vector<16xf32>,
        %parallel_loop3A_1047 = arith.constant 1617 : i32
        %parallel_loop3A_1048 = vector.broadcast %parallel_loop3A_1047 : i32 to vector<16xi32>
        %parallel_loop3A_1049 = arith.addi %parallel_loop3A_767, %parallel_loop3A_1048 : vector<16xi32>
        %parallel_loop3A_1050 = tpu.vector_load_idx %arg5[%parallel_loop3A_1049] : memref<1848xi32, #tpu.memory_space<vmem>>[vector<16xi32>], vector<16xi32>,
        %parallel_loop3A_1051 = vector.bitcast %parallel_loop3A_1050 : vector<16xi32> to vector<32xbf16>
        %parallel_loop3A_1052 = arith.constant 1617 : i32
        %parallel_loop3A_1053 = vector.broadcast %parallel_loop3A_1052 : i32 to vector<16xi32>
        %parallel_loop3A_1054 = arith.addi %parallel_loop3A_784, %parallel_loop3A_1053 : vector<16xi32>
        %parallel_loop3A_1055 = tpu.vector_load_idx %arg5[%parallel_loop3A_1054] : memref<1848xi32, #tpu.memory_space<vmem>>[vector<16xi32>], vector<16xi32>,
        %parallel_loop3A_1056 = vector.bitcast %parallel_loop3A_1055 : vector<16xi32> to vector<32xbf16>
        %parallel_loop3A_1057 = arith.addf %parallel_loop3A_1051, %parallel_loop3A_1056 : vector<32xbf16>
        %parallel_loop3A_1058 = arith.constant 1617 : i32
        %parallel_loop3A_1059 = vector.broadcast %parallel_loop3A_1058 : i32 to vector<16xi32>
        %parallel_loop3A_1060 = arith.addi %parallel_loop3A_801, %parallel_loop3A_1059 : vector<16xi32>
        %parallel_loop3A_1061 = tpu.vector_load_idx %arg5[%parallel_loop3A_1060] : memref<1848xi32, #tpu.memory_space<vmem>>[vector<16xi32>], vector<16xi32>,
        %parallel_loop3A_1062 = vector.bitcast %parallel_loop3A_1061 : vector<16xi32> to vector<32xbf16>
        %parallel_loop3A_1063 = arith.addf %parallel_loop3A_1057, %parallel_loop3A_1062 : vector<32xbf16>
        %parallel_loop3A_1064 = tpu.unpack_subelements %parallel_loop3A_1063, 0 {pack_format = #tpu.pack_format<interleaved>} : vector<32xbf16> -> vector<16xf32>
        %parallel_loop3A_1065 = tpu.unpack_subelements %parallel_loop3A_1063, 1 {pack_format = #tpu.pack_format<interleaved>} : vector<32xbf16> -> vector<16xf32>
        %parallel_loop3A_1066 = arith.constant 0 : i32
        %parallel_loop3A_1067 = arith.constant 14 : i32
        %parallel_loop3A_1068 = arith.index_cast %parallel_loop3A_1066 : i32 to index
        %parallel_loop3A_1069 = arith.index_cast %parallel_loop3A_1067 : i32 to index
        %parallel_loop3A_1070 = arith.index_cast %parallel_loop3A_692 : i32 to index
        %parallel_loop3A_1071 = arith.index_cast %parallel_loop3A_732 : i32 to index
        %parallel_loop3A_1072 = arith.index_cast %parallel_loop3A_750 : i32 to index
        %parallel_loop3A_1073 = tpu.vector_load %arg7[%parallel_loop3A_1068, %parallel_loop3A_1069, %parallel_loop3A_1070, %parallel_loop3A_1071, %parallel_loop3A_1072] {strides = array<i32>} : memref<2x16x3x8x128xf32, #tpu.memory_space<vmem>>, vector<16xf32>,
        tpu.vector_store %arg7[%parallel_loop3A_1068, %parallel_loop3A_1069, %parallel_loop3A_1070, %parallel_loop3A_1071, %parallel_loop3A_1072], %parallel_loop3A_1064 {strides = array<i32>} : memref<2x16x3x8x128xf32, #tpu.memory_space<vmem>>, vector<16xf32>,
        %parallel_loop3A_1074 = arith.constant 0 : i32
        %parallel_loop3A_1075 = arith.constant 15 : i32
        %parallel_loop3A_1076 = arith.index_cast %parallel_loop3A_1074 : i32 to index
        %parallel_loop3A_1077 = arith.index_cast %parallel_loop3A_1075 : i32 to index
        %parallel_loop3A_1078 = arith.index_cast %parallel_loop3A_692 : i32 to index
        %parallel_loop3A_1079 = arith.index_cast %parallel_loop3A_732 : i32 to index
        %parallel_loop3A_1080 = arith.index_cast %parallel_loop3A_750 : i32 to index
        %parallel_loop3A_1081 = tpu.vector_load %arg7[%parallel_loop3A_1076, %parallel_loop3A_1077, %parallel_loop3A_1078, %parallel_loop3A_1079, %parallel_loop3A_1080] {strides = array<i32>} : memref<2x16x3x8x128xf32, #tpu.memory_space<vmem>>, vector<16xf32>,
        tpu.vector_store %arg7[%parallel_loop3A_1076, %parallel_loop3A_1077, %parallel_loop3A_1078, %parallel_loop3A_1079, %parallel_loop3A_1080], %parallel_loop3A_1065 {strides = array<i32>} : memref<2x16x3x8x128xf32, #tpu.memory_space<vmem>>, vector<16xf32>,
      } {sc.loop_unroll_factor = 2 : i64, sc.parallel_access}
      %mul3A_325 = arith.constant 12 : i32
      %mul3A_326 = arith.muli %add3A, %mul3A_325 : i32
      %jit3A_327 = arith.constant 2 : i32
      %div3A_328 = arith.divsi %add3A_205, %jit3A_327 : i32
      %sign3A_329 = arith.constant 0 : i32
      %sign3A_330 = arith.cmpi sgt, %add3A_205, %sign3A_329 : i32
      %sign3A_331 = arith.extui %sign3A_330 : i1 to i32
      %sign3A_332 = arith.constant 0 : i32
      %sign3A_333 = arith.cmpi slt, %add3A_205, %sign3A_332 : i32
      %sign3A_334 = arith.extui %sign3A_333 : i1 to i32
      %sign3A_335 = arith.subi %sign3A_331, %sign3A_334 : i32
      %sign3A_336 = arith.constant 0 : i32
      %sign3A_337 = arith.cmpi sgt, %jit3A_327, %sign3A_336 : i32
      %sign3A_338 = arith.extui %sign3A_337 : i1 to i32
      %sign3A_339 = arith.constant 0 : i32
      %sign3A_340 = arith.cmpi slt, %jit3A_327, %sign3A_339 : i32
      %sign3A_341 = arith.extui %sign3A_340 : i1 to i32
      %sign3A_342 = arith.subi %sign3A_338, %sign3A_341 : i32
      %ne3A_343 = arith.cmpi ne, %sign3A_335, %sign3A_342 : i32
      %rem3A_344 = arith.remsi %add3A_205, %jit3A_327 : i32
      %ne3A_345 = arith.constant 0 : i32
      %ne3A_346 = arith.cmpi ne, %rem3A_344, %ne3A_345 : i32
      %and3A_347 = arith.andi %ne3A_343, %ne3A_346 : i1
      %sub3A_348 = arith.constant 1 : i32
      %sub3A_349 = arith.subi %div3A_328, %sub3A_348 : i32
      %select_n3A_350 = arith.select %and3A_347, %sub3A_349, %div3A_328 : i32
      %add3A_351 = arith.addi %mul3A_326, %select_n3A_350 : i32
      %jit3A_352 = arith.constant 8 : i32
      %div3A_353 = arith.divsi %add3A_351, %jit3A_352 : i32
      %sign3A_354 = arith.constant 0 : i32
      %sign3A_355 = arith.cmpi sgt, %add3A_351, %sign3A_354 : i32
      %sign3A_356 = arith.extui %sign3A_355 : i1 to i32
      %sign3A_357 = arith.constant 0 : i32
      %sign3A_358 = arith.cmpi slt, %add3A_351, %sign3A_357 : i32
      %sign3A_359 = arith.extui %sign3A_358 : i1 to i32
      %sign3A_360 = arith.subi %sign3A_356, %sign3A_359 : i32
      %sign3A_361 = arith.constant 0 : i32
      %sign3A_362 = arith.cmpi sgt, %jit3A_352, %sign3A_361 : i32
      %sign3A_363 = arith.extui %sign3A_362 : i1 to i32
      %sign3A_364 = arith.constant 0 : i32
      %sign3A_365 = arith.cmpi slt, %jit3A_352, %sign3A_364 : i32
      %sign3A_366 = arith.extui %sign3A_365 : i1 to i32
      %sign3A_367 = arith.subi %sign3A_363, %sign3A_366 : i32
      %ne3A_368 = arith.cmpi ne, %sign3A_360, %sign3A_367 : i32
      %rem3A_369 = arith.remsi %add3A_351, %jit3A_352 : i32
      %ne3A_370 = arith.constant 0 : i32
      %ne3A_371 = arith.cmpi ne, %rem3A_369, %ne3A_370 : i32
      %and3A_372 = arith.andi %ne3A_368, %ne3A_371 : i1
      %sub3A_373 = arith.constant 1 : i32
      %sub3A_374 = arith.subi %div3A_353, %sub3A_373 : i32
      %select_n3A_375 = arith.select %and3A_372, %sub3A_374, %div3A_353 : i32
      %jit3A_376 = arith.constant 8 : i32
      %eq3A_377 = arith.constant 0 : i32
      %eq3A_378 = arith.cmpi eq, %jit3A_376, %eq3A_377 : i32
      %jit3A_379 = arith.constant 1 : i32
      %select_n3A_380 = arith.select %eq3A_378, %jit3A_379, %jit3A_376 : i32
      %rem3A_381 = arith.remsi %add3A_351, %select_n3A_380 : i32
      %ne3A_382 = arith.constant 0 : i32
      %ne3A_383 = arith.cmpi ne, %rem3A_381, %ne3A_382 : i32
      %lt3A_384 = arith.constant 0 : i32
      %lt3A_385 = arith.cmpi slt, %rem3A_381, %lt3A_384 : i32
      %lt3A_386 = arith.constant 0 : i32
      %lt3A_387 = arith.cmpi slt, %select_n3A_380, %lt3A_386 : i32
      %ne3A_388 = arith.xori %lt3A_385, %lt3A_387 : i1
      %and3A_389 = arith.andi %ne3A_388, %ne3A_383 : i1
      %add3A_390 = arith.addi %rem3A_381, %select_n3A_380 : i32
      %select_n3A_391 = arith.select %and3A_389, %add3A_390, %rem3A_381 : i32
      %jit3A_392 = arith.constant 2 : i32
      %eq3A_393 = arith.constant 0 : i32
      %eq3A_394 = arith.cmpi eq, %jit3A_392, %eq3A_393 : i32
      %jit3A_395 = arith.constant 1 : i32
      %select_n3A_396 = arith.select %eq3A_394, %jit3A_395, %jit3A_392 : i32
      %rem3A_397 = arith.remsi %add3A_205, %select_n3A_396 : i32
      %ne3A_398 = arith.constant 0 : i32
      %ne3A_399 = arith.cmpi ne, %rem3A_397, %ne3A_398 : i32
      %lt3A_400 = arith.constant 0 : i32
      %lt3A_401 = arith.cmpi slt, %rem3A_397, %lt3A_400 : i32
      %lt3A_402 = arith.constant 0 : i32
      %lt3A_403 = arith.cmpi slt, %select_n3A_396, %lt3A_402 : i32
      %ne3A_404 = arith.xori %lt3A_401, %lt3A_403 : i1
      %and3A_405 = arith.andi %ne3A_404, %ne3A_399 : i1
      %add3A_406 = arith.addi %rem3A_397, %select_n3A_396 : i32
      %select_n3A_407 = arith.select %and3A_405, %add3A_406, %rem3A_397 : i32
      %mul3A_408 = arith.constant 3 : i32
      %mul3A_409 = arith.muli %select_n3A_407, %mul3A_408 : i32
      %dma_start3A_410 = arith.constant 0 : i32
      %dma_start3A_411 = arith.constant 0 : i32
      %dma_start3A_412 = arith.constant 0 : i32
      %dma_start3A_413 = arith.constant 0 : i32
      %dma_start3A_414 = arith.constant 0 : i32
      %dma_start3A_415 = tpu.memref_slice %arg7[%dma_start3A_410, %dma_start3A_411, %dma_start3A_412, %dma_start3A_413, %dma_start3A_414] : memref<2x16x3x8x128xf32, #tpu.memory_space<vmem>> -> memref<1x16x3x8x128xf32, #tpu.memory_space<vmem>>
      %dma_start3A_416 = tpu.memref_squeeze %dma_start3A_415 : memref<1x16x3x8x128xf32, #tpu.memory_space<vmem>> -> memref<16x3x8x128xf32, #tpu.memory_space<vmem>>
      %dma_start3A_417 = arith.constant 0 : i32
      %dma_start3A_418 = arith.constant 0 : i32
      %dma_start3A_419 = arith.constant 0 : i32
      %dma_start3A_420 = tpu.memref_slice %arg4[%dma_start3A_417, %select_n3A_375, %mul3A_409, %select_n3A_391, %dma_start3A_418, %dma_start3A_419] : memref<16x48x6x8x8x128xf32, #tpu.memory_space<hbm>> -> memref<16x1x3x1x8x128xf32, #tpu.memory_space<hbm>>
      %dma_start3A_421 = tpu.memref_squeeze %dma_start3A_420 : memref<16x1x3x1x8x128xf32, #tpu.memory_space<hbm>> -> memref<16x3x8x128xf32, #tpu.memory_space<hbm>>
      %dma_start3A_422 = arith.constant 0 : i32
      %dma_start3A_423 = arith.constant 0 : i32
      %dma_start3A_424 = arith.constant 0 : i32
      %dma_start3A_425 = tpu.memref_slice %arg4[%dma_start3A_422, %select_n3A_375, %mul3A_409, %select_n3A_391, %dma_start3A_423, %dma_start3A_424] : memref<16x48x6x8x8x128xf32, #tpu.memory_space<hbm>> -> memref<16x1x3x1x8x128xf32, #tpu.memory_space<hbm>>
      %dma_start3A_426 = tpu.memref_squeeze %dma_start3A_425 : memref<16x1x3x1x8x128xf32, #tpu.memory_space<hbm>> -> memref<16x3x8x128xf32, #tpu.memory_space<hbm>>
      %dma_start3A_427 = arith.constant 0 : i32
      %dma_start3A_428 = arith.constant 0 : i32
      %dma_start3A_429 = arith.constant 0 : i32
      %dma_start3A_430 = arith.constant 0 : i32
      %dma_start3A_431 = tpu.memref_slice %arg7[%dma_start3A_410, %dma_start3A_427, %dma_start3A_428, %dma_start3A_429, %dma_start3A_430] : memref<2x16x3x8x128xf32, #tpu.memory_space<vmem>> -> memref<1x16x3x8x128xf32, #tpu.memory_space<vmem>>
      %dma_start3A_432 = tpu.memref_squeeze %dma_start3A_431 : memref<1x16x3x8x128xf32, #tpu.memory_space<vmem>> -> memref<16x3x8x128xf32, #tpu.memory_space<vmem>>
      tpu.enqueue_dma source(%dma_start3A_432 : memref<16x3x8x128xf32, #tpu.memory_space<vmem>>) target(%dma_start3A_426 : memref<16x3x8x128xf32, #tpu.memory_space<hbm>>) target_semaphore(%arg10 : memref<!tpu.dma_semaphore, #tpu.memory_space<semaphore_mem>>)
      %mul3A_433 = arith.constant 2 : i32
      %mul3A_434 = arith.muli %mul3A_433, %scan3A_201 : i32
      %add3A_435 = arith.constant 1 : i32
      %add3A_436 = arith.addi %mul3A_434, %add3A_435 : i32
      %add3A_437 = arith.constant 1 : i32
      %add3A_438 = arith.addi %add3A_436, %add3A_437 : i32
      %lt3A_439 = arith.constant 24 : i32
      %lt3A_440 = arith.cmpi slt, %add3A_438, %lt3A_439 : i32
      %convert_element_type3A_441 = arith.extui %lt3A_440 : i1 to i32
      %cond3A_442 = arith.constant 0 : i32
      %cond3A_443 = arith.cmpi ne, %convert_element_type3A_441, %cond3A_442 : i32
      scf.if %cond3A_443 {
        %add3A_668 = arith.constant 1 : i32
        %add3A_669 = arith.addi %add3A_436, %add3A_668 : i32
        %mul3A_670 = arith.constant 12 : i32
        %mul3A_671 = arith.muli %add3A, %mul3A_670 : i32
        %jit3A_672 = arith.constant 2 : i32
        %div3A_673 = arith.divsi %add3A_669, %jit3A_672 : i32
        %sign3A_674 = arith.constant 0 : i32
        %sign3A_675 = arith.cmpi sgt, %add3A_669, %sign3A_674 : i32
        %sign3A_676 = arith.extui %sign3A_675 : i1 to i32
        %sign3A_677 = arith.constant 0 : i32
        %sign3A_678 = arith.cmpi slt, %add3A_669, %sign3A_677 : i32
        %sign3A_679 = arith.extui %sign3A_678 : i1 to i32
        %sign3A_680 = arith.subi %sign3A_676, %sign3A_679 : i32
        %sign3A_681 = arith.constant 0 : i32
        %sign3A_682 = arith.cmpi sgt, %jit3A_672, %sign3A_681 : i32
        %sign3A_683 = arith.extui %sign3A_682 : i1 to i32
        %sign3A_684 = arith.constant 0 : i32
        %sign3A_685 = arith.cmpi slt, %jit3A_672, %sign3A_684 : i32
        %sign3A_686 = arith.extui %sign3A_685 : i1 to i32
        %sign3A_687 = arith.subi %sign3A_683, %sign3A_686 : i32
        %ne3A_688 = arith.cmpi ne, %sign3A_680, %sign3A_687 : i32
        %rem3A_689 = arith.remsi %add3A_669, %jit3A_672 : i32
        %ne3A_690 = arith.constant 0 : i32
        %ne3A_691 = arith.cmpi ne, %rem3A_689, %ne3A_690 : i32
        %and3A_692 = arith.andi %ne3A_688, %ne3A_691 : i1
        %sub3A_693 = arith.constant 1 : i32
        %sub3A_694 = arith.subi %div3A_673, %sub3A_693 : i32
        %select_n3A_695 = arith.select %and3A_692, %sub3A_694, %div3A_673 : i32
        %add3A_696 = arith.addi %mul3A_671, %select_n3A_695 : i32
        %jit3A_697 = arith.constant 8 : i32
        %div3A_698 = arith.divsi %add3A_696, %jit3A_697 : i32
        %sign3A_699 = arith.constant 0 : i32
        %sign3A_700 = arith.cmpi sgt, %add3A_696, %sign3A_699 : i32
        %sign3A_701 = arith.extui %sign3A_700 : i1 to i32
        %sign3A_702 = arith.constant 0 : i32
        %sign3A_703 = arith.cmpi slt, %add3A_696, %sign3A_702 : i32
        %sign3A_704 = arith.extui %sign3A_703 : i1 to i32
        %sign3A_705 = arith.subi %sign3A_701, %sign3A_704 : i32
        %sign3A_706 = arith.constant 0 : i32
        %sign3A_707 = arith.cmpi sgt, %jit3A_697, %sign3A_706 : i32
        %sign3A_708 = arith.extui %sign3A_707 : i1 to i32
        %sign3A_709 = arith.constant 0 : i32
        %sign3A_710 = arith.cmpi slt, %jit3A_697, %sign3A_709 : i32
        %sign3A_711 = arith.extui %sign3A_710 : i1 to i32
        %sign3A_712 = arith.subi %sign3A_708, %sign3A_711 : i32
        %ne3A_713 = arith.cmpi ne, %sign3A_705, %sign3A_712 : i32
        %rem3A_714 = arith.remsi %add3A_696, %jit3A_697 : i32
        %ne3A_715 = arith.constant 0 : i32
        %ne3A_716 = arith.cmpi ne, %rem3A_714, %ne3A_715 : i32
        %and3A_717 = arith.andi %ne3A_713, %ne3A_716 : i1
        %sub3A_718 = arith.constant 1 : i32
        %sub3A_719 = arith.subi %div3A_698, %sub3A_718 : i32
        %select_n3A_720 = arith.select %and3A_717, %sub3A_719, %div3A_698 : i32
        %jit3A_721 = arith.constant 8 : i32
        %eq3A_722 = arith.constant 0 : i32
        %eq3A_723 = arith.cmpi eq, %jit3A_721, %eq3A_722 : i32
        %jit3A_724 = arith.constant 1 : i32
        %select_n3A_725 = arith.select %eq3A_723, %jit3A_724, %jit3A_721 : i32
        %rem3A_726 = arith.remsi %add3A_696, %select_n3A_725 : i32
        %ne3A_727 = arith.constant 0 : i32
        %ne3A_728 = arith.cmpi ne, %rem3A_726, %ne3A_727 : i32
        %lt3A_729 = arith.constant 0 : i32
        %lt3A_730 = arith.cmpi slt, %rem3A_726, %lt3A_729 : i32
        %lt3A_731 = arith.constant 0 : i32
        %lt3A_732 = arith.cmpi slt, %select_n3A_725, %lt3A_731 : i32
        %ne3A_733 = arith.xori %lt3A_730, %lt3A_732 : i1
        %and3A_734 = arith.andi %ne3A_733, %ne3A_728 : i1
        %add3A_735 = arith.addi %rem3A_726, %select_n3A_725 : i32
        %select_n3A_736 = arith.select %and3A_734, %add3A_735, %rem3A_726 : i32
        %jit3A_737 = arith.constant 2 : i32
        %eq3A_738 = arith.constant 0 : i32
        %eq3A_739 = arith.cmpi eq, %jit3A_737, %eq3A_738 : i32
        %jit3A_740 = arith.constant 1 : i32
        %select_n3A_741 = arith.select %eq3A_739, %jit3A_740, %jit3A_737 : i32
        %rem3A_742 = arith.remsi %add3A_669, %select_n3A_741 : i32
        %ne3A_743 = arith.constant 0 : i32
        %ne3A_744 = arith.cmpi ne, %rem3A_742, %ne3A_743 : i32
        %lt3A_745 = arith.constant 0 : i32
        %lt3A_746 = arith.cmpi slt, %rem3A_742, %lt3A_745 : i32
        %lt3A_747 = arith.constant 0 : i32
        %lt3A_748 = arith.cmpi slt, %select_n3A_741, %lt3A_747 : i32
        %ne3A_749 = arith.xori %lt3A_746, %lt3A_748 : i1
        %and3A_750 = arith.andi %ne3A_749, %ne3A_744 : i1
        %add3A_751 = arith.addi %rem3A_742, %select_n3A_741 : i32
        %select_n3A_752 = arith.select %and3A_750, %add3A_751, %rem3A_742 : i32
        %mul3A_753 = arith.constant 3 : i32
        %mul3A_754 = arith.muli %select_n3A_752, %mul3A_753 : i32
        %dma_start3A_755 = arith.constant 0 : i32
        %dma_start3A_756 = arith.constant 0 : i32
        %dma_start3A_757 = arith.constant 0 : i32
        %dma_start3A_758 = arith.constant 0 : i32
        %dma_start3A_759 = arith.constant 0 : i32
        %dma_start3A_760 = tpu.memref_slice %arg6[%dma_start3A_755, %dma_start3A_756, %dma_start3A_757, %dma_start3A_758, %dma_start3A_759] : memref<2x3x3x8x128xi32, #tpu.memory_space<vmem>> -> memref<1x3x3x8x128xi32, #tpu.memory_space<vmem>>
        %dma_start3A_761 = tpu.memref_squeeze %dma_start3A_760 : memref<1x3x3x8x128xi32, #tpu.memory_space<vmem>> -> memref<3x3x8x128xi32, #tpu.memory_space<vmem>>
        %dma_start3A_762 = arith.constant 0 : i32
        %dma_start3A_763 = arith.constant 0 : i32
        %dma_start3A_764 = arith.constant 0 : i32
        %dma_start3A_765 = tpu.memref_slice %arg2[%select_n3A_720, %dma_start3A_762, %mul3A_754, %select_n3A_736, %dma_start3A_763, %dma_start3A_764] : memref<48x3x6x8x8x128xi32, #tpu.memory_space<hbm>> -> memref<1x3x3x1x8x128xi32, #tpu.memory_space<hbm>>
        %dma_start3A_766 = tpu.memref_squeeze %dma_start3A_765 : memref<1x3x3x1x8x128xi32, #tpu.memory_space<hbm>> -> memref<3x3x8x128xi32, #tpu.memory_space<hbm>>
        %dma_start3A_767 = arith.constant 0 : i32
        %dma_start3A_768 = arith.constant 0 : i32
        %dma_start3A_769 = arith.constant 0 : i32
        %dma_start3A_770 = arith.constant 0 : i32
        %dma_start3A_771 = tpu.memref_slice %arg6[%dma_start3A_755, %dma_start3A_767, %dma_start3A_768, %dma_start3A_769, %dma_start3A_770] : memref<2x3x3x8x128xi32, #tpu.memory_space<vmem>> -> memref<1x3x3x8x128xi32, #tpu.memory_space<vmem>>
        %dma_start3A_772 = tpu.memref_squeeze %dma_start3A_771 : memref<1x3x3x8x128xi32, #tpu.memory_space<vmem>> -> memref<3x3x8x128xi32, #tpu.memory_space<vmem>>
        %dma_start3A_773 = arith.constant 0 : i32
        %dma_start3A_774 = arith.constant 0 : i32
        %dma_start3A_775 = arith.constant 0 : i32
        %dma_start3A_776 = tpu.memref_slice %arg2[%select_n3A_720, %dma_start3A_773, %mul3A_754, %select_n3A_736, %dma_start3A_774, %dma_start3A_775] : memref<48x3x6x8x8x128xi32, #tpu.memory_space<hbm>> -> memref<1x3x3x1x8x128xi32, #tpu.memory_space<hbm>>
        %dma_start3A_777 = tpu.memref_squeeze %dma_start3A_776 : memref<1x3x3x1x8x128xi32, #tpu.memory_space<hbm>> -> memref<3x3x8x128xi32, #tpu.memory_space<hbm>>
        tpu.enqueue_dma source(%dma_start3A_777 : memref<3x3x8x128xi32, #tpu.memory_space<hbm>>) target(%dma_start3A_772 : memref<3x3x8x128xi32, #tpu.memory_space<vmem>>) target_semaphore(%arg8 : memref<!tpu.dma_semaphore, #tpu.memory_space<semaphore_mem>>)
      } else {
      }
      %mul3A_444 = arith.constant 12 : i32
      %mul3A_445 = arith.muli %add3A, %mul3A_444 : i32
      %jit3A_446 = arith.constant 2 : i32
      %div3A_447 = arith.divsi %add3A_436, %jit3A_446 : i32
      %sign3A_448 = arith.constant 0 : i32
      %sign3A_449 = arith.cmpi sgt, %add3A_436, %sign3A_448 : i32
      %sign3A_450 = arith.extui %sign3A_449 : i1 to i32
      %sign3A_451 = arith.constant 0 : i32
      %sign3A_452 = arith.cmpi slt, %add3A_436, %sign3A_451 : i32
      %sign3A_453 = arith.extui %sign3A_452 : i1 to i32
      %sign3A_454 = arith.subi %sign3A_450, %sign3A_453 : i32
      %sign3A_455 = arith.constant 0 : i32
      %sign3A_456 = arith.cmpi sgt, %jit3A_446, %sign3A_455 : i32
      %sign3A_457 = arith.extui %sign3A_456 : i1 to i32
      %sign3A_458 = arith.constant 0 : i32
      %sign3A_459 = arith.cmpi slt, %jit3A_446, %sign3A_458 : i32
      %sign3A_460 = arith.extui %sign3A_459 : i1 to i32
      %sign3A_461 = arith.subi %sign3A_457, %sign3A_460 : i32
      %ne3A_462 = arith.cmpi ne, %sign3A_454, %sign3A_461 : i32
      %rem3A_463 = arith.remsi %add3A_436, %jit3A_446 : i32
      %ne3A_464 = arith.constant 0 : i32
      %ne3A_465 = arith.cmpi ne, %rem3A_463, %ne3A_464 : i32
      %and3A_466 = arith.andi %ne3A_462, %ne3A_465 : i1
      %sub3A_467 = arith.constant 1 : i32
      %sub3A_468 = arith.subi %div3A_447, %sub3A_467 : i32
      %select_n3A_469 = arith.select %and3A_466, %sub3A_468, %div3A_447 : i32
      %add3A_470 = arith.addi %mul3A_445, %select_n3A_469 : i32
      %jit3A_471 = arith.constant 8 : i32
      %div3A_472 = arith.divsi %add3A_470, %jit3A_471 : i32
      %sign3A_473 = arith.constant 0 : i32
      %sign3A_474 = arith.cmpi sgt, %add3A_470, %sign3A_473 : i32
      %sign3A_475 = arith.extui %sign3A_474 : i1 to i32
      %sign3A_476 = arith.constant 0 : i32
      %sign3A_477 = arith.cmpi slt, %add3A_470, %sign3A_476 : i32
      %sign3A_478 = arith.extui %sign3A_477 : i1 to i32
      %sign3A_479 = arith.subi %sign3A_475, %sign3A_478 : i32
      %sign3A_480 = arith.constant 0 : i32
      %sign3A_481 = arith.cmpi sgt, %jit3A_471, %sign3A_480 : i32
      %sign3A_482 = arith.extui %sign3A_481 : i1 to i32
      %sign3A_483 = arith.constant 0 : i32
      %sign3A_484 = arith.cmpi slt, %jit3A_471, %sign3A_483 : i32
      %sign3A_485 = arith.extui %sign3A_484 : i1 to i32
      %sign3A_486 = arith.subi %sign3A_482, %sign3A_485 : i32
      %ne3A_487 = arith.cmpi ne, %sign3A_479, %sign3A_486 : i32
      %rem3A_488 = arith.remsi %add3A_470, %jit3A_471 : i32
      %ne3A_489 = arith.constant 0 : i32
      %ne3A_490 = arith.cmpi ne, %rem3A_488, %ne3A_489 : i32
      %and3A_491 = arith.andi %ne3A_487, %ne3A_490 : i1
      %sub3A_492 = arith.constant 1 : i32
      %sub3A_493 = arith.subi %div3A_472, %sub3A_492 : i32
      %select_n3A_494 = arith.select %and3A_491, %sub3A_493, %div3A_472 : i32
      %jit3A_495 = arith.constant 8 : i32
      %eq3A_496 = arith.constant 0 : i32
      %eq3A_497 = arith.cmpi eq, %jit3A_495, %eq3A_496 : i32
      %jit3A_498 = arith.constant 1 : i32
      %select_n3A_499 = arith.select %eq3A_497, %jit3A_498, %jit3A_495 : i32
      %rem3A_500 = arith.remsi %add3A_470, %select_n3A_499 : i32
      %ne3A_501 = arith.constant 0 : i32
      %ne3A_502 = arith.cmpi ne, %rem3A_500, %ne3A_501 : i32
      %lt3A_503 = arith.constant 0 : i32
      %lt3A_504 = arith.cmpi slt, %rem3A_500, %lt3A_503 : i32
      %lt3A_505 = arith.constant 0 : i32
      %lt3A_506 = arith.cmpi slt, %select_n3A_499, %lt3A_505 : i32
      %ne3A_507 = arith.xori %lt3A_504, %lt3A_506 : i1
      %and3A_508 = arith.andi %ne3A_507, %ne3A_502 : i1
      %add3A_509 = arith.addi %rem3A_500, %select_n3A_499 : i32
      %select_n3A_510 = arith.select %and3A_508, %add3A_509, %rem3A_500 : i32
      %jit3A_511 = arith.constant 2 : i32
      %eq3A_512 = arith.constant 0 : i32
      %eq3A_513 = arith.cmpi eq, %jit3A_511, %eq3A_512 : i32
      %jit3A_514 = arith.constant 1 : i32
      %select_n3A_515 = arith.select %eq3A_513, %jit3A_514, %jit3A_511 : i32
      %rem3A_516 = arith.remsi %add3A_436, %select_n3A_515 : i32
      %ne3A_517 = arith.constant 0 : i32
      %ne3A_518 = arith.cmpi ne, %rem3A_516, %ne3A_517 : i32
      %lt3A_519 = arith.constant 0 : i32
      %lt3A_520 = arith.cmpi slt, %rem3A_516, %lt3A_519 : i32
      %lt3A_521 = arith.constant 0 : i32
      %lt3A_522 = arith.cmpi slt, %select_n3A_515, %lt3A_521 : i32
      %ne3A_523 = arith.xori %lt3A_520, %lt3A_522 : i1
      %and3A_524 = arith.andi %ne3A_523, %ne3A_518 : i1
      %add3A_525 = arith.addi %rem3A_516, %select_n3A_515 : i32
      %select_n3A_526 = arith.select %and3A_524, %add3A_525, %rem3A_516 : i32
      %mul3A_527 = arith.constant 3 : i32
      %mul3A_528 = arith.muli %select_n3A_526, %mul3A_527 : i32
      %dma_wait3A_529 = arith.constant 1 : i32
      %dma_wait3A_530 = arith.constant 0 : i32
      %dma_wait3A_531 = arith.constant 0 : i32
      %dma_wait3A_532 = arith.constant 0 : i32
      %dma_wait3A_533 = arith.constant 0 : i32
      %dma_wait3A_534 = tpu.memref_slice %arg6[%dma_wait3A_529, %dma_wait3A_530, %dma_wait3A_531, %dma_wait3A_532, %dma_wait3A_533] : memref<2x3x3x8x128xi32, #tpu.memory_space<vmem>> -> memref<1x3x3x8x128xi32, #tpu.memory_space<vmem>>
      %dma_wait3A_535 = tpu.memref_squeeze %dma_wait3A_534 : memref<1x3x3x8x128xi32, #tpu.memory_space<vmem>> -> memref<3x3x8x128xi32, #tpu.memory_space<vmem>>
      %dma_wait3A_536 = arith.constant 0 : i32
      %dma_wait3A_537 = arith.constant 0 : i32
      %dma_wait3A_538 = arith.constant 0 : i32
      %dma_wait3A_539 = tpu.memref_slice %arg2[%select_n3A_494, %dma_wait3A_536, %mul3A_528, %select_n3A_510, %dma_wait3A_537, %dma_wait3A_538] : memref<48x3x6x8x8x128xi32, #tpu.memory_space<hbm>> -> memref<1x3x3x1x8x128xi32, #tpu.memory_space<hbm>>
      %dma_wait3A_540 = tpu.memref_squeeze %dma_wait3A_539 : memref<1x3x3x1x8x128xi32, #tpu.memory_space<hbm>> -> memref<3x3x8x128xi32, #tpu.memory_space<hbm>>
      %dma_wait3A_541 = arith.constant 0 : i32
      %dma_wait3A_542 = arith.constant 0 : i32
      %dma_wait3A_543 = arith.constant 0 : i32
      %dma_wait3A_544 = arith.constant 0 : i32
      %dma_wait3A_545 = tpu.memref_slice %arg6[%dma_wait3A_529, %dma_wait3A_541, %dma_wait3A_542, %dma_wait3A_543, %dma_wait3A_544] : memref<2x3x3x8x128xi32, #tpu.memory_space<vmem>> -> memref<1x3x3x8x128xi32, #tpu.memory_space<vmem>>
      %dma_wait3A_546 = tpu.memref_squeeze %dma_wait3A_545 : memref<1x3x3x8x128xi32, #tpu.memory_space<vmem>> -> memref<3x3x8x128xi32, #tpu.memory_space<vmem>>
      %dma_wait3A_547 = arith.constant 0 : i32
      %dma_wait3A_548 = arith.constant 0 : i32
      %dma_wait3A_549 = arith.constant 0 : i32
      %dma_wait3A_550 = tpu.memref_slice %arg2[%select_n3A_494, %dma_wait3A_547, %mul3A_528, %select_n3A_510, %dma_wait3A_548, %dma_wait3A_549] : memref<48x3x6x8x8x128xi32, #tpu.memory_space<hbm>> -> memref<1x3x3x1x8x128xi32, #tpu.memory_space<hbm>>
      %dma_wait3A_551 = tpu.memref_squeeze %dma_wait3A_550 : memref<1x3x3x1x8x128xi32, #tpu.memory_space<hbm>> -> memref<3x3x8x128xi32, #tpu.memory_space<hbm>>
      tpu.wait_dma2 semaphore(%arg9 : memref<!tpu.dma_semaphore, #tpu.memory_space<semaphore_mem>>) src(%dma_wait3A_551 : memref<3x3x8x128xi32, #tpu.memory_space<hbm>>) dst(%dma_wait3A_546 : memref<3x3x8x128xi32, #tpu.memory_space<vmem>>)
      %ge3A_552 = arith.constant 2 : i32
      %ge3A_553 = arith.cmpi sge, %add3A_436, %ge3A_552 : i32
      %convert_element_type3A_554 = arith.extui %ge3A_553 : i1 to i32
      %cond3A_555 = arith.constant 0 : i32
      %cond3A_556 = arith.cmpi ne, %convert_element_type3A_554, %cond3A_555 : i32
      scf.if %cond3A_556 {
        %sub3A_668 = arith.constant 2 : i32
        %sub3A_669 = arith.subi %add3A_436, %sub3A_668 : i32
        %mul3A_670 = arith.constant 12 : i32
        %mul3A_671 = arith.muli %add3A, %mul3A_670 : i32
        %jit3A_672 = arith.constant 2 : i32
        %div3A_673 = arith.divsi %sub3A_669, %jit3A_672 : i32
        %sign3A_674 = arith.constant 0 : i32
        %sign3A_675 = arith.cmpi sgt, %sub3A_669, %sign3A_674 : i32
        %sign3A_676 = arith.extui %sign3A_675 : i1 to i32
        %sign3A_677 = arith.constant 0 : i32
        %sign3A_678 = arith.cmpi slt, %sub3A_669, %sign3A_677 : i32
        %sign3A_679 = arith.extui %sign3A_678 : i1 to i32
        %sign3A_680 = arith.subi %sign3A_676, %sign3A_679 : i32
        %sign3A_681 = arith.constant 0 : i32
        %sign3A_682 = arith.cmpi sgt, %jit3A_672, %sign3A_681 : i32
        %sign3A_683 = arith.extui %sign3A_682 : i1 to i32
        %sign3A_684 = arith.constant 0 : i32
        %sign3A_685 = arith.cmpi slt, %jit3A_672, %sign3A_684 : i32
        %sign3A_686 = arith.extui %sign3A_685 : i1 to i32
        %sign3A_687 = arith.subi %sign3A_683, %sign3A_686 : i32
        %ne3A_688 = arith.cmpi ne, %sign3A_680, %sign3A_687 : i32
        %rem3A_689 = arith.remsi %sub3A_669, %jit3A_672 : i32
        %ne3A_690 = arith.constant 0 : i32
        %ne3A_691 = arith.cmpi ne, %rem3A_689, %ne3A_690 : i32
        %and3A_692 = arith.andi %ne3A_688, %ne3A_691 : i1
        %sub3A_693 = arith.constant 1 : i32
        %sub3A_694 = arith.subi %div3A_673, %sub3A_693 : i32
        %select_n3A_695 = arith.select %and3A_692, %sub3A_694, %div3A_673 : i32
        %add3A_696 = arith.addi %mul3A_671, %select_n3A_695 : i32
        %jit3A_697 = arith.constant 8 : i32
        %div3A_698 = arith.divsi %add3A_696, %jit3A_697 : i32
        %sign3A_699 = arith.constant 0 : i32
        %sign3A_700 = arith.cmpi sgt, %add3A_696, %sign3A_699 : i32
        %sign3A_701 = arith.extui %sign3A_700 : i1 to i32
        %sign3A_702 = arith.constant 0 : i32
        %sign3A_703 = arith.cmpi slt, %add3A_696, %sign3A_702 : i32
        %sign3A_704 = arith.extui %sign3A_703 : i1 to i32
        %sign3A_705 = arith.subi %sign3A_701, %sign3A_704 : i32
        %sign3A_706 = arith.constant 0 : i32
        %sign3A_707 = arith.cmpi sgt, %jit3A_697, %sign3A_706 : i32
        %sign3A_708 = arith.extui %sign3A_707 : i1 to i32
        %sign3A_709 = arith.constant 0 : i32
        %sign3A_710 = arith.cmpi slt, %jit3A_697, %sign3A_709 : i32
        %sign3A_711 = arith.extui %sign3A_710 : i1 to i32
        %sign3A_712 = arith.subi %sign3A_708, %sign3A_711 : i32
        %ne3A_713 = arith.cmpi ne, %sign3A_705, %sign3A_712 : i32
        %rem3A_714 = arith.remsi %add3A_696, %jit3A_697 : i32
        %ne3A_715 = arith.constant 0 : i32
        %ne3A_716 = arith.cmpi ne, %rem3A_714, %ne3A_715 : i32
        %and3A_717 = arith.andi %ne3A_713, %ne3A_716 : i1
        %sub3A_718 = arith.constant 1 : i32
        %sub3A_719 = arith.subi %div3A_698, %sub3A_718 : i32
        %select_n3A_720 = arith.select %and3A_717, %sub3A_719, %div3A_698 : i32
        %jit3A_721 = arith.constant 8 : i32
        %eq3A_722 = arith.constant 0 : i32
        %eq3A_723 = arith.cmpi eq, %jit3A_721, %eq3A_722 : i32
        %jit3A_724 = arith.constant 1 : i32
        %select_n3A_725 = arith.select %eq3A_723, %jit3A_724, %jit3A_721 : i32
        %rem3A_726 = arith.remsi %add3A_696, %select_n3A_725 : i32
        %ne3A_727 = arith.constant 0 : i32
        %ne3A_728 = arith.cmpi ne, %rem3A_726, %ne3A_727 : i32
        %lt3A_729 = arith.constant 0 : i32
        %lt3A_730 = arith.cmpi slt, %rem3A_726, %lt3A_729 : i32
        %lt3A_731 = arith.constant 0 : i32
        %lt3A_732 = arith.cmpi slt, %select_n3A_725, %lt3A_731 : i32
        %ne3A_733 = arith.xori %lt3A_730, %lt3A_732 : i1
        %and3A_734 = arith.andi %ne3A_733, %ne3A_728 : i1
        %add3A_735 = arith.addi %rem3A_726, %select_n3A_725 : i32
        %select_n3A_736 = arith.select %and3A_734, %add3A_735, %rem3A_726 : i32
        %jit3A_737 = arith.constant 2 : i32
        %eq3A_738 = arith.constant 0 : i32
        %eq3A_739 = arith.cmpi eq, %jit3A_737, %eq3A_738 : i32
        %jit3A_740 = arith.constant 1 : i32
        %select_n3A_741 = arith.select %eq3A_739, %jit3A_740, %jit3A_737 : i32
        %rem3A_742 = arith.remsi %sub3A_669, %select_n3A_741 : i32
        %ne3A_743 = arith.constant 0 : i32
        %ne3A_744 = arith.cmpi ne, %rem3A_742, %ne3A_743 : i32
        %lt3A_745 = arith.constant 0 : i32
        %lt3A_746 = arith.cmpi slt, %rem3A_742, %lt3A_745 : i32
        %lt3A_747 = arith.constant 0 : i32
        %lt3A_748 = arith.cmpi slt, %select_n3A_741, %lt3A_747 : i32
        %ne3A_749 = arith.xori %lt3A_746, %lt3A_748 : i1
        %and3A_750 = arith.andi %ne3A_749, %ne3A_744 : i1
        %add3A_751 = arith.addi %rem3A_742, %select_n3A_741 : i32
        %select_n3A_752 = arith.select %and3A_750, %add3A_751, %rem3A_742 : i32
        %mul3A_753 = arith.constant 3 : i32
        %mul3A_754 = arith.muli %select_n3A_752, %mul3A_753 : i32
        %dma_wait3A_755 = arith.constant 1 : i32
        %dma_wait3A_756 = arith.constant 0 : i32
        %dma_wait3A_757 = arith.constant 0 : i32
        %dma_wait3A_758 = arith.constant 0 : i32
        %dma_wait3A_759 = arith.constant 0 : i32
        %dma_wait3A_760 = tpu.memref_slice %arg7[%dma_wait3A_755, %dma_wait3A_756, %dma_wait3A_757, %dma_wait3A_758, %dma_wait3A_759] : memref<2x16x3x8x128xf32, #tpu.memory_space<vmem>> -> memref<1x16x3x8x128xf32, #tpu.memory_space<vmem>>
        %dma_wait3A_761 = tpu.memref_squeeze %dma_wait3A_760 : memref<1x16x3x8x128xf32, #tpu.memory_space<vmem>> -> memref<16x3x8x128xf32, #tpu.memory_space<vmem>>
        %dma_wait3A_762 = arith.constant 0 : i32
        %dma_wait3A_763 = arith.constant 0 : i32
        %dma_wait3A_764 = arith.constant 0 : i32
        %dma_wait3A_765 = tpu.memref_slice %arg4[%dma_wait3A_762, %select_n3A_720, %mul3A_754, %select_n3A_736, %dma_wait3A_763, %dma_wait3A_764] : memref<16x48x6x8x8x128xf32, #tpu.memory_space<hbm>> -> memref<16x1x3x1x8x128xf32, #tpu.memory_space<hbm>>
        %dma_wait3A_766 = tpu.memref_squeeze %dma_wait3A_765 : memref<16x1x3x1x8x128xf32, #tpu.memory_space<hbm>> -> memref<16x3x8x128xf32, #tpu.memory_space<hbm>>
        %dma_wait3A_767 = arith.constant 0 : i32
        %dma_wait3A_768 = arith.constant 0 : i32
        %dma_wait3A_769 = arith.constant 0 : i32
        %dma_wait3A_770 = tpu.memref_slice %arg4[%dma_wait3A_767, %select_n3A_720, %mul3A_754, %select_n3A_736, %dma_wait3A_768, %dma_wait3A_769] : memref<16x48x6x8x8x128xf32, #tpu.memory_space<hbm>> -> memref<16x1x3x1x8x128xf32, #tpu.memory_space<hbm>>
        %dma_wait3A_771 = tpu.memref_squeeze %dma_wait3A_770 : memref<16x1x3x1x8x128xf32, #tpu.memory_space<hbm>> -> memref<16x3x8x128xf32, #tpu.memory_space<hbm>>
        %dma_wait3A_772 = arith.constant 0 : i32
        %dma_wait3A_773 = arith.constant 0 : i32
        %dma_wait3A_774 = arith.constant 0 : i32
        %dma_wait3A_775 = arith.constant 0 : i32
        %dma_wait3A_776 = tpu.memref_slice %arg7[%dma_wait3A_755, %dma_wait3A_772, %dma_wait3A_773, %dma_wait3A_774, %dma_wait3A_775] : memref<2x16x3x8x128xf32, #tpu.memory_space<vmem>> -> memref<1x16x3x8x128xf32, #tpu.memory_space<vmem>>
        %dma_wait3A_777 = tpu.memref_squeeze %dma_wait3A_776 : memref<1x16x3x8x128xf32, #tpu.memory_space<vmem>> -> memref<16x3x8x128xf32, #tpu.memory_space<vmem>>
        tpu.wait_dma2 semaphore(%arg11 : memref<!tpu.dma_semaphore, #tpu.memory_space<semaphore_mem>>) src(%dma_wait3A_777 : memref<16x3x8x128xf32, #tpu.memory_space<vmem>>) dst(%dma_wait3A_771 : memref<16x3x8x128xf32, #tpu.memory_space<hbm>>)
      } else {
      }
      %parallel_loop3A_557 = arith.constant 0 : i32
      %parallel_loop3A_558 = arith.constant 192 : i32
      %parallel_loop3A_559 = arith.constant 1 : i32
      scf.for %parallel_loop3A_668 = %parallel_loop3A_557 to %parallel_loop3A_558 step %parallel_loop3A_559  : i32 {
        %parallel_loop3A_669 = arith.constant 64 : i32
        %parallel_loop3A_670 = arith.divsi %parallel_loop3A_668, %parallel_loop3A_669 : i32
        %parallel_loop3A_671 = arith.constant 0 : i32
        %parallel_loop3A_672 = arith.cmpi sgt, %parallel_loop3A_668, %parallel_loop3A_671 : i32
        %parallel_loop3A_673 = arith.extui %parallel_loop3A_672 : i1 to i32
        %parallel_loop3A_674 = arith.constant 0 : i32
        %parallel_loop3A_675 = arith.cmpi slt, %parallel_loop3A_668, %parallel_loop3A_674 : i32
        %parallel_loop3A_676 = arith.extui %parallel_loop3A_675 : i1 to i32
        %parallel_loop3A_677 = arith.subi %parallel_loop3A_673, %parallel_loop3A_676 : i32
        %parallel_loop3A_678 = arith.constant 0 : i32
        %parallel_loop3A_679 = arith.cmpi sgt, %parallel_loop3A_669, %parallel_loop3A_678 : i32
        %parallel_loop3A_680 = arith.extui %parallel_loop3A_679 : i1 to i32
        %parallel_loop3A_681 = arith.constant 0 : i32
        %parallel_loop3A_682 = arith.cmpi slt, %parallel_loop3A_669, %parallel_loop3A_681 : i32
        %parallel_loop3A_683 = arith.extui %parallel_loop3A_682 : i1 to i32
        %parallel_loop3A_684 = arith.subi %parallel_loop3A_680, %parallel_loop3A_683 : i32
        %parallel_loop3A_685 = arith.cmpi ne, %parallel_loop3A_677, %parallel_loop3A_684 : i32
        %parallel_loop3A_686 = arith.remsi %parallel_loop3A_668, %parallel_loop3A_669 : i32
        %parallel_loop3A_687 = arith.constant 0 : i32
        %parallel_loop3A_688 = arith.cmpi ne, %parallel_loop3A_686, %parallel_loop3A_687 : i32
        %parallel_loop3A_689 = arith.andi %parallel_loop3A_685, %parallel_loop3A_688 : i1
        %parallel_loop3A_690 = arith.constant 1 : i32
        %parallel_loop3A_691 = arith.subi %parallel_loop3A_670, %parallel_loop3A_690 : i32
        %parallel_loop3A_692 = arith.select %parallel_loop3A_689, %parallel_loop3A_691, %parallel_loop3A_670 : i32
        %parallel_loop3A_693 = arith.constant 8 : i32
        %parallel_loop3A_694 = arith.divsi %parallel_loop3A_668, %parallel_loop3A_693 : i32
        %parallel_loop3A_695 = arith.constant 0 : i32
        %parallel_loop3A_696 = arith.cmpi sgt, %parallel_loop3A_668, %parallel_loop3A_695 : i32
        %parallel_loop3A_697 = arith.extui %parallel_loop3A_696 : i1 to i32
        %parallel_loop3A_698 = arith.constant 0 : i32
        %parallel_loop3A_699 = arith.cmpi slt, %parallel_loop3A_668, %parallel_loop3A_698 : i32
        %parallel_loop3A_700 = arith.extui %parallel_loop3A_699 : i1 to i32
        %parallel_loop3A_701 = arith.subi %parallel_loop3A_697, %parallel_loop3A_700 : i32
        %parallel_loop3A_702 = arith.constant 0 : i32
        %parallel_loop3A_703 = arith.cmpi sgt, %parallel_loop3A_693, %parallel_loop3A_702 : i32
        %parallel_loop3A_704 = arith.extui %parallel_loop3A_703 : i1 to i32
        %parallel_loop3A_705 = arith.constant 0 : i32
        %parallel_loop3A_706 = arith.cmpi slt, %parallel_loop3A_693, %parallel_loop3A_705 : i32
        %parallel_loop3A_707 = arith.extui %parallel_loop3A_706 : i1 to i32
        %parallel_loop3A_708 = arith.subi %parallel_loop3A_704, %parallel_loop3A_707 : i32
        %parallel_loop3A_709 = arith.cmpi ne, %parallel_loop3A_701, %parallel_loop3A_708 : i32
        %parallel_loop3A_710 = arith.remsi %parallel_loop3A_668, %parallel_loop3A_693 : i32
        %parallel_loop3A_711 = arith.constant 0 : i32
        %parallel_loop3A_712 = arith.cmpi ne, %parallel_loop3A_710, %parallel_loop3A_711 : i32
        %parallel_loop3A_713 = arith.andi %parallel_loop3A_709, %parallel_loop3A_712 : i1
        %parallel_loop3A_714 = arith.constant 1 : i32
        %parallel_loop3A_715 = arith.subi %parallel_loop3A_694, %parallel_loop3A_714 : i32
        %parallel_loop3A_716 = arith.select %parallel_loop3A_713, %parallel_loop3A_715, %parallel_loop3A_694 : i32
        %parallel_loop3A_717 = arith.constant 8 : i32
        %parallel_loop3A_718 = arith.constant 0 : i32
        %parallel_loop3A_719 = arith.cmpi eq, %parallel_loop3A_717, %parallel_loop3A_718 : i32
        %parallel_loop3A_720 = arith.constant 1 : i32
        %parallel_loop3A_721 = arith.select %parallel_loop3A_719, %parallel_loop3A_720, %parallel_loop3A_717 : i32
        %parallel_loop3A_722 = arith.remsi %parallel_loop3A_716, %parallel_loop3A_721 : i32
        %parallel_loop3A_723 = arith.constant 0 : i32
        %parallel_loop3A_724 = arith.cmpi ne, %parallel_loop3A_722, %parallel_loop3A_723 : i32
        %parallel_loop3A_725 = arith.constant 0 : i32
        %parallel_loop3A_726 = arith.cmpi slt, %parallel_loop3A_722, %parallel_loop3A_725 : i32
        %parallel_loop3A_727 = arith.constant 0 : i32
        %parallel_loop3A_728 = arith.cmpi slt, %parallel_loop3A_721, %parallel_loop3A_727 : i32
        %parallel_loop3A_729 = arith.xori %parallel_loop3A_726, %parallel_loop3A_728 : i1
        %parallel_loop3A_730 = arith.andi %parallel_loop3A_729, %parallel_loop3A_724 : i1
        %parallel_loop3A_731 = arith.addi %parallel_loop3A_722, %parallel_loop3A_721 : i32
        %parallel_loop3A_732 = arith.select %parallel_loop3A_730, %parallel_loop3A_731, %parallel_loop3A_722 : i32
        %parallel_loop3A_733 = arith.constant 8 : i32
        %parallel_loop3A_734 = arith.constant 0 : i32
        %parallel_loop3A_735 = arith.cmpi eq, %parallel_loop3A_733, %parallel_loop3A_734 : i32
        %parallel_loop3A_736 = arith.constant 1 : i32
        %parallel_loop3A_737 = arith.select %parallel_loop3A_735, %parallel_loop3A_736, %parallel_loop3A_733 : i32
        %parallel_loop3A_738 = arith.remsi %parallel_loop3A_668, %parallel_loop3A_737 : i32
        %parallel_loop3A_739 = arith.constant 0 : i32
        %parallel_loop3A_740 = arith.cmpi ne, %parallel_loop3A_738, %parallel_loop3A_739 : i32
        %parallel_loop3A_741 = arith.constant 0 : i32
        %parallel_loop3A_742 = arith.cmpi slt, %parallel_loop3A_738, %parallel_loop3A_741 : i32
        %parallel_loop3A_743 = arith.constant 0 : i32
        %parallel_loop3A_744 = arith.cmpi slt, %parallel_loop3A_737, %parallel_loop3A_743 : i32
        %parallel_loop3A_745 = arith.xori %parallel_loop3A_742, %parallel_loop3A_744 : i1
        %parallel_loop3A_746 = arith.andi %parallel_loop3A_745, %parallel_loop3A_740 : i1
        %parallel_loop3A_747 = arith.addi %parallel_loop3A_738, %parallel_loop3A_737 : i32
        %parallel_loop3A_748 = arith.select %parallel_loop3A_746, %parallel_loop3A_747, %parallel_loop3A_738 : i32
        %parallel_loop3A_749 = arith.constant 16 : i32
        %parallel_loop3A_750 = arith.muli %parallel_loop3A_748, %parallel_loop3A_749 : i32
        %parallel_loop3A_751 = arith.constant 1 : i32
        %parallel_loop3A_752 = arith.constant 0 : i32
        %parallel_loop3A_753 = arith.index_cast %parallel_loop3A_751 : i32 to index
        %parallel_loop3A_754 = arith.index_cast %parallel_loop3A_752 : i32 to index
        %parallel_loop3A_755 = arith.index_cast %parallel_loop3A_692 : i32 to index
        %parallel_loop3A_756 = arith.index_cast %parallel_loop3A_732 : i32 to index
        %parallel_loop3A_757 = arith.index_cast %parallel_loop3A_750 : i32 to index
        %parallel_loop3A_758 = tpu.vector_load %arg6[%parallel_loop3A_753, %parallel_loop3A_754, %parallel_loop3A_755, %parallel_loop3A_756, %parallel_loop3A_757] {strides = array<i32>} : memref<2x3x3x8x128xi32, #tpu.memory_space<vmem>>, vector<16xi32>,
        %parallel_loop3A_759 = arith.constant -38 : i32
        %parallel_loop3A_760 = vector.broadcast %parallel_loop3A_759 : i32 to vector<16xi32>
        %parallel_loop3A_761 = arith.maxsi %parallel_loop3A_758, %parallel_loop3A_760 : vector<16xi32>
        %parallel_loop3A_762 = arith.constant 38 : i32
        %parallel_loop3A_763 = vector.broadcast %parallel_loop3A_762 : i32 to vector<16xi32>
        %parallel_loop3A_764 = arith.minsi %parallel_loop3A_761, %parallel_loop3A_763 : vector<16xi32>
        %parallel_loop3A_765 = arith.constant 38 : i32
        %parallel_loop3A_766 = vector.broadcast %parallel_loop3A_765 : i32 to vector<16xi32>
        %parallel_loop3A_767 = arith.addi %parallel_loop3A_764, %parallel_loop3A_766 : vector<16xi32>
        %parallel_loop3A_768 = arith.constant 1 : i32
        %parallel_loop3A_769 = arith.constant 1 : i32
        %parallel_loop3A_770 = arith.index_cast %parallel_loop3A_768 : i32 to index
        %parallel_loop3A_771 = arith.index_cast %parallel_loop3A_769 : i32 to index
        %parallel_loop3A_772 = arith.index_cast %parallel_loop3A_692 : i32 to index
        %parallel_loop3A_773 = arith.index_cast %parallel_loop3A_732 : i32 to index
        %parallel_loop3A_774 = arith.index_cast %parallel_loop3A_750 : i32 to index
        %parallel_loop3A_775 = tpu.vector_load %arg6[%parallel_loop3A_770, %parallel_loop3A_771, %parallel_loop3A_772, %parallel_loop3A_773, %parallel_loop3A_774] {strides = array<i32>} : memref<2x3x3x8x128xi32, #tpu.memory_space<vmem>>, vector<16xi32>,
        %parallel_loop3A_776 = arith.constant -38 : i32
        %parallel_loop3A_777 = vector.broadcast %parallel_loop3A_776 : i32 to vector<16xi32>
        %parallel_loop3A_778 = arith.maxsi %parallel_loop3A_775, %parallel_loop3A_777 : vector<16xi32>
        %parallel_loop3A_779 = arith.constant 38 : i32
        %parallel_loop3A_780 = vector.broadcast %parallel_loop3A_779 : i32 to vector<16xi32>
        %parallel_loop3A_781 = arith.minsi %parallel_loop3A_778, %parallel_loop3A_780 : vector<16xi32>
        %parallel_loop3A_782 = arith.constant 115 : i32
        %parallel_loop3A_783 = vector.broadcast %parallel_loop3A_782 : i32 to vector<16xi32>
        %parallel_loop3A_784 = arith.addi %parallel_loop3A_781, %parallel_loop3A_783 : vector<16xi32>
        %parallel_loop3A_785 = arith.constant 1 : i32
        %parallel_loop3A_786 = arith.constant 2 : i32
        %parallel_loop3A_787 = arith.index_cast %parallel_loop3A_785 : i32 to index
        %parallel_loop3A_788 = arith.index_cast %parallel_loop3A_786 : i32 to index
        %parallel_loop3A_789 = arith.index_cast %parallel_loop3A_692 : i32 to index
        %parallel_loop3A_790 = arith.index_cast %parallel_loop3A_732 : i32 to index
        %parallel_loop3A_791 = arith.index_cast %parallel_loop3A_750 : i32 to index
        %parallel_loop3A_792 = tpu.vector_load %arg6[%parallel_loop3A_787, %parallel_loop3A_788, %parallel_loop3A_789, %parallel_loop3A_790, %parallel_loop3A_791] {strides = array<i32>} : memref<2x3x3x8x128xi32, #tpu.memory_space<vmem>>, vector<16xi32>,
        %parallel_loop3A_793 = arith.constant -38 : i32
        %parallel_loop3A_794 = vector.broadcast %parallel_loop3A_793 : i32 to vector<16xi32>
        %parallel_loop3A_795 = arith.maxsi %parallel_loop3A_792, %parallel_loop3A_794 : vector<16xi32>
        %parallel_loop3A_796 = arith.constant 38 : i32
        %parallel_loop3A_797 = vector.broadcast %parallel_loop3A_796 : i32 to vector<16xi32>
        %parallel_loop3A_798 = arith.minsi %parallel_loop3A_795, %parallel_loop3A_797 : vector<16xi32>
        %parallel_loop3A_799 = arith.constant 192 : i32
        %parallel_loop3A_800 = vector.broadcast %parallel_loop3A_799 : i32 to vector<16xi32>
        %parallel_loop3A_801 = arith.addi %parallel_loop3A_798, %parallel_loop3A_800 : vector<16xi32>
        %parallel_loop3A_802 = arith.constant 0 : i32
        %parallel_loop3A_803 = vector.broadcast %parallel_loop3A_802 : i32 to vector<16xi32>
        %parallel_loop3A_804 = arith.addi %parallel_loop3A_767, %parallel_loop3A_803 : vector<16xi32>
        %parallel_loop3A_805 = tpu.vector_load_idx %arg5[%parallel_loop3A_804] : memref<1848xi32, #tpu.memory_space<vmem>>[vector<16xi32>], vector<16xi32>,
        %parallel_loop3A_806 = vector.bitcast %parallel_loop3A_805 : vector<16xi32> to vector<32xbf16>
        %parallel_loop3A_807 = arith.constant 0 : i32
        %parallel_loop3A_808 = vector.broadcast %parallel_loop3A_807 : i32 to vector<16xi32>
        %parallel_loop3A_809 = arith.addi %parallel_loop3A_784, %parallel_loop3A_808 : vector<16xi32>
        %parallel_loop3A_810 = tpu.vector_load_idx %arg5[%parallel_loop3A_809] : memref<1848xi32, #tpu.memory_space<vmem>>[vector<16xi32>], vector<16xi32>,
        %parallel_loop3A_811 = vector.bitcast %parallel_loop3A_810 : vector<16xi32> to vector<32xbf16>
        %parallel_loop3A_812 = arith.addf %parallel_loop3A_806, %parallel_loop3A_811 : vector<32xbf16>
        %parallel_loop3A_813 = arith.constant 0 : i32
        %parallel_loop3A_814 = vector.broadcast %parallel_loop3A_813 : i32 to vector<16xi32>
        %parallel_loop3A_815 = arith.addi %parallel_loop3A_801, %parallel_loop3A_814 : vector<16xi32>
        %parallel_loop3A_816 = tpu.vector_load_idx %arg5[%parallel_loop3A_815] : memref<1848xi32, #tpu.memory_space<vmem>>[vector<16xi32>], vector<16xi32>,
        %parallel_loop3A_817 = vector.bitcast %parallel_loop3A_816 : vector<16xi32> to vector<32xbf16>
        %parallel_loop3A_818 = arith.addf %parallel_loop3A_812, %parallel_loop3A_817 : vector<32xbf16>
        %parallel_loop3A_819 = tpu.unpack_subelements %parallel_loop3A_818, 0 {pack_format = #tpu.pack_format<interleaved>} : vector<32xbf16> -> vector<16xf32>
        %parallel_loop3A_820 = tpu.unpack_subelements %parallel_loop3A_818, 1 {pack_format = #tpu.pack_format<interleaved>} : vector<32xbf16> -> vector<16xf32>
        %parallel_loop3A_821 = arith.constant 1 : i32
        %parallel_loop3A_822 = arith.constant 0 : i32
        %parallel_loop3A_823 = arith.index_cast %parallel_loop3A_821 : i32 to index
        %parallel_loop3A_824 = arith.index_cast %parallel_loop3A_822 : i32 to index
        %parallel_loop3A_825 = arith.index_cast %parallel_loop3A_692 : i32 to index
        %parallel_loop3A_826 = arith.index_cast %parallel_loop3A_732 : i32 to index
        %parallel_loop3A_827 = arith.index_cast %parallel_loop3A_750 : i32 to index
        %parallel_loop3A_828 = tpu.vector_load %arg7[%parallel_loop3A_823, %parallel_loop3A_824, %parallel_loop3A_825, %parallel_loop3A_826, %parallel_loop3A_827] {strides = array<i32>} : memref<2x16x3x8x128xf32, #tpu.memory_space<vmem>>, vector<16xf32>,
        tpu.vector_store %arg7[%parallel_loop3A_823, %parallel_loop3A_824, %parallel_loop3A_825, %parallel_loop3A_826, %parallel_loop3A_827], %parallel_loop3A_819 {strides = array<i32>} : memref<2x16x3x8x128xf32, #tpu.memory_space<vmem>>, vector<16xf32>,
        %parallel_loop3A_829 = arith.constant 1 : i32
        %parallel_loop3A_830 = arith.constant 1 : i32
        %parallel_loop3A_831 = arith.index_cast %parallel_loop3A_829 : i32 to index
        %parallel_loop3A_832 = arith.index_cast %parallel_loop3A_830 : i32 to index
        %parallel_loop3A_833 = arith.index_cast %parallel_loop3A_692 : i32 to index
        %parallel_loop3A_834 = arith.index_cast %parallel_loop3A_732 : i32 to index
        %parallel_loop3A_835 = arith.index_cast %parallel_loop3A_750 : i32 to index
        %parallel_loop3A_836 = tpu.vector_load %arg7[%parallel_loop3A_831, %parallel_loop3A_832, %parallel_loop3A_833, %parallel_loop3A_834, %parallel_loop3A_835] {strides = array<i32>} : memref<2x16x3x8x128xf32, #tpu.memory_space<vmem>>, vector<16xf32>,
        tpu.vector_store %arg7[%parallel_loop3A_831, %parallel_loop3A_832, %parallel_loop3A_833, %parallel_loop3A_834, %parallel_loop3A_835], %parallel_loop3A_820 {strides = array<i32>} : memref<2x16x3x8x128xf32, #tpu.memory_space<vmem>>, vector<16xf32>,
        %parallel_loop3A_837 = arith.constant 231 : i32
        %parallel_loop3A_838 = vector.broadcast %parallel_loop3A_837 : i32 to vector<16xi32>
        %parallel_loop3A_839 = arith.addi %parallel_loop3A_767, %parallel_loop3A_838 : vector<16xi32>
        %parallel_loop3A_840 = tpu.vector_load_idx %arg5[%parallel_loop3A_839] : memref<1848xi32, #tpu.memory_space<vmem>>[vector<16xi32>], vector<16xi32>,
        %parallel_loop3A_841 = vector.bitcast %parallel_loop3A_840 : vector<16xi32> to vector<32xbf16>
        %parallel_loop3A_842 = arith.constant 231 : i32
        %parallel_loop3A_843 = vector.broadcast %parallel_loop3A_842 : i32 to vector<16xi32>
        %parallel_loop3A_844 = arith.addi %parallel_loop3A_784, %parallel_loop3A_843 : vector<16xi32>
        %parallel_loop3A_845 = tpu.vector_load_idx %arg5[%parallel_loop3A_844] : memref<1848xi32, #tpu.memory_space<vmem>>[vector<16xi32>], vector<16xi32>,
        %parallel_loop3A_846 = vector.bitcast %parallel_loop3A_845 : vector<16xi32> to vector<32xbf16>
        %parallel_loop3A_847 = arith.addf %parallel_loop3A_841, %parallel_loop3A_846 : vector<32xbf16>
        %parallel_loop3A_848 = arith.constant 231 : i32
        %parallel_loop3A_849 = vector.broadcast %parallel_loop3A_848 : i32 to vector<16xi32>
        %parallel_loop3A_850 = arith.addi %parallel_loop3A_801, %parallel_loop3A_849 : vector<16xi32>
        %parallel_loop3A_851 = tpu.vector_load_idx %arg5[%parallel_loop3A_850] : memref<1848xi32, #tpu.memory_space<vmem>>[vector<16xi32>], vector<16xi32>,
        %parallel_loop3A_852 = vector.bitcast %parallel_loop3A_851 : vector<16xi32> to vector<32xbf16>
        %parallel_loop3A_853 = arith.addf %parallel_loop3A_847, %parallel_loop3A_852 : vector<32xbf16>
        %parallel_loop3A_854 = tpu.unpack_subelements %parallel_loop3A_853, 0 {pack_format = #tpu.pack_format<interleaved>} : vector<32xbf16> -> vector<16xf32>
        %parallel_loop3A_855 = tpu.unpack_subelements %parallel_loop3A_853, 1 {pack_format = #tpu.pack_format<interleaved>} : vector<32xbf16> -> vector<16xf32>
        %parallel_loop3A_856 = arith.constant 1 : i32
        %parallel_loop3A_857 = arith.constant 2 : i32
        %parallel_loop3A_858 = arith.index_cast %parallel_loop3A_856 : i32 to index
        %parallel_loop3A_859 = arith.index_cast %parallel_loop3A_857 : i32 to index
        %parallel_loop3A_860 = arith.index_cast %parallel_loop3A_692 : i32 to index
        %parallel_loop3A_861 = arith.index_cast %parallel_loop3A_732 : i32 to index
        %parallel_loop3A_862 = arith.index_cast %parallel_loop3A_750 : i32 to index
        %parallel_loop3A_863 = tpu.vector_load %arg7[%parallel_loop3A_858, %parallel_loop3A_859, %parallel_loop3A_860, %parallel_loop3A_861, %parallel_loop3A_862] {strides = array<i32>} : memref<2x16x3x8x128xf32, #tpu.memory_space<vmem>>, vector<16xf32>,
        tpu.vector_store %arg7[%parallel_loop3A_858, %parallel_loop3A_859, %parallel_loop3A_860, %parallel_loop3A_861, %parallel_loop3A_862], %parallel_loop3A_854 {strides = array<i32>} : memref<2x16x3x8x128xf32, #tpu.memory_space<vmem>>, vector<16xf32>,
        %parallel_loop3A_864 = arith.constant 1 : i32
        %parallel_loop3A_865 = arith.constant 3 : i32
        %parallel_loop3A_866 = arith.index_cast %parallel_loop3A_864 : i32 to index
        %parallel_loop3A_867 = arith.index_cast %parallel_loop3A_865 : i32 to index
        %parallel_loop3A_868 = arith.index_cast %parallel_loop3A_692 : i32 to index
        %parallel_loop3A_869 = arith.index_cast %parallel_loop3A_732 : i32 to index
        %parallel_loop3A_870 = arith.index_cast %parallel_loop3A_750 : i32 to index
        %parallel_loop3A_871 = tpu.vector_load %arg7[%parallel_loop3A_866, %parallel_loop3A_867, %parallel_loop3A_868, %parallel_loop3A_869, %parallel_loop3A_870] {strides = array<i32>} : memref<2x16x3x8x128xf32, #tpu.memory_space<vmem>>, vector<16xf32>,
        tpu.vector_store %arg7[%parallel_loop3A_866, %parallel_loop3A_867, %parallel_loop3A_868, %parallel_loop3A_869, %parallel_loop3A_870], %parallel_loop3A_855 {strides = array<i32>} : memref<2x16x3x8x128xf32, #tpu.memory_space<vmem>>, vector<16xf32>,
        %parallel_loop3A_872 = arith.constant 462 : i32
        %parallel_loop3A_873 = vector.broadcast %parallel_loop3A_872 : i32 to vector<16xi32>
        %parallel_loop3A_874 = arith.addi %parallel_loop3A_767, %parallel_loop3A_873 : vector<16xi32>
        %parallel_loop3A_875 = tpu.vector_load_idx %arg5[%parallel_loop3A_874] : memref<1848xi32, #tpu.memory_space<vmem>>[vector<16xi32>], vector<16xi32>,
        %parallel_loop3A_876 = vector.bitcast %parallel_loop3A_875 : vector<16xi32> to vector<32xbf16>
        %parallel_loop3A_877 = arith.constant 462 : i32
        %parallel_loop3A_878 = vector.broadcast %parallel_loop3A_877 : i32 to vector<16xi32>
        %parallel_loop3A_879 = arith.addi %parallel_loop3A_784, %parallel_loop3A_878 : vector<16xi32>
        %parallel_loop3A_880 = tpu.vector_load_idx %arg5[%parallel_loop3A_879] : memref<1848xi32, #tpu.memory_space<vmem>>[vector<16xi32>], vector<16xi32>,
        %parallel_loop3A_881 = vector.bitcast %parallel_loop3A_880 : vector<16xi32> to vector<32xbf16>
        %parallel_loop3A_882 = arith.addf %parallel_loop3A_876, %parallel_loop3A_881 : vector<32xbf16>
        %parallel_loop3A_883 = arith.constant 462 : i32
        %parallel_loop3A_884 = vector.broadcast %parallel_loop3A_883 : i32 to vector<16xi32>
        %parallel_loop3A_885 = arith.addi %parallel_loop3A_801, %parallel_loop3A_884 : vector<16xi32>
        %parallel_loop3A_886 = tpu.vector_load_idx %arg5[%parallel_loop3A_885] : memref<1848xi32, #tpu.memory_space<vmem>>[vector<16xi32>], vector<16xi32>,
        %parallel_loop3A_887 = vector.bitcast %parallel_loop3A_886 : vector<16xi32> to vector<32xbf16>
        %parallel_loop3A_888 = arith.addf %parallel_loop3A_882, %parallel_loop3A_887 : vector<32xbf16>
        %parallel_loop3A_889 = tpu.unpack_subelements %parallel_loop3A_888, 0 {pack_format = #tpu.pack_format<interleaved>} : vector<32xbf16> -> vector<16xf32>
        %parallel_loop3A_890 = tpu.unpack_subelements %parallel_loop3A_888, 1 {pack_format = #tpu.pack_format<interleaved>} : vector<32xbf16> -> vector<16xf32>
        %parallel_loop3A_891 = arith.constant 1 : i32
        %parallel_loop3A_892 = arith.constant 4 : i32
        %parallel_loop3A_893 = arith.index_cast %parallel_loop3A_891 : i32 to index
        %parallel_loop3A_894 = arith.index_cast %parallel_loop3A_892 : i32 to index
        %parallel_loop3A_895 = arith.index_cast %parallel_loop3A_692 : i32 to index
        %parallel_loop3A_896 = arith.index_cast %parallel_loop3A_732 : i32 to index
        %parallel_loop3A_897 = arith.index_cast %parallel_loop3A_750 : i32 to index
        %parallel_loop3A_898 = tpu.vector_load %arg7[%parallel_loop3A_893, %parallel_loop3A_894, %parallel_loop3A_895, %parallel_loop3A_896, %parallel_loop3A_897] {strides = array<i32>} : memref<2x16x3x8x128xf32, #tpu.memory_space<vmem>>, vector<16xf32>,
        tpu.vector_store %arg7[%parallel_loop3A_893, %parallel_loop3A_894, %parallel_loop3A_895, %parallel_loop3A_896, %parallel_loop3A_897], %parallel_loop3A_889 {strides = array<i32>} : memref<2x16x3x8x128xf32, #tpu.memory_space<vmem>>, vector<16xf32>,
        %parallel_loop3A_899 = arith.constant 1 : i32
        %parallel_loop3A_900 = arith.constant 5 : i32
        %parallel_loop3A_901 = arith.index_cast %parallel_loop3A_899 : i32 to index
        %parallel_loop3A_902 = arith.index_cast %parallel_loop3A_900 : i32 to index
        %parallel_loop3A_903 = arith.index_cast %parallel_loop3A_692 : i32 to index
        %parallel_loop3A_904 = arith.index_cast %parallel_loop3A_732 : i32 to index
        %parallel_loop3A_905 = arith.index_cast %parallel_loop3A_750 : i32 to index
        %parallel_loop3A_906 = tpu.vector_load %arg7[%parallel_loop3A_901, %parallel_loop3A_902, %parallel_loop3A_903, %parallel_loop3A_904, %parallel_loop3A_905] {strides = array<i32>} : memref<2x16x3x8x128xf32, #tpu.memory_space<vmem>>, vector<16xf32>,
        tpu.vector_store %arg7[%parallel_loop3A_901, %parallel_loop3A_902, %parallel_loop3A_903, %parallel_loop3A_904, %parallel_loop3A_905], %parallel_loop3A_890 {strides = array<i32>} : memref<2x16x3x8x128xf32, #tpu.memory_space<vmem>>, vector<16xf32>,
        %parallel_loop3A_907 = arith.constant 693 : i32
        %parallel_loop3A_908 = vector.broadcast %parallel_loop3A_907 : i32 to vector<16xi32>
        %parallel_loop3A_909 = arith.addi %parallel_loop3A_767, %parallel_loop3A_908 : vector<16xi32>
        %parallel_loop3A_910 = tpu.vector_load_idx %arg5[%parallel_loop3A_909] : memref<1848xi32, #tpu.memory_space<vmem>>[vector<16xi32>], vector<16xi32>,
        %parallel_loop3A_911 = vector.bitcast %parallel_loop3A_910 : vector<16xi32> to vector<32xbf16>
        %parallel_loop3A_912 = arith.constant 693 : i32
        %parallel_loop3A_913 = vector.broadcast %parallel_loop3A_912 : i32 to vector<16xi32>
        %parallel_loop3A_914 = arith.addi %parallel_loop3A_784, %parallel_loop3A_913 : vector<16xi32>
        %parallel_loop3A_915 = tpu.vector_load_idx %arg5[%parallel_loop3A_914] : memref<1848xi32, #tpu.memory_space<vmem>>[vector<16xi32>], vector<16xi32>,
        %parallel_loop3A_916 = vector.bitcast %parallel_loop3A_915 : vector<16xi32> to vector<32xbf16>
        %parallel_loop3A_917 = arith.addf %parallel_loop3A_911, %parallel_loop3A_916 : vector<32xbf16>
        %parallel_loop3A_918 = arith.constant 693 : i32
        %parallel_loop3A_919 = vector.broadcast %parallel_loop3A_918 : i32 to vector<16xi32>
        %parallel_loop3A_920 = arith.addi %parallel_loop3A_801, %parallel_loop3A_919 : vector<16xi32>
        %parallel_loop3A_921 = tpu.vector_load_idx %arg5[%parallel_loop3A_920] : memref<1848xi32, #tpu.memory_space<vmem>>[vector<16xi32>], vector<16xi32>,
        %parallel_loop3A_922 = vector.bitcast %parallel_loop3A_921 : vector<16xi32> to vector<32xbf16>
        %parallel_loop3A_923 = arith.addf %parallel_loop3A_917, %parallel_loop3A_922 : vector<32xbf16>
        %parallel_loop3A_924 = tpu.unpack_subelements %parallel_loop3A_923, 0 {pack_format = #tpu.pack_format<interleaved>} : vector<32xbf16> -> vector<16xf32>
        %parallel_loop3A_925 = tpu.unpack_subelements %parallel_loop3A_923, 1 {pack_format = #tpu.pack_format<interleaved>} : vector<32xbf16> -> vector<16xf32>
        %parallel_loop3A_926 = arith.constant 1 : i32
        %parallel_loop3A_927 = arith.constant 6 : i32
        %parallel_loop3A_928 = arith.index_cast %parallel_loop3A_926 : i32 to index
        %parallel_loop3A_929 = arith.index_cast %parallel_loop3A_927 : i32 to index
        %parallel_loop3A_930 = arith.index_cast %parallel_loop3A_692 : i32 to index
        %parallel_loop3A_931 = arith.index_cast %parallel_loop3A_732 : i32 to index
        %parallel_loop3A_932 = arith.index_cast %parallel_loop3A_750 : i32 to index
        %parallel_loop3A_933 = tpu.vector_load %arg7[%parallel_loop3A_928, %parallel_loop3A_929, %parallel_loop3A_930, %parallel_loop3A_931, %parallel_loop3A_932] {strides = array<i32>} : memref<2x16x3x8x128xf32, #tpu.memory_space<vmem>>, vector<16xf32>,
        tpu.vector_store %arg7[%parallel_loop3A_928, %parallel_loop3A_929, %parallel_loop3A_930, %parallel_loop3A_931, %parallel_loop3A_932], %parallel_loop3A_924 {strides = array<i32>} : memref<2x16x3x8x128xf32, #tpu.memory_space<vmem>>, vector<16xf32>,
        %parallel_loop3A_934 = arith.constant 1 : i32
        %parallel_loop3A_935 = arith.constant 7 : i32
        %parallel_loop3A_936 = arith.index_cast %parallel_loop3A_934 : i32 to index
        %parallel_loop3A_937 = arith.index_cast %parallel_loop3A_935 : i32 to index
        %parallel_loop3A_938 = arith.index_cast %parallel_loop3A_692 : i32 to index
        %parallel_loop3A_939 = arith.index_cast %parallel_loop3A_732 : i32 to index
        %parallel_loop3A_940 = arith.index_cast %parallel_loop3A_750 : i32 to index
        %parallel_loop3A_941 = tpu.vector_load %arg7[%parallel_loop3A_936, %parallel_loop3A_937, %parallel_loop3A_938, %parallel_loop3A_939, %parallel_loop3A_940] {strides = array<i32>} : memref<2x16x3x8x128xf32, #tpu.memory_space<vmem>>, vector<16xf32>,
        tpu.vector_store %arg7[%parallel_loop3A_936, %parallel_loop3A_937, %parallel_loop3A_938, %parallel_loop3A_939, %parallel_loop3A_940], %parallel_loop3A_925 {strides = array<i32>} : memref<2x16x3x8x128xf32, #tpu.memory_space<vmem>>, vector<16xf32>,
        %parallel_loop3A_942 = arith.constant 924 : i32
        %parallel_loop3A_943 = vector.broadcast %parallel_loop3A_942 : i32 to vector<16xi32>
        %parallel_loop3A_944 = arith.addi %parallel_loop3A_767, %parallel_loop3A_943 : vector<16xi32>
        %parallel_loop3A_945 = tpu.vector_load_idx %arg5[%parallel_loop3A_944] : memref<1848xi32, #tpu.memory_space<vmem>>[vector<16xi32>], vector<16xi32>,
        %parallel_loop3A_946 = vector.bitcast %parallel_loop3A_945 : vector<16xi32> to vector<32xbf16>
        %parallel_loop3A_947 = arith.constant 924 : i32
        %parallel_loop3A_948 = vector.broadcast %parallel_loop3A_947 : i32 to vector<16xi32>
        %parallel_loop3A_949 = arith.addi %parallel_loop3A_784, %parallel_loop3A_948 : vector<16xi32>
        %parallel_loop3A_950 = tpu.vector_load_idx %arg5[%parallel_loop3A_949] : memref<1848xi32, #tpu.memory_space<vmem>>[vector<16xi32>], vector<16xi32>,
        %parallel_loop3A_951 = vector.bitcast %parallel_loop3A_950 : vector<16xi32> to vector<32xbf16>
        %parallel_loop3A_952 = arith.addf %parallel_loop3A_946, %parallel_loop3A_951 : vector<32xbf16>
        %parallel_loop3A_953 = arith.constant 924 : i32
        %parallel_loop3A_954 = vector.broadcast %parallel_loop3A_953 : i32 to vector<16xi32>
        %parallel_loop3A_955 = arith.addi %parallel_loop3A_801, %parallel_loop3A_954 : vector<16xi32>
        %parallel_loop3A_956 = tpu.vector_load_idx %arg5[%parallel_loop3A_955] : memref<1848xi32, #tpu.memory_space<vmem>>[vector<16xi32>], vector<16xi32>,
        %parallel_loop3A_957 = vector.bitcast %parallel_loop3A_956 : vector<16xi32> to vector<32xbf16>
        %parallel_loop3A_958 = arith.addf %parallel_loop3A_952, %parallel_loop3A_957 : vector<32xbf16>
        %parallel_loop3A_959 = tpu.unpack_subelements %parallel_loop3A_958, 0 {pack_format = #tpu.pack_format<interleaved>} : vector<32xbf16> -> vector<16xf32>
        %parallel_loop3A_960 = tpu.unpack_subelements %parallel_loop3A_958, 1 {pack_format = #tpu.pack_format<interleaved>} : vector<32xbf16> -> vector<16xf32>
        %parallel_loop3A_961 = arith.constant 1 : i32
        %parallel_loop3A_962 = arith.constant 8 : i32
        %parallel_loop3A_963 = arith.index_cast %parallel_loop3A_961 : i32 to index
        %parallel_loop3A_964 = arith.index_cast %parallel_loop3A_962 : i32 to index
        %parallel_loop3A_965 = arith.index_cast %parallel_loop3A_692 : i32 to index
        %parallel_loop3A_966 = arith.index_cast %parallel_loop3A_732 : i32 to index
        %parallel_loop3A_967 = arith.index_cast %parallel_loop3A_750 : i32 to index
        %parallel_loop3A_968 = tpu.vector_load %arg7[%parallel_loop3A_963, %parallel_loop3A_964, %parallel_loop3A_965, %parallel_loop3A_966, %parallel_loop3A_967] {strides = array<i32>} : memref<2x16x3x8x128xf32, #tpu.memory_space<vmem>>, vector<16xf32>,
        tpu.vector_store %arg7[%parallel_loop3A_963, %parallel_loop3A_964, %parallel_loop3A_965, %parallel_loop3A_966, %parallel_loop3A_967], %parallel_loop3A_959 {strides = array<i32>} : memref<2x16x3x8x128xf32, #tpu.memory_space<vmem>>, vector<16xf32>,
        %parallel_loop3A_969 = arith.constant 1 : i32
        %parallel_loop3A_970 = arith.constant 9 : i32
        %parallel_loop3A_971 = arith.index_cast %parallel_loop3A_969 : i32 to index
        %parallel_loop3A_972 = arith.index_cast %parallel_loop3A_970 : i32 to index
        %parallel_loop3A_973 = arith.index_cast %parallel_loop3A_692 : i32 to index
        %parallel_loop3A_974 = arith.index_cast %parallel_loop3A_732 : i32 to index
        %parallel_loop3A_975 = arith.index_cast %parallel_loop3A_750 : i32 to index
        %parallel_loop3A_976 = tpu.vector_load %arg7[%parallel_loop3A_971, %parallel_loop3A_972, %parallel_loop3A_973, %parallel_loop3A_974, %parallel_loop3A_975] {strides = array<i32>} : memref<2x16x3x8x128xf32, #tpu.memory_space<vmem>>, vector<16xf32>,
        tpu.vector_store %arg7[%parallel_loop3A_971, %parallel_loop3A_972, %parallel_loop3A_973, %parallel_loop3A_974, %parallel_loop3A_975], %parallel_loop3A_960 {strides = array<i32>} : memref<2x16x3x8x128xf32, #tpu.memory_space<vmem>>, vector<16xf32>,
        %parallel_loop3A_977 = arith.constant 1155 : i32
        %parallel_loop3A_978 = vector.broadcast %parallel_loop3A_977 : i32 to vector<16xi32>
        %parallel_loop3A_979 = arith.addi %parallel_loop3A_767, %parallel_loop3A_978 : vector<16xi32>
        %parallel_loop3A_980 = tpu.vector_load_idx %arg5[%parallel_loop3A_979] : memref<1848xi32, #tpu.memory_space<vmem>>[vector<16xi32>], vector<16xi32>,
        %parallel_loop3A_981 = vector.bitcast %parallel_loop3A_980 : vector<16xi32> to vector<32xbf16>
        %parallel_loop3A_982 = arith.constant 1155 : i32
        %parallel_loop3A_983 = vector.broadcast %parallel_loop3A_982 : i32 to vector<16xi32>
        %parallel_loop3A_984 = arith.addi %parallel_loop3A_784, %parallel_loop3A_983 : vector<16xi32>
        %parallel_loop3A_985 = tpu.vector_load_idx %arg5[%parallel_loop3A_984] : memref<1848xi32, #tpu.memory_space<vmem>>[vector<16xi32>], vector<16xi32>,
        %parallel_loop3A_986 = vector.bitcast %parallel_loop3A_985 : vector<16xi32> to vector<32xbf16>
        %parallel_loop3A_987 = arith.addf %parallel_loop3A_981, %parallel_loop3A_986 : vector<32xbf16>
        %parallel_loop3A_988 = arith.constant 1155 : i32
        %parallel_loop3A_989 = vector.broadcast %parallel_loop3A_988 : i32 to vector<16xi32>
        %parallel_loop3A_990 = arith.addi %parallel_loop3A_801, %parallel_loop3A_989 : vector<16xi32>
        %parallel_loop3A_991 = tpu.vector_load_idx %arg5[%parallel_loop3A_990] : memref<1848xi32, #tpu.memory_space<vmem>>[vector<16xi32>], vector<16xi32>,
        %parallel_loop3A_992 = vector.bitcast %parallel_loop3A_991 : vector<16xi32> to vector<32xbf16>
        %parallel_loop3A_993 = arith.addf %parallel_loop3A_987, %parallel_loop3A_992 : vector<32xbf16>
        %parallel_loop3A_994 = tpu.unpack_subelements %parallel_loop3A_993, 0 {pack_format = #tpu.pack_format<interleaved>} : vector<32xbf16> -> vector<16xf32>
        %parallel_loop3A_995 = tpu.unpack_subelements %parallel_loop3A_993, 1 {pack_format = #tpu.pack_format<interleaved>} : vector<32xbf16> -> vector<16xf32>
        %parallel_loop3A_996 = arith.constant 1 : i32
        %parallel_loop3A_997 = arith.constant 10 : i32
        %parallel_loop3A_998 = arith.index_cast %parallel_loop3A_996 : i32 to index
        %parallel_loop3A_999 = arith.index_cast %parallel_loop3A_997 : i32 to index
        %parallel_loop3A_1000 = arith.index_cast %parallel_loop3A_692 : i32 to index
        %parallel_loop3A_1001 = arith.index_cast %parallel_loop3A_732 : i32 to index
        %parallel_loop3A_1002 = arith.index_cast %parallel_loop3A_750 : i32 to index
        %parallel_loop3A_1003 = tpu.vector_load %arg7[%parallel_loop3A_998, %parallel_loop3A_999, %parallel_loop3A_1000, %parallel_loop3A_1001, %parallel_loop3A_1002] {strides = array<i32>} : memref<2x16x3x8x128xf32, #tpu.memory_space<vmem>>, vector<16xf32>,
        tpu.vector_store %arg7[%parallel_loop3A_998, %parallel_loop3A_999, %parallel_loop3A_1000, %parallel_loop3A_1001, %parallel_loop3A_1002], %parallel_loop3A_994 {strides = array<i32>} : memref<2x16x3x8x128xf32, #tpu.memory_space<vmem>>, vector<16xf32>,
        %parallel_loop3A_1004 = arith.constant 1 : i32
        %parallel_loop3A_1005 = arith.constant 11 : i32
        %parallel_loop3A_1006 = arith.index_cast %parallel_loop3A_1004 : i32 to index
        %parallel_loop3A_1007 = arith.index_cast %parallel_loop3A_1005 : i32 to index
        %parallel_loop3A_1008 = arith.index_cast %parallel_loop3A_692 : i32 to index
        %parallel_loop3A_1009 = arith.index_cast %parallel_loop3A_732 : i32 to index
        %parallel_loop3A_1010 = arith.index_cast %parallel_loop3A_750 : i32 to index
        %parallel_loop3A_1011 = tpu.vector_load %arg7[%parallel_loop3A_1006, %parallel_loop3A_1007, %parallel_loop3A_1008, %parallel_loop3A_1009, %parallel_loop3A_1010] {strides = array<i32>} : memref<2x16x3x8x128xf32, #tpu.memory_space<vmem>>, vector<16xf32>,
        tpu.vector_store %arg7[%parallel_loop3A_1006, %parallel_loop3A_1007, %parallel_loop3A_1008, %parallel_loop3A_1009, %parallel_loop3A_1010], %parallel_loop3A_995 {strides = array<i32>} : memref<2x16x3x8x128xf32, #tpu.memory_space<vmem>>, vector<16xf32>,
        %parallel_loop3A_1012 = arith.constant 1386 : i32
        %parallel_loop3A_1013 = vector.broadcast %parallel_loop3A_1012 : i32 to vector<16xi32>
        %parallel_loop3A_1014 = arith.addi %parallel_loop3A_767, %parallel_loop3A_1013 : vector<16xi32>
        %parallel_loop3A_1015 = tpu.vector_load_idx %arg5[%parallel_loop3A_1014] : memref<1848xi32, #tpu.memory_space<vmem>>[vector<16xi32>], vector<16xi32>,
        %parallel_loop3A_1016 = vector.bitcast %parallel_loop3A_1015 : vector<16xi32> to vector<32xbf16>
        %parallel_loop3A_1017 = arith.constant 1386 : i32
        %parallel_loop3A_1018 = vector.broadcast %parallel_loop3A_1017 : i32 to vector<16xi32>
        %parallel_loop3A_1019 = arith.addi %parallel_loop3A_784, %parallel_loop3A_1018 : vector<16xi32>
        %parallel_loop3A_1020 = tpu.vector_load_idx %arg5[%parallel_loop3A_1019] : memref<1848xi32, #tpu.memory_space<vmem>>[vector<16xi32>], vector<16xi32>,
        %parallel_loop3A_1021 = vector.bitcast %parallel_loop3A_1020 : vector<16xi32> to vector<32xbf16>
        %parallel_loop3A_1022 = arith.addf %parallel_loop3A_1016, %parallel_loop3A_1021 : vector<32xbf16>
        %parallel_loop3A_1023 = arith.constant 1386 : i32
        %parallel_loop3A_1024 = vector.broadcast %parallel_loop3A_1023 : i32 to vector<16xi32>
        %parallel_loop3A_1025 = arith.addi %parallel_loop3A_801, %parallel_loop3A_1024 : vector<16xi32>
        %parallel_loop3A_1026 = tpu.vector_load_idx %arg5[%parallel_loop3A_1025] : memref<1848xi32, #tpu.memory_space<vmem>>[vector<16xi32>], vector<16xi32>,
        %parallel_loop3A_1027 = vector.bitcast %parallel_loop3A_1026 : vector<16xi32> to vector<32xbf16>
        %parallel_loop3A_1028 = arith.addf %parallel_loop3A_1022, %parallel_loop3A_1027 : vector<32xbf16>
        %parallel_loop3A_1029 = tpu.unpack_subelements %parallel_loop3A_1028, 0 {pack_format = #tpu.pack_format<interleaved>} : vector<32xbf16> -> vector<16xf32>
        %parallel_loop3A_1030 = tpu.unpack_subelements %parallel_loop3A_1028, 1 {pack_format = #tpu.pack_format<interleaved>} : vector<32xbf16> -> vector<16xf32>
        %parallel_loop3A_1031 = arith.constant 1 : i32
        %parallel_loop3A_1032 = arith.constant 12 : i32
        %parallel_loop3A_1033 = arith.index_cast %parallel_loop3A_1031 : i32 to index
        %parallel_loop3A_1034 = arith.index_cast %parallel_loop3A_1032 : i32 to index
        %parallel_loop3A_1035 = arith.index_cast %parallel_loop3A_692 : i32 to index
        %parallel_loop3A_1036 = arith.index_cast %parallel_loop3A_732 : i32 to index
        %parallel_loop3A_1037 = arith.index_cast %parallel_loop3A_750 : i32 to index
        %parallel_loop3A_1038 = tpu.vector_load %arg7[%parallel_loop3A_1033, %parallel_loop3A_1034, %parallel_loop3A_1035, %parallel_loop3A_1036, %parallel_loop3A_1037] {strides = array<i32>} : memref<2x16x3x8x128xf32, #tpu.memory_space<vmem>>, vector<16xf32>,
        tpu.vector_store %arg7[%parallel_loop3A_1033, %parallel_loop3A_1034, %parallel_loop3A_1035, %parallel_loop3A_1036, %parallel_loop3A_1037], %parallel_loop3A_1029 {strides = array<i32>} : memref<2x16x3x8x128xf32, #tpu.memory_space<vmem>>, vector<16xf32>,
        %parallel_loop3A_1039 = arith.constant 1 : i32
        %parallel_loop3A_1040 = arith.constant 13 : i32
        %parallel_loop3A_1041 = arith.index_cast %parallel_loop3A_1039 : i32 to index
        %parallel_loop3A_1042 = arith.index_cast %parallel_loop3A_1040 : i32 to index
        %parallel_loop3A_1043 = arith.index_cast %parallel_loop3A_692 : i32 to index
        %parallel_loop3A_1044 = arith.index_cast %parallel_loop3A_732 : i32 to index
        %parallel_loop3A_1045 = arith.index_cast %parallel_loop3A_750 : i32 to index
        %parallel_loop3A_1046 = tpu.vector_load %arg7[%parallel_loop3A_1041, %parallel_loop3A_1042, %parallel_loop3A_1043, %parallel_loop3A_1044, %parallel_loop3A_1045] {strides = array<i32>} : memref<2x16x3x8x128xf32, #tpu.memory_space<vmem>>, vector<16xf32>,
        tpu.vector_store %arg7[%parallel_loop3A_1041, %parallel_loop3A_1042, %parallel_loop3A_1043, %parallel_loop3A_1044, %parallel_loop3A_1045], %parallel_loop3A_1030 {strides = array<i32>} : memref<2x16x3x8x128xf32, #tpu.memory_space<vmem>>, vector<16xf32>,
        %parallel_loop3A_1047 = arith.constant 1617 : i32
        %parallel_loop3A_1048 = vector.broadcast %parallel_loop3A_1047 : i32 to vector<16xi32>
        %parallel_loop3A_1049 = arith.addi %parallel_loop3A_767, %parallel_loop3A_1048 : vector<16xi32>
        %parallel_loop3A_1050 = tpu.vector_load_idx %arg5[%parallel_loop3A_1049] : memref<1848xi32, #tpu.memory_space<vmem>>[vector<16xi32>], vector<16xi32>,
        %parallel_loop3A_1051 = vector.bitcast %parallel_loop3A_1050 : vector<16xi32> to vector<32xbf16>
        %parallel_loop3A_1052 = arith.constant 1617 : i32
        %parallel_loop3A_1053 = vector.broadcast %parallel_loop3A_1052 : i32 to vector<16xi32>
        %parallel_loop3A_1054 = arith.addi %parallel_loop3A_784, %parallel_loop3A_1053 : vector<16xi32>
        %parallel_loop3A_1055 = tpu.vector_load_idx %arg5[%parallel_loop3A_1054] : memref<1848xi32, #tpu.memory_space<vmem>>[vector<16xi32>], vector<16xi32>,
        %parallel_loop3A_1056 = vector.bitcast %parallel_loop3A_1055 : vector<16xi32> to vector<32xbf16>
        %parallel_loop3A_1057 = arith.addf %parallel_loop3A_1051, %parallel_loop3A_1056 : vector<32xbf16>
        %parallel_loop3A_1058 = arith.constant 1617 : i32
        %parallel_loop3A_1059 = vector.broadcast %parallel_loop3A_1058 : i32 to vector<16xi32>
        %parallel_loop3A_1060 = arith.addi %parallel_loop3A_801, %parallel_loop3A_1059 : vector<16xi32>
        %parallel_loop3A_1061 = tpu.vector_load_idx %arg5[%parallel_loop3A_1060] : memref<1848xi32, #tpu.memory_space<vmem>>[vector<16xi32>], vector<16xi32>,
        %parallel_loop3A_1062 = vector.bitcast %parallel_loop3A_1061 : vector<16xi32> to vector<32xbf16>
        %parallel_loop3A_1063 = arith.addf %parallel_loop3A_1057, %parallel_loop3A_1062 : vector<32xbf16>
        %parallel_loop3A_1064 = tpu.unpack_subelements %parallel_loop3A_1063, 0 {pack_format = #tpu.pack_format<interleaved>} : vector<32xbf16> -> vector<16xf32>
        %parallel_loop3A_1065 = tpu.unpack_subelements %parallel_loop3A_1063, 1 {pack_format = #tpu.pack_format<interleaved>} : vector<32xbf16> -> vector<16xf32>
        %parallel_loop3A_1066 = arith.constant 1 : i32
        %parallel_loop3A_1067 = arith.constant 14 : i32
        %parallel_loop3A_1068 = arith.index_cast %parallel_loop3A_1066 : i32 to index
        %parallel_loop3A_1069 = arith.index_cast %parallel_loop3A_1067 : i32 to index
        %parallel_loop3A_1070 = arith.index_cast %parallel_loop3A_692 : i32 to index
        %parallel_loop3A_1071 = arith.index_cast %parallel_loop3A_732 : i32 to index
        %parallel_loop3A_1072 = arith.index_cast %parallel_loop3A_750 : i32 to index
        %parallel_loop3A_1073 = tpu.vector_load %arg7[%parallel_loop3A_1068, %parallel_loop3A_1069, %parallel_loop3A_1070, %parallel_loop3A_1071, %parallel_loop3A_1072] {strides = array<i32>} : memref<2x16x3x8x128xf32, #tpu.memory_space<vmem>>, vector<16xf32>,
        tpu.vector_store %arg7[%parallel_loop3A_1068, %parallel_loop3A_1069, %parallel_loop3A_1070, %parallel_loop3A_1071, %parallel_loop3A_1072], %parallel_loop3A_1064 {strides = array<i32>} : memref<2x16x3x8x128xf32, #tpu.memory_space<vmem>>, vector<16xf32>,
        %parallel_loop3A_1074 = arith.constant 1 : i32
        %parallel_loop3A_1075 = arith.constant 15 : i32
        %parallel_loop3A_1076 = arith.index_cast %parallel_loop3A_1074 : i32 to index
        %parallel_loop3A_1077 = arith.index_cast %parallel_loop3A_1075 : i32 to index
        %parallel_loop3A_1078 = arith.index_cast %parallel_loop3A_692 : i32 to index
        %parallel_loop3A_1079 = arith.index_cast %parallel_loop3A_732 : i32 to index
        %parallel_loop3A_1080 = arith.index_cast %parallel_loop3A_750 : i32 to index
        %parallel_loop3A_1081 = tpu.vector_load %arg7[%parallel_loop3A_1076, %parallel_loop3A_1077, %parallel_loop3A_1078, %parallel_loop3A_1079, %parallel_loop3A_1080] {strides = array<i32>} : memref<2x16x3x8x128xf32, #tpu.memory_space<vmem>>, vector<16xf32>,
        tpu.vector_store %arg7[%parallel_loop3A_1076, %parallel_loop3A_1077, %parallel_loop3A_1078, %parallel_loop3A_1079, %parallel_loop3A_1080], %parallel_loop3A_1065 {strides = array<i32>} : memref<2x16x3x8x128xf32, #tpu.memory_space<vmem>>, vector<16xf32>,
      } {sc.loop_unroll_factor = 2 : i64, sc.parallel_access}
      %mul3A_560 = arith.constant 12 : i32
      %mul3A_561 = arith.muli %add3A, %mul3A_560 : i32
      %jit3A_562 = arith.constant 2 : i32
      %div3A_563 = arith.divsi %add3A_436, %jit3A_562 : i32
      %sign3A_564 = arith.constant 0 : i32
      %sign3A_565 = arith.cmpi sgt, %add3A_436, %sign3A_564 : i32
      %sign3A_566 = arith.extui %sign3A_565 : i1 to i32
      %sign3A_567 = arith.constant 0 : i32
      %sign3A_568 = arith.cmpi slt, %add3A_436, %sign3A_567 : i32
      %sign3A_569 = arith.extui %sign3A_568 : i1 to i32
      %sign3A_570 = arith.subi %sign3A_566, %sign3A_569 : i32
      %sign3A_571 = arith.constant 0 : i32
      %sign3A_572 = arith.cmpi sgt, %jit3A_562, %sign3A_571 : i32
      %sign3A_573 = arith.extui %sign3A_572 : i1 to i32
      %sign3A_574 = arith.constant 0 : i32
      %sign3A_575 = arith.cmpi slt, %jit3A_562, %sign3A_574 : i32
      %sign3A_576 = arith.extui %sign3A_575 : i1 to i32
      %sign3A_577 = arith.subi %sign3A_573, %sign3A_576 : i32
      %ne3A_578 = arith.cmpi ne, %sign3A_570, %sign3A_577 : i32
      %rem3A_579 = arith.remsi %add3A_436, %jit3A_562 : i32
      %ne3A_580 = arith.constant 0 : i32
      %ne3A_581 = arith.cmpi ne, %rem3A_579, %ne3A_580 : i32
      %and3A_582 = arith.andi %ne3A_578, %ne3A_581 : i1
      %sub3A_583 = arith.constant 1 : i32
      %sub3A_584 = arith.subi %div3A_563, %sub3A_583 : i32
      %select_n3A_585 = arith.select %and3A_582, %sub3A_584, %div3A_563 : i32
      %add3A_586 = arith.addi %mul3A_561, %select_n3A_585 : i32
      %jit3A_587 = arith.constant 8 : i32
      %div3A_588 = arith.divsi %add3A_586, %jit3A_587 : i32
      %sign3A_589 = arith.constant 0 : i32
      %sign3A_590 = arith.cmpi sgt, %add3A_586, %sign3A_589 : i32
      %sign3A_591 = arith.extui %sign3A_590 : i1 to i32
      %sign3A_592 = arith.constant 0 : i32
      %sign3A_593 = arith.cmpi slt, %add3A_586, %sign3A_592 : i32
      %sign3A_594 = arith.extui %sign3A_593 : i1 to i32
      %sign3A_595 = arith.subi %sign3A_591, %sign3A_594 : i32
      %sign3A_596 = arith.constant 0 : i32
      %sign3A_597 = arith.cmpi sgt, %jit3A_587, %sign3A_596 : i32
      %sign3A_598 = arith.extui %sign3A_597 : i1 to i32
      %sign3A_599 = arith.constant 0 : i32
      %sign3A_600 = arith.cmpi slt, %jit3A_587, %sign3A_599 : i32
      %sign3A_601 = arith.extui %sign3A_600 : i1 to i32
      %sign3A_602 = arith.subi %sign3A_598, %sign3A_601 : i32
      %ne3A_603 = arith.cmpi ne, %sign3A_595, %sign3A_602 : i32
      %rem3A_604 = arith.remsi %add3A_586, %jit3A_587 : i32
      %ne3A_605 = arith.constant 0 : i32
      %ne3A_606 = arith.cmpi ne, %rem3A_604, %ne3A_605 : i32
      %and3A_607 = arith.andi %ne3A_603, %ne3A_606 : i1
      %sub3A_608 = arith.constant 1 : i32
      %sub3A_609 = arith.subi %div3A_588, %sub3A_608 : i32
      %select_n3A_610 = arith.select %and3A_607, %sub3A_609, %div3A_588 : i32
      %jit3A_611 = arith.constant 8 : i32
      %eq3A_612 = arith.constant 0 : i32
      %eq3A_613 = arith.cmpi eq, %jit3A_611, %eq3A_612 : i32
      %jit3A_614 = arith.constant 1 : i32
      %select_n3A_615 = arith.select %eq3A_613, %jit3A_614, %jit3A_611 : i32
      %rem3A_616 = arith.remsi %add3A_586, %select_n3A_615 : i32
      %ne3A_617 = arith.constant 0 : i32
      %ne3A_618 = arith.cmpi ne, %rem3A_616, %ne3A_617 : i32
      %lt3A_619 = arith.constant 0 : i32
      %lt3A_620 = arith.cmpi slt, %rem3A_616, %lt3A_619 : i32
      %lt3A_621 = arith.constant 0 : i32
      %lt3A_622 = arith.cmpi slt, %select_n3A_615, %lt3A_621 : i32
      %ne3A_623 = arith.xori %lt3A_620, %lt3A_622 : i1
      %and3A_624 = arith.andi %ne3A_623, %ne3A_618 : i1
      %add3A_625 = arith.addi %rem3A_616, %select_n3A_615 : i32
      %select_n3A_626 = arith.select %and3A_624, %add3A_625, %rem3A_616 : i32
      %jit3A_627 = arith.constant 2 : i32
      %eq3A_628 = arith.constant 0 : i32
      %eq3A_629 = arith.cmpi eq, %jit3A_627, %eq3A_628 : i32
      %jit3A_630 = arith.constant 1 : i32
      %select_n3A_631 = arith.select %eq3A_629, %jit3A_630, %jit3A_627 : i32
      %rem3A_632 = arith.remsi %add3A_436, %select_n3A_631 : i32
      %ne3A_633 = arith.constant 0 : i32
      %ne3A_634 = arith.cmpi ne, %rem3A_632, %ne3A_633 : i32
      %lt3A_635 = arith.constant 0 : i32
      %lt3A_636 = arith.cmpi slt, %rem3A_632, %lt3A_635 : i32
      %lt3A_637 = arith.constant 0 : i32
      %lt3A_638 = arith.cmpi slt, %select_n3A_631, %lt3A_637 : i32
      %ne3A_639 = arith.xori %lt3A_636, %lt3A_638 : i1
      %and3A_640 = arith.andi %ne3A_639, %ne3A_634 : i1
      %add3A_641 = arith.addi %rem3A_632, %select_n3A_631 : i32
      %select_n3A_642 = arith.select %and3A_640, %add3A_641, %rem3A_632 : i32
      %mul3A_643 = arith.constant 3 : i32
      %mul3A_644 = arith.muli %select_n3A_642, %mul3A_643 : i32
      %dma_start3A_645 = arith.constant 1 : i32
      %dma_start3A_646 = arith.constant 0 : i32
      %dma_start3A_647 = arith.constant 0 : i32
      %dma_start3A_648 = arith.constant 0 : i32
      %dma_start3A_649 = arith.constant 0 : i32
      %dma_start3A_650 = tpu.memref_slice %arg7[%dma_start3A_645, %dma_start3A_646, %dma_start3A_647, %dma_start3A_648, %dma_start3A_649] : memref<2x16x3x8x128xf32, #tpu.memory_space<vmem>> -> memref<1x16x3x8x128xf32, #tpu.memory_space<vmem>>
      %dma_start3A_651 = tpu.memref_squeeze %dma_start3A_650 : memref<1x16x3x8x128xf32, #tpu.memory_space<vmem>> -> memref<16x3x8x128xf32, #tpu.memory_space<vmem>>
      %dma_start3A_652 = arith.constant 0 : i32
      %dma_start3A_653 = arith.constant 0 : i32
      %dma_start3A_654 = arith.constant 0 : i32
      %dma_start3A_655 = tpu.memref_slice %arg4[%dma_start3A_652, %select_n3A_610, %mul3A_644, %select_n3A_626, %dma_start3A_653, %dma_start3A_654] : memref<16x48x6x8x8x128xf32, #tpu.memory_space<hbm>> -> memref<16x1x3x1x8x128xf32, #tpu.memory_space<hbm>>
      %dma_start3A_656 = tpu.memref_squeeze %dma_start3A_655 : memref<16x1x3x1x8x128xf32, #tpu.memory_space<hbm>> -> memref<16x3x8x128xf32, #tpu.memory_space<hbm>>
      %dma_start3A_657 = arith.constant 0 : i32
      %dma_start3A_658 = arith.constant 0 : i32
      %dma_start3A_659 = arith.constant 0 : i32
      %dma_start3A_660 = tpu.memref_slice %arg4[%dma_start3A_657, %select_n3A_610, %mul3A_644, %select_n3A_626, %dma_start3A_658, %dma_start3A_659] : memref<16x48x6x8x8x128xf32, #tpu.memory_space<hbm>> -> memref<16x1x3x1x8x128xf32, #tpu.memory_space<hbm>>
      %dma_start3A_661 = tpu.memref_squeeze %dma_start3A_660 : memref<16x1x3x1x8x128xf32, #tpu.memory_space<hbm>> -> memref<16x3x8x128xf32, #tpu.memory_space<hbm>>
      %dma_start3A_662 = arith.constant 0 : i32
      %dma_start3A_663 = arith.constant 0 : i32
      %dma_start3A_664 = arith.constant 0 : i32
      %dma_start3A_665 = arith.constant 0 : i32
      %dma_start3A_666 = tpu.memref_slice %arg7[%dma_start3A_645, %dma_start3A_662, %dma_start3A_663, %dma_start3A_664, %dma_start3A_665] : memref<2x16x3x8x128xf32, #tpu.memory_space<vmem>> -> memref<1x16x3x8x128xf32, #tpu.memory_space<vmem>>
      %dma_start3A_667 = tpu.memref_squeeze %dma_start3A_666 : memref<1x16x3x8x128xf32, #tpu.memory_space<vmem>> -> memref<16x3x8x128xf32, #tpu.memory_space<vmem>>
      tpu.enqueue_dma source(%dma_start3A_667 : memref<16x3x8x128xf32, #tpu.memory_space<vmem>>) target(%dma_start3A_661 : memref<16x3x8x128xf32, #tpu.memory_space<hbm>>) target_semaphore(%arg11 : memref<!tpu.dma_semaphore, #tpu.memory_space<semaphore_mem>>)
    }
    %scan3A_63 = arith.constant 12 : i32
    %mul3A_64 = arith.constant 12 : i32
    %mul3A_65 = arith.muli %add3A, %mul3A_64 : i32
    %add3A_66 = arith.constant 11 : i32
    %add3A_67 = arith.addi %mul3A_65, %add3A_66 : i32
    %jit3A_68 = arith.constant 8 : i32
    %div3A_69 = arith.divsi %add3A_67, %jit3A_68 : i32
    %sign3A_70 = arith.constant 0 : i32
    %sign3A_71 = arith.cmpi sgt, %add3A_67, %sign3A_70 : i32
    %sign3A_72 = arith.extui %sign3A_71 : i1 to i32
    %sign3A_73 = arith.constant 0 : i32
    %sign3A_74 = arith.cmpi slt, %add3A_67, %sign3A_73 : i32
    %sign3A_75 = arith.extui %sign3A_74 : i1 to i32
    %sign3A_76 = arith.subi %sign3A_72, %sign3A_75 : i32
    %sign3A_77 = arith.constant 0 : i32
    %sign3A_78 = arith.cmpi sgt, %jit3A_68, %sign3A_77 : i32
    %sign3A_79 = arith.extui %sign3A_78 : i1 to i32
    %sign3A_80 = arith.constant 0 : i32
    %sign3A_81 = arith.cmpi slt, %jit3A_68, %sign3A_80 : i32
    %sign3A_82 = arith.extui %sign3A_81 : i1 to i32
    %sign3A_83 = arith.subi %sign3A_79, %sign3A_82 : i32
    %ne3A_84 = arith.cmpi ne, %sign3A_76, %sign3A_83 : i32
    %rem3A_85 = arith.remsi %add3A_67, %jit3A_68 : i32
    %ne3A_86 = arith.constant 0 : i32
    %ne3A_87 = arith.cmpi ne, %rem3A_85, %ne3A_86 : i32
    %and3A_88 = arith.andi %ne3A_84, %ne3A_87 : i1
    %sub3A_89 = arith.constant 1 : i32
    %sub3A_90 = arith.subi %div3A_69, %sub3A_89 : i32
    %select_n3A_91 = arith.select %and3A_88, %sub3A_90, %div3A_69 : i32
    %jit3A_92 = arith.constant 8 : i32
    %eq3A_93 = arith.constant 0 : i32
    %eq3A_94 = arith.cmpi eq, %jit3A_92, %eq3A_93 : i32
    %jit3A_95 = arith.constant 1 : i32
    %select_n3A_96 = arith.select %eq3A_94, %jit3A_95, %jit3A_92 : i32
    %rem3A_97 = arith.remsi %add3A_67, %select_n3A_96 : i32
    %ne3A_98 = arith.constant 0 : i32
    %ne3A_99 = arith.cmpi ne, %rem3A_97, %ne3A_98 : i32
    %lt3A_100 = arith.constant 0 : i32
    %lt3A_101 = arith.cmpi slt, %rem3A_97, %lt3A_100 : i32
    %lt3A_102 = arith.constant 0 : i32
    %lt3A_103 = arith.cmpi slt, %select_n3A_96, %lt3A_102 : i32
    %ne3A_104 = arith.xori %lt3A_101, %lt3A_103 : i1
    %and3A_105 = arith.andi %ne3A_104, %ne3A_99 : i1
    %add3A_106 = arith.addi %rem3A_97, %select_n3A_96 : i32
    %select_n3A_107 = arith.select %and3A_105, %add3A_106, %rem3A_97 : i32
    %dma_wait3A = arith.constant 0 : i32
    %dma_wait3A_108 = arith.constant 0 : i32
    %dma_wait3A_109 = arith.constant 0 : i32
    %dma_wait3A_110 = arith.constant 0 : i32
    %dma_wait3A_111 = arith.constant 0 : i32
    %dma_wait3A_112 = tpu.memref_slice %arg7[%dma_wait3A, %dma_wait3A_108, %dma_wait3A_109, %dma_wait3A_110, %dma_wait3A_111] : memref<2x16x3x8x128xf32, #tpu.memory_space<vmem>> -> memref<1x16x3x8x128xf32, #tpu.memory_space<vmem>>
    %dma_wait3A_113 = tpu.memref_squeeze %dma_wait3A_112 : memref<1x16x3x8x128xf32, #tpu.memory_space<vmem>> -> memref<16x3x8x128xf32, #tpu.memory_space<vmem>>
    %dma_wait3A_114 = arith.constant 0 : i32
    %dma_wait3A_115 = arith.constant 0 : i32
    %dma_wait3A_116 = arith.constant 0 : i32
    %dma_wait3A_117 = arith.constant 0 : i32
    %dma_wait3A_118 = tpu.memref_slice %arg4[%dma_wait3A_114, %select_n3A_91, %dma_wait3A_115, %select_n3A_107, %dma_wait3A_116, %dma_wait3A_117] : memref<16x48x6x8x8x128xf32, #tpu.memory_space<hbm>> -> memref<16x1x3x1x8x128xf32, #tpu.memory_space<hbm>>
    %dma_wait3A_119 = tpu.memref_squeeze %dma_wait3A_118 : memref<16x1x3x1x8x128xf32, #tpu.memory_space<hbm>> -> memref<16x3x8x128xf32, #tpu.memory_space<hbm>>
    %dma_wait3A_120 = arith.constant 0 : i32
    %dma_wait3A_121 = arith.constant 0 : i32
    %dma_wait3A_122 = arith.constant 0 : i32
    %dma_wait3A_123 = arith.constant 0 : i32
    %dma_wait3A_124 = tpu.memref_slice %arg4[%dma_wait3A_120, %select_n3A_91, %dma_wait3A_121, %select_n3A_107, %dma_wait3A_122, %dma_wait3A_123] : memref<16x48x6x8x8x128xf32, #tpu.memory_space<hbm>> -> memref<16x1x3x1x8x128xf32, #tpu.memory_space<hbm>>
    %dma_wait3A_125 = tpu.memref_squeeze %dma_wait3A_124 : memref<16x1x3x1x8x128xf32, #tpu.memory_space<hbm>> -> memref<16x3x8x128xf32, #tpu.memory_space<hbm>>
    %dma_wait3A_126 = arith.constant 0 : i32
    %dma_wait3A_127 = arith.constant 0 : i32
    %dma_wait3A_128 = arith.constant 0 : i32
    %dma_wait3A_129 = arith.constant 0 : i32
    %dma_wait3A_130 = tpu.memref_slice %arg7[%dma_wait3A, %dma_wait3A_126, %dma_wait3A_127, %dma_wait3A_128, %dma_wait3A_129] : memref<2x16x3x8x128xf32, #tpu.memory_space<vmem>> -> memref<1x16x3x8x128xf32, #tpu.memory_space<vmem>>
    %dma_wait3A_131 = tpu.memref_squeeze %dma_wait3A_130 : memref<1x16x3x8x128xf32, #tpu.memory_space<vmem>> -> memref<16x3x8x128xf32, #tpu.memory_space<vmem>>
    tpu.wait_dma2 semaphore(%arg10 : memref<!tpu.dma_semaphore, #tpu.memory_space<semaphore_mem>>) src(%dma_wait3A_131 : memref<16x3x8x128xf32, #tpu.memory_space<vmem>>) dst(%dma_wait3A_125 : memref<16x3x8x128xf32, #tpu.memory_space<hbm>>)
    %mul3A_132 = arith.constant 12 : i32
    %mul3A_133 = arith.muli %add3A, %mul3A_132 : i32
    %add3A_134 = arith.constant 11 : i32
    %add3A_135 = arith.addi %mul3A_133, %add3A_134 : i32
    %jit3A_136 = arith.constant 8 : i32
    %div3A_137 = arith.divsi %add3A_135, %jit3A_136 : i32
    %sign3A_138 = arith.constant 0 : i32
    %sign3A_139 = arith.cmpi sgt, %add3A_135, %sign3A_138 : i32
    %sign3A_140 = arith.extui %sign3A_139 : i1 to i32
    %sign3A_141 = arith.constant 0 : i32
    %sign3A_142 = arith.cmpi slt, %add3A_135, %sign3A_141 : i32
    %sign3A_143 = arith.extui %sign3A_142 : i1 to i32
    %sign3A_144 = arith.subi %sign3A_140, %sign3A_143 : i32
    %sign3A_145 = arith.constant 0 : i32
    %sign3A_146 = arith.cmpi sgt, %jit3A_136, %sign3A_145 : i32
    %sign3A_147 = arith.extui %sign3A_146 : i1 to i32
    %sign3A_148 = arith.constant 0 : i32
    %sign3A_149 = arith.cmpi slt, %jit3A_136, %sign3A_148 : i32
    %sign3A_150 = arith.extui %sign3A_149 : i1 to i32
    %sign3A_151 = arith.subi %sign3A_147, %sign3A_150 : i32
    %ne3A_152 = arith.cmpi ne, %sign3A_144, %sign3A_151 : i32
    %rem3A_153 = arith.remsi %add3A_135, %jit3A_136 : i32
    %ne3A_154 = arith.constant 0 : i32
    %ne3A_155 = arith.cmpi ne, %rem3A_153, %ne3A_154 : i32
    %and3A_156 = arith.andi %ne3A_152, %ne3A_155 : i1
    %sub3A_157 = arith.constant 1 : i32
    %sub3A_158 = arith.subi %div3A_137, %sub3A_157 : i32
    %select_n3A_159 = arith.select %and3A_156, %sub3A_158, %div3A_137 : i32
    %jit3A_160 = arith.constant 8 : i32
    %eq3A_161 = arith.constant 0 : i32
    %eq3A_162 = arith.cmpi eq, %jit3A_160, %eq3A_161 : i32
    %jit3A_163 = arith.constant 1 : i32
    %select_n3A_164 = arith.select %eq3A_162, %jit3A_163, %jit3A_160 : i32
    %rem3A_165 = arith.remsi %add3A_135, %select_n3A_164 : i32
    %ne3A_166 = arith.constant 0 : i32
    %ne3A_167 = arith.cmpi ne, %rem3A_165, %ne3A_166 : i32
    %lt3A_168 = arith.constant 0 : i32
    %lt3A_169 = arith.cmpi slt, %rem3A_165, %lt3A_168 : i32
    %lt3A_170 = arith.constant 0 : i32
    %lt3A_171 = arith.cmpi slt, %select_n3A_164, %lt3A_170 : i32
    %ne3A_172 = arith.xori %lt3A_169, %lt3A_171 : i1
    %and3A_173 = arith.andi %ne3A_172, %ne3A_167 : i1
    %add3A_174 = arith.addi %rem3A_165, %select_n3A_164 : i32
    %select_n3A_175 = arith.select %and3A_173, %add3A_174, %rem3A_165 : i32
    %dma_wait3A_176 = arith.constant 1 : i32
    %dma_wait3A_177 = arith.constant 0 : i32
    %dma_wait3A_178 = arith.constant 0 : i32
    %dma_wait3A_179 = arith.constant 0 : i32
    %dma_wait3A_180 = arith.constant 0 : i32
    %dma_wait3A_181 = tpu.memref_slice %arg7[%dma_wait3A_176, %dma_wait3A_177, %dma_wait3A_178, %dma_wait3A_179, %dma_wait3A_180] : memref<2x16x3x8x128xf32, #tpu.memory_space<vmem>> -> memref<1x16x3x8x128xf32, #tpu.memory_space<vmem>>
    %dma_wait3A_182 = tpu.memref_squeeze %dma_wait3A_181 : memref<1x16x3x8x128xf32, #tpu.memory_space<vmem>> -> memref<16x3x8x128xf32, #tpu.memory_space<vmem>>
    %dma_wait3A_183 = arith.constant 0 : i32
    %dma_wait3A_184 = arith.constant 3 : i32
    %dma_wait3A_185 = arith.constant 0 : i32
    %dma_wait3A_186 = arith.constant 0 : i32
    %dma_wait3A_187 = tpu.memref_slice %arg4[%dma_wait3A_183, %select_n3A_159, %dma_wait3A_184, %select_n3A_175, %dma_wait3A_185, %dma_wait3A_186] : memref<16x48x6x8x8x128xf32, #tpu.memory_space<hbm>> -> memref<16x1x3x1x8x128xf32, #tpu.memory_space<hbm>>
    %dma_wait3A_188 = tpu.memref_squeeze %dma_wait3A_187 : memref<16x1x3x1x8x128xf32, #tpu.memory_space<hbm>> -> memref<16x3x8x128xf32, #tpu.memory_space<hbm>>
    %dma_wait3A_189 = arith.constant 0 : i32
    %dma_wait3A_190 = arith.constant 3 : i32
    %dma_wait3A_191 = arith.constant 0 : i32
    %dma_wait3A_192 = arith.constant 0 : i32
    %dma_wait3A_193 = tpu.memref_slice %arg4[%dma_wait3A_189, %select_n3A_159, %dma_wait3A_190, %select_n3A_175, %dma_wait3A_191, %dma_wait3A_192] : memref<16x48x6x8x8x128xf32, #tpu.memory_space<hbm>> -> memref<16x1x3x1x8x128xf32, #tpu.memory_space<hbm>>
    %dma_wait3A_194 = tpu.memref_squeeze %dma_wait3A_193 : memref<16x1x3x1x8x128xf32, #tpu.memory_space<hbm>> -> memref<16x3x8x128xf32, #tpu.memory_space<hbm>>
    %dma_wait3A_195 = arith.constant 0 : i32
    %dma_wait3A_196 = arith.constant 0 : i32
    %dma_wait3A_197 = arith.constant 0 : i32
    %dma_wait3A_198 = arith.constant 0 : i32
    %dma_wait3A_199 = tpu.memref_slice %arg7[%dma_wait3A_176, %dma_wait3A_195, %dma_wait3A_196, %dma_wait3A_197, %dma_wait3A_198] : memref<2x16x3x8x128xf32, #tpu.memory_space<vmem>> -> memref<1x16x3x8x128xf32, #tpu.memory_space<vmem>>
    %dma_wait3A_200 = tpu.memref_squeeze %dma_wait3A_199 : memref<1x16x3x8x128xf32, #tpu.memory_space<vmem>> -> memref<16x3x8x128xf32, #tpu.memory_space<vmem>>
    tpu.wait_dma2 semaphore(%arg11 : memref<!tpu.dma_semaphore, #tpu.memory_space<semaphore_mem>>) src(%dma_wait3A_200 : memref<16x3x8x128xf32, #tpu.memory_space<vmem>>) dst(%dma_wait3A_194 : memref<16x3x8x128xf32, #tpu.memory_space<hbm>>)
    return
  }
}

</mosaic_0001>

<sc_bundles>
// kernel: kernel.3.cloned.1.call-start
scs
__scs_entry_jumppad:
0x0: {  	(pc) =	sbr.rel $0x88, $3  }
0x1: {  	(tag) =	ssettag $0x0;
	lr =	simm.s32 $0x1  }
0x2: {  	[smem:$0x3F9F] =	sst lr;
	_ =	strace $0xD0000000  }
0x3: {  	_ = 	snop  }
0x4: {  	_ = 	snop  }
0x5: {  	_ = 	snop  }
0x6: {  	_ = 	snop  }
0x7: {  	_ = 	snop  }
__scs_overlays_trampoline_lowered:
0x8: {  	[smem:$0x3FAE] =	sst s0  }
0x9: {  	[smem:$0x3FAF] =	sst s1  }
0xa: {  	[smem:$0x3FB0] =	sst s2  }
0xb: {  	[smem:$0x3FB1] =	sst s3  }
0xc: {  	[smem:$0x3FB2] =	sst s4  }
0xd: {  	[smem:$0x3FB3] =	sst s5  }
0xe: {  	[smem:$0x3FB4] =	sst s6  }
0xf: {  	[smem:$0x3FB5] =	sst s7  }
0x10: {  	[smem:$0x3FB6] =	sst s8  }
0x11: {  	[smem:$0x3FB7] =	sst s9;
	s0 =	simm.s32 @!p0 $0x0  }
0x12: {  	s1 =	sld [smem:$0x3F9D];
	s0 =	simm.s32 @p0 $0x1  }
0x13: {  	[smem:$0x3FB8] =	sst s0;
	s0 =	simm.s32 @!p1 $0x0  }
0x14: {  	s2 =	sld [smem:$0x3F9C];
	s0 =	simm.s32 @p1 $0x1  }
0x15: {  	[smem:$0x3FB9] =	sst s0;
	s0 =	simm.s32 @!p2 $0x0  }
0x16: {  	s3 =	sld [smem:$0x3FDB];
	s0 =	simm.s32 @p2 $0x1  }
0x17: {  	s4 =	simm.s32 $0x1BF5;
	[smem:$0x3FBB] =	sst s0  }
0x18: {  	s0 =	sld [smem:$0x3F9E];
	_ =	swait.ge [sflag:s4], $0x0  }
0x19: {  	s7 =	sld [smem:$0x3F9F]  }
0x1a: {  	s8 =	sadd.s32 $0xFFFFE003, lr  }
0x1b: {  	s9 =	sadd.s32 $0xFFFFFEF7, lr;
	s5 =	simm.s32 $0xFFFFFFFF;
	p2 =	slt.u32 s8, $0xFFFFF086  }
0x1c: {  	p1 =	slt.u32 s9, $0xF7A;
	s5 =	simm.s32 @!p2 $0x0  }
0x1d: {  	s5 =	simm.s32 @p1 $0x1;
	p0 =	seq.s32 s7, s2  }
0x1e: {  	s7 =	smul.u32 @!p0 $0xF7A, s2;
	p2 =	seq.s32 @!p0 s5, $0x0  }
0x1f: {  	s9 =	smul.u32 $0xF7A, s1;
	s8 =	simm.s32 @!p0 $0x1BF5;
	p2 =	por !p2, p0  }
0x20: {  	[sflag:s8] =	ssyncset.s32 @!p0 $0xFFFFF086;
	s6 =	sadd.s32 @!p0 s3, s7;
	s7 =	simm.s32 @!p0 $0x108  }
0x21: {  	s3 =	sadd.s32 s3, s9;
	s6 =	sadd.s32 @!p0 $0x88, s6;
	s7 =	simm.s32 @p2 $0x1082  }
0x22: {  	[simem:s7], [sflag:s8] =	dma.local @!p0 [hbm:s6], $0xF7A  }
0x23: {  	s9 =	sor.u32 $0xD0000000, s2;
	s6 =	simm.s32 $0x108;
	_ =	swait.ge @!p0 [sflag:s8], $0x0  }
0x24: {  	s3 =	sadd.s32 $0x88, s3;
	s6 =	simm.s32 @!p1 $0x1082;
	[sflag:s4] =	ssyncset.s32 $0xFFFFF086  }
0x25: {  	[simem:s6], [sflag:s4] =	dma.local [hbm:s3], $0xF7A  }
0x26: {  	[smem:$0x3F9F] =	sst s1;
	(tag) =	ssettag s2;
	_ =	strace s9  }
0x27: {  	s1 =	sld [smem:$0x3FAF]  }
0x28: {  	s2 =	sld [smem:$0x3FB0]  }
0x29: {  	s4 =	sld [smem:$0x3FB2]  }
0x2a: {  	p0 =	seq.s32 s5, $0x0;
	s5 =	sld [smem:$0x3FB3]  }
0x2b: {  	s6 =	sld [smem:$0x3FB4]  }
0x2c: {  	s7 =	sld [smem:$0x3FB5]  }
0x2d: {  	s3 =	simm.s32 $0x108;
	s8 =	sld [smem:$0x3FB6]  }
0x2e: {  	s3 =	simm.s32 @!p0 $0x1082;
	s9 =	sld [smem:$0x3FB7]  }
0x2f: {  	lr =	sadd.s32 s0, s3;
	s0 =	sld [smem:$0x3FAE]  }
0x30: {  	s3 =	sld [smem:$0x3FB1]  }
0x31: {  	[smem:$0x3FBA] =	sst s10  }
0x32: {  	s10 =	sld [smem:$0x3FB8];
	_ =	sdelay $0x3  }
0x33: {  	p0 =	seq.s32 s10, $0x1;
	s10 =	sld [smem:$0x3FBA];
	_ =	sdelay $0x3  }
0x34: {  	[smem:$0x3FBA] =	sst s10  }
0x35: {  	s10 =	sld [smem:$0x3FB9];
	_ =	sdelay $0x3  }
0x36: {  	p1 =	seq.s32 s10, $0x1;
	s10 =	sld [smem:$0x3FBA];
	_ =	sdelay $0x3  }
0x37: {  	[smem:$0x3FBA] =	sst s10  }
0x38: {  	s10 =	sld [smem:$0x3FBB]  }
0x39: {  	_ = 	snop;
	(pc) =	sbr.ind lr, $3  }
0x3a: {  	_ = 	snop  }
0x3b: {  	_ = 	snop  }
0x3c: {  	p2 =	seq.s32 s10, $0x1;
	s10 =	sld [smem:$0x3FBA]  }
0x3d: {  	_ =	shalt  }
0x3e: {  	_ =	shalt  }
0x3f: {  	_ =	shalt  }
0x40: {  	_ =	shalt  }
0x41: {  	_ =	shalt  }
0x42: {  	_ =	shalt  }
0x43: {  	_ =	shalt  }
0x44: {  	_ =	shalt  }
0x45: {  	_ =	shalt  }
0x46: {  	_ =	shalt  }
0x47: {  	_ =	shalt  }
0x48: {  	_ =	shalt  }
0x49: {  	_ =	shalt  }
0x4a: {  	_ =	shalt  }
0x4b: {  	_ =	shalt  }
0x4c: {  	_ =	shalt  }
0x4d: {  	_ =	shalt  }
0x4e: {  	_ =	shalt  }
0x4f: {  	_ =	shalt  }
0x50: {  	_ =	shalt  }
0x51: {  	_ =	shalt  }
0x52: {  	_ =	shalt  }
0x53: {  	_ =	shalt  }
0x54: {  	_ =	shalt  }
0x55: {  	_ =	shalt  }
0x56: {  	_ =	shalt  }
0x57: {  	_ =	shalt  }
0x58: {  	_ =	shalt  }
0x59: {  	_ =	shalt  }
0x5a: {  	_ =	shalt  }
0x5b: {  	_ =	shalt  }
0x5c: {  	_ =	shalt  }
0x5d: {  	_ =	shalt  }
0x5e: {  	_ =	shalt  }
0x5f: {  	_ =	shalt  }
0x60: {  	_ =	shalt  }
0x61: {  	_ =	shalt  }
0x62: {  	_ =	shalt  }
0x63: {  	_ =	shalt  }
0x64: {  	_ =	shalt  }
0x65: {  	_ =	shalt  }
0x66: {  	_ =	shalt  }
0x67: {  	_ =	shalt  }
0x68: {  	_ =	shalt  }
0x69: {  	_ =	shalt  }
0x6a: {  	_ =	shalt  }
0x6b: {  	_ =	shalt  }
0x6c: {  	_ =	shalt  }
0x6d: {  	_ =	shalt  }
0x6e: {  	_ =	shalt  }
0x6f: {  	_ =	shalt  }
0x70: {  	_ =	shalt  }
0x71: {  	_ =	shalt  }
0x72: {  	_ =	shalt  }
0x73: {  	_ =	shalt  }
0x74: {  	_ =	shalt  }
0x75: {  	_ =	shalt  }
0x76: {  	_ =	shalt  }
0x77: {  	_ =	shalt  }
0x78: {  	_ =	shalt  }
0x79: {  	_ =	shalt  }
0x7a: {  	_ =	shalt  }
0x7b: {  	_ =	shalt  }
0x7c: {  	_ =	shalt  }
0x7d: {  	_ =	shalt  }
0x7e: {  	_ =	shalt  }
0x7f: {  	_ =	shalt  }
0x80: {  	_ =	shalt  }
0x81: {  	_ =	shalt  }
0x82: {  	_ =	shalt  }
0x83: {  	_ =	shalt  }
0x84: {  	_ =	shalt  }
0x85: {  	_ =	shalt  }
0x86: {  	_ =	shalt  }
0x87: {  	_ =	shalt  }
.Lfunc_end0:
.L_simem_size_0:
called_computation_lowered:
.L_overlay_start_0:
0x88: {  	s2 =	sld [smem:$0x3FD9]  }
0x89: {  	s3 =	sld [smem:$0x3FFE];
	_ =	sdelay $0x1  }
0x8a: {  	s1 =	srdreg.scid  }
0x8b: {  	s0 =	sand.u32 $0x1, s1  }
0x8c: {  	s17 =	sshll.u32 s0, $0xA;
	s2 =	sadd.s32 s3, s2  }
0x8d: {  	s2 =	sadd.s32 s2, s17  }
0x8e: {  	[smem:$0x3FC6] =	sst s2  }
0x8f: {  	_ = 	snop  }
0x90: {  	s2 =	sld [smem:$0x3FC9]  }
0x91: {  	s18 =	sld [smem:$0x3FD0];
	(tm) =	ssettm $0x1  }
0x92: {  	s4 =	sld [smem:$0x3FFB];
	_ =	sdelay $0x3  }
0x93: {  	_ =	strace s4  }
0x94: {  	s4 =	sld [smem:$0x3FFC];
	_ =	sdelay $0x3  }
0x95: {  	_ =	strace s4  }
0x96: {  	s4 =	sld [smem:$0x3FFD];
	_ =	sdelay $0x3  }
0x97: {  	_ =	strace s4  }
0x98: {  	_ =	strace $0x8FFFFFFF  }
0x99: {  	s19 =	sld [smem:$0x3FDB];
	_ =	sdelay $0x1  }
0x9a: {  	s5 =	simm.s32 $_scs_section_size  }
0x9b: {  	s6 =	simm.s32 $_size__tile_overlayer_lowered;
	s7 =	simm.s32 $_tile_overlayer_lowered  }
0x9c: {  	s22 =	simm.s32 $0x1BFF;
	s21 =	sshll.u32 s7, $0x1;
	s4 =	sadd.s32 s5, s19  }
0x9d: {  	s8 =	simm.s32 $0x0;
	s20 =	sshll.u32 s6, $0x1;
	s6 =	sadd.s32 s21, s4  }
0x9e: {  	[timem:s8], [sflag:s22] =	dma.local [hbm:s6], s20  }
0x9f: {  	_ =	swait.ge [sflag:s22], s20  }
0xa0: {  	s5 =	ssub.s32 $0x0, s20;
	[sflag:s22] =	ssyncset.done $0x0  }
0xa1: {  	[sflag:s22] =	ssyncadd.s32 s5;
	_ =	sdelay $0x1  }
0xa2: {  	s23 =	simm.s32 $0x1B8B  }
0xa3: {  	_ =	swait.ge [sflag:s23], $0x1  }
0xa4: {  	[sflag:s23] =	ssyncset.done $0x0  }
0xa5: {  	s25 =	simm.s32 $0x1B8E;
	s24 =	sld [smem:$0x3FFE];
	[sflag:s23] =	ssyncadd.s32 $0xFFFFFFFF  }
0xa6: {  	s26 =	simm.s32 $execute0_lowered;
	[smem:$0x3FD2] =	sst s25  }
0xa7: {  	s6 =	sshll.u32 s26, $0x1;
	_ =	strace $0x80000046;
	[dreg:$0x1] =	wrdreg $0xFFFFFFFF  }
0xa8: {  	s28 =	simm.s32 $_size_execute0_lowered;
	s4 =	sadd.s32 s4, s6;
	[dreg:$0x0] =	wrdreg $0x0  }
0xa9: {  	s6 =	sshll.u32 s28, $0x1;
	[dreg:$0x2] =	wrdreg s4  }
0xaa: {  	[dreg:$0x3] =	wrdreg s6  }
0xab: {  	[dreg:$0x4] =	wrdreg $0xC0  }
0xac: {  	_ =	task [dreg:s8], $0x5FFFF  }
0xad: {  	[dreg:$0x1] =	wrdreg $0xFFFFFFFF  }
0xae: {  	[dreg:$0x0] =	wrdreg $0x60  }
0xaf: {  	[dreg:$0x2] =	wrdreg s2  }
0xb0: {  	[dreg:$0x3] =	wrdreg s24  }
0xb1: {  	[dreg:$0x4] =	wrdreg s18  }
0xb2: {  	[dreg:$0x5] =	wrdreg $0x9  }
0xb3: {  	_ =	task.clear_ibuf [dreg:s8], $0x6FFFF;
	_ =	strace $0x90000046  }
0xb4: {  	s29 =	simm.s32 $0x9;
	_ =	strace $0x80000048  }
0xb5: {  	_ =	swait.ge [sflag:s29], $0x1  }
0xb6: {  	[sflag:s29] =	ssyncadd.s32 $0xFFFFFFFF  }
0xb7: {  	_ =	strace $0x90000048  }
0xb8: {  	_ =	sfence  }
0xb9: {  	s30 =	sld [smem:$0x0];
	_ =	sdelay $0x2  }
0xba: {  	s31 =	sshll.u32 s1, $0xD;
	s1 =	sshrl.u32 s1, $0x2  }
0xbb: {  	s3 =	sand.u32 $0x4000, s31;
	s1 =	sadd.s32 s1, s30  }
0xbc: {  	s0 =	sor.u32 s3, s0;
	s1 =	sshll.u32 s1, $0x11  }
0xbd: {  	s0 =	sor.u32 s1, s0  }
0xbe: {  	s0 =	sadd.s32 $0x8F2B, s0  }
0xbf: {  	[sflag:s0] =	ssyncadd.remote.s32 $0x1  }
0xc0: {  	_ =	sfence.sel $0xFFFF  }
0xc1: {  	[dreg:$0x0] =	wrdreg $0xFFFFFFFF;
	(pc) =	sbr.abs _section_cstart, $3  }
0xc2: {  	[dreg:$0x1] =	wrdreg $0xFFFFFFFF  }
0xc3: {  	_ =	task.clear_ibuf [dreg:s8], $0x2FFFF;
	_ =	strace $0x9FFFFFFF  }
0xc4: {  	(tm) =	ssettm $0x7FFFFFFF  }
0xc5: {  	_ =	shalt  }
tec
execute0_lowered:
.L_overlay_start_1:
0x0: {  	(tag) =	ssettag $0x1  }
0x1: {  	s0 =	srdreg.scid;
	s1 =	stileid.u32  }
0x2: {  	s0 =	sand.u32 $0x1, s0;
	s1 =	sshll.u32 s1, $0x1  }
0x3: {  	s6 =	rddreg [dreg:$0x0];
	s1 =	sor.u32 s0, s1  }
0x4: {  	s28 =	rddreg [dreg:$0x1];
	s5 =	simm.s32 $0x0;
	s7 =	smul.u32 $0xC, s1  }
0x5: {  	[smem:$0x7FF] =	sst s5  }
0x6: {  	s3 =	ssub.s32 $0x2, s0;
	s0 =	sshll.u32 s0, $0xC;
	s2 =	sshrl.u32 s7, $0x3  }
0x7: {  	s4 =	sshrl.u32 s3, $0x1;
	s1 =	sadd.s32 $0x400, s28;
	s2 =	smul.u32 $0x24000, s2  }
0x8: {  	_ =	strace $0x80000047;
	[smem:$0x7F7] =	sst s1;
	s29 =	ssub.s32 s3, s4  }
0x9: {  	[smem:$0x7F8] =	sst s7;
	s30 =	sor.u32 $0x1, s7;
	s0 =	sor.u32 s0, s2  }
0xa: {  	s1 =	smax.u32 s29, $0x1;
	[smem:$0x7F9] =	sst s30;
	s0 =	sshrl.u32 s0, $0x3  }
0xb: {  	[smem:$0x7FA] =	sst s1;
	s0 =	sadd.s32 s6, s0  }
0xc: {  	s31 =	sadd.s32 $0x1800, s0;
	[smem:$0x7FC] =	sst s0  }
0xd: {  	s3 =	simm.s32 $0x2000;
	s0 =	sadd.s32 $0x3000, s0;
	[smem:$0x7FB] =	sst s31  }
0xe: {  	s4 =	simm.s32 $0x0;
	s2 =	simm.s32 $0x400;
	[smem:$0x7FD] =	sst s0  }
.LBB2_1:
0xf: {  	s0 =	sld [smem:$0x7F7];
	_ =	sdelay $0x1  }
0x10: {  	[smem:$0x7F6] =	sst s4;
	s25 =	simm.s32 $0x5  }
0x11: {  	[tilespmem:s5], [sflag:$0x5] =	stream.linear.gather [hbm4b:s0+s5], $0x780, $0x38;
	[tilespmem:$0x1CF80] =	vst v63  }
0x12: {  	_ =	swait.ge [sflag:s25], $0x780  }
0x13: {  	s26 =	sld [smem:$0x7FC]  }
0x14: {  	[sflag:s25] =	ssyncset.done $0x0  }
0x15: {  	s1 =	simm.s32 $0x780;
	s28 =	sld [smem:$0x7FB];
	[sflag:s25] =	ssyncadd.s32 $0xFFFFF880  }
0x16: {  	[tilespmem:s1], [sflag:$0x1] =	stream.strided.gather [hbm4b:s26+s2], $0xC00, s3, s2, $0x38;
	[tilespmem:$0x1CF80] =	vst v63  }
0x17: {  	s29 =	simm.s32 $0x1380;
	s30 =	sld [smem:$0x7FD]  }
0x18: {  	[tilespmem:s29], [sflag:$0x1] =	stream.strided.gather [hbm4b:s28+s2], $0xC00, s3, s2, $0x38;
	[tilespmem:$0x1CF80] =	vst v63  }
0x19: {  	s31 =	simm.s32 $0x1F80;
	s6 =	simm.s32 $0x0  }
0x1a: {  	[tilespmem:s31], [sflag:$0x1] =	stream.strided.gather [hbm4b:s30+s2], $0xC00, s3, s2, $0x38;
	[tilespmem:$0x1CF80] =	vst v63  }
.LBB2_2:
0x1b: {  	s0 =	sld [smem:$0x7F8];
	_ =	sdelay $0x2  }
0x1c: {  	s0 =	sadd.s32 s0, s6  }
0x1d: {  	s1 =	sshrl.u32 s0, $0x3  }
0x1e: {  	s0 =	sshll.u32 s0, $0xA;
	[smem:$0x7F3] =	sst s1;
	s1 =	smul.u32 $0x24000, s1  }
0x1f: {  	s0 =	sand.u32 $0x1C00, s0  }
0x20: {  	[smem:$0x7F4] =	sst s0;
	s0 =	sor.u32 s0, s1  }
0x21: {  	s0 =	sadd.s32 $0x6000, s0  }
0x22: {  	s17 =	rddreg [dreg:$0x0];
	s0 =	sshrl.u32 s0, $0x3  }
0x23: {  	s18 =	simm.s32 $0x2B80;
	s0 =	sadd.s32 s17, s0  }
0x24: {  	[tilespmem:s18], [sflag:$0x2] =	stream.strided.gather [hbm4b:s0+s2], $0xC00, s3, s2, $0x38;
	[tilespmem:$0x1CF80] =	vst v63  }
0x25: {  	s4 =	simm.s32 $0x3780;
	s19 =	sadd.s32 $0x1800, s0  }
0x26: {  	[tilespmem:s4], [sflag:$0x2] =	stream.strided.gather [hbm4b:s19+s2], $0xC00, s3, s2, $0x38;
	[tilespmem:$0x1CF80] =	vst v63  }
0x27: {  	s20 =	simm.s32 $0x4380;
	s21 =	simm.s32 $0x1;
	s0 =	sadd.s32 $0x3000, s0  }
0x28: {  	[tilespmem:s20], [sflag:$0x2] =	stream.strided.gather [hbm4b:s0+s2], $0xC00, s3, s2, $0x38;
	[tilespmem:$0x1CF80] =	vst v63  }
0x29: {  	_ =	swait.ge [sflag:s21], $0x2400  }
0x2a: {  	p0 =	seq.s32 s6, $0x0;
	s22 =	simm.s32 $0x0;
	[sflag:s21] =	ssyncset.done $0x0  }
0x2b: {  	s0 =	simm.s32 @!p0 $0x3;
	[smem:$0x7F5] =	sst s6;
	[sflag:s21] =	ssyncadd.s32 $0xFFFFDC00  }
0x2c: {  	s28 =	sand.u32 $0xF80, s22;
	_ =	swait.ge @!p0 [sflag:s0], $0xC000  }
0x2d: {  	s15 =	sand.u32 $0x60, s22;
	s23 =	sadd.s32 $0xC00, s28;
	[sflag:s0] =	ssyncset.done @!p0 $0x0  }
0x2e: {  	s24 =	sor.u32 s15, s23;
	[sflag:s0] =	ssyncadd.s32 @!p0 $0xFFFF4000  }
0x2f: {  	s25 =	simm.s32 $0x780;
	v0 =	vld [tilespmem:s24+$0x780]  }
0x30: {  	s26 =	sadd.s32 $0x1800, s28;
	v1 =	vld [tilespmem:s25+$0x0]  }
0x31: {  	s30 =	sor.u32 s15, s26  }
0x32: {  	v3 =	vld [tilespmem:s30+$0x780];
	_ =	sdelay $0x1  }
0x33: {  	s20 =	sor.u32 $0x10, s15;
	vm0 =	vgt.s32 v0, $0xFFFFFFDA  }
0x34: {  	s11 =	sor.u32 s20, s23;
	vm1 =	vgt.s32 v1, $0xFFFFFFDA;
	v0 =	vnsel vm0, $0xFFFFFFDA, v0  }
0x35: {  	s12 =	sor.u32 s28, s20;
	v4 =	vld [tilespmem:s11+$0x780];
	v1 =	vnsel vm1, $0xFFFFFFDA, v1;
	vm0 =	vlt.s32 v0, $0x26  }
0x36: {  	v5 =	vld [tilespmem:s12+$0x780];
	vm5 =	vgt.s32 v3, $0xFFFFFFDA;
	vm1 =	vlt.s32 v1, $0x26;
	v2 =	vnsel vm0, $0x26, v0  }
0x37: {  	s2 =	sor.u32 s20, s26;
	v6 =	vnsel vm1, $0x26, v1;
	v0 =	vnsel vm5, $0xFFFFFFDA, v3;
	v1 =	vadd.s32 $0x73, v2  }
0x38: {  	v3 =	vld [tilespmem:s2+$0x780];
	v7 =	vadd.s32 $0x26, v6;
	vm0 =	vlt.s32 v0, $0x26  }
0x39: {  	v0 =	vnsel vm0, $0x26, v0  }
0x3a: {  	vm6 =	vgt.s32 v4, $0xFFFFFFDA;
	v8 =	vadd.s32 $0xC0, v0  }
0x3b: {  	vm7 =	vgt.s32 v5, $0xFFFFFFDA;
	v4 =	vnsel vm6, $0xFFFFFFDA, v4  }
0x3c: {  	v5 =	vnsel vm7, $0xFFFFFFDA, v5;
	vm8 =	vlt.s32 v4, $0x26;
	v9 =	vld.idx.msk [tilespmem:v1+s5+$0x0], $0xffff  }
0x3d: {  	vm10 =	vlt.s32 v5, $0x26;
	vm9 =	vgt.s32 v3, $0xFFFFFFDA;
	v1 =	vnsel vm8, $0x26, v4;
	v4 =	vld.idx.msk [tilespmem:v7+s5+$0x0], $0xffff  }
0x3e: {  	v10 =	vnsel vm10, $0x26, v5;
	v3 =	vnsel vm9, $0xFFFFFFDA, v3;
	v7 =	vadd.s32 $0x73, v1  }
0x3f: {  	vm0 =	vlt.s32 v3, $0x26;
	v5 =	vld.idx.msk [tilespmem:v8+s5+$0x0], $0xffff;
	v8 =	vadd.s32 $0x26, v10  }
0x40: {  	v13 =	vnsel vm0, $0x26, v3  }
0x41: {  	v3 =	vadd.s32 $0xC0, v13  }
0x42: {  	v4 =	vadd.bf16 v9, v4  }
0x43: {  	v7 =	vld.idx.msk [tilespmem:v7+s5+$0x0], $0xffff  }
0x44: {  	s13 =	simm.s32 $0x20;
	s17 =	simm.s32 $0x7A0;
	v4 =	vadd.bf16 v5, v4;
	v5 =	vld.idx.msk [tilespmem:v8+s5+$0x0], $0xffff;
	v8 =	vadd.s32 $0x10D, v6  }
0x45: {  	s4 =	sand.u32 $0x60, s13;
	v14 =	vld [tilespmem:s17+$0x0];
	v9 =	vadd.s32 $0x15A, v2  }
0x46: {  	s7 =	simm.s32 $0x4F80;
	s14 =	sand.u32 $0xF80, s13;
	s17 =	sor.u32 $0x10, s4;
	v3 =	vld.idx.msk [tilespmem:v3+s5+$0x0], $0xffff;
	v12 =	vunpack.i.l.bf16.f32 v4  }
0x47: {  	s19 =	sor.u32 s14, s17;
	v11 =	vadd.s32 $0x1A7, v0;
	v4 =	vunpack.i.u.bf16.f32 v4;
	[tilespmem:s7+$0x0] =	vst v12  }
0x48: {  	v17 =	vld [tilespmem:s19+$0x780];
	[tilespmem:s24+$0x4F80] =	vst v4  }
0x49: {  	s9 =	sadd.s32 $0x1800, s14;
	v4 =	vld.idx.msk [tilespmem:v8+s5+$0x0], $0xffff;
	v5 =	vadd.bf16 v7, v5  }
0x4a: {  	s0 =	sor.u32 s17, s9;
	v7 =	vld.idx.msk [tilespmem:v9+s5+$0x0], $0xffff  }
0x4b: {  	s16 =	sadd.s32 $0xC00, s14;
	v19 =	vld [tilespmem:s0+$0x780];
	v8 =	vadd.s32 $0x10D, v10;
	v3 =	vadd.bf16 v3, v5  }
0x4c: {  	s8 =	sor.u32 s4, s16;
	v9 =	vld.idx.msk [tilespmem:v11+s5+$0x0], $0xffff;
	v5 =	vadd.s32 $0x15A, v1  }
0x4d: {  	v11 =	vld [tilespmem:s8+$0x780];
	v12 =	vunpack.i.l.bf16.f32 v3  }
0x4e: {  	s18 =	sor.u32 s4, s9;
	v15 =	vadd.s32 $0x1A7, v13;
	v3 =	vunpack.i.u.bf16.f32 v3;
	[tilespmem:s12+$0x4F80] =	vst v12  }
0x4f: {  	[tilespmem:s11+$0x4F80] =	vst v3;
	v3 =	vadd.bf16 v7, v4;
	v4 =	vld [tilespmem:s18+$0x780]  }
0x50: {  	vm15 =	vgt.s32 v17, $0xFFFFFFDA;
	v7 =	vld.idx.msk [tilespmem:v8+s5+$0x0], $0xffff  }
0x51: {  	vm12 =	vgt.s32 v14, $0xFFFFFFDA;
	v17 =	vnsel vm15, $0xFFFFFFDA, v17;
	v8 =	vld.idx.msk [tilespmem:v5+s5+$0x0], $0xffff  }
0x52: {  	vm5 =	vgt.s32 v19, $0xFFFFFFDA;
	v16 =	vadd.s32 $0x241, v2;
	vm11 =	vgt.s32 v11, $0xFFFFFFDA  }
0x53: {  	s6 =	sor.u32 s17, s16;
	v5 =	vnsel vm12, $0xFFFFFFDA, v14;
	v9 =	vadd.bf16 v9, v3;
	v3 =	vnsel vm11, $0xFFFFFFDA, v11;
	v11 =	vld.idx.msk [tilespmem:v15+s5+$0x0], $0xffff  }
0x54: {  	v12 =	vadd.s32 $0x1F4, v6;
	v14 =	vld [tilespmem:s6+$0x780];
	vm1 =	vlt.s32 v5, $0x26;
	vm0 =	vlt.s32 v3, $0x26  }
0x55: {  	v5 =	vnsel vm1, $0x26, v5;
	v15 =	vunpack.i.l.bf16.f32 v9;
	v3 =	vnsel vm0, $0x26, v3  }
0x56: {  	s10 =	sadd.s32 $0x7380, s28;
	vm13 =	vgt.s32 v4, $0xFFFFFFDA;
	v18 =	vadd.s32 $0x73, v3;
	v7 =	vadd.bf16 v8, v7  }
0x57: {  	s21 =	sor.u32 s15, s10;
	v9 =	vunpack.i.u.bf16.f32 v9;
	[tilespmem:s30+$0x4F80] =	vst v15;
	v4 =	vnsel vm13, $0xFFFFFFDA, v4;
	v8 =	vadd.s32 $0x26, v5  }
0x58: {  	v21 =	vadd.s32 $0x1F4, v10;
	[tilespmem:s21+$0x0] =	vst v9;
	vm0 =	vlt.s32 v4, $0x26;
	v7 =	vadd.bf16 v11, v7  }
0x59: {  	v22 =	vadd.s32 $0x28E, v0;
	vm14 =	vgt.s32 v14, $0xFFFFFFDA;
	v12 =	vld.idx.msk [tilespmem:v12+s5+$0x0], $0xffff;
	v4 =	vnsel vm0, $0x26, v4  }
0x5a: {  	v14 =	vnsel vm14, $0xFFFFFFDA, v14;
	v16 =	vld.idx.msk [tilespmem:v16+s5+$0x0], $0xffff;
	v11 =	vadd.s32 $0xC0, v4;
	v9 =	vunpack.i.l.bf16.f32 v7  }
0x5b: {  	s22 =	sor.u32 s20, s10;
	v15 =	vadd.s32 $0x241, v1;
	vm4 =	vlt.s32 v14, $0x26;
	v18 =	vld.idx.msk [tilespmem:v18+s5+$0x0], $0xffff;
	v23 =	vunpack.i.u.bf16.f32 v7;
	[tilespmem:s2+$0x4F80] =	vst v9  }
0x5c: {  	vm6 =	vlt.s32 v17, $0x26;
	v20 =	vadd.s32 $0x28E, v13;
	v7 =	vnsel vm4, $0x26, v14;
	v24 =	vld.idx.msk [tilespmem:v8+s5+$0x0], $0xffff;
	[tilespmem:s22+$0x0] =	vst v23  }
0x5d: {  	v8 =	vnsel vm5, $0xFFFFFFDA, v19;
	v14 =	vadd.s32 $0x73, v7;
	v9 =	vnsel vm6, $0x26, v17;
	v17 =	vld.idx.msk [tilespmem:v21+s5+$0x0], $0xffff  }
0x5e: {  	vm0 =	vlt.s32 v8, $0x26;
	v19 =	vadd.s32 $0x26, v9;
	v21 =	vld.idx.msk [tilespmem:v22+s5+$0x0], $0xffff  }
0x5f: {  	v8 =	vnsel vm0, $0x26, v8;
	v11 =	vld.idx.msk [tilespmem:v11+s5+$0x0], $0xffff  }
0x60: {  	v15 =	vld.idx.msk [tilespmem:v15+s5+$0x0], $0xffff;
	v22 =	vadd.s32 $0xC0, v8  }
0x61: {  	v12 =	vadd.bf16 v16, v12;
	v20 =	vld.idx.msk [tilespmem:v20+s5+$0x0], $0xffff  }
0x62: {  	v18 =	vadd.bf16 v18, v24;
	v14 =	vld.idx.msk [tilespmem:v14+s5+$0x0], $0xffff  }
0x63: {  	v16 =	vld.idx.msk [tilespmem:v19+s5+$0x0], $0xffff;
	v12 =	vadd.bf16 v21, v12  }
0x64: {  	s24 =	sadd.s32 $0x7F80, s28;
	v11 =	vadd.bf16 v11, v18;
	v18 =	vadd.s32 $0x10D, v5  }
0x65: {  	s25 =	sor.u32 s15, s24;
	v19 =	vadd.s32 $0x15A, v3;
	v15 =	vadd.bf16 v15, v17;
	v22 =	vld.idx.msk [tilespmem:v22+s5+$0x0], $0xffff;
	v17 =	vunpack.i.l.bf16.f32 v12  }
0x66: {  	s23 =	simm.s32 $0x4FA0;
	v21 =	vadd.s32 $0x1A7, v4;
	v23 =	vunpack.i.l.bf16.f32 v11;
	[tilespmem:s25+$0x0] =	vst v17  }
0x67: {  	s26 =	sadd.s32 $0x8B80, s28;
	v15 =	vadd.bf16 v20, v15;
	v20 =	vadd.s32 $0x328, v1;
	v11 =	vunpack.i.u.bf16.f32 v11;
	[tilespmem:s23+$0x0] =	vst v23  }
0x68: {  	s30 =	sor.u32 s15, s26;
	v12 =	vunpack.i.u.bf16.f32 v12;
	v17 =	vadd.s32 $0x2DB, v6;
	v14 =	vadd.bf16 v14, v16;
	[tilespmem:s8+$0x4F80] =	vst v11  }
0x69: {  	s2 =	sor.u32 s20, s24;
	[tilespmem:s30+$0x0] =	vst v12;
	v12 =	vunpack.i.l.bf16.f32 v15;
	v11 =	vadd.s32 $0x328, v2;
	v18 =	vld.idx.msk [tilespmem:v18+s5+$0x0], $0xffff  }
0x6a: {  	v15 =	vunpack.i.u.bf16.f32 v15;
	s8 =	sor.u32 s20, s26;
	[tilespmem:s2+$0x0] =	vst v12;
	v16 =	vld.idx.msk [tilespmem:v19+s5+$0x0], $0xffff;
	v19 =	vadd.s32 $0x10D, v9;
	v14 =	vadd.bf16 v22, v14  }
0x6b: {  	v12 =	vadd.s32 $0x15A, v7;
	v21 =	vld.idx.msk [tilespmem:v21+s5+$0x0], $0xffff;
	[tilespmem:s8+$0x0] =	vst v15  }
0x6c: {  	v15 =	vadd.s32 $0x2DB, v10;
	v20 =	vld.idx.msk [tilespmem:v20+s5+$0x0], $0xffff;
	v22 =	vunpack.i.l.bf16.f32 v14  }
0x6d: {  	v23 =	vadd.s32 $0x1A7, v8;
	v14 =	vunpack.i.u.bf16.f32 v14;
	v17 =	vld.idx.msk [tilespmem:v17+s5+$0x0], $0xffff;
	[tilespmem:s19+$0x4F80] =	vst v22  }
0x6e: {  	v11 =	vld.idx.msk [tilespmem:v11+s5+$0x0], $0xffff;
	[tilespmem:s6+$0x4F80] =	vst v14  }
0x6f: {  	s12 =	simm.s32 $0x40;
	v22 =	vadd.s32 $0x375, v13;
	v16 =	vadd.bf16 v16, v18;
	v14 =	vld.idx.msk [tilespmem:v19+s5+$0x0], $0xffff  }
0x70: {  	s21 =	sand.u32 $0xF80, s12;
	v12 =	vld.idx.msk [tilespmem:v12+s5+$0x0], $0xffff  }
0x71: {  	s16 =	sand.u32 $0x60, s12;
	s19 =	sadd.s32 $0x1800, s21;
	v18 =	vadd.s32 $0x1F4, v5;
	v15 =	vld.idx.msk [tilespmem:v15+s5+$0x0], $0xffff;
	v16 =	vadd.bf16 v21, v16  }
0x72: {  	s1 =	sor.u32 s16, s19;
	v19 =	vadd.s32 $0x241, v3;
	v23 =	vld.idx.msk [tilespmem:v23+s5+$0x0], $0xffff  }
0x73: {  	s9 =	sadd.s32 $0x7380, s14;
	v26 =	vld [tilespmem:s1+$0x780];
	v21 =	vunpack.i.l.bf16.f32 v16  }
0x74: {  	s10 =	sor.u32 s4, s9;
	s11 =	simm.s32 $0x7C0;
	v22 =	vld.idx.msk [tilespmem:v22+s5+$0x0], $0xffff;
	v16 =	vunpack.i.u.bf16.f32 v16;
	[tilespmem:s18+$0x4F80] =	vst v21  }
0x75: {  	v21 =	vld [tilespmem:s11+$0x0];
	[tilespmem:s10+$0x0] =	vst v16  }
0x76: {  	s13 =	sadd.s32 $0xC00, s21;
	v16 =	vld.idx.msk [tilespmem:v18+s5+$0x0], $0xffff  }
0x77: {  	s2 =	sor.u32 s16, s13;
	v12 =	vadd.bf16 v12, v14;
	v14 =	vld.idx.msk [tilespmem:v19+s5+$0x0], $0xffff;
	v18 =	vadd.s32 $0x28E, v4  }
0x78: {  	v30 =	vadd.s32 $0x45C, v13;
	v24 =	vadd.bf16 v11, v17;
	s18 =	sor.u32 $0x10, s16;
	v15 =	vadd.bf16 v20, v15;
	v19 =	vld [tilespmem:s2+$0x780]  }
0x79: {  	v17 =	vadd.s32 $0x28E, v8;
	s7 =	sor.u32 s18, s13;
	v11 =	vadd.bf16 v23, v12;
	v23 =	vadd.s32 $0x1F4, v9  }
0x7a: {  	vm11 =	vgt.s32 v26, $0xFFFFFFDA;
	s3 =	sor.u32 s21, s18;
	v12 =	vadd.s32 $0x241, v7;
	v20 =	vld [tilespmem:s7+$0x780];
	v22 =	vadd.bf16 v22, v15  }
0x7b: {  	v27 =	vld [tilespmem:s3+$0x780];
	v25 =	vunpack.i.l.bf16.f32 v11;
	v11 =	vunpack.i.u.bf16.f32 v11;
	vm7 =	vgt.s32 v21, $0xFFFFFFDA  }
0x7c: {  	s22 =	sor.u32 s17, s9;
	[tilespmem:s0+$0x4F80] =	vst v25;
	v25 =	vadd.s32 $0x3C2, v10;
	v28 =	vunpack.i.l.bf16.f32 v22;
	v16 =	vadd.bf16 v14, v16;
	v18 =	vld.idx.msk [tilespmem:v18+s5+$0x0], $0xffff  }
0x7d: {  	s24 =	sor.u32 s18, s19;
	[tilespmem:s22+$0x0] =	vst v11;
	v14 =	vnsel vm7, $0xFFFFFFDA, v21;
	vm8 =	vgt.s32 v19, $0xFFFFFFDA;
	v21 =	vadd.s32 $0x375, v0  }
0x7e: {  	s23 =	sadd.s32 $0x9780, s28;
	v11 =	vadd.s32 $0x40F, v1;
	v23 =	vld.idx.msk [tilespmem:v23+s5+$0x0], $0xffff;
	[dreg:$0x10] =	wrdreg s24;
	vm9 =	vlt.s32 v14, $0x26;
	v19 =	vnsel vm8, $0xFFFFFFDA, v19  }
0x7f: {  	s26 =	sor.u32 s20, s23;
	vm10 =	vgt.s32 v20, $0xFFFFFFDA;
	v29 =	vld [tilespmem:s24+$0x780];
	v15 =	vnsel vm9, $0x26, v14;
	vm0 =	vlt.s32 v19, $0x26  }
0x80: {  	s25 =	sadd.s32 $0xA380, s28;
	vm12 =	vgt.s32 v27, $0xFFFFFFDA;
	[tilespmem:s26+$0x0] =	vst v28;
	v32 =	vld.idx.msk [tilespmem:v17+s5+$0x0], $0xffff;
	v14 =	vnsel vm0, $0x26, v19;
	v28 =	vadd.s32 $0x26, v15  }
0x81: {  	s30 =	sor.u32 s20, s25;
	v16 =	vadd.bf16 v18, v16;
	v18 =	vunpack.i.u.bf16.f32 v22;
	v22 =	vld.idx.msk [tilespmem:v12+s5+$0x0], $0xffff;
	v12 =	vnsel vm11, $0xFFFFFFDA, v26  }
0x82: {  	v27 =	vnsel vm12, $0xFFFFFFDA, v27;
	v21 =	vld.idx.msk [tilespmem:v21+s5+$0x0], $0xffff;
	[tilespmem:s30+$0x0] =	vst v18;
	v18 =	vadd.s32 $0x73, v14;
	vm1 =	vlt.s32 v12, $0x26  }
0x83: {  	v20 =	vnsel vm10, $0xFFFFFFDA, v20;
	vm0 =	vlt.s32 v27, $0x26;
	v25 =	vld.idx.msk [tilespmem:v25+s5+$0x0], $0xffff;
	v12 =	vnsel vm1, $0x26, v12  }
0x84: {  	vm13 =	vlt.s32 v20, $0x26;
	v17 =	vnsel vm0, $0x26, v27;
	v31 =	vld.idx.msk [tilespmem:v11+s5+$0x0], $0xffff;
	v33 =	vadd.s32 $0xC0, v12  }
0x85: {  	s6 =	sadd.s32 $0x7F80, s14;
	v19 =	vadd.s32 $0x328, v3;
	v27 =	vadd.s32 $0x26, v17;
	v11 =	vnsel vm13, $0x26, v20;
	v20 =	vld.idx.msk [tilespmem:v30+s5+$0x0], $0xffff  }
0x86: {  	s19 =	sor.u32 s4, s6;
	vm14 =	vgt.s32 v29, $0xFFFFFFDA;
	v26 =	vunpack.i.l.bf16.f32 v16;
	v22 =	vadd.bf16 v22, v23;
	v23 =	vld.idx.msk [tilespmem:v28+s5+$0x0], $0xffff  }
0x87: {  	s11 =	sadd.s32 $0x8B80, s14;
	v16 =	vunpack.i.u.bf16.f32 v16;
	v30 =	vadd.s32 $0x73, v11;
	[tilespmem:s19+$0x0] =	vst v26;
	v26 =	vnsel vm14, $0xFFFFFFDA, v29;
	v18 =	vld.idx.msk [tilespmem:v18+s5+$0x0], $0xffff  }
0x88: {  	s12 =	sor.u32 s4, s11;
	vm15 =	vlt.s32 v26, $0x26;
	v21 =	vadd.bf16 v21, v24;
	v24 =	vadd.s32 $0x3C2, v6  }
0x89: {  	[tilespmem:s12+$0x0] =	vst v16;
	v28 =	vadd.s32 $0x40F, v2;
	v16 =	vnsel vm15, $0x26, v26;
	v25 =	vadd.bf16 v31, v25;
	v26 =	vld.idx.msk [tilespmem:v33+s5+$0x0], $0xffff  }
0x8a: {  	s0 =	sor.u32 s15, s23;
	v19 =	vld.idx.msk [tilespmem:v19+s5+$0x0], $0xffff;
	v57 =	vadd.s32 $0xC0, v16;
	v29 =	vunpack.i.l.bf16.f32 v21;
	v22 =	vadd.bf16 v32, v22  }
0x8b: {  	s8 =	sor.u32 s15, s25;
	v27 =	vld.idx.msk [tilespmem:v27+s5+$0x0], $0xffff;
	v31 =	vadd.s32 $0x45C, v0;
	v21 =	vunpack.i.u.bf16.f32 v21;
	[tilespmem:s0+$0x0] =	vst v29;
	v20 =	vadd.bf16 v20, v25  }
0x8c: {  	s13 =	sadd.s32 $0xAF80, s28;
	s24 =	sor.u32 s17, s6;
	v25 =	vld.idx.msk [tilespmem:v30+s5+$0x0], $0xffff;
	[tilespmem:s8+$0x0] =	vst v21;
	v21 =	vadd.s32 $0x4A9, v10;
	v30 =	vunpack.i.l.bf16.f32 v22;
	v18 =	vadd.bf16 v18, v23  }
0x8d: {  	s10 =	sadd.s32 $0xBB80, s28;
	s22 =	sor.u32 s20, s13;
	v24 =	vld.idx.msk [tilespmem:v24+s5+$0x0], $0xffff;
	[tilespmem:s24+$0x0] =	vst v30;
	v29 =	vunpack.i.l.bf16.f32 v20;
	v23 =	vadd.s32 $0x375, v8  }
0x8e: {  	s23 =	sor.u32 s20, s10;
	v28 =	vld.idx.msk [tilespmem:v28+s5+$0x0], $0xffff;
	v20 =	vunpack.i.u.bf16.f32 v20;
	[tilespmem:s22+$0x0] =	vst v29;
	v29 =	vadd.s32 $0x328, v7;
	v18 =	vadd.bf16 v26, v18  }
0x8f: {  	s25 =	sor.u32 s17, s11;
	v58 =	vld.idx.msk [tilespmem:v57+s5+$0x0], $0xffff;
	[tilespmem:s23+$0x0] =	vst v20;
	v20 =	vunpack.i.u.bf16.f32 v22  }
0x90: {  	s0 =	simm.s32 $0x4FC0;
	v31 =	vld.idx.msk [tilespmem:v31+s5+$0x0], $0xffff;
	v26 =	vadd.s32 $0x10D, v15;
	[tilespmem:s25+$0x0] =	vst v20;
	v59 =	vunpack.i.l.bf16.f32 v18  }
0x91: {  	s26 =	sadd.s32 $0xC780, s28;
	v22 =	vadd.s32 $0x15A, v14;
	v34 =	vld.idx.msk [tilespmem:v21+s5+$0x0], $0xffff;
	v20 =	vunpack.i.u.bf16.f32 v18;
	[tilespmem:s0+$0x0] =	vst v59  }
0x92: {  	s9 =	smov.u32 s20;
	s30 =	sadd.s32 $0xF780, s28;
	s8 =	sor.u32 s15, s26;
	v18 =	vld.idx.msk [tilespmem:v23+s5+$0x0], $0xffff;
	[tilespmem:s2+$0x4F80] =	vst v20  }
0x93: {  	s11 =	sadd.s32 $0x10380, s28;
	s12 =	sor.u32 s15, s30;
	v30 =	vadd.s32 $0x1A7, v12;
	v20 =	vld.idx.msk [tilespmem:v29+s5+$0x0], $0xffff;
	[dreg:$0x13] =	wrdreg s8  }
0x94: {  	s31 =	sor.u32 s20, s30;
	s22 =	sor.u32 s15, s11;
	v21 =	vadd.s32 $0x4F6, v1;
	[dreg:$0x7] =	wrdreg s12  }
0x95: {  	s23 =	sadd.s32 $0xC780, s14;
	v23 =	vadd.s32 $0x543, v13;
	s2 =	sor.u32 s20, s11;
	v26 =	vld.idx.msk [tilespmem:v26+s5+$0x0], $0xffff;
	[dreg:$0x8] =	wrdreg s22  }
0x96: {  	s19 =	sor.u32 s20, s26;
	v25 =	vadd.bf16 v25, v27;
	s24 =	sor.u32 s17, s23;
	v22 =	vld.idx.msk [tilespmem:v22+s5+$0x0], $0xffff;
	[dreg:$0x6] =	wrdreg s2  }
0x97: {  	s25 =	sadd.s32 $0xF780, s14;
	s26 =	sor.u32 s4, s23;
	[dreg:$0xd] =	wrdreg s24  }
0x98: {  	s30 =	sadd.s32 $0x10380, s14;
	v25 =	vadd.bf16 v58, v25;
	v29 =	vadd.s32 $0x2DB, v5;
	s20 =	sor.u32 s4, s25;
	v30 =	vld.idx.msk [tilespmem:v30+s5+$0x0], $0xffff;
	[dreg:$0xc] =	wrdreg s26  }
0x99: {  	s22 =	sor.u32 s4, s30;
	v35 =	vld.idx.msk [tilespmem:v21+s5+$0x0], $0xffff;
	[dreg:$0x9] =	wrdreg s20  }
0x9a: {  	v27 =	vadd.s32 $0x2DB, v9;
	v21 =	vunpack.i.l.bf16.f32 v25;
	v23 =	vld.idx.msk [tilespmem:v23+s5+$0x0], $0xffff;
	[dreg:$0xb] =	wrdreg s22  }
0x9b: {  	s23 =	sadd.s32 $0x7F80, s21;
	s12 =	smov.u32 s14;
	s24 =	sor.u32 s17, s30;
	[tilespmem:s3+$0x4F80] =	vst v21  }
0x9c: {  	v24 =	vadd.bf16 v28, v24;
	s14 =	sor.u32 s17, s25;
	s25 =	sor.u32 s16, s23;
	[dreg:$0xa] =	wrdreg s24  }
0x9d: {  	v60 =	vadd.s32 $0x10D, v17;
	s26 =	sadd.s32 $0x8B80, s21;
	v21 =	vunpack.i.u.bf16.f32 v25;
	v29 =	vld.idx.msk [tilespmem:v29+s5+$0x0], $0xffff;
	[dreg:$0x11] =	wrdreg s25  }
0x9e: {  	v61 =	vadd.s32 $0x15A, v11;
	v24 =	vadd.bf16 v31, v24;
	s6 =	sor.u32 s16, s26;
	[tilespmem:s7+$0x4F80] =	vst v21  }
0x9f: {  	s3 =	sor.u32 s18, s26;
	v21 =	vld.idx.msk [tilespmem:v27+s5+$0x0], $0xffff;
	[dreg:$0x14] =	wrdreg s6  }
0xa0: {  	v28 =	vadd.s32 $0x1A7, v16;
	s7 =	sor.u32 s15, s13;
	s13 =	smov.u32 s15;
	v27 =	vunpack.i.l.bf16.f32 v24;
	[dreg:$0x12] =	wrdreg s3  }
0xa1: {  	v36 =	vadd.s32 $0x4A9, v6;
	s20 =	sadd.s32 $0xC780, s21;
	v24 =	vunpack.i.u.bf16.f32 v24;
	s10 =	sor.u32 s13, s10;
	[tilespmem:s7+$0x0] =	vst v27  }
0xa2: {  	s8 =	sor.u32 s18, s23;
	s23 =	sor.u32 s18, s20;
	v25 =	vld.idx.msk [tilespmem:v60+s5+$0x0], $0xffff;
	[tilespmem:s10+$0x0] =	vst v24  }
0xa3: {  	s29 =	smov.u32 s28;
	v37 =	vadd.s32 $0x4F6, v2;
	s24 =	sor.u32 s16, s20;
	v27 =	vld.idx.msk [tilespmem:v61+s5+$0x0], $0xffff;
	[dreg:$0xf] =	wrdreg s23  }
0xa4: {  	s11 =	smov.u32 s4;
	s30 =	sadd.s32 $0x7380, s21;
	v22 =	vadd.bf16 v22, v26;
	v26 =	vadd.s32 $0x543, v0;
	[dreg:$0xe] =	wrdreg s24  }
0xa5: {  	s2 =	sadd.s32 $0xD380, s28;
	s22 =	sor.u32 s18, s30;
	s26 =	sor.u32 s16, s30;
	v28 =	vld.idx.msk [tilespmem:v28+s5+$0x0], $0xffff  }
0xa6: {  	s30 =	sadd.s32 $0x10380, s21;
	s25 =	sadd.s32 $0xF780, s21;
	v38 =	vadd.bf16 v30, v22;
	v62 =	vadd.bf16 v35, v34;
	v24 =	vld.idx.msk [tilespmem:v36+s5+$0x0], $0xffff;
	[dreg:$0x5] =	wrdreg s21  }
0xa7: {  	v32 =	vadd.s32 $0x1F4, v15;
	v31 =	vadd.s32 $0x241, v14;
	s15 =	smov.u32 s18;
	s18 =	sor.u32 s16, s25;
	v22 =	vadd.s32 $0x590, v10;
	[dreg:$0x4] =	wrdreg s16  }
0xa8: {  	v63 =	vunpack.i.l.bf16.f32 v38;
	v33 =	vadd.bf16 v23, v62;
	v34 =	vunpack.i.u.bf16.f32 v38;
	s10 =	sor.u32 s15, s25;
	s25 =	simm.s32 $0x60;
	s23 =	simm.s32 $0x4;
	v30 =	vld.idx.msk [tilespmem:v37+s5+$0x0], $0xffff  }
0xa9: {  	v23 =	vadd.s32 $0x241, v11;
	v19 =	vadd.bf16 v19, v29;
	v29 =	vadd.s32 $0x62A, v13;
	s24 =	simm.s32 $0x7E0;
	s21 =	sor.u32 s16, s30;
	s16 =	sor.u32 s15, s30;
	[tilespmem:s1+$0x4F80] =	vst v63;
	v26 =	vld.idx.msk [tilespmem:v26+s5+$0x0], $0xffff  }
.LBB2_3:
0xaa: {  	[smem:$0x7F2] =	sst s8  }
0xab: {  	[dreg:$0x1b] =	wrdreg s10  }
0xac: {  	[dreg:$0x1a] =	wrdreg s21  }
0xad: {  	[dreg:$0x19] =	wrdreg s18  }
0xae: {  	[dreg:$0x18] =	wrdreg s16  }
0xaf: {  	[dreg:$0x17] =	wrdreg s31  }
0xb0: {  	[dreg:$0x16] =	wrdreg s14;
	s6 =	smov.u32 s17  }
0xb1: {  	s17 =	smov.u32 s13;
	s13 =	sand.u32 $0xF80, s25;
	s1 =	sor.u32 s9, s2  }
0xb2: {  	s18 =	smov.u32 s15;
	s15 =	sand.u32 $0x60, s25;
	s3 =	sadd.s32 $0xC00, s13  }
0xb3: {  	v35 =	vld [tilespmem:s24+$0x0];
	[tilespmem:s26+$0x0] =	vst v34;
	v48 =	vunpack.i.l.bf16.f32 v33;
	s14 =	sadd.s32 $0x7380, s13;
	s21 =	sor.u32 $0x10, s15;
	s7 =	sadd.s32 $0x7F80, s13  }
0xb4: {  	s8 =	sadd.s32 $0x8B80, s13;
	[tilespmem:s19+$0x0] =	vst v48;
	s31 =	sor.u32 s15, s3;
	s19 =	sadd.s32 $0xC780, s13;
	v25 =	vadd.bf16 v27, v25  }
0xb5: {  	v36 =	vadd.s32 $0x5DD, v1;
	v32 =	vld.idx.msk [tilespmem:v32+s5+$0x0], $0xffff;
	s16 =	sor.u32 s21, s14;
	s30 =	sor.u32 s21, s3;
	s10 =	sor.u32 s15, s8  }
0xb6: {  	v49 =	vunpack.i.u.bf16.f32 v33;
	v31 =	vld.idx.msk [tilespmem:v31+s5+$0x0], $0xffff;
	s4 =	sor.u32 s21, s7;
	s28 =	sor.u32 s21, s8;
	s8 =	rddreg [dreg:$0x10];
	v25 =	vadd.bf16 v28, v25  }
0xb7: {  	v51 =	vadd.s32 $0x28E, v12;
	s3 =	sadd.s32 $0x1800, s13;
	s26 =	sor.u32 s15, s14;
	[tilespmem:s1+$0x0] =	vst v49;
	v30 =	vadd.bf16 v30, v24;
	v37 =	vld [tilespmem:s31+$0x780];
	[dreg:$0x1f] =	wrdreg s4  }
0xb8: {  	s1 =	sor.u32 s15, s7;
	s7 =	sor.u32 s15, s3;
	[dreg:$0x1d] =	wrdreg s28;
	v29 =	vld.idx.msk [tilespmem:v29+s5+$0x0], $0xffff;
	v38 =	vunpack.i.l.bf16.f32 v25  }
0xb9: {  	s4 =	sor.u32 s21, s19;
	s28 =	smov.u32 s9;
	v30 =	vadd.bf16 v26, v30;
	v28 =	vld.idx.msk [tilespmem:v22+s5+$0x0], $0xffff;
	v39 =	vunpack.i.u.bf16.f32 v25;
	[tilespmem:s8+$0x4F80] =	vst v38;
	s8 =	sor.u32 s21, s3  }
0xba: {  	s9 =	sor.u32 s15, s19;
	v36 =	vld.idx.msk [tilespmem:v36+s5+$0x0], $0xffff;
	[tilespmem:s22+$0x0] =	vst v39;
	s22 =	sadd.s32 $0xF780, s13;
	[dreg:$0x10] =	wrdreg s8  }
0xbb: {  	v52 =	vld [tilespmem:s7+$0x780];
	v41 =	vunpack.i.l.bf16.f32 v30;
	s14 =	sor.u32 s15, s22;
	s3 =	sor.u32 s21, s22;
	s22 =	rddreg [dreg:$0x13]  }
0xbc: {  	s19 =	sadd.s32 $0x10380, s13;
	v33 =	vld.idx.msk [tilespmem:v51+s5+$0x0], $0xffff;
	[dreg:$0x1c] =	wrdreg s3;
	[tilespmem:s22+$0x0] =	vst v41;
	s22 =	sor.u32 s17, s2  }
0xbd: {  	v50 =	vadd.s32 $0x1F4, v17;
	s3 =	sor.u32 s15, s19;
	s19 =	sor.u32 s21, s19;
	s2 =	rddreg [dreg:$0xf]  }
0xbe: {  	v53 =	vadd.s32 $0x590, v6;
	v24 =	vadd.s32 $0x677, v6;
	v6 =	vmovc v5;
	v5 =	vmovc v15;
	v15 =	vunpack.i.u.bf16.f32 v30;
	[dreg:$0x1e] =	wrdreg s19  }
0xbf: {  	v20 =	vadd.bf16 v20, v21;
	v21 =	vld [tilespmem:s8+$0x780];
	[tilespmem:s22+$0x0] =	vst v15;
	s22 =	smov.u32 s16;
	s16 =	rddreg [dreg:$0xd];
	s8 =	smov.u32 s2  }
0xc0: {  	v40 =	vadd.s32 $0x5DD, v2;
	v55 =	vadd.s32 $0x375, v4;
	[dreg:$0xd] =	wrdreg s8  }
0xc1: {  	v27 =	vadd.s32 $0x28E, v16;
	v26 =	vadd.s32 $0x711, v13;
	vm0 =	vgt.s32 v35, $0xFFFFFFDA;
	v13 =	vmovc v8;
	v8 =	vmovc v16;
	s19 =	smov.u32 s16;
	s16 =	smov.u32 s4;
	s8 =	rddreg [dreg:$0xc]  }
0xc2: {  	v22 =	vadd.s32 $0x6C4, v2;
	v2 =	vmovc v3;
	v3 =	vmovc v14;
	v14 =	vnsel vm0, $0xFFFFFFDA, v35;
	vm9 =	vgt.s32 v37, $0xFFFFFFDA;
	v54 =	vld.idx.msk [tilespmem:v50+s5+$0x0], $0xffff;
	[dreg:$0xf] =	wrdreg s16  }
0xc3: {  	v30 =	vadd.s32 $0x62A, v0;
	v25 =	vadd.s32 $0x677, v10;
	v10 =	vmovc v9;
	v9 =	vmovc v17;
	v17 =	vnsel vm9, $0xFFFFFFDA, v37;
	v16 =	vld [tilespmem:s30+$0x780];
	s16 =	smov.u32 s8;
	s8 =	rddreg [dreg:$0xe]  }
0xc4: {  	s20 =	sor.u32 s13, s21;
	v18 =	vadd.bf16 v18, v20;
	vm1 =	vlt.s32 v14, $0x26;
	vm0 =	vlt.s32 v17, $0x26;
	v23 =	vld.idx.msk [tilespmem:v23+s5+$0x0], $0xffff;
	[dreg:$0x13] =	wrdreg s16  }
0xc5: {  	v60 =	vld [tilespmem:s20+$0x780];
	v15 =	vnsel vm1, $0x26, v14;
	v14 =	vnsel vm0, $0x26, v17;
	v17 =	vadd.s32 $0x3C2, v10;
	s16 =	smov.u32 s8;
	s8 =	smov.u32 s9;
	s9 =	sadd.s32 $0x9780, s12  }
0xc6: {  	v56 =	vadd.s32 $0x40F, v7;
	v31 =	vadd.bf16 v31, v32;
	v58 =	vunpack.i.l.bf16.f32 v18;
	v20 =	vld.idx.msk [tilespmem:v53+s5+$0x0], $0xffff;
	s4 =	sadd.s32 $0xA380, s12;
	[dreg:$0xe] =	wrdreg s8;
	s8 =	sor.u32 s6, s9  }
0xc7: {  	v59 =	vadd.s32 $0x45C, v13;
	v18 =	vunpack.i.u.bf16.f32 v18;
	v40 =	vld.idx.msk [tilespmem:v40+s5+$0x0], $0xffff;
	v28 =	vadd.bf16 v36, v28;
	s2 =	sor.u32 s11, s4;
	s4 =	sor.u32 s6, s4;
	[tilespmem:s8+$0x0] =	vst v58  }
0xc8: {  	v47 =	vadd.s32 $0x3C2, v6;
	v57 =	vadd.s32 $0x328, v3;
	v31 =	vadd.bf16 v33, v31;
	[tilespmem:s4+$0x0] =	vst v18;
	v18 =	vld.idx.msk [tilespmem:v30+s5+$0x0], $0xffff  }
0xc9: {  	vm11 =	vgt.s32 v52, $0xFFFFFFDA;
	v28 =	vadd.bf16 v29, v28;
	v29 =	vadd.s32 $0x73, v14;
	v27 =	vld.idx.msk [tilespmem:v27+s5+$0x0], $0xffff  }
0xca: {  	v62 =	vunpack.i.l.bf16.f32 v31;
	vm10 =	vgt.s32 v16, $0xFFFFFFDA;
	[dreg:$0xc] =	wrdreg s16;
	v30 =	vnsel vm11, $0xFFFFFFDA, v52;
	v63 =	vld.idx.msk [tilespmem:v17+s5+$0x0], $0xffff  }
0xcb: {  	v61 =	vadd.s32 $0x26, v15;
	s16 =	sor.u32 s11, s9;
	v16 =	vnsel vm10, $0xFFFFFFDA, v16;
	s9 =	smov.u32 s1;
	s8 =	rddreg [dreg:$0x11];
	vm1 =	vlt.s32 v30, $0x26;
	v35 =	vld.idx.msk [tilespmem:v56+s5+$0x0], $0xffff  }
0xcc: {  	v31 =	vunpack.i.u.bf16.f32 v31;
	vm2 =	vlt.s32 v16, $0x26;
	[dreg:$0x11] =	wrdreg s9;
	[tilespmem:s8+$0x0] =	vst v62;
	v39 =	vld.idx.msk [tilespmem:v59+s5+$0x0], $0xffff;
	v30 =	vnsel vm1, $0x26, v30  }
0xcd: {  	s9 =	rddreg [dreg:$0x14];
	v43 =	vnsel vm2, $0x26, v16;
	v16 =	vadd.bf16 v40, v20;
	s4 =	sadd.s32 $0xDF80, s29;
	v34 =	vld.idx.msk [tilespmem:v55+s5+$0x0], $0xffff;
	v42 =	vadd.s32 $0xC0, v30  }
0xce: {  	vm12 =	vgt.s32 v21, $0xFFFFFFDA;
	s8 =	sadd.s32 $0xEB80, s29;
	v17 =	vunpack.i.u.bf16.f32 v28;
	v28 =	vunpack.i.l.bf16.f32 v28;
	s1 =	sor.u32 s17, s4;
	s4 =	sor.u32 s28, s4;
	v20 =	vld.idx.msk [tilespmem:v29+s5+$0x0], $0xffff;
	[tilespmem:s9+$0x0] =	vst v31  }
0xcf: {  	v21 =	vnsel vm12, $0xFFFFFFDA, v21;
	[tilespmem:s4+$0x0] =	vst v28;
	v31 =	vadd.bf16 v23, v54;
	s9 =	sor.u32 s17, s8;
	s17 =	sor.u32 s28, s8;
	v23 =	vld.idx.msk [tilespmem:v57+s5+$0x0], $0xffff;
	v18 =	vadd.bf16 v18, v16  }
0xd0: {  	vm13 =	vgt.s32 v60, $0xFFFFFFDA;
	vm15 =	vlt.s32 v21, $0x26;
	v41 =	vadd.s32 $0x73, v43;
	s28 =	smov.u32 s12;
	s8 =	rddreg [dreg:$0x5];
	v28 =	vld.idx.msk [tilespmem:v61+s5+$0x0], $0xffff;
	[tilespmem:s17+$0x0] =	vst v17  }
0xd1: {  	s12 =	smov.u32 s8;
	s17 =	smov.u32 s13;
	s8 =	rddreg [dreg:$0x4];
	v16 =	vnsel vm15, $0x26, v21;
	v21 =	vadd.s32 $0x711, v0;
	v26 =	vld.idx.msk [tilespmem:v26+s5+$0x0], $0xffff;
	v44 =	vunpack.i.l.bf16.f32 v18  }
0xd2: {  	v29 =	vnsel vm13, $0xFFFFFFDA, v60;
	v0 =	vmovc v4;
	v4 =	vmovc v12;
	[dreg:$0x5] =	wrdreg s17;
	v12 =	vmov v30;
	s17 =	smov.u32 s15;
	v18 =	vunpack.i.u.bf16.f32 v18;
	v30 =	vld.idx.msk [tilespmem:v42+s5+$0x0], $0xffff;
	[tilespmem:s1+$0x0] =	vst v44  }
0xd3: {  	vm14 =	vlt.s32 v29, $0x26;
	s13 =	smov.u32 s11;
	s11 =	smov.u32 s8;
	[dreg:$0x4] =	wrdreg s17;
	v35 =	vadd.bf16 v35, v63;
	v19 =	vadd.bf16 v34, v19;
	[tilespmem:s9+$0x0] =	vst v18;
	v18 =	vld.idx.msk [tilespmem:v25+s5+$0x0], $0xffff  }
0xd4: {  	v48 =	vadd.s32 $0x40F, v2;
	v17 =	vnsel vm14, $0x26, v29;
	s17 =	smov.u32 s18;
	s18 =	smov.u32 s10;
	s10 =	rddreg [dreg:$0x1f];
	v25 =	vadd.s32 $0x6C4, v1;
	v24 =	vld.idx.msk [tilespmem:v24+s5+$0x0], $0xffff  }
0xd5: {  	s8 =	smov.u32 s6;
	s15 =	smov.u32 s21;
	v27 =	vadd.bf16 v27, v31;
	[dreg:$0x14] =	wrdreg s18;
	v31 =	vadd.bf16 v39, v35;
	v34 =	vunpack.i.l.bf16.f32 v19;
	v22 =	vld.idx.msk [tilespmem:v22+s5+$0x0], $0xffff  }
0xd6: {  	s21 =	sadd.s32 $0xAF80, s28;
	v45 =	vadd.s32 $0x26, v17;
	s18 =	rddreg [dreg:$0x1d];
	v19 =	vunpack.i.u.bf16.f32 v19;
	s9 =	smov.u32 s8;
	v21 =	vld.idx.msk [tilespmem:v21+s5+$0x0], $0xffff;
	[tilespmem:s16+$0x0] =	vst v34  }
0xd7: {  	v29 =	vadd.s32 $0xC0, v16;
	v32 =	vld.idx.msk [tilespmem:v41+s5+$0x0], $0xffff;
	s8 =	sld [smem:$0x7F2];
	v49 =	vunpack.i.l.bf16.f32 v31;
	s4 =	sor.u32 s9, s21;
	[tilespmem:s2+$0x0] =	vst v19  }
0xd8: {  	s6 =	sadd.s32 $0xBB80, s28;
	v20 =	vadd.bf16 v20, v28;
	v28 =	vadd.s32 $0x45C, v0;
	s16 =	rddreg [dreg:$0x12];
	[tilespmem:s4+$0x0] =	vst v49;
	v35 =	vld.idx.msk [tilespmem:v47+s5+$0x0], $0xffff  }
0xd9: {  	s1 =	sor.u32 s13, s21;
	v1 =	vmovc v7;
	v7 =	vmov v11;
	s21 =	smov.u32 s18;
	s18 =	rddreg [dreg:$0x19];
	v19 =	vunpack.i.u.bf16.f32 v31;
	v31 =	vadd.s32 $0x4A9, v10;
	v25 =	vld.idx.msk [tilespmem:v25+s5+$0x0], $0xffff  }
0xda: {  	v52 =	vadd.s32 $0x328, v7;
	s4 =	sor.u32 s9, s6;
	[dreg:$0x12] =	wrdreg s21;
	v37 =	vld.idx.msk [tilespmem:v48+s5+$0x0], $0xffff  }
0xdb: {  	v51 =	vadd.s32 $0x375, v8;
	v46 =	vunpack.i.l.bf16.f32 v27;
	s2 =	sor.u32 s13, s6;
	s6 =	rddreg [dreg:$0x7];
	v20 =	vadd.bf16 v30, v20;
	v30 =	vld.idx.msk [tilespmem:v45+s5+$0x0], $0xffff;
	[tilespmem:s4+$0x0] =	vst v19  }
0xdc: {  	s0 =	sadd.s32 $0x20, s0;
	v53 =	vadd.s32 $0x10D, v15;
	v27 =	vunpack.i.u.bf16.f32 v27;
	s4 =	rddreg [dreg:$0x17];
	v22 =	vadd.bf16 v22, v24;
	v29 =	vld.idx.msk [tilespmem:v29+s5+$0x0], $0xffff;
	[tilespmem:s8+$0x0] =	vst v46  }
0xdd: {  	v50 =	vadd.s32 $0x1A7, v12;
	s21 =	smov.u32 s18;
	v28 =	vld.idx.msk [tilespmem:v28+s5+$0x0], $0xffff;
	v19 =	vunpack.i.l.bf16.f32 v20;
	v24 =	vadd.s32 $0x15A, v14;
	s8 =	smov.u32 s10;
	s10 =	rddreg [dreg:$0x9];
	[tilespmem:s16+$0x0] =	vst v27  }
0xde: {  	v20 =	vunpack.i.u.bf16.f32 v20;
	[dreg:$0x9] =	wrdreg s21;
	[tilespmem:s0+$0x0] =	vst v19;
	v31 =	vld.idx.msk [tilespmem:v31+s5+$0x0], $0xffff;
	v21 =	vadd.bf16 v21, v22;
	v22 =	vadd.bf16 v25, v18  }
0xdf: {  	v55 =	vadd.s32 $0x543, v13;
	v54 =	vadd.s32 $0x4F6, v1;
	s16 =	smov.u32 s10;
	s10 =	rddreg [dreg:$0xb];
	[tilespmem:s31+$0x4F80] =	vst v20;
	v20 =	vld.idx.msk [tilespmem:v52+s5+$0x0], $0xffff  }
0xe0: {  	[dreg:$0x7] =	wrdreg s16;
	v30 =	vadd.bf16 v32, v30;
	v18 =	vld.idx.msk [tilespmem:v51+s5+$0x0], $0xffff;
	v57 =	vunpack.i.l.bf16.f32 v21;
	v22 =	vadd.bf16 v26, v22  }
0xe1: {  	v25 =	vadd.s32 $0x2DB, v5;
	v21 =	vunpack.i.u.bf16.f32 v21;
	v26 =	vld.idx.msk [tilespmem:v53+s5+$0x0], $0xffff;
	[tilespmem:s6+$0x0] =	vst v57;
	s6 =	rddreg [dreg:$0x8]  }
0xe2: {  	v59 =	vadd.s32 $0x2DB, v9;
	s16 =	rddreg [dreg:$0x1a];
	v29 =	vadd.bf16 v29, v30;
	v24 =	vld.idx.msk [tilespmem:v24+s5+$0x0], $0xffff;
	[tilespmem:s6+$0x0] =	vst v21;
	v21 =	vunpack.i.l.bf16.f32 v22  }
0xe3: {  	v11 =	vmovc v43;
	v27 =	vadd.s32 $0x10D, v17;
	v58 =	vadd.bf16 v37, v35;
	v34 =	vld.idx.msk [tilespmem:v50+s5+$0x0], $0xffff;
	v22 =	vunpack.i.u.bf16.f32 v22;
	[tilespmem:s4+$0x0] =	vst v21;
	s4 =	rddreg [dreg:$0x6]  }
0xe4: {  	v56 =	vadd.s32 $0x15A, v11;
	s18 =	smov.u32 s14;
	s14 =	smov.u32 s10;
	s10 =	rddreg [dreg:$0x1b];
	v30 =	vld.idx.msk [tilespmem:v54+s5+$0x0], $0xffff;
	[tilespmem:s4+$0x0] =	vst v22;
	v22 =	vunpack.i.l.bf16.f32 v29  }
0xe5: {  	v19 =	vadd.s32 $0x1A7, v16;
	s21 =	smov.u32 s16;
	s16 =	rddreg [dreg:$0x1c];
	v28 =	vadd.bf16 v28, v58;
	v21 =	vunpack.i.u.bf16.f32 v29;
	v60 =	vld.idx.msk [tilespmem:v55+s5+$0x0], $0xffff;
	[tilespmem:s20+$0x4F80] =	vst v22  }
0xe6: {  	v61 =	vadd.s32 $0x4F6, v2;
	[dreg:$0xb] =	wrdreg s21;
	v36 =	vld.idx.msk [tilespmem:v25+s5+$0x0], $0xffff;
	[tilespmem:s30+$0x4F80] =	vst v21  }
0xe7: {  	s23 =	sadd.s32 $0x2, s23;
	s24 =	sadd.s32 $0x20, s24;
	[dreg:$0x8] =	wrdreg s14;
	v29 =	vunpack.i.l.bf16.f32 v28;
	v22 =	vadd.s32 $0x4A9, v6;
	v24 =	vadd.bf16 v24, v26;
	v21 =	vld.idx.msk [tilespmem:v59+s5+$0x0], $0xffff  }
0xe8: {  	p1 =	slt.u32 s23, $0xBE;
	s14 =	smov.u32 s10;
	s6 =	rddreg [dreg:$0x16];
	[tilespmem:s1+$0x0] =	vst v29;
	v29 =	vadd.s32 $0x543, v0;
	v26 =	vunpack.i.u.bf16.f32 v28;
	v25 =	vld.idx.msk [tilespmem:v27+s5+$0x0], $0xffff  }
.Ltmp0:
0xe9: {  	s31 =	smov.u32 s6;
	s6 =	rddreg [dreg:$0xa];
	v27 =	vld.idx.msk [tilespmem:v56+s5+$0x0], $0xffff;
	[tilespmem:s2+$0x0] =	vst v26;
	v26 =	vadd.bf16 v34, v24;
	(pc) =	sbr.rel @p1 .LBB2_3-.Ltmp0, $4  }
0xea: {  	v32 =	vadd.s32 $0x1F4, v15;
	s10 =	smov.u32 s16;
	s16 =	smov.u32 s6;
	s6 =	rddreg [dreg:$0x18];
	v28 =	vld.idx.msk [tilespmem:v19+s5+$0x0], $0xffff  }
0xeb: {  	s25 =	sadd.s32 $0x20, s25;
	s29 =	smov.u32 s28;
	[dreg:$0x6] =	wrdreg s16;
	v19 =	vadd.bf16 v23, v36;
	v62 =	vadd.bf16 v30, v31;
	v30 =	vld.idx.msk [tilespmem:v61+s5+$0x0], $0xffff;
	v63 =	vunpack.i.l.bf16.f32 v26  }
0xec: {  	s21 =	smov.u32 s3;
	s16 =	smov.u32 s6;
	s6 =	rddreg [dreg:$0x1e];
	v23 =	vadd.s32 $0x241, v11;
	v31 =	vadd.s32 $0x241, v14;
	v24 =	vld.idx.msk [tilespmem:v22+s5+$0x0], $0xffff;
	v22 =	vadd.s32 $0x590, v10;
	[tilespmem:s7+$0x4F80] =	vst v63  }
0xed: {  	[dreg:$0xa] =	wrdreg s16;
	s16 =	smov.u32 s6;
	s2 =	sadd.s32 $0xD380, s28;
	v34 =	vunpack.i.u.bf16.f32 v26;
	v33 =	vadd.bf16 v60, v62;
	v26 =	vld.idx.msk [tilespmem:v29+s5+$0x0], $0xffff;
	v29 =	vadd.s32 $0x62A, v13  }
0xee: {  	v25 =	vadd.bf16 v27, v25;
	_ =	sdelay $0x1  }
0xef: {  	v41 =	vadd.s32 $0x1F4, v17;
	v25 =	vadd.bf16 v28, v25  }
0xf0: {  	[tilespmem:s26+$0x0] =	vst v34  }
0xf1: {  	s0 =	rddreg [dreg:$0x10];
	v28 =	vunpack.i.l.bf16.f32 v25  }
0xf2: {  	v42 =	vadd.s32 $0x28E, v16;
	v25 =	vunpack.i.u.bf16.f32 v25;
	[tilespmem:s0+$0x4F80] =	vst v28  }
0xf3: {  	[tilespmem:s22+$0x0] =	vst v25  }
0xf4: {  	v27 =	vld.idx.msk [tilespmem:v41+s5+$0x0], $0xffff  }
0xf5: {  	v44 =	vadd.s32 $0x28E, v12;
	v23 =	vld.idx.msk [tilespmem:v23+s5+$0x0], $0xffff  }
0xf6: {  	v46 =	vadd.s32 $0x5DD, v1;
	v43 =	vld.idx.msk [tilespmem:v32+s5+$0x0], $0xffff;
	v45 =	vunpack.i.l.bf16.f32 v33  }
0xf7: {  	v47 =	vunpack.i.u.bf16.f32 v33;
	[tilespmem:s19+$0x0] =	vst v45;
	s19 =	sor.u32 s9, s2;
	v28 =	vld.idx.msk [tilespmem:v42+s5+$0x0], $0xffff  }
0xf8: {  	v31 =	vld.idx.msk [tilespmem:v31+s5+$0x0], $0xffff;
	v24 =	vadd.bf16 v30, v24;
	[tilespmem:s19+$0x0] =	vst v47  }
0xf9: {  	v50 =	vld.idx.msk [tilespmem:v22+s5+$0x0], $0xffff  }
0xfa: {  	v54 =	vadd.s32 $0x375, v4;
	v24 =	vadd.bf16 v26, v24;
	v32 =	vld.idx.msk [tilespmem:v44+s5+$0x0], $0xffff;
	v23 =	vadd.bf16 v23, v27  }
0xfb: {  	v55 =	vld.idx.msk [tilespmem:v46+s5+$0x0], $0xffff  }
0xfc: {  	v51 =	vunpack.i.l.bf16.f32 v24;
	s0 =	rddreg [dreg:$0x13];
	v23 =	vadd.bf16 v28, v23  }
0xfd: {  	s20 =	sor.u32 s13, s2;
	v52 =	vld.idx.msk [tilespmem:v29+s5+$0x0], $0xffff;
	v53 =	vunpack.i.u.bf16.f32 v24;
	[tilespmem:s0+$0x0] =	vst v51  }
0xfe: {  	v56 =	vadd.s32 $0x328, v11;
	v25 =	vadd.bf16 v31, v43;
	[tilespmem:s20+$0x0] =	vst v53;
	v59 =	vunpack.i.l.bf16.f32 v23  }
0xff: {  	v48 =	vadd.s32 $0x590, v6;
	v57 =	vadd.s32 $0x2DB, v17;
	v21 =	vadd.bf16 v20, v21;
	v24 =	vld.idx.msk [tilespmem:v54+s5+$0x0], $0xffff;
	[tilespmem:s8+$0x0] =	vst v59  }
0x100: {  	v25 =	vadd.bf16 v32, v25;
	v38 =	vadd.bf16 v55, v50;
	v23 =	vunpack.i.u.bf16.f32 v23;
	s0 =	rddreg [dreg:$0x12]  }
0x101: {  	v60 =	vadd.s32 $0x375, v16;
	v18 =	vadd.bf16 v18, v21;
	[tilespmem:s0+$0x0] =	vst v23  }
0x102: {  	v58 =	vadd.s32 $0x328, v14;
	s22 =	sadd.s32 $0x9780, s12;
	v61 =	vunpack.i.l.bf16.f32 v25;
	v23 =	vadd.bf16 v52, v38;
	s0 =	rddreg [dreg:$0x11]  }
0x103: {  	v62 =	vadd.s32 $0x2DB, v15;
	s1 =	sadd.s32 $0xDF80, s29;
	v41 =	vunpack.i.l.bf16.f32 v18;
	s23 =	sor.u32 s17, s22;
	v37 =	vld.idx.msk [tilespmem:v56+s5+$0x0], $0xffff;
	[tilespmem:s0+$0x0] =	vst v61  }
0x104: {  	v49 =	vadd.s32 $0x5DD, v2;
	s4 =	sor.u32 s9, s1;
	v19 =	vadd.bf16 v24, v19;
	v26 =	vld.idx.msk [tilespmem:v57+s5+$0x0], $0xffff;
	v45 =	vunpack.i.l.bf16.f32 v23;
	s0 =	rddreg [dreg:$0x14];
	[tilespmem:s23+$0x0] =	vst v41  }
0x105: {  	v39 =	vadd.s32 $0x375, v12;
	v22 =	vld.idx.msk [tilespmem:v48+s5+$0x0], $0xffff;
	v36 =	vunpack.i.u.bf16.f32 v25;
	[tilespmem:s4+$0x0] =	vst v45  }
0x106: {  	v63 =	vadd.s32 $0x3C2, v9;
	s3 =	sadd.s32 $0xA380, s12;
	s2 =	sor.u32 s11, s22;
	v50 =	vunpack.i.l.bf16.f32 v19;
	v43 =	vld.idx.msk [tilespmem:v60+s5+$0x0], $0xffff;
	[tilespmem:s0+$0x0] =	vst v36  }
0x107: {  	v40 =	vadd.s32 $0x40F, v7;
	s24 =	sor.u32 s17, s3;
	v18 =	vunpack.i.u.bf16.f32 v18;
	[tilespmem:s2+$0x0] =	vst v50;
	v31 =	vld.idx.msk [tilespmem:v58+s5+$0x0], $0xffff  }
0x108: {  	s26 =	sor.u32 s11, s3;
	v42 =	vadd.s32 $0x45C, v8;
	v19 =	vunpack.i.u.bf16.f32 v19;
	[tilespmem:s24+$0x0] =	vst v18;
	s0 =	sadd.s32 $0xEB80, s29;
	v44 =	vld.idx.msk [tilespmem:v62+s5+$0x0], $0xffff  }
0x109: {  	v46 =	vadd.s32 $0x3C2, v5;
	v30 =	vld.idx.msk [tilespmem:v49+s5+$0x0], $0xffff;
	v23 =	vunpack.i.u.bf16.f32 v23;
	[tilespmem:s26+$0x0] =	vst v19;
	s25 =	sor.u32 s9, s0;
	v25 =	vadd.bf16 v37, v26  }
0x10a: {  	v47 =	vadd.s32 $0x40F, v3;
	v48 =	vld.idx.msk [tilespmem:v39+s5+$0x0], $0xffff;
	[tilespmem:s25+$0x0] =	vst v23  }
0x10b: {  	v51 =	vadd.s32 $0x45C, v4;
	v21 =	vld.idx.msk [tilespmem:v63+s5+$0x0], $0xffff;
	s7 =	rddreg [dreg:$0x5];
	v25 =	vadd.bf16 v43, v25  }
0x10c: {  	v53 =	vadd.s32 $0x3C2, v17;
	v49 =	vld.idx.msk [tilespmem:v40+s5+$0x0], $0xffff;
	s28 =	sadd.s32 $0x9780, s7  }
0x10d: {  	v54 =	vadd.s32 $0x40F, v11;
	v52 =	vld.idx.msk [tilespmem:v42+s5+$0x0], $0xffff;
	s29 =	sadd.s32 $0xA380, s7;
	s30 =	sor.u32 s15, s28;
	v18 =	vadd.bf16 v31, v44;
	v55 =	vunpack.i.l.bf16.f32 v25  }
0x10e: {  	v56 =	vadd.s32 $0x45C, v16;
	v24 =	vld.idx.msk [tilespmem:v46+s5+$0x0], $0xffff;
	s6 =	sor.u32 s15, s29;
	v25 =	vunpack.i.u.bf16.f32 v25;
	[tilespmem:s30+$0x0] =	vst v55  }
0x10f: {  	v57 =	vld.idx.msk [tilespmem:v47+s5+$0x0], $0xffff;
	v58 =	vadd.s32 $0x3C2, v15;
	v18 =	vadd.bf16 v48, v18;
	[tilespmem:s6+$0x0] =	vst v25  }
0x110: {  	v60 =	vadd.s32 $0x40F, v14;
	v59 =	vld.idx.msk [tilespmem:v51+s5+$0x0], $0xffff;
	s6 =	rddreg [dreg:$0x4]  }
0x111: {  	v35 =	vadd.s32 $0x62A, v0;
	v21 =	vadd.bf16 v49, v21;
	v61 =	vld.idx.msk [tilespmem:v53+s5+$0x0], $0xffff;
	s2 =	sor.u32 s6, s28;
	v62 =	vunpack.i.l.bf16.f32 v18  }
0x112: {  	v63 =	vadd.s32 $0x45C, v12;
	v19 =	vld.idx.msk [tilespmem:v54+s5+$0x0], $0xffff;
	s8 =	sor.u32 s6, s29;
	v18 =	vunpack.i.u.bf16.f32 v18;
	[tilespmem:s2+$0x0] =	vst v62  }
0x113: {  	v37 =	vadd.s32 $0x4A9, v9;
	v36 =	vadd.bf16 v52, v21;
	v38 =	vld.idx.msk [tilespmem:v56+s5+$0x0], $0xffff;
	[tilespmem:s8+$0x0] =	vst v18  }
0x114: {  	v39 =	vadd.s32 $0x4F6, v7;
	s9 =	sadd.s32 $0xAF80, s12;
	v24 =	vadd.bf16 v57, v24;
	v26 =	vld.idx.msk [tilespmem:v58+s5+$0x0], $0xffff  }
0x115: {  	s20 =	sadd.s32 $0xBB80, s12;
	v41 =	vadd.s32 $0x543, v8;
	s19 =	sor.u32 s17, s9;
	v40 =	vunpack.i.l.bf16.f32 v36;
	v29 =	vld.idx.msk [tilespmem:v60+s5+$0x0], $0xffff  }
0x116: {  	v20 =	vld.idx.msk [tilespmem:v35+s5+$0x0], $0xffff;
	s22 =	sor.u32 s17, s20;
	v42 =	vadd.s32 $0x4A9, v5;
	v24 =	vadd.bf16 v59, v24;
	[tilespmem:s19+$0x0] =	vst v40;
	v18 =	vunpack.i.u.bf16.f32 v36  }
0x117: {  	v43 =	vadd.s32 $0x4F6, v3;
	[tilespmem:s22+$0x0] =	vst v18;
	v44 =	vld.idx.msk [tilespmem:v63+s5+$0x0], $0xffff;
	v19 =	vadd.bf16 v19, v61  }
0x118: {  	v22 =	vadd.bf16 v30, v22;
	v46 =	vadd.s32 $0x543, v4;
	v45 =	vunpack.i.l.bf16.f32 v24;
	s2 =	sor.u32 s11, s9;
	v21 =	vld.idx.msk [tilespmem:v37+s5+$0x0], $0xffff  }
0x119: {  	s23 =	sor.u32 s11, s20;
	v48 =	vadd.s32 $0x4A9, v17;
	v24 =	vunpack.i.u.bf16.f32 v24;
	[tilespmem:s2+$0x0] =	vst v45;
	v47 =	vld.idx.msk [tilespmem:v39+s5+$0x0], $0xffff;
	v19 =	vadd.bf16 v38, v19  }
0x11a: {  	v50 =	vadd.s32 $0x4F6, v11;
	s24 =	sadd.s32 $0xAF80, s7;
	[tilespmem:s23+$0x0] =	vst v24;
	v49 =	vld.idx.msk [tilespmem:v41+s5+$0x0], $0xffff;
	v26 =	vadd.bf16 v29, v26  }
0x11b: {  	v20 =	vadd.bf16 v20, v22;
	s26 =	sadd.s32 $0xBB80, s7;
	s25 =	sor.u32 s15, s24;
	v52 =	vadd.s32 $0x543, v16;
	v25 =	vld.idx.msk [tilespmem:v42+s5+$0x0], $0xffff;
	v51 =	vunpack.i.l.bf16.f32 v19  }
0x11c: {  	v53 =	vadd.s32 $0x4A9, v15;
	s28 =	sor.u32 s15, s26;
	v18 =	vld.idx.msk [tilespmem:v43+s5+$0x0], $0xffff;
	v19 =	vunpack.i.u.bf16.f32 v19;
	[tilespmem:s25+$0x0] =	vst v51;
	v23 =	vadd.bf16 v44, v26  }
0x11d: {  	s1 =	sor.u32 s13, s1;
	v56 =	vadd.s32 $0x4F6, v14;
	v55 =	vld.idx.msk [tilespmem:v46+s5+$0x0], $0xffff;
	v61 =	vunpack.i.l.bf16.f32 v20;
	[tilespmem:s28+$0x0] =	vst v19  }
0x11e: {  	v54 =	vadd.s32 $0x677, v6;
	s2 =	sor.u32 s6, s24;
	[tilespmem:s1+$0x0] =	vst v61;
	v21 =	vadd.bf16 v47, v21;
	v57 =	vld.idx.msk [tilespmem:v48+s5+$0x0], $0xffff;
	v58 =	vunpack.i.l.bf16.f32 v23  }
0x11f: {  	s29 =	sor.u32 s6, s26;
	v60 =	vadd.s32 $0x543, v12;
	v59 =	vld.idx.msk [tilespmem:v50+s5+$0x0], $0xffff;
	v23 =	vunpack.i.u.bf16.f32 v23;
	[tilespmem:s2+$0x0] =	vst v58  }
0x120: {  	s0 =	sor.u32 s13, s0;
	v62 =	vadd.s32 $0x590, v9;
	v20 =	vunpack.i.u.bf16.f32 v20;
	v21 =	vadd.bf16 v49, v21;
	v63 =	vld.idx.msk [tilespmem:v52+s5+$0x0], $0xffff;
	[tilespmem:s29+$0x0] =	vst v23  }
0x121: {  	v33 =	vadd.s32 $0x62A, v8;
	[tilespmem:s0+$0x0] =	vst v20;
	v18 =	vadd.bf16 v18, v25;
	v34 =	vld.idx.msk [tilespmem:v53+s5+$0x0], $0xffff  }
0x122: {  	s30 =	sadd.s32 $0xD380, s12;
	v36 =	vadd.s32 $0x5DD, v7;
	v35 =	vunpack.i.l.bf16.f32 v21;
	v29 =	vld.idx.msk [tilespmem:v56+s5+$0x0], $0xffff;
	s1 =	rddreg [dreg:$0xd]  }
0x123: {  	v38 =	vadd.s32 $0x590, v5;
	v6 =	vld.idx.msk [tilespmem:v54+s5+$0x0], $0xffff;
	v18 =	vadd.bf16 v55, v18;
	s2 =	sor.u32 s17, s30;
	v37 =	vunpack.i.u.bf16.f32 v21;
	[tilespmem:s1+$0x0] =	vst v35  }
0x124: {  	v39 =	vadd.s32 $0x5DD, v3;
	v41 =	vld.idx.msk [tilespmem:v60+s5+$0x0], $0xffff;
	v40 =	vadd.bf16 v59, v57;
	[tilespmem:s2+$0x0] =	vst v37  }
0x125: {  	v44 =	vadd.s32 $0x62A, v4;
	v43 =	vunpack.i.l.bf16.f32 v18;
	v42 =	vld.idx.msk [tilespmem:v62+s5+$0x0], $0xffff;
	s1 =	rddreg [dreg:$0xc]  }
0x126: {  	v45 =	vadd.s32 $0x590, v17;
	s0 =	sor.u32 s11, s30;
	v18 =	vunpack.i.u.bf16.f32 v18;
	v23 =	vld.idx.msk [tilespmem:v33+s5+$0x0], $0xffff;
	v21 =	vadd.bf16 v63, v40;
	[tilespmem:s1+$0x0] =	vst v43  }
0x127: {  	v47 =	vadd.s32 $0x62A, v16;
	v46 =	vld.idx.msk [tilespmem:v36+s5+$0x0], $0xffff;
	[tilespmem:s0+$0x0] =	vst v18;
	v25 =	vadd.bf16 v29, v34  }
0x128: {  	s3 =	sadd.s32 $0xD380, s7;
	v49 =	vadd.s32 $0x5DD, v11;
	v48 =	vunpack.i.l.bf16.f32 v21;
	v19 =	vld.idx.msk [tilespmem:v38+s5+$0x0], $0xffff;
	s1 =	rddreg [dreg:$0xf]  }
0x129: {  	s4 =	sor.u32 s15, s3;
	v50 =	vadd.s32 $0x590, v15;
	v21 =	vunpack.i.u.bf16.f32 v21;
	v20 =	vld.idx.msk [tilespmem:v39+s5+$0x0], $0xffff;
	[tilespmem:s1+$0x0] =	vst v48;
	v22 =	vadd.bf16 v41, v25  }
0x12a: {  	v52 =	vadd.s32 $0x5DD, v14;
	v51 =	vld.idx.msk [tilespmem:v44+s5+$0x0], $0xffff;
	[tilespmem:s4+$0x0] =	vst v21  }
0x12b: {  	v10 =	vadd.s32 $0x677, v10;
	v28 =	vld.idx.msk [tilespmem:v45+s5+$0x0], $0xffff;
	v54 =	vunpack.i.l.bf16.f32 v22;
	s1 =	rddreg [dreg:$0xe]  }
0x12c: {  	v55 =	vadd.s32 $0x62A, v12;
	s0 =	sor.u32 s6, s3;
	v18 =	vld.idx.msk [tilespmem:v47+s5+$0x0], $0xffff;
	v22 =	vunpack.i.u.bf16.f32 v22;
	[tilespmem:s1+$0x0] =	vst v54  }
0x12d: {  	v53 =	vadd.s32 $0x6C4, v2;
	v57 =	vld.idx.msk [tilespmem:v49+s5+$0x0], $0xffff;
	[tilespmem:s0+$0x0] =	vst v22  }
0x12e: {  	v58 =	vadd.s32 $0x6C4, v1;
	v24 =	vadd.bf16 v46, v42;
	v22 =	vld.idx.msk [tilespmem:v50+s5+$0x0], $0xffff  }
0x12f: {  	v56 =	vadd.s32 $0x711, v0;
	v60 =	vld.idx.msk [tilespmem:v52+s5+$0x0], $0xffff  }
0x130: {  	v13 =	vadd.s32 $0x711, v13;
	v10 =	vld.idx.msk [tilespmem:v10+s5+$0x0], $0xffff;
	v23 =	vadd.bf16 v23, v24;
	v19 =	vadd.bf16 v20, v19  }
0x131: {  	s8 =	sadd.s32 $0xDF80, s12;
	v61 =	vadd.s32 $0x677, v9;
	v62 =	vadd.s32 $0x677, v5;
	v63 =	vld.idx.msk [tilespmem:v55+s5+$0x0], $0xffff  }
0x132: {  	s9 =	sadd.s32 $0xEB80, s12;
	s12 =	sor.u32 s17, s8;
	v2 =	vld.idx.msk [tilespmem:v53+s5+$0x0], $0xffff;
	v24 =	vunpack.i.l.bf16.f32 v23;
	v19 =	vadd.bf16 v51, v19;
	v30 =	vadd.bf16 v57, v28  }
0x133: {  	s13 =	sor.u32 s17, s9;
	v1 =	vld.idx.msk [tilespmem:v58+s5+$0x0], $0xffff;
	v33 =	vadd.s32 $0x6C4, v7;
	v29 =	vadd.s32 $0x6C4, v3;
	v23 =	vunpack.i.u.bf16.f32 v23;
	[tilespmem:s12+$0x0] =	vst v24  }
0x134: {  	v0 =	vld.idx.msk [tilespmem:v56+s5+$0x0], $0xffff;
	s0 =	sor.u32 s11, s8;
	[tilespmem:s13+$0x0] =	vst v23;
	v32 =	vunpack.i.l.bf16.f32 v19;
	v18 =	vadd.bf16 v18, v30;
	v20 =	vadd.bf16 v60, v22  }
0x135: {  	v13 =	vld.idx.msk [tilespmem:v13+s5+$0x0], $0xffff;
	v31 =	vadd.s32 $0x711, v4;
	s17 =	sadd.s32 $0xDF80, s7;
	s1 =	sor.u32 s11, s9;
	v19 =	vunpack.i.u.bf16.f32 v19;
	[tilespmem:s0+$0x0] =	vst v32  }
0x136: {  	s19 =	sadd.s32 $0xEB80, s7;
	s20 =	sor.u32 s15, s17;
	v59 =	vadd.s32 $0x711, v8;
	v9 =	vld.idx.msk [tilespmem:v61+s5+$0x0], $0xffff;
	[tilespmem:s1+$0x0] =	vst v19;
	v36 =	vunpack.i.l.bf16.f32 v18;
	v20 =	vadd.bf16 v63, v20  }
0x137: {  	s22 =	sor.u32 s15, s19;
	v35 =	vadd.s32 $0x677, v15;
	v2 =	vadd.bf16 v2, v6;
	v5 =	vld.idx.msk [tilespmem:v62+s5+$0x0], $0xffff;
	v18 =	vunpack.i.u.bf16.f32 v18;
	[tilespmem:s20+$0x0] =	vst v36  }
0x138: {  	v37 =	vadd.s32 $0x6C4, v14;
	v1 =	vadd.bf16 v1, v10;
	s0 =	sor.u32 s6, s17;
	v3 =	vld.idx.msk [tilespmem:v29+s5+$0x0], $0xffff;
	[tilespmem:s22+$0x0] =	vst v18;
	v39 =	vunpack.i.l.bf16.f32 v20  }
0x139: {  	v0 =	vadd.bf16 v0, v2;
	v40 =	vld.idx.msk [tilespmem:v33+s5+$0x0], $0xffff;
	s1 =	sor.u32 s6, s19;
	v41 =	vunpack.i.u.bf16.f32 v20;
	[tilespmem:s0+$0x0] =	vst v39  }
0x13a: {  	v38 =	vadd.s32 $0x711, v12;
	v1 =	vadd.bf16 v13, v1;
	v4 =	vld.idx.msk [tilespmem:v31+s5+$0x0], $0xffff;
	[tilespmem:s1+$0x0] =	vst v41  }
0x13b: {  	v46 =	vunpack.i.l.bf16.f32 v0;
	v8 =	vld.idx.msk [tilespmem:v59+s5+$0x0], $0xffff;
	s0 =	rddreg [dreg:$0x7]  }
0x13c: {  	v48 =	vunpack.i.l.bf16.f32 v1;
	v45 =	vld.idx.msk [tilespmem:v35+s5+$0x0], $0xffff;
	[tilespmem:s0+$0x0] =	vst v46  }
0x13d: {  	v34 =	vadd.s32 $0x677, v17;
	v0 =	vunpack.i.u.bf16.f32 v0;
	v3 =	vadd.bf16 v3, v5;
	v14 =	vld.idx.msk [tilespmem:v37+s5+$0x0], $0xffff;
	s0 =	rddreg [dreg:$0x8];
	[tilespmem:s31+$0x0] =	vst v48  }
0x13e: {  	v42 =	vadd.s32 $0x6C4, v11;
	v49 =	vadd.bf16 v40, v9;
	[tilespmem:s0+$0x0] =	vst v0  }
0x13f: {  	v50 =	vunpack.i.u.bf16.f32 v1;
	v47 =	vld.idx.msk [tilespmem:v38+s5+$0x0], $0xffff;
	v3 =	vadd.bf16 v4, v3;
	s0 =	rddreg [dreg:$0x6]  }
0x140: {  	v44 =	vadd.s32 $0x711, v16;
	v53 =	vadd.bf16 v8, v49;
	[tilespmem:s0+$0x0] =	vst v50  }
0x141: {  	v52 =	vunpack.i.l.bf16.f32 v3;
	s0 =	rddreg [dreg:$0x9]  }
0x142: {  	v43 =	vld.idx.msk [tilespmem:v34+s5+$0x0], $0xffff;
	v56 =	vunpack.i.l.bf16.f32 v53;
	v54 =	vadd.bf16 v14, v45;
	[tilespmem:s0+$0x0] =	vst v52  }
0x143: {  	v11 =	vld.idx.msk [tilespmem:v42+s5+$0x0], $0xffff;
	v55 =	vunpack.i.u.bf16.f32 v3;
	s0 =	rddreg [dreg:$0xb];
	[tilespmem:s14+$0x0] =	vst v56  }
0x144: {  	v57 =	vadd.bf16 v47, v54;
	[tilespmem:s0+$0x0] =	vst v55  }
0x145: {  	v51 =	vld.idx.msk [tilespmem:v44+s5+$0x0], $0xffff;
	v59 =	vunpack.i.u.bf16.f32 v53;
	s0 =	rddreg [dreg:$0xa]  }
0x146: {  	v60 =	vunpack.i.l.bf16.f32 v57;
	[tilespmem:s0+$0x0] =	vst v59  }
0x147: {  	v61 =	vunpack.i.u.bf16.f32 v57;
	s0 =	sld [smem:$0x7F3];
	[tilespmem:s18+$0x0] =	vst v60  }
0x148: {  	v58 =	vadd.bf16 v11, v43;
	[tilespmem:s21+$0x0] =	vst v61  }
0x149: {  	s24 =	sld [smem:$0x7F4]  }
0x14a: {  	v1 =	vadd.bf16 v51, v58;
	s23 =	smul.u32 $0xC000, s0;
	_ =	sdelay $0x1  }
0x14b: {  	v62 =	vunpack.i.l.bf16.f32 v1;
	[smem:$0x7F1] =	sst s23;
	s0 =	sor.u32 s24, s23  }
0x14c: {  	s26 =	simm.s32 $0x4F80;
	s25 =	rddreg [dreg:$0x2];
	v63 =	vunpack.i.u.bf16.f32 v1;
	[tilespmem:s10+$0x0] =	vst v62;
	s0 =	sshrl.u32 s0, $0x3  }
0x14d: {  	s2 =	simm.s32 $0x400;
	s3 =	simm.s32 $0x2000;
	[tilespmem:s16+$0x0] =	vst v63;
	s0 =	sadd.s32 s25, s0  }
0x14e: {  	[hbm4b:s0+s2] =	stream.strided.scatter [tilespmem:s26], [sflag:$0x3], $0xC00, s3, s2, $0x38;
	[tilespmem:$0x1CF80] =	vst v63  }
0x14f: {  	s29 =	simm.s32 $0x5B80;
	s28 =	sadd.s32 $0x48000, s0  }
0x150: {  	[hbm4b:s28+s2] =	stream.strided.scatter [tilespmem:s29], [sflag:$0x3], $0xC00, s3, s2, $0x38;
	[tilespmem:$0x1CF80] =	vst v63  }
0x151: {  	s31 =	simm.s32 $0x6780;
	s30 =	sadd.s32 $0x90000, s0  }
0x152: {  	[hbm4b:s30+s2] =	stream.strided.scatter [tilespmem:s31], [sflag:$0x3], $0xC00, s3, s2, $0x38;
	[tilespmem:$0x1CF80] =	vst v63  }
0x153: {  	s7 =	simm.s32 $0x7380;
	s6 =	sadd.s32 $0xD8000, s0  }
0x154: {  	[hbm4b:s6+s2] =	stream.strided.scatter [tilespmem:s7], [sflag:$0x3], $0xC00, s3, s2, $0x38;
	[tilespmem:$0x1CF80] =	vst v63  }
0x155: {  	s9 =	simm.s32 $0x7F80;
	s8 =	sadd.s32 $0x120000, s0  }
0x156: {  	[hbm4b:s8+s2] =	stream.strided.scatter [tilespmem:s9], [sflag:$0x3], $0xC00, s3, s2, $0x38;
	[tilespmem:$0x1CF80] =	vst v63  }
0x157: {  	s11 =	simm.s32 $0x8B80;
	s10 =	sadd.s32 $0x168000, s0  }
0x158: {  	[hbm4b:s10+s2] =	stream.strided.scatter [tilespmem:s11], [sflag:$0x3], $0xC00, s3, s2, $0x38;
	[tilespmem:$0x1CF80] =	vst v63  }
0x159: {  	s13 =	simm.s32 $0x9780;
	s12 =	sadd.s32 $0x1B0000, s0  }
0x15a: {  	[hbm4b:s12+s2] =	stream.strided.scatter [tilespmem:s13], [sflag:$0x3], $0xC00, s3, s2, $0x38;
	[tilespmem:$0x1CF80] =	vst v63  }
0x15b: {  	s15 =	simm.s32 $0xA380;
	s14 =	sadd.s32 $0x1F8000, s0  }
0x15c: {  	[hbm4b:s14+s2] =	stream.strided.scatter [tilespmem:s15], [sflag:$0x3], $0xC00, s3, s2, $0x38;
	[tilespmem:$0x1CF80] =	vst v63  }
0x15d: {  	s17 =	simm.s32 $0xAF80;
	s16 =	sadd.s32 $0x240000, s0  }
0x15e: {  	[hbm4b:s16+s2] =	stream.strided.scatter [tilespmem:s17], [sflag:$0x3], $0xC00, s3, s2, $0x38;
	[tilespmem:$0x1CF80] =	vst v63  }
0x15f: {  	s19 =	simm.s32 $0xBB80;
	s18 =	sadd.s32 $0x288000, s0  }
0x160: {  	[hbm4b:s18+s2] =	stream.strided.scatter [tilespmem:s19], [sflag:$0x3], $0xC00, s3, s2, $0x38;
	[tilespmem:$0x1CF80] =	vst v63  }
0x161: {  	s21 =	simm.s32 $0xC780;
	s20 =	sadd.s32 $0x2D0000, s0  }
0x162: {  	[hbm4b:s20+s2] =	stream.strided.scatter [tilespmem:s21], [sflag:$0x3], $0xC00, s3, s2, $0x38;
	[tilespmem:$0x1CF80] =	vst v63  }
0x163: {  	s23 =	simm.s32 $0xD380;
	s22 =	sadd.s32 $0x318000, s0;
	s1 =	sld [smem:$0x7F5]  }
0x164: {  	[hbm4b:s22+s2] =	stream.strided.scatter [tilespmem:s23], [sflag:$0x3], $0xC00, s3, s2, $0x38;
	[tilespmem:$0x1CF80] =	vst v63  }
0x165: {  	s25 =	simm.s32 $0xDF80;
	s24 =	sadd.s32 $0x360000, s0  }
0x166: {  	[hbm4b:s24+s2] =	stream.strided.scatter [tilespmem:s25], [sflag:$0x3], $0xC00, s3, s2, $0x38;
	[tilespmem:$0x1CF80] =	vst v63  }
0x167: {  	s26 =	sadd.s32 $0x3A8000, s0;
	s28 =	simm.s32 $0xEB80;
	p1 =	sne.s32 s1, $0xB  }
0x168: {  	[hbm4b:s26+s2] =	stream.strided.scatter [tilespmem:s28], [sflag:$0x3], $0xC00, s3, s2, $0x38;
	[tilespmem:$0x1CF80] =	vst v63  }
.Ltmp1:
0x169: {  	_ = 	snop;
	(pc) =	sbr.rel @p1 .LBB2_6-.Ltmp1, $4  }
0x16a: {  	s29 =	sadd.s32 $0x3F0000, s0;
	s30 =	simm.s32 $0xF780  }
0x16b: {  	[hbm4b:s29+s2] =	stream.strided.scatter [tilespmem:s30], [sflag:$0x3], $0xC00, s3, s2, $0x38;
	[tilespmem:$0x1CF80] =	vst v63  }
0x16c: {  	s0 =	sadd.s32 $0x438000, s0;
	s31 =	simm.s32 $0x10380  }
0x16d: {  	[hbm4b:s0+s2] =	stream.strided.scatter [tilespmem:s31], [sflag:$0x3], $0xC00, s3, s2, $0x38;
	[tilespmem:$0x1CF80] =	vst v63  }
.Ltmp2:
0x16e: {  	(pc) =	sbr.rel .LBB2_7-.Ltmp2, $4  }
0x16f: {  	s0 =	simm.s32 $0x2  }
0x170: {  	_ =	swait.ge [sflag:s0], $0x2400  }
0x171: {  	[sflag:s0] =	ssyncset.done $0x0  }
0x172: {  	[sflag:s0] =	ssyncadd.s32 $0xFFFFDC00  }
.LBB2_6:
0x173: {  	s0 =	sld [smem:$0x7F9];
	_ =	sdelay $0x2  }
0x174: {  	s0 =	sadd.s32 s1, s0  }
0x175: {  	s1 =	sshrl.u32 s0, $0x3  }
0x176: {  	s0 =	sshll.u32 s0, $0xA;
	s1 =	smul.u32 $0x24000, s1  }
0x177: {  	s0 =	sand.u32 $0x1C00, s0  }
0x178: {  	s0 =	sor.u32 s0, s1  }
0x179: {  	s26 =	rddreg [dreg:$0x0];
	s0 =	sshrl.u32 s0, $0x3  }
0x17a: {  	s28 =	simm.s32 $0x780;
	s0 =	sadd.s32 s26, s0  }
0x17b: {  	[tilespmem:s28], [sflag:$0x1] =	stream.strided.gather [hbm4b:s0+s2], $0xC00, s3, s2, $0x38;
	[tilespmem:$0x1CF80] =	vst v63  }
0x17c: {  	s4 =	simm.s32 $0x1380;
	s30 =	simm.s32 $0x1F80;
	s29 =	sadd.s32 $0x1800, s0  }
0x17d: {  	[tilespmem:s4], [sflag:$0x1] =	stream.strided.gather [hbm4b:s29+s2], $0xC00, s3, s2, $0x38;
	[tilespmem:$0x1CF80] =	vst v63  }
.Ltmp3:
0x17e: {  	s31 =	simm.s32 $0x2;
	s0 =	sadd.s32 $0x3000, s0;
	(pc) =	sbr.rel @p0 .LBB2_8-.Ltmp3, $4  }
0x17f: {  	[tilespmem:s30], [sflag:$0x1] =	stream.strided.gather [hbm4b:s0+s2], $0xC00, s3, s2, $0x38;
	[tilespmem:$0x1CF80] =	vst v63  }
0x180: {  	_ =	swait.ge [sflag:s31], $0x2400  }
0x181: {  	[sflag:s31] =	ssyncset.done $0x0  }
0x182: {  	[sflag:s31] =	ssyncadd.s32 $0xFFFFDC00  }
.LBB2_7:
0x183: {  	s0 =	simm.s32 $0x4  }
0x184: {  	_ =	swait.ge [sflag:s0], $0xC000  }
0x185: {  	[sflag:s0] =	ssyncset.done $0x0  }
0x186: {  	[sflag:s0] =	ssyncadd.s32 $0xFFFF4000  }
.LBB2_8:
0x187: {  	s0 =	simm.s32 $0x0  }
0x188: {  	s18 =	sand.u32 $0x60, s0;
	s20 =	sand.u32 $0xF80, s0  }
0x189: {  	s19 =	sor.u32 $0x10, s18;
	s0 =	sadd.s32 $0x2B80, s20  }
0x18a: {  	s1 =	sadd.s32 $0x3780, s20;
	s2 =	sor.u32 s19, s0  }
0x18b: {  	s14 =	sor.u32 s19, s1;
	v0 =	vld [tilespmem:s2+$0x0]  }
0x18c: {  	s3 =	sadd.s32 $0x4380, s20;
	v1 =	vld [tilespmem:s14+$0x0]  }
0x18d: {  	s15 =	sor.u32 s19, s3  }
0x18e: {  	v3 =	vld [tilespmem:s15+$0x0];
	_ =	sdelay $0x1  }
0x18f: {  	vm0 =	vgt.s32 v0, $0xFFFFFFDA  }
0x190: {  	vm5 =	vgt.s32 v1, $0xFFFFFFDA;
	v0 =	vnsel vm0, $0xFFFFFFDA, v0  }
0x191: {  	v1 =	vnsel vm5, $0xFFFFFFDA, v1;
	vm1 =	vlt.s32 v0, $0x26  }
0x192: {  	vm6 =	vgt.s32 v3, $0xFFFFFFDA;
	vm7 =	vlt.s32 v1, $0x26;
	v2 =	vnsel vm1, $0x26, v0  }
0x193: {  	v0 =	vnsel vm6, $0xFFFFFFDA, v3;
	v1 =	vnsel vm7, $0x26, v1;
	v3 =	vadd.s32 $0x26, v2  }
0x194: {  	vm0 =	vlt.s32 v0, $0x26;
	v4 =	vadd.s32 $0x73, v1  }
0x195: {  	v0 =	vnsel vm0, $0x26, v0  }
0x196: {  	v5 =	vadd.s32 $0xC0, v0;
	_ =	sdelay $0x1  }
0x197: {  	v3 =	vld.idx.msk [tilespmem:v3+s5+$0x0], $0xffff  }
0x198: {  	s0 =	sor.u32 s18, s0;
	v4 =	vld.idx.msk [tilespmem:v4+s5+$0x0], $0xffff  }
0x199: {  	v6 =	vld [tilespmem:s0+$0x0]  }
0x19a: {  	s16 =	sor.u32 s18, s1;
	v5 =	vld.idx.msk [tilespmem:v5+s5+$0x0], $0xffff  }
0x19b: {  	v7 =	vld [tilespmem:s16+$0x0];
	_ =	sdelay $0x1  }
0x19c: {  	s17 =	sor.u32 s18, s3;
	v3 =	vadd.bf16 v4, v3  }
0x19d: {  	v4 =	vld [tilespmem:s17+$0x0]  }
0x19e: {  	vm8 =	vgt.s32 v6, $0xFFFFFFDA;
	v8 =	vadd.s32 $0x10D, v2;
	v3 =	vadd.bf16 v5, v3  }
0x19f: {  	s21 =	sadd.s32 $0x10F80, s20;
	vm9 =	vgt.s32 v7, $0xFFFFFFDA;
	v5 =	vnsel vm8, $0xFFFFFFDA, v6;
	v6 =	vadd.s32 $0x15A, v1  }
0x1a0: {  	s22 =	sadd.s32 $0x11B80, s20;
	s23 =	sor.u32 s19, s21;
	v7 =	vnsel vm9, $0xFFFFFFDA, v7;
	v9 =	vunpack.i.l.bf16.f32 v3  }
0x1a1: {  	s24 =	sor.u32 s19, s22;
	v10 =	vadd.s32 $0x1A7, v0;
	vm10 =	vlt.s32 v5, $0x26;
	v11 =	vunpack.i.u.bf16.f32 v3;
	[tilespmem:s23+$0x0] =	vst v9  }
0x1a2: {  	vm0 =	vlt.s32 v7, $0x26;
	v3 =	vnsel vm10, $0x26, v5;
	vm2 =	vgt.s32 v4, $0xFFFFFFDA;
	[tilespmem:s24+$0x0] =	vst v11  }
0x1a3: {  	v5 =	vnsel vm0, $0x26, v7;
	v7 =	vadd.s32 $0x26, v3;
	v4 =	vnsel vm2, $0xFFFFFFDA, v4;
	v8 =	vld.idx.msk [tilespmem:v8+s5+$0x0], $0xffff  }
0x1a4: {  	v9 =	vadd.s32 $0x73, v5;
	vm11 =	vlt.s32 v4, $0x26;
	v6 =	vld.idx.msk [tilespmem:v6+s5+$0x0], $0xffff  }
0x1a5: {  	v4 =	vnsel vm11, $0x26, v4  }
0x1a6: {  	v10 =	vld.idx.msk [tilespmem:v10+s5+$0x0], $0xffff;
	v11 =	vadd.s32 $0xC0, v4;
	_ =	sdelay $0x1  }
0x1a7: {  	v7 =	vld.idx.msk [tilespmem:v7+s5+$0x0], $0xffff  }
0x1a8: {  	v9 =	vld.idx.msk [tilespmem:v9+s5+$0x0], $0xffff;
	v6 =	vadd.bf16 v6, v8;
	_ =	sdelay $0x1  }
0x1a9: {  	v8 =	vld.idx.msk [tilespmem:v11+s5+$0x0], $0xffff;
	v6 =	vadd.bf16 v10, v6;
	v10 =	vadd.s32 $0x1F4, v2  }
0x1aa: {  	s6 =	sadd.s32 $0x12780, s20;
	v11 =	vadd.s32 $0x241, v1  }
0x1ab: {  	s25 =	sadd.s32 $0x13380, s20;
	s26 =	sor.u32 s19, s6;
	v12 =	vunpack.i.l.bf16.f32 v6  }
0x1ac: {  	s29 =	sor.u32 s19, s25;
	v7 =	vadd.bf16 v9, v7;
	v9 =	vadd.s32 $0x28E, v0;
	v6 =	vunpack.i.u.bf16.f32 v6;
	[tilespmem:s26+$0x0] =	vst v12  }
0x1ad: {  	[tilespmem:s29+$0x0] =	vst v6  }
0x1ae: {  	v6 =	vadd.s32 $0x10D, v3;
	v7 =	vadd.bf16 v8, v7;
	v8 =	vld.idx.msk [tilespmem:v10+s5+$0x0], $0xffff  }
0x1af: {  	v10 =	vadd.s32 $0x15A, v5;
	v11 =	vld.idx.msk [tilespmem:v11+s5+$0x0], $0xffff  }
0x1b0: {  	s0 =	sor.u32 s18, s21;
	v13 =	vadd.s32 $0x1A7, v4;
	v12 =	vunpack.i.l.bf16.f32 v7  }
0x1b1: {  	s1 =	sor.u32 s18, s22;
	v9 =	vld.idx.msk [tilespmem:v9+s5+$0x0], $0xffff;
	v7 =	vunpack.i.u.bf16.f32 v7;
	[tilespmem:s0+$0x0] =	vst v12  }
0x1b2: {  	s30 =	simm.s32 $0x20;
	[tilespmem:s1+$0x0] =	vst v7  }
0x1b3: {  	s4 =	sand.u32 $0xF80, s30;
	s1 =	sand.u32 $0x60, s30;
	v6 =	vld.idx.msk [tilespmem:v6+s5+$0x0], $0xffff  }
0x1b4: {  	s8 =	sadd.s32 $0x2B80, s4;
	v7 =	vld.idx.msk [tilespmem:v10+s5+$0x0], $0xffff;
	v8 =	vadd.bf16 v11, v8;
	s2 =	sor.u32 $0x10, s1  }
0x1b5: {  	s10 =	sadd.s32 $0x3780, s4;
	v10 =	vld.idx.msk [tilespmem:v13+s5+$0x0], $0xffff;
	s7 =	sor.u32 s2, s8  }
0x1b6: {  	s11 =	sadd.s32 $0x4380, s4;
	s12 =	sor.u32 s2, s10;
	v8 =	vadd.bf16 v9, v8;
	v9 =	vadd.s32 $0x2DB, v2;
	v12 =	vld [tilespmem:s7+$0x0]  }
0x1b7: {  	s31 =	sadd.s32 $0x13F80, s20;
	v11 =	vadd.s32 $0x328, v1;
	s13 =	sor.u32 s2, s11;
	v14 =	vld [tilespmem:s12+$0x0]  }
0x1b8: {  	s9 =	sadd.s32 $0x14B80, s20;
	s14 =	sor.u32 s19, s31;
	v15 =	vld [tilespmem:s13+$0x0];
	v13 =	vunpack.i.l.bf16.f32 v8  }
0x1b9: {  	v8 =	vunpack.i.u.bf16.f32 v8;
	v6 =	vadd.bf16 v7, v6;
	v7 =	vadd.s32 $0x375, v0;
	[tilespmem:s14+$0x0] =	vst v13;
	s14 =	sor.u32 s19, s9  }
0x1ba: {  	[tilespmem:s14+$0x0] =	vst v8  }
0x1bb: {  	v8 =	vld.idx.msk [tilespmem:v9+s5+$0x0], $0xffff  }
0x1bc: {  	v6 =	vadd.bf16 v10, v6;
	v9 =	vadd.s32 $0x1F4, v3;
	v13 =	vld.idx.msk [tilespmem:v11+s5+$0x0], $0xffff;
	vm12 =	vgt.s32 v12, $0xFFFFFFDA  }
0x1bd: {  	vm13 =	vgt.s32 v14, $0xFFFFFFDA;
	vm15 =	vgt.s32 v15, $0xFFFFFFDA;
	v10 =	vnsel vm12, $0xFFFFFFDA, v12  }
0x1be: {  	v11 =	vnsel vm13, $0xFFFFFFDA, v14;
	v16 =	vunpack.i.l.bf16.f32 v6;
	vm14 =	vlt.s32 v10, $0x26;
	v7 =	vld.idx.msk [tilespmem:v7+s5+$0x0], $0xffff  }
0x1bf: {  	vm4 =	vlt.s32 v11, $0x26;
	v12 =	vnsel vm14, $0x26, v10;
	v10 =	vnsel vm15, $0xFFFFFFDA, v15  }
0x1c0: {  	s8 =	sor.u32 s1, s8;
	v11 =	vnsel vm4, $0x26, v11;
	v14 =	vadd.s32 $0x26, v12;
	vm0 =	vlt.s32 v10, $0x26  }
0x1c1: {  	s6 =	sor.u32 s18, s6;
	s10 =	sor.u32 s1, s10;
	v15 =	vld [tilespmem:s8+$0x0];
	v17 =	vadd.s32 $0x73, v11;
	v10 =	vnsel vm0, $0x26, v10;
	v8 =	vadd.bf16 v13, v8  }
0x1c2: {  	s3 =	sor.u32 s18, s25;
	s15 =	sor.u32 s1, s11;
	v6 =	vunpack.i.u.bf16.f32 v6;
	[tilespmem:s6+$0x0] =	vst v16;
	v13 =	vld [tilespmem:s10+$0x0];
	v16 =	vadd.s32 $0xC0, v10  }
0x1c3: {  	v18 =	vld [tilespmem:s15+$0x0];
	[tilespmem:s3+$0x0] =	vst v6;
	v6 =	vadd.bf16 v7, v8;
	v7 =	vadd.s32 $0x3C2, v2  }
0x1c4: {  	s3 =	sadd.s32 $0x15780, s20;
	v9 =	vld.idx.msk [tilespmem:v9+s5+$0x0], $0xffff;
	v8 =	vadd.s32 $0x40F, v1  }
0x1c5: {  	v19 =	vadd.s32 $0x241, v5;
	s6 =	sadd.s32 $0x16380, s20;
	s16 =	sor.u32 s19, s3;
	v14 =	vld.idx.msk [tilespmem:v14+s5+$0x0], $0xffff;
	v20 =	vunpack.i.l.bf16.f32 v6  }
0x1c6: {  	s17 =	sor.u32 s19, s6;
	vm5 =	vgt.s32 v15, $0xFFFFFFDA;
	v17 =	vld.idx.msk [tilespmem:v17+s5+$0x0], $0xffff;
	v6 =	vunpack.i.u.bf16.f32 v6;
	[tilespmem:s16+$0x0] =	vst v20;
	v20 =	vadd.s32 $0x45C, v0  }
0x1c7: {  	v21 =	vadd.s32 $0x28E, v4;
	v15 =	vnsel vm5, $0xFFFFFFDA, v15;
	vm6 =	vgt.s32 v13, $0xFFFFFFDA;
	v16 =	vld.idx.msk [tilespmem:v16+s5+$0x0], $0xffff;
	[tilespmem:s17+$0x0] =	vst v6  }
0x1c8: {  	vm7 =	vgt.s32 v18, $0xFFFFFFDA;
	vm0 =	vlt.s32 v15, $0x26;
	v13 =	vnsel vm6, $0xFFFFFFDA, v13;
	v7 =	vld.idx.msk [tilespmem:v7+s5+$0x0], $0xffff  }
0x1c9: {  	vm8 =	vlt.s32 v13, $0x26;
	v6 =	vnsel vm0, $0x26, v15;
	v15 =	vnsel vm7, $0xFFFFFFDA, v18;
	v18 =	vld.idx.msk [tilespmem:v8+s5+$0x0], $0xffff  }
0x1ca: {  	v19 =	vld.idx.msk [tilespmem:v19+s5+$0x0], $0xffff;
	v13 =	vnsel vm8, $0x26, v13;
	v22 =	vadd.s32 $0x26, v6;
	vm9 =	vlt.s32 v15, $0x26  }
0x1cb: {  	v23 =	vadd.s32 $0x73, v13;
	v8 =	vnsel vm9, $0x26, v15;
	v14 =	vadd.bf16 v17, v14;
	v15 =	vld.idx.msk [tilespmem:v20+s5+$0x0], $0xffff  }
0x1cc: {  	v17 =	vadd.s32 $0xC0, v8  }
0x1cd: {  	v20 =	vld.idx.msk [tilespmem:v21+s5+$0x0], $0xffff;
	v14 =	vadd.bf16 v16, v14;
	v16 =	vadd.s32 $0x10D, v12  }
0x1ce: {  	s21 =	sadd.s32 $0x10F80, s4;
	v21 =	vadd.s32 $0x15A, v11;
	v7 =	vadd.bf16 v18, v7  }
0x1cf: {  	s22 =	sadd.s32 $0x11B80, s4;
	s23 =	sor.u32 s2, s21;
	v9 =	vadd.bf16 v19, v9;
	v18 =	vld.idx.msk [tilespmem:v22+s5+$0x0], $0xffff;
	v19 =	vunpack.i.l.bf16.f32 v14;
	v22 =	vadd.s32 $0x1A7, v10  }
0x1d0: {  	s24 =	sor.u32 s2, s22;
	v14 =	vunpack.i.u.bf16.f32 v14;
	v23 =	vld.idx.msk [tilespmem:v23+s5+$0x0], $0xffff;
	[tilespmem:s23+$0x0] =	vst v19;
	v7 =	vadd.bf16 v15, v7;
	v15 =	vadd.s32 $0x4A9, v2  }
0x1d1: {  	s10 =	sadd.s32 $0x16F80, s20;
	v17 =	vld.idx.msk [tilespmem:v17+s5+$0x0], $0xffff;
	[tilespmem:s24+$0x0] =	vst v14;
	v14 =	vadd.s32 $0x4F6, v1  }
0x1d2: {  	s11 =	sadd.s32 $0x17B80, s20;
	s25 =	sor.u32 s19, s10;
	v19 =	vadd.s32 $0x2DB, v3;
	v9 =	vadd.bf16 v20, v9;
	v16 =	vld.idx.msk [tilespmem:v16+s5+$0x0], $0xffff;
	v20 =	vunpack.i.l.bf16.f32 v7  }
0x1d3: {  	s26 =	sor.u32 s19, s11;
	v21 =	vld.idx.msk [tilespmem:v21+s5+$0x0], $0xffff;
	v7 =	vunpack.i.u.bf16.f32 v7;
	[tilespmem:s25+$0x0] =	vst v20;
	v20 =	vadd.s32 $0x543, v0  }
0x1d4: {  	v24 =	vadd.s32 $0x328, v5;
	s0 =	sor.u32 s18, s31;
	v25 =	vunpack.i.l.bf16.f32 v9;
	v22 =	vld.idx.msk [tilespmem:v22+s5+$0x0], $0xffff;
	[tilespmem:s26+$0x0] =	vst v7  }
0x1d5: {  	s7 =	sor.u32 s18, s9;
	[tilespmem:s0+$0x0] =	vst v25;
	v7 =	vunpack.i.u.bf16.f32 v9;
	v9 =	vadd.bf16 v23, v18;
	v15 =	vld.idx.msk [tilespmem:v15+s5+$0x0], $0xffff  }
0x1d6: {  	v18 =	vadd.s32 $0x375, v4;
	[tilespmem:s7+$0x0] =	vst v7;
	v7 =	vld.idx.msk [tilespmem:v14+s5+$0x0], $0xffff  }
0x1d7: {  	v14 =	vadd.s32 $0x10D, v6;
	v9 =	vadd.bf16 v17, v9;
	v17 =	vld.idx.msk [tilespmem:v19+s5+$0x0], $0xffff  }
0x1d8: {  	v16 =	vadd.bf16 v21, v16;
	v19 =	vadd.s32 $0x15A, v13;
	v20 =	vld.idx.msk [tilespmem:v20+s5+$0x0], $0xffff  }
0x1d9: {  	s29 =	sor.u32 s1, s21;
	v21 =	vadd.s32 $0x1A7, v8;
	v24 =	vld.idx.msk [tilespmem:v24+s5+$0x0], $0xffff;
	v23 =	vunpack.i.l.bf16.f32 v9  }
0x1da: {  	s30 =	sor.u32 s1, s22;
	v16 =	vadd.bf16 v22, v16;
	v22 =	vadd.s32 $0x1F4, v12;
	v9 =	vunpack.i.u.bf16.f32 v9;
	[tilespmem:s29+$0x0] =	vst v23  }
0x1db: {  	s31 =	sadd.s32 $0x12780, s4;
	v18 =	vld.idx.msk [tilespmem:v18+s5+$0x0], $0xffff;
	[tilespmem:s30+$0x0] =	vst v9;
	v9 =	vadd.s32 $0x241, v11;
	v7 =	vadd.bf16 v7, v15  }
0x1dc: {  	s9 =	sadd.s32 $0x13380, s4;
	s14 =	sor.u32 s2, s31;
	v23 =	vadd.s32 $0x28E, v10;
	v15 =	vunpack.i.l.bf16.f32 v16;
	v14 =	vld.idx.msk [tilespmem:v14+s5+$0x0], $0xffff  }
0x1dd: {  	s15 =	sor.u32 s2, s9;
	v16 =	vunpack.i.u.bf16.f32 v16;
	v19 =	vld.idx.msk [tilespmem:v19+s5+$0x0], $0xffff;
	[tilespmem:s14+$0x0] =	vst v15;
	v15 =	vadd.s32 $0x590, v2;
	v7 =	vadd.bf16 v20, v7  }
0x1de: {  	s8 =	sadd.s32 $0x18780, s20;
	[tilespmem:s15+$0x0] =	vst v16;
	v16 =	vadd.bf16 v24, v17;
	v17 =	vadd.s32 $0x5DD, v1;
	v20 =	vld.idx.msk [tilespmem:v21+s5+$0x0], $0xffff  }
0x1df: {  	s16 =	sor.u32 s19, s8;
	s0 =	sadd.s32 $0x19380, s20;
	v24 =	vadd.s32 $0x62A, v0;
	v21 =	vld.idx.msk [tilespmem:v22+s5+$0x0], $0xffff;
	v22 =	vunpack.i.l.bf16.f32 v7  }
0x1e0: {  	s17 =	sor.u32 s19, s0;
	v16 =	vadd.bf16 v18, v16;
	v9 =	vld.idx.msk [tilespmem:v9+s5+$0x0], $0xffff;
	v7 =	vunpack.i.u.bf16.f32 v7;
	[tilespmem:s16+$0x0] =	vst v22  }
0x1e1: {  	s21 =	simm.s32 $0x40;
	v25 =	vadd.s32 $0x3C2, v3;
	v22 =	vld.idx.msk [tilespmem:v23+s5+$0x0], $0xffff;
	[tilespmem:s17+$0x0] =	vst v7  }
0x1e2: {  	s3 =	sor.u32 s18, s3;
	s7 =	sand.u32 $0xF80, s21;
	s14 =	sand.u32 $0x60, s21;
	v18 =	vadd.s32 $0x40F, v5;
	v23 =	vunpack.i.l.bf16.f32 v16;
	v15 =	vld.idx.msk [tilespmem:v15+s5+$0x0], $0xffff  }
0x1e3: {  	s6 =	sor.u32 s18, s6;
	s24 =	sadd.s32 $0x3780, s7;
	v14 =	vadd.bf16 v19, v14;
	v16 =	vunpack.i.u.bf16.f32 v16;
	s16 =	sor.u32 $0x10, s14;
	v7 =	vadd.s32 $0x45C, v4;
	[tilespmem:s3+$0x0] =	vst v23;
	v17 =	vld.idx.msk [tilespmem:v17+s5+$0x0], $0xffff  }
0x1e4: {  	s25 =	sor.u32 s16, s24;
	[tilespmem:s6+$0x0] =	vst v16;
	v16 =	vld.idx.msk [tilespmem:v24+s5+$0x0], $0xffff  }
0x1e5: {  	v14 =	vadd.bf16 v20, v14;
	v24 =	vld [tilespmem:s25+$0x0]  }
0x1e6: {  	v19 =	vld.idx.msk [tilespmem:v25+s5+$0x0], $0xffff;
	v9 =	vadd.bf16 v9, v21  }
0x1e7: {  	s22 =	sor.u32 s1, s31;
	s12 =	sadd.s32 $0x2B80, s7;
	v20 =	vadd.s32 $0x1F4, v6;
	v18 =	vld.idx.msk [tilespmem:v18+s5+$0x0], $0xffff;
	v21 =	vunpack.i.l.bf16.f32 v14  }
0x1e8: {  	s15 =	sor.u32 s16, s12;
	[tilespmem:s22+$0x0] =	vst v21;
	s22 =	sadd.s32 $0x4380, s7;
	v9 =	vadd.bf16 v22, v9;
	v22 =	vld.idx.msk [tilespmem:v7+s5+$0x0], $0xffff;
	v7 =	vadd.s32 $0x2DB, v12  }
0x1e9: {  	s23 =	sor.u32 s1, s9;
	s17 =	sadd.s32 $0x13F80, s4;
	v14 =	vunpack.i.u.bf16.f32 v14;
	v21 =	vld [tilespmem:s15+$0x0];
	s26 =	sor.u32 s16, s22;
	v15 =	vadd.bf16 v17, v15;
	v17 =	vadd.s32 $0x328, v11  }
0x1ea: {  	s21 =	sadd.s32 $0x14B80, s4;
	s29 =	sor.u32 s2, s17;
	[tilespmem:s23+$0x0] =	vst v14;
	v14 =	vadd.s32 $0x375, v10;
	s15 =	sor.u32 s14, s22;
	v25 =	vld [tilespmem:s26+$0x0];
	v23 =	vunpack.i.l.bf16.f32 v9  }
0x1eb: {  	v2 =	vadd.s32 $0x677, v2;
	s30 =	sor.u32 s2, s21;
	v28 =	vld [tilespmem:s15+$0x0];
	v9 =	vunpack.i.u.bf16.f32 v9;
	[tilespmem:s29+$0x0] =	vst v23;
	v15 =	vadd.bf16 v16, v15  }
0x1ec: {  	s6 =	sadd.s32 $0x19F80, s20;
	v16 =	vld.idx.msk [tilespmem:v20+s5+$0x0], $0xffff;
	[tilespmem:s30+$0x0] =	vst v9  }
0x1ed: {  	v26 =	vadd.s32 $0x6C4, v1;
	s3 =	sadd.s32 $0x1AB80, s20;
	s31 =	sor.u32 s19, s6;
	v9 =	vunpack.i.l.bf16.f32 v15;
	v23 =	vld.idx.msk [tilespmem:v7+s5+$0x0], $0xffff  }
0x1ee: {  	s9 =	sor.u32 s19, s3;
	vm11 =	vgt.s32 v24, $0xFFFFFFDA;
	vm10 =	vgt.s32 v21, $0xFFFFFFDA;
	v1 =	vunpack.i.u.bf16.f32 v15;
	[tilespmem:s31+$0x0] =	vst v9;
	v15 =	vld.idx.msk [tilespmem:v17+s5+$0x0], $0xffff  }
0x1ef: {  	v20 =	vadd.s32 $0x241, v13;
	v17 =	vld.idx.msk [tilespmem:v14+s5+$0x0], $0xffff;
	v14 =	vadd.s32 $0x711, v0;
	v0 =	vnsel vm10, $0xFFFFFFDA, v21;
	[tilespmem:s9+$0x0] =	vst v1  }
0x1f0: {  	s12 =	sor.u32 s14, s12;
	vm13 =	vgt.s32 v25, $0xFFFFFFDA;
	vm12 =	vlt.s32 v0, $0x26;
	v7 =	vld.idx.msk [tilespmem:v2+s5+$0x0], $0xffff;
	v2 =	vnsel vm11, $0xFFFFFFDA, v24  }
0x1f1: {  	s13 =	sor.u32 s14, s24;
	v21 =	vld [tilespmem:s12+$0x0];
	v1 =	vnsel vm12, $0x26, v0;
	v0 =	vnsel vm13, $0xFFFFFFDA, v25;
	vm14 =	vlt.s32 v2, $0x26  }
0x1f2: {  	v24 =	vld [tilespmem:s13+$0x0];
	v25 =	vadd.s32 $0x26, v1;
	vm0 =	vlt.s32 v0, $0x26;
	v2 =	vnsel vm14, $0x26, v2  }
0x1f3: {  	v9 =	vld.idx.msk [tilespmem:v26+s5+$0x0], $0xffff;
	v0 =	vnsel vm0, $0x26, v0;
	v26 =	vadd.s32 $0x73, v2  }
0x1f4: {  	v18 =	vadd.bf16 v18, v19;
	v15 =	vadd.bf16 v15, v23;
	v19 =	vadd.s32 $0xC0, v0  }
0x1f5: {  	v27 =	vadd.s32 $0x4F6, v5;
	v32 =	vadd.s32 $0x45C, v10;
	v29 =	vadd.s32 $0x28E, v8  }
0x1f6: {  	v18 =	vadd.bf16 v22, v18;
	v20 =	vld.idx.msk [tilespmem:v20+s5+$0x0], $0xffff;
	v15 =	vadd.bf16 v17, v15;
	v17 =	vadd.s32 $0x3C2, v12  }
0x1f7: {  	v22 =	vadd.s32 $0x40F, v11;
	vm5 =	vgt.s32 v28, $0xFFFFFFDA;
	s13 =	sadd.s32 $0x15780, s4;
	vm4 =	vgt.s32 v24, $0xFFFFFFDA;
	v30 =	vld.idx.msk [tilespmem:v25+s5+$0x0], $0xffff  }
0x1f8: {  	s15 =	sadd.s32 $0x16380, s4;
	s22 =	sor.u32 s2, s13;
	vm15 =	vgt.s32 v21, $0xFFFFFFDA;
	v24 =	vnsel vm4, $0xFFFFFFDA, v24;
	v25 =	vunpack.i.l.bf16.f32 v15;
	v31 =	vld.idx.msk [tilespmem:v26+s5+$0x0], $0xffff  }
0x1f9: {  	s23 =	sor.u32 s2, s15;
	v21 =	vnsel vm15, $0xFFFFFFDA, v21;
	v15 =	vunpack.i.u.bf16.f32 v15;
	vm1 =	vlt.s32 v24, $0x26;
	[tilespmem:s22+$0x0] =	vst v25;
	v34 =	vld.idx.msk [tilespmem:v19+s5+$0x0], $0xffff  }
0x1fa: {  	s10 =	sor.u32 s18, s10;
	v33 =	vunpack.i.l.bf16.f32 v18;
	vm0 =	vlt.s32 v21, $0x26;
	v25 =	vnsel vm1, $0x26, v24;
	v24 =	vld.idx.msk [tilespmem:v29+s5+$0x0], $0xffff;
	[tilespmem:s23+$0x0] =	vst v15  }
0x1fb: {  	s11 =	sor.u32 s18, s11;
	v18 =	vunpack.i.u.bf16.f32 v18;
	[tilespmem:s10+$0x0] =	vst v33;
	v23 =	vadd.s32 $0x4A9, v3;
	v26 =	vnsel vm0, $0x26, v21;
	v15 =	vld.idx.msk [tilespmem:v17+s5+$0x0], $0xffff  }
0x1fc: {  	[tilespmem:s11+$0x0] =	vst v18;
	v17 =	vnsel vm5, $0xFFFFFFDA, v28;
	v21 =	vld.idx.msk [tilespmem:v22+s5+$0x0], $0xffff;
	v22 =	vadd.s32 $0x26, v26  }
0x1fd: {  	v27 =	vld.idx.msk [tilespmem:v27+s5+$0x0], $0xffff;
	v16 =	vadd.bf16 v20, v16;
	v28 =	vadd.s32 $0x73, v25;
	vm6 =	vlt.s32 v17, $0x26  }
0x1fe: {  	v29 =	vadd.s32 $0x543, v4;
	v19 =	vnsel vm6, $0x26, v17;
	v17 =	vld.idx.msk [tilespmem:v32+s5+$0x0], $0xffff;
	v18 =	vadd.bf16 v31, v30  }
0x1ff: {  	v14 =	vld.idx.msk [tilespmem:v14+s5+$0x0], $0xffff;
	v30 =	vadd.s32 $0xC0, v19;
	v16 =	vadd.bf16 v24, v16  }
0x200: {  	v23 =	vld.idx.msk [tilespmem:v23+s5+$0x0], $0xffff;
	v31 =	vadd.s32 $0x10D, v1;
	v18 =	vadd.bf16 v34, v18  }
0x201: {  	v47 =	vadd.s32 $0x328, v13;
	s24 =	sadd.s32 $0x10F80, s7;
	s17 =	sor.u32 s1, s17;
	v22 =	vld.idx.msk [tilespmem:v22+s5+$0x0], $0xffff;
	v15 =	vadd.bf16 v21, v15;
	v48 =	vunpack.i.l.bf16.f32 v16  }
0x202: {  	s25 =	sadd.s32 $0x11B80, s7;
	s26 =	sor.u32 s16, s24;
	v46 =	vadd.s32 $0x15A, v2;
	v20 =	vld.idx.msk [tilespmem:v28+s5+$0x0], $0xffff;
	[tilespmem:s17+$0x0] =	vst v48;
	v21 =	vunpack.i.l.bf16.f32 v18  }
0x203: {  	s29 =	sor.u32 s16, s25;
	v29 =	vld.idx.msk [tilespmem:v29+s5+$0x0], $0xffff;
	v28 =	vadd.s32 $0x1A7, v0;
	v18 =	vunpack.i.u.bf16.f32 v18;
	v15 =	vadd.bf16 v17, v15;
	[tilespmem:s26+$0x0] =	vst v21  }
0x204: {  	s21 =	sor.u32 s1, s21;
	s11 =	sadd.s32 $0x16F80, s4;
	v16 =	vunpack.i.u.bf16.f32 v16;
	v21 =	vld.idx.msk [tilespmem:v30+s5+$0x0], $0xffff;
	[tilespmem:s29+$0x0] =	vst v18;
	v18 =	vadd.s32 $0x4F6, v11  }
0x205: {  	s12 =	sadd.s32 $0x17B80, s4;
	s23 =	sor.u32 s2, s11;
	v17 =	vadd.s32 $0x4A9, v12;
	[tilespmem:s21+$0x0] =	vst v16;
	v24 =	vld.idx.msk [tilespmem:v31+s5+$0x0], $0xffff;
	v31 =	vunpack.i.l.bf16.f32 v15  }
0x206: {  	s30 =	sor.u32 s2, s12;
	v30 =	vadd.s32 $0x2DB, v6;
	v50 =	vld.idx.msk [tilespmem:v47+s5+$0x0], $0xffff;
	v15 =	vunpack.i.u.bf16.f32 v15;
	[tilespmem:s23+$0x0] =	vst v31  }
0x207: {  	v32 =	vld.idx.msk [tilespmem:v46+s5+$0x0], $0xffff;
	v31 =	vadd.s32 $0x543, v10;
	[tilespmem:s30+$0x0] =	vst v15;
	v15 =	vadd.bf16 v20, v22  }
0x208: {  	v28 =	vld.idx.msk [tilespmem:v28+s5+$0x0], $0xffff;
	v22 =	vadd.s32 $0x375, v8  }
0x209: {  	v49 =	vadd.s32 $0x10D, v26;
	v16 =	vld.idx.msk [tilespmem:v18+s5+$0x0], $0xffff;
	v18 =	vadd.bf16 v27, v23;
	v15 =	vadd.bf16 v21, v15  }
0x20a: {  	v17 =	vld.idx.msk [tilespmem:v17+s5+$0x0], $0xffff;
	v27 =	vadd.s32 $0x15A, v25  }
0x20b: {  	s10 =	sor.u32 s14, s24;
	v35 =	vadd.s32 $0x1A7, v19;
	v30 =	vld.idx.msk [tilespmem:v30+s5+$0x0], $0xffff;
	v18 =	vadd.bf16 v29, v18;
	v29 =	vunpack.i.l.bf16.f32 v15  }
0x20c: {  	s31 =	sor.u32 s14, s25;
	v20 =	vadd.s32 $0x590, v3;
	v24 =	vadd.bf16 v32, v24;
	v31 =	vld.idx.msk [tilespmem:v31+s5+$0x0], $0xffff;
	v15 =	vunpack.i.u.bf16.f32 v15;
	[tilespmem:s10+$0x0] =	vst v29  }
0x20d: {  	v61 =	vadd.s32 $0x677, v3;
	v63 =	vadd.s32 $0x6C4, v5;
	v23 =	vadd.s32 $0x5DD, v5;
	v22 =	vld.idx.msk [tilespmem:v22+s5+$0x0], $0xffff;
	[tilespmem:s31+$0x0] =	vst v15  }
0x20e: {  	s8 =	sor.u32 s18, s8;
	v29 =	vunpack.i.l.bf16.f32 v18;
	v15 =	vadd.bf16 v28, v24;
	v24 =	vadd.s32 $0x1F4, v1;
	v51 =	vld.idx.msk [tilespmem:v49+s5+$0x0], $0xffff  }
0x20f: {  	s0 =	sor.u32 s18, s0;
	s9 =	sadd.s32 $0x12780, s7;
	v52 =	vadd.s32 $0x241, v2;
	v18 =	vunpack.i.u.bf16.f32 v18;
	v16 =	vadd.bf16 v16, v17;
	[tilespmem:s8+$0x0] =	vst v29;
	v17 =	vld.idx.msk [tilespmem:v27+s5+$0x0], $0xffff  }
0x210: {  	s22 =	sadd.s32 $0x13380, s7;
	s23 =	sor.u32 s16, s9;
	v29 =	vadd.s32 $0x28E, v0;
	v27 =	vunpack.i.l.bf16.f32 v15;
	[tilespmem:s0+$0x0] =	vst v18;
	v18 =	vld.idx.msk [tilespmem:v35+s5+$0x0], $0xffff;
	v15 =	vunpack.i.u.bf16.f32 v15  }
0x211: {  	s24 =	sor.u32 s16, s22;
	[tilespmem:s23+$0x0] =	vst v27;
	v16 =	vadd.bf16 v31, v16;
	v31 =	vadd.s32 $0x590, v12;
	v28 =	vld.idx.msk [tilespmem:v20+s5+$0x0], $0xffff;
	v27 =	vadd.bf16 v50, v30  }
0x212: {  	v62 =	vadd.s32 $0x711, v4;
	v40 =	vadd.s32 $0x62A, v10;
	s0 =	sadd.s32 $0x18780, s4;
	v32 =	vld.idx.msk [tilespmem:v23+s5+$0x0], $0xffff;
	[tilespmem:s24+$0x0] =	vst v15;
	v15 =	vadd.s32 $0x5DD, v11  }
0x213: {  	v37 =	vadd.s32 $0x3C2, v6;
	s10 =	sadd.s32 $0x19380, s4;
	s25 =	sor.u32 s2, s0;
	v38 =	vld.idx.msk [tilespmem:v24+s5+$0x0], $0xffff;
	v24 =	vunpack.i.l.bf16.f32 v16;
	v22 =	vadd.bf16 v22, v27  }
0x214: {  	v36 =	vadd.s32 $0x4A9, v6;
	v39 =	vadd.s32 $0x45C, v8;
	s26 =	sor.u32 s2, s10;
	v34 =	vld.idx.msk [tilespmem:v52+s5+$0x0], $0xffff;
	v16 =	vunpack.i.u.bf16.f32 v16;
	[tilespmem:s25+$0x0] =	vst v24  }
0x215: {  	s13 =	sor.u32 s1, s13;
	v44 =	vadd.s32 $0x328, v2;
	v41 =	vld.idx.msk [tilespmem:v29+s5+$0x0], $0xffff;
	v29 =	vadd.bf16 v9, v7;
	[tilespmem:s26+$0x0] =	vst v16;
	v7 =	vunpack.i.l.bf16.f32 v22  }
0x216: {  	v3 =	vadd.s32 $0x677, v6;
	v20 =	vadd.s32 $0x40F, v13;
	v16 =	vadd.bf16 v17, v51;
	v17 =	vld.idx.msk [tilespmem:v31+s5+$0x0], $0xffff;
	[tilespmem:s13+$0x0] =	vst v7  }
0x217: {  	s15 =	sor.u32 s1, s15;
	v59 =	vadd.s32 $0x40F, v2;
	v53 =	vadd.s32 $0x1F4, v26;
	v22 =	vunpack.i.u.bf16.f32 v22;
	v15 =	vld.idx.msk [tilespmem:v15+s5+$0x0], $0xffff;
	[tilespmem:$0x1FFC0] =	vst v3  }
0x218: {  	v55 =	vadd.s32 $0x241, v25;
	v16 =	vadd.bf16 v18, v16;
	v3 =	vadd.s32 $0x6C4, v13;
	[tilespmem:s15+$0x0] =	vst v22  }
0x219: {  	s29 =	sor.u32 s14, s9;
	s30 =	simm.s32 $0x60;
	v14 =	vadd.bf16 v14, v29;
	v18 =	vld.idx.msk [tilespmem:v40+s5+$0x0], $0xffff;
	v22 =	vadd.bf16 v34, v38;
	[tilespmem:$0x1FFD0] =	vst v3;
	v3 =	vadd.s32 $0x711, v8  }
0x21a: {  	s31 =	sor.u32 s14, s22;
	s8 =	sand.u32 $0xF80, s30;
	v35 =	vadd.s32 $0x4F6, v13;
	v24 =	vadd.s32 $0x5DD, v13;
	s15 =	sand.u32 $0x60, s30;
	v13 =	vunpack.i.l.bf16.f32 v16;
	v54 =	vld.idx.msk [tilespmem:v37+s5+$0x0], $0xffff;
	[tilespmem:$0x1FFE0] =	vst v3  }
0x21b: {  	s22 =	sadd.s32 $0x4380, s8;
	s9 =	sadd.s32 $0x2B80, s8;
	v29 =	vunpack.i.l.bf16.f32 v14;
	v31 =	vunpack.i.u.bf16.f32 v14;
	s17 =	sor.u32 $0x10, s15;
	v14 =	vadd.bf16 v41, v22;
	[tilespmem:s29+$0x0] =	vst v13;
	v13 =	vld.idx.msk [tilespmem:v20+s5+$0x0], $0xffff  }
0x21c: {  	v33 =	vadd.s32 $0x328, v25;
	s24 =	sadd.s32 $0x13F80, s7;
	s25 =	sadd.s32 $0x14B80, s7;
	v16 =	vunpack.i.u.bf16.f32 v16;
	s21 =	sor.u32 s17, s9;
	v39 =	vld.idx.msk [tilespmem:v39+s5+$0x0], $0xffff;
	v20 =	vadd.s32 $0x2DB, v1  }
0x21d: {  	s26 =	sadd.s32 $0x3780, s8;
	s28 =	sor.u32 s17, s22;
	s29 =	sor.u32 s16, s24;
	v45 =	vld [tilespmem:s21+$0x0];
	[tilespmem:s31+$0x0] =	vst v16;
	v16 =	vadd.s32 $0x375, v0;
	v15 =	vadd.bf16 v15, v17;
	v17 =	vunpack.i.l.bf16.f32 v14  }
0x21e: {  	v43 =	vadd.s32 $0x3C2, v26;
	v42 =	vadd.s32 $0x28E, v19;
	s30 =	sor.u32 s17, s26;
	v46 =	vld [tilespmem:s28+$0x0];
	v14 =	vunpack.i.u.bf16.f32 v14;
	s31 =	sor.u32 s16, s25;
	[tilespmem:s29+$0x0] =	vst v17  }
0x21f: {  	v10 =	vadd.s32 $0x711, v10;
	v12 =	vadd.s32 $0x677, v12;
	v17 =	vld [tilespmem:s30+$0x0];
	v15 =	vadd.bf16 v18, v15;
	[tilespmem:s31+$0x0] =	vst v14  }
0x220: {  	v21 =	vadd.s32 $0x62A, v4;
	v30 =	vadd.s32 $0x543, v8;
	v11 =	vadd.s32 $0x6C4, v11;
	s13 =	sadd.s32 $0x19F80, s4;
	v44 =	vld.idx.msk [tilespmem:v44+s5+$0x0], $0xffff  }
0x221: {  	v23 =	vadd.s32 $0x40F, v25;
	v27 =	vadd.s32 $0x590, v6;
	s21 =	sadd.s32 $0x1AB80, s4;
	s28 =	sor.u32 s2, s13;
	v14 =	vunpack.i.l.bf16.f32 v15;
	v20 =	vld.idx.msk [tilespmem:v20+s5+$0x0], $0xffff  }
0x222: {  	v52 =	vadd.s32 $0x3C2, v1;
	v7 =	vadd.s32 $0x62A, v8;
	s23 =	sor.u32 s15, s9;
	v47 =	vld.idx.msk [tilespmem:v16+s5+$0x0], $0xffff;
	v16 =	vunpack.i.u.bf16.f32 v15;
	[tilespmem:s28+$0x0] =	vst v14;
	s28 =	sor.u32 s2, s21  }
0x223: {  	v28 =	vadd.bf16 v32, v28;
	v34 =	vadd.s32 $0x375, v19;
	v56 =	vld [tilespmem:s23+$0x0];
	vm7 =	vgt.s32 v45, $0xFFFFFFDA;
	[tilespmem:s28+$0x0] =	vst v16  }
0x224: {  	v37 =	vadd.s32 $0x2DB, v26;
	vm8 =	vgt.s32 v17, $0xFFFFFFDA;
	v48 =	vld.idx.msk [tilespmem:v12+s5+$0x0], $0xffff;
	v12 =	vnsel vm7, $0xFFFFFFDA, v45  }
0x225: {  	s26 =	sor.u32 s15, s26;
	vm10 =	vgt.s32 v46, $0xFFFFFFDA;
	v49 =	vld.idx.msk [tilespmem:v11+s5+$0x0], $0xffff;
	v11 =	vnsel vm8, $0xFFFFFFDA, v17;
	vm9 =	vlt.s32 v12, $0x26  }
0x226: {  	s22 =	sor.u32 s15, s22;
	v60 =	vld [tilespmem:s26+$0x0];
	vm11 =	vlt.s32 v11, $0x26;
	v18 =	vnsel vm9, $0x26, v12;
	v12 =	vnsel vm10, $0xFFFFFFDA, v46  }
0x227: {  	v57 =	vld [tilespmem:s22+$0x0];
	v17 =	vnsel vm11, $0x26, v11;
	v11 =	vadd.bf16 v44, v20;
	v50 =	vadd.s32 $0x26, v18  }
0x228: {  	v22 =	vadd.s32 $0x45C, v19;
	v51 =	vld.idx.msk [tilespmem:v10+s5+$0x0], $0xffff;
	vm0 =	vlt.s32 v12, $0x26;
	v10 =	vadd.s32 $0x73, v17  }
0x229: {  	v41 =	vld.idx.msk [tilespmem:v53+s5+$0x0], $0xffff;
	v13 =	vadd.bf16 v13, v54;
	v14 =	vnsel vm0, $0x26, v12;
	v47 =	vadd.bf16 v47, v11  }
0x22a: {  	v3 =	vadd.s32 $0x677, v26;
	s23 =	sadd.s32 $0x15780, s7;
	v40 =	vld.idx.msk [tilespmem:v55+s5+$0x0], $0xffff;
	vm12 =	vgt.s32 v56, $0xFFFFFFDA;
	v58 =	vadd.s32 $0xC0, v14  }
0x22b: {  	s22 =	sadd.s32 $0x16380, s7;
	s9 =	sor.u32 s16, s23;
	vm13 =	vgt.s32 v60, $0xFFFFFFDA;
	v13 =	vadd.bf16 v39, v13;
	v39 =	vld.idx.msk [tilespmem:v42+s5+$0x0], $0xffff;
	v53 =	vunpack.i.l.bf16.f32 v47  }
0x22c: {  	s29 =	sor.u32 s16, s22;
	vm14 =	vgt.s32 v57, $0xFFFFFFDA;
	v15 =	vadd.s32 $0x4A9, v26;
	v47 =	vunpack.i.u.bf16.f32 v47;
	[tilespmem:s9+$0x0] =	vst v53;
	v50 =	vld.idx.msk [tilespmem:v50+s5+$0x0], $0xffff  }
0x22d: {  	v45 =	vnsel vm12, $0xFFFFFFDA, v56;
	v46 =	vnsel vm13, $0xFFFFFFDA, v60;
	v53 =	vadd.s32 $0x45C, v0;
	v10 =	vld.idx.msk [tilespmem:v10+s5+$0x0], $0xffff;
	[tilespmem:s29+$0x0] =	vst v47  }
0x22e: {  	v38 =	vnsel vm14, $0xFFFFFFDA, v57;
	vm1 =	vlt.s32 v46, $0x26;
	vm0 =	vlt.s32 v45, $0x26;
	v52 =	vld.idx.msk [tilespmem:v52+s5+$0x0], $0xffff  }
0x22f: {  	s11 =	sor.u32 s1, s11;
	v54 =	vunpack.i.l.bf16.f32 v13;
	v44 =	vnsel vm0, $0x26, v45;
	v45 =	vnsel vm1, $0x26, v46;
	v55 =	vld.idx.msk [tilespmem:v58+s5+$0x0], $0xffff  }
0x230: {  	s12 =	sor.u32 s1, s12;
	v16 =	vadd.s32 $0x4F6, v25;
	v13 =	vunpack.i.u.bf16.f32 v13;
	[tilespmem:s11+$0x0] =	vst v54;
	v60 =	vadd.s32 $0x73, v45;
	v42 =	vld.idx.msk [tilespmem:v59+s5+$0x0], $0xffff  }
0x231: {  	vm15 =	vlt.s32 v38, $0x26;
	v40 =	vadd.bf16 v40, v41;
	[tilespmem:s12+$0x0] =	vst v13;
	v56 =	vadd.s32 $0x26, v44;
	v47 =	vld.idx.msk [tilespmem:v21+s5+$0x0], $0xffff  }
0x232: {  	v13 =	vadd.s32 $0x6C4, v25;
	v46 =	vnsel vm15, $0x26, v38;
	v38 =	vld.idx.msk [tilespmem:v53+s5+$0x0], $0xffff;
	[tilespmem:$0x1FFF0] =	vst v3;
	v50 =	vadd.bf16 v10, v50  }
0x233: {  	v12 =	vadd.s32 $0x590, v26;
	v26 =	vadd.bf16 v49, v48;
	v48 =	vadd.s32 $0xC0, v46;
	v36 =	vld.idx.msk [tilespmem:v36+s5+$0x0], $0xffff  }
0x234: {  	v57 =	vadd.s32 $0x10D, v18;
	v11 =	vadd.s32 $0x5DD, v25;
	v25 =	vld.idx.msk [tilespmem:v35+s5+$0x0], $0xffff;
	v35 =	vadd.bf16 v55, v50  }
0x235: {  	s26 =	sadd.s32 $0x10F80, s8;
	v20 =	vadd.s32 $0x543, v19;
	v58 =	vadd.s32 $0x15A, v17;
	v41 =	vld.idx.msk [tilespmem:v60+s5+$0x0], $0xffff;
	v42 =	vadd.bf16 v42, v52  }
0x236: {  	s30 =	sor.u32 s17, s26;
	s28 =	sadd.s32 $0x11B80, s8;
	v39 =	vadd.bf16 v39, v40;
	v60 =	vadd.s32 $0x1A7, v14;
	v50 =	vld.idx.msk [tilespmem:v56+s5+$0x0], $0xffff;
	v59 =	vunpack.i.l.bf16.f32 v35  }
0x237: {  	s31 =	sor.u32 s17, s28;
	v26 =	vadd.bf16 v51, v26;
	v54 =	vld.idx.msk [tilespmem:v30+s5+$0x0], $0xffff;
	v30 =	vunpack.i.u.bf16.f32 v35;
	v55 =	vadd.bf16 v38, v42;
	[tilespmem:s30+$0x0] =	vst v59  }
0x238: {  	s24 =	sor.u32 s14, s24;
	s12 =	sadd.s32 $0x16F80, s7;
	v51 =	vadd.s32 $0x1A7, v46;
	v32 =	vld.idx.msk [tilespmem:v48+s5+$0x0], $0xffff;
	v56 =	vadd.s32 $0x4A9, v1;
	v59 =	vunpack.i.l.bf16.f32 v39;
	[tilespmem:s31+$0x0] =	vst v30  }
0x239: {  	v21 =	vadd.s32 $0x62A, v19;
	s29 =	sor.u32 s16, s12;
	v30 =	vadd.s32 $0x4F6, v2;
	v42 =	vunpack.i.l.bf16.f32 v55;
	[tilespmem:s24+$0x0] =	vst v59;
	v40 =	vld.idx.msk [tilespmem:v57+s5+$0x0], $0xffff  }
0x23a: {  	s25 =	sor.u32 s14, s25;
	s11 =	sadd.s32 $0x17B80, s7;
	v19 =	vadd.s32 $0x711, v19;
	v48 =	vunpack.i.l.bf16.f32 v26;
	v39 =	vunpack.i.u.bf16.f32 v39;
	[tilespmem:s29+$0x0] =	vst v42;
	v42 =	vld.idx.msk [tilespmem:v58+s5+$0x0], $0xffff  }
0x23b: {  	s9 =	sor.u32 s16, s11;
	v35 =	vunpack.i.u.bf16.f32 v55;
	v57 =	vadd.s32 $0x543, v0;
	v52 =	vld.idx.msk [tilespmem:v60+s5+$0x0], $0xffff;
	v41 =	vadd.bf16 v41, v50;
	[tilespmem:s25+$0x0] =	vst v39  }
0x23c: {  	v26 =	vunpack.i.u.bf16.f32 v26;
	v38 =	vadd.s32 $0x241, v45;
	v25 =	vadd.bf16 v25, v36;
	s24 =	sadd.s32 $0x1B780, s20;
	[tilespmem:s9+$0x0] =	vst v35;
	v37 =	vld.idx.msk [tilespmem:v37+s5+$0x0], $0xffff  }
0x23d: {  	v36 =	vadd.s32 $0x28E, v46;
	s20 =	sadd.s32 $0x1C380, s20;
	v58 =	vadd.s32 $0x10D, v44;
	s30 =	sor.u32 s19, s24;
	v53 =	vld.idx.msk [tilespmem:v56+s5+$0x0], $0xffff;
	v41 =	vadd.bf16 v32, v41  }
0x23e: {  	v55 =	vadd.s32 $0x590, v1;
	v50 =	vadd.s32 $0x15A, v45;
	v39 =	vadd.s32 $0x1F4, v44;
	s19 =	sor.u32 s19, s20;
	[tilespmem:s30+$0x0] =	vst v29;
	v60 =	vld.idx.msk [tilespmem:v30+s5+$0x0], $0xffff  }
0x23f: {  	s31 =	sor.u32 s15, s26;
	v25 =	vadd.bf16 v54, v25;
	v33 =	vld.idx.msk [tilespmem:v33+s5+$0x0], $0xffff;
	[tilespmem:s19+$0x0] =	vst v31;
	v29 =	vunpack.i.l.bf16.f32 v41;
	v40 =	vadd.bf16 v42, v40  }
0x240: {  	s9 =	sor.u32 s15, s28;
	v35 =	vadd.s32 $0x241, v17;
	v32 =	vadd.s32 $0x328, v45;
	v41 =	vunpack.i.u.bf16.f32 v41;
	v49 =	vld.idx.msk [tilespmem:v57+s5+$0x0], $0xffff;
	[tilespmem:s31+$0x0] =	vst v29  }
0x241: {  	s0 =	sor.u32 s1, s0;
	v54 =	vld.idx.msk [tilespmem:v34+s5+$0x0], $0xffff;
	v29 =	vunpack.i.l.bf16.f32 v25;
	[tilespmem:s9+$0x0] =	vst v41;
	v34 =	vadd.bf16 v52, v40;
	v52 =	vadd.s32 $0x1F4, v18  }
0x242: {  	s10 =	sor.u32 s1, s10;
	s25 =	sadd.s32 $0x12780, s8;
	v31 =	vadd.s32 $0x375, v46;
	v30 =	vadd.s32 $0x2DB, v44;
	v25 =	vunpack.i.u.bf16.f32 v25;
	[tilespmem:s0+$0x0] =	vst v29;
	v56 =	vld.idx.msk [tilespmem:v58+s5+$0x0], $0xffff  }
0x243: {  	s28 =	sadd.s32 $0x13380, s8;
	s26 =	sor.u32 s17, s25;
	v50 =	vld.idx.msk [tilespmem:v50+s5+$0x0], $0xffff;
	[tilespmem:s10+$0x0] =	vst v25;
	v59 =	vadd.bf16 v60, v53;
	v60 =	vunpack.i.l.bf16.f32 v34;
	v53 =	vadd.s32 $0x28E, v14  }
0x244: {  	s19 =	sadd.s32 $0x1B780, s4;
	s29 =	sor.u32 s17, s28;
	v42 =	vadd.s32 $0x40F, v45;
	v57 =	vadd.s32 $0x5DD, v2;
	v51 =	vld.idx.msk [tilespmem:v51+s5+$0x0], $0xffff;
	v25 =	vunpack.i.u.bf16.f32 v34;
	[tilespmem:s26+$0x0] =	vst v60  }
0x245: {  	s30 =	sor.u32 s2, s19;
	v29 =	vadd.s32 $0x3C2, v44;
	v41 =	vadd.s32 $0x45C, v46;
	v40 =	vld.idx.msk [tilespmem:v27+s5+$0x0], $0xffff;
	s26 =	sadd.s32 $0x1C380, s4;
	v49 =	vadd.bf16 v49, v59;
	[tilespmem:s29+$0x0] =	vst v25  }
0x246: {  	[tilespmem:s30+$0x0] =	vst v48;
	v34 =	vadd.s32 $0x4A9, v44;
	v60 =	vadd.s32 $0x62A, v0;
	s29 =	sadd.s32 $0x18780, s7;
	v25 =	vadd.bf16 v33, v37;
	s10 =	sor.u32 s2, s26;
	v58 =	vld.idx.msk [tilespmem:v52+s5+$0x0], $0xffff  }
0x247: {  	s6 =	sor.u32 s18, s6;
	s30 =	sadd.s32 $0x19380, s7;
	v33 =	vadd.s32 $0x543, v46;
	s31 =	sor.u32 s16, s29;
	v52 =	vadd.bf16 v47, v28;
	v59 =	vld.idx.msk [tilespmem:v35+s5+$0x0], $0xffff;
	[tilespmem:s10+$0x0] =	vst v26;
	v27 =	vunpack.i.l.bf16.f32 v49  }
0x248: {  	s13 =	sor.u32 s1, s13;
	s12 =	sor.u32 s14, s12;
	s9 =	sor.u32 s16, s30;
	v50 =	vadd.bf16 v50, v56;
	v28 =	vunpack.i.u.bf16.f32 v49;
	v54 =	vadd.bf16 v54, v25;
	[tilespmem:s31+$0x0] =	vst v27;
	v49 =	vld.idx.msk [tilespmem:v53+s5+$0x0], $0xffff  }
0x249: {  	s28 =	sor.u32 s15, s28;
	s0 =	simm.s32 $0x6;
	s4 =	sor.u32 s18, s20;
	v25 =	vadd.s32 $0x590, v44;
	v26 =	vunpack.i.l.bf16.f32 v52;
	[tilespmem:s9+$0x0] =	vst v28;
	v28 =	vadd.s32 $0x677, v44;
	v44 =	vld.idx.msk [tilespmem:v24+s5+$0x0], $0xffff  }
0x24a: {  	v37 =	vadd.s32 $0x62A, v46;
	s31 =	sor.u32 s18, s3;
	s3 =	sor.u32 s18, s24;
	s24 =	sor.u32 s14, s23;
	v51 =	vadd.bf16 v51, v50;
	[tilespmem:s6+$0x0] =	vst v26;
	v26 =	vunpack.i.l.bf16.f32 v54;
	v47 =	vld.idx.msk [tilespmem:v55+s5+$0x0], $0xffff  }
0x24b: {  	v35 =	vadd.s32 $0x4F6, v45;
	s10 =	sor.u32 s1, s21;
	s21 =	sor.u32 s1, s26;
	s26 =	sor.u32 s14, s22;
	v27 =	vadd.s32 $0x5DD, v45;
	v48 =	vld.idx.msk [tilespmem:v57+s5+$0x0], $0xffff;
	[tilespmem:s24+$0x0] =	vst v26;
	v26 =	vunpack.i.u.bf16.f32 v54  }
0x24c: {  	s2 =	sor.u32 s1, s19;
	s19 =	sor.u32 s14, s11;
	s11 =	simm.s32 $0x80;
	v24 =	vadd.s32 $0x711, v46;
	v57 =	vunpack.i.u.bf16.f32 v52;
	v46 =	vld.idx.msk [tilespmem:v60+s5+$0x0], $0xffff;
	v50 =	vunpack.i.u.bf16.f32 v51;
	[tilespmem:s26+$0x0] =	vst v26  }
0x24d: {  	s18 =	sor.u32 s14, s29;
	s6 =	sor.u32 s14, s30;
	v52 =	vunpack.i.l.bf16.f32 v51;
	v26 =	vadd.s32 $0x6C4, v45;
	s26 =	sor.u32 s15, s25;
	[tilespmem:s31+$0x0] =	vst v57;
	v51 =	vadd.bf16 v59, v58;
	v43 =	vld.idx.msk [tilespmem:v43+s5+$0x0], $0xffff  }
.LBB2_9:
0x24e: {  	[tilespmem:s26+$0x0] =	vst v52;
	v3 =	vld [tilespmem:$0x1FFC0]  }
0x24f: {  	s31 =	sand.u32 $0x60, s11;
	s30 =	sand.u32 $0xF80, s11;
	v45 =	vld.idx.msk [tilespmem:v23+s5+$0x0], $0xffff;
	[tilespmem:s28+$0x0] =	vst v50  }
0x250: {  	s29 =	sor.u32 $0x10, s31;
	s22 =	sadd.s32 $0x2B80, s30;
	v50 =	vld.idx.msk [tilespmem:v22+s5+$0x0], $0xffff  }
0x251: {  	[dreg:$0x15] =	wrdreg s21;
	s20 =	sadd.s32 $0x4380, s30;
	v57 =	vadd.bf16 v49, v51;
	v22 =	vmov v41;
	v41 =	vld.idx.msk [tilespmem:v39+s5+$0x0], $0xffff;
	s1 =	sor.u32 s29, s22  }
0x252: {  	s21 =	sadd.s32 $0x13F80, s8;
	v58 =	vadd.s32 $0x375, v14;
	s25 =	sadd.s32 $0x3780, s30;
	s23 =	sor.u32 s29, s20;
	v54 =	vld [tilespmem:s1+$0x0]  }
0x253: {  	v59 =	vadd.s32 $0x2DB, v18;
	s9 =	sor.u32 s17, s21;
	s26 =	sor.u32 s29, s25;
	s25 =	sor.u32 s31, s25;
	v51 =	vunpack.i.l.bf16.f32 v57;
	v47 =	vadd.bf16 v48, v47;
	v48 =	vld [tilespmem:s23+$0x0]  }
0x254: {  	s24 =	sadd.s32 $0x14B80, s8;
	[tilespmem:s9+$0x0] =	vst v51;
	v51 =	vld [tilespmem:s25+$0x0]  }
0x255: {  	v60 =	vadd.s32 $0x328, v17;
	v55 =	vadd.s32 $0x677, v1;
	v1 =	vmovc v18;
	v23 =	vmovc v42;
	v42 =	vunpack.i.u.bf16.f32 v57;
	s1 =	sor.u32 s17, s24;
	s9 =	sor.u32 s31, s20;
	v18 =	vld [tilespmem:s26+$0x0]  }
0x256: {  	[tilespmem:s1+$0x0] =	vst v42;
	v53 =	vld [tilespmem:s9+$0x0];
	v46 =	vadd.bf16 v46, v47  }
0x257: {  	v56 =	vadd.s32 $0x6C4, v2;
	v2 =	vmov v17;
	s20 =	sadd.s32 $0x19F80, s7;
	v49 =	vld.idx.msk [tilespmem:v58+s5+$0x0], $0xffff;
	v17 =	vadd.bf16 v45, v43  }
0x258: {  	s22 =	sor.u32 s31, s22;
	s1 =	sor.u32 s16, s20;
	v39 =	vld.idx.msk [tilespmem:v59+s5+$0x0], $0xffff;
	v57 =	vunpack.i.l.bf16.f32 v46  }
0x259: {  	s23 =	sadd.s32 $0x1AB80, s7;
	v59 =	vadd.s32 $0x711, v0;
	v47 =	vld [tilespmem:s22+$0x0];
	v50 =	vadd.bf16 v50, v17;
	vm0 =	vgt.s32 v54, $0xFFFFFFDA;
	[tilespmem:s1+$0x0] =	vst v57  }
0x25a: {  	v40 =	vadd.bf16 v44, v40;
	s26 =	sor.u32 s15, s24;
	s24 =	sor.u32 s16, s23;
	v0 =	vmovc v14;
	v58 =	vunpack.i.u.bf16.f32 v46;
	v14 =	vnsel vm0, $0xFFFFFFDA, v54;
	v60 =	vld.idx.msk [tilespmem:v60+s5+$0x0], $0xffff  }
0x25b: {  	[tilespmem:s24+$0x0] =	vst v58;
	vm10 =	vgt.s32 v18, $0xFFFFFFDA;
	v44 =	vunpack.i.u.bf16.f32 v50;
	v58 =	vunpack.i.l.bf16.f32 v50;
	v50 =	vld.idx.msk [tilespmem:v36+s5+$0x0], $0xffff  }
0x25c: {  	vm1 =	vlt.s32 v14, $0x26;
	v45 =	vld.idx.msk [tilespmem:v55+s5+$0x0], $0xffff;
	v17 =	vnsel vm10, $0xFFFFFFDA, v18  }
0x25d: {  	vm11 =	vgt.s32 v48, $0xFFFFFFDA;
	v42 =	vld.idx.msk [tilespmem:v56+s5+$0x0], $0xffff;
	v18 =	vnsel vm1, $0x26, v14;
	vm12 =	vlt.s32 v17, $0x26  }
0x25e: {  	v14 =	vnsel vm11, $0xFFFFFFDA, v48;
	v48 =	vld.idx.msk [tilespmem:v59+s5+$0x0], $0xffff;
	v57 =	vadd.s32 $0x26, v18;
	v17 =	vnsel vm12, $0x26, v17  }
0x25f: {  	v55 =	vld.idx.msk [tilespmem:v38+s5+$0x0], $0xffff;
	[tilespmem:s12+$0x0] =	vst v58;
	vm0 =	vlt.s32 v14, $0x26;
	v54 =	vadd.s32 $0x73, v17  }
0x260: {  	v4 =	vld [tilespmem:$0x1FFF0];
	[tilespmem:s19+$0x0] =	vst v44;
	v14 =	vnsel vm0, $0x26, v14;
	v39 =	vadd.bf16 v60, v39  }
0x261: {  	v43 =	vld.idx.msk [tilespmem:v7+s5+$0x0], $0xffff;
	v7 =	vmov v3;
	v3 =	vmov v28;
	v46 =	vadd.s32 $0xC0, v14  }
0x262: {  	[tilespmem:$0x1FFF0] =	vst v3;
	v3 =	vld [tilespmem:$0x1FFD0];
	v60 =	vadd.s32 $0x3C2, v1;
	v59 =	vadd.bf16 v49, v39;
	v49 =	vadd.bf16 v42, v45  }
0x263: {  	v10 =	vmovc v21;
	v21 =	vmovc v37;
	s28 =	sor.u32 s15, s21;
	vm14 =	vgt.s32 v51, $0xFFFFFFDA;
	s24 =	sadd.s32 $0x15780, s8;
	vm13 =	vgt.s32 v47, $0xFFFFFFDA;
	v42 =	vadd.s32 $0x40F, v2;
	v37 =	vld.idx.msk [tilespmem:v57+s5+$0x0], $0xffff  }
0x264: {  	s25 =	sadd.s32 $0x16380, s8;
	s21 =	sor.u32 s14, s20;
	s19 =	sor.u32 s17, s24;
	v57 =	vnsel vm13, $0xFFFFFFDA, v47;
	v56 =	vunpack.i.l.bf16.f32 v59;
	v38 =	vadd.bf16 v48, v49;
	v47 =	vld.idx.msk [tilespmem:v54+s5+$0x0], $0xffff  }
0x265: {  	s20 =	sor.u32 s14, s23;
	s23 =	sadd.s32 $0x1B780, s7;
	s22 =	sor.u32 s17, s25;
	v58 =	vnsel vm14, $0xFFFFFFDA, v51;
	v44 =	vadd.s32 $0x45C, v0;
	v36 =	vunpack.i.u.bf16.f32 v59;
	v54 =	vld.idx.msk [tilespmem:v15+s5+$0x0], $0xffff;
	[tilespmem:s19+$0x0] =	vst v56  }
0x266: {  	s12 =	sor.u32 s16, s23;
	vm1 =	vlt.s32 v58, $0x26;
	vm0 =	vlt.s32 v57, $0x26;
	v49 =	vld.idx.msk [tilespmem:v46+s5+$0x0], $0xffff;
	[tilespmem:s22+$0x0] =	vst v36;
	v59 =	vunpack.i.l.bf16.f32 v38  }
0x267: {  	vm2 =	vgt.s32 v53, $0xFFFFFFDA;
	v52 =	vnsel vm0, $0x26, v57;
	v48 =	vnsel vm1, $0x26, v58;
	s22 =	sadd.s32 $0x1C380, s7;
	v51 =	vld.idx.msk [tilespmem:v60+s5+$0x0], $0xffff;
	[tilespmem:s12+$0x0] =	vst v59  }
0x268: {  	v45 =	vadd.s32 $0x26, v52;
	v38 =	vunpack.i.u.bf16.f32 v38;
	s19 =	sor.u32 s16, s22;
	v60 =	vnsel vm2, $0xFFFFFFDA, v53;
	v42 =	vld.idx.msk [tilespmem:v42+s5+$0x0], $0xffff  }
0x269: {  	s25 =	sor.u32 s15, s25;
	v53 =	vadd.s32 $0x73, v48;
	v59 =	vld.idx.msk [tilespmem:v20+s5+$0x0], $0xffff;
	[tilespmem:s19+$0x0] =	vst v38;
	vm15 =	vlt.s32 v60, $0x26;
	v37 =	vadd.bf16 v47, v37  }
0x26a: {  	v4 =	vmov v4;
	s23 =	sor.u32 s14, s23;
	s24 =	sor.u32 s15, s24;
	v15 =	vmov v34;
	s7 =	smov.u32 s8;
	v56 =	vnsel vm15, $0x26, v60;
	v34 =	vld.idx.msk [tilespmem:v44+s5+$0x0], $0xffff  }
0x26b: {  	s8 =	smov.u32 s30;
	s22 =	sor.u32 s14, s22;
	s14 =	smov.u32 s15;
	v20 =	vmovc v33;
	v47 =	vld.idx.msk [tilespmem:v16+s5+$0x0], $0xffff;
	v58 =	vadd.s32 $0xC0, v56;
	v33 =	vadd.bf16 v49, v37;
	v37 =	vadd.bf16 v55, v41  }
0x26c: {  	[tilespmem:$0x1FFC0] =	vst v4;
	v9 =	vmovc v3;
	v3 =	vmovc v13;
	s16 =	smov.u32 s17;
	s17 =	smov.u32 s29;
	s30 =	sadd.s32 $0x10F80, s8;
	v16 =	vmov v35;
	v35 =	vadd.s32 $0x10D, v18;
	v49 =	vld.idx.msk [tilespmem:v61+s5+$0x0], $0xffff;
	v41 =	vadd.s32 $0x15A, v17  }
0x26d: {  	[tilespmem:$0x1FFD0] =	vst v3;
	s15 =	smov.u32 s31;
	s31 =	sadd.s32 $0x11B80, s8;
	s1 =	sor.u32 s17, s30;
	v55 =	vld.idx.msk [tilespmem:v45+s5+$0x0], $0xffff;
	v42 =	vadd.bf16 v42, v51;
	v61 =	vunpack.i.l.bf16.f32 v33;
	v37 =	vadd.bf16 v50, v37  }
0x26e: {  	v5 =	vadd.s32 $0x543, v0;
	s12 =	sor.u32 s17, s31;
	v28 =	vld.idx.msk [tilespmem:v53+s5+$0x0], $0xffff;
	v51 =	vadd.s32 $0x1A7, v14;
	v33 =	vunpack.i.u.bf16.f32 v33;
	[tilespmem:s1+$0x0] =	vst v61  }
0x26f: {  	v40 =	vadd.bf16 v43, v40;
	v61 =	vld.idx.msk [tilespmem:v63+s5+$0x0], $0xffff;
	v34 =	vadd.bf16 v34, v42;
	[tilespmem:s12+$0x0] =	vst v33;
	v45 =	vunpack.i.l.bf16.f32 v37  }
0x270: {  	v57 =	vadd.s32 $0x10D, v52;
	s29 =	sor.u32 s15, s30;
	s19 =	sadd.s32 $0x16F80, s7;
	v53 =	vadd.s32 $0x4A9, v1;
	v50 =	vld.idx.msk [tilespmem:v58+s5+$0x0], $0xffff;
	v58 =	vunpack.i.u.bf16.f32 v37;
	[tilespmem:s28+$0x0] =	vst v45  }
0x271: {  	v39 =	vadd.s32 $0x1F4, v52;
	s30 =	sor.u32 s15, s31;
	s31 =	sadd.s32 $0x17B80, s7;
	s1 =	sor.u32 s16, s19;
	v37 =	vadd.s32 $0x4F6, v2;
	v3 =	vld.idx.msk [tilespmem:v35+s5+$0x0], $0xffff;
	v42 =	vunpack.i.l.bf16.f32 v34;
	[tilespmem:s26+$0x0] =	vst v58  }
0x272: {  	v8 =	vmovc v62;
	v13 =	vmovc v26;
	v62 =	vadd.s32 $0x328, v48;
	v46 =	vadd.s32 $0x15A, v48;
	s9 =	sor.u32 s16, s31;
	v4 =	vld.idx.msk [tilespmem:v41+s5+$0x0], $0xffff;
	v26 =	vunpack.i.u.bf16.f32 v34;
	[tilespmem:s1+$0x0] =	vst v42  }
0x273: {  	v38 =	vadd.s32 $0x241, v48;
	v60 =	vadd.s32 $0x2DB, v52;
	v51 =	vld.idx.msk [tilespmem:v51+s5+$0x0], $0xffff;
	[tilespmem:s9+$0x0] =	vst v26;
	v26 =	vadd.bf16 v28, v55  }
0x274: {  	v44 =	vadd.s32 $0x1A7, v56;
	v36 =	vadd.s32 $0x28E, v56;
	v47 =	vadd.bf16 v47, v54;
	v54 =	vld.idx.msk [tilespmem:v30+s5+$0x0], $0xffff  }
0x275: {  	v63 =	vadd.s32 $0x375, v56;
	v33 =	vadd.s32 $0x543, v56;
	v53 =	vld.idx.msk [tilespmem:v53+s5+$0x0], $0xffff;
	v50 =	vadd.bf16 v50, v26  }
0x276: {  	v45 =	vadd.s32 $0x3C2, v52;
	v35 =	vadd.s32 $0x4F6, v48;
	v34 =	vadd.s32 $0x4A9, v52;
	v6 =	vld.idx.msk [tilespmem:v37+s5+$0x0], $0xffff  }
0x277: {  	v30 =	vmovc v60;
	v55 =	vadd.s32 $0x590, v52;
	v28 =	vadd.s32 $0x677, v52;
	v5 =	vld.idx.msk [tilespmem:v5+s5+$0x0], $0xffff;
	v52 =	vunpack.i.l.bf16.f32 v50  }
0x278: {  	v60 =	vadd.bf16 v59, v47;
	v3 =	vadd.bf16 v4, v3;
	v4 =	vld.idx.msk [tilespmem:v32+s5+$0x0], $0xffff;
	v59 =	vunpack.i.u.bf16.f32 v50;
	[tilespmem:s29+$0x0] =	vst v52  }
0x279: {  	v58 =	vadd.s32 $0x5DD, v48;
	v42 =	vadd.s32 $0x40F, v48;
	v26 =	vadd.s32 $0x6C4, v48;
	v48 =	vld.idx.msk [tilespmem:v31+s5+$0x0], $0xffff;
	[tilespmem:s30+$0x0] =	vst v59  }
0x27a: {  	v41 =	vadd.s32 $0x45C, v56;
	v47 =	vadd.s32 $0x1F4, v18;
	v37 =	vadd.s32 $0x62A, v56;
	v59 =	vld.idx.msk [tilespmem:v8+s5+$0x0], $0xffff  }
0x27b: {  	v43 =	vunpack.i.l.bf16.f32 v60;
	v50 =	vunpack.i.u.bf16.f32 v60;
	v3 =	vadd.bf16 v51, v3;
	v8 =	vld [tilespmem:$0x1FFE0]  }
0x27c: {  	s12 =	sor.u32 s14, s19;
	v52 =	vunpack.i.u.bf16.f32 v40;
	v51 =	vunpack.i.l.bf16.f32 v40;
	v40 =	vadd.s32 $0x711, v56;
	s30 =	sadd.s32 $0x12780, s8;
	v57 =	vld.idx.msk [tilespmem:v57+s5+$0x0], $0xffff;
	[tilespmem:s18+$0x0] =	vst v43  }
0x27d: {  	s19 =	sor.u32 s14, s31;
	s31 =	sadd.s32 $0x13380, s8;
	v56 =	vadd.s32 $0x241, v17;
	v6 =	vadd.bf16 v6, v53;
	s1 =	sor.u32 s17, s30;
	v43 =	vld.idx.msk [tilespmem:v46+s5+$0x0], $0xffff;
	v46 =	vunpack.i.l.bf16.f32 v3;
	[tilespmem:s6+$0x0] =	vst v50  }
0x27e: {  	v3 =	vunpack.i.u.bf16.f32 v3;
	s6 =	sor.u32 s17, s31;
	[tilespmem:s1+$0x0] =	vst v46  }
0x27f: {  	v32 =	vmov v62;
	v53 =	vadd.s32 $0x28E, v14;
	v5 =	vadd.bf16 v5, v6;
	v44 =	vld.idx.msk [tilespmem:v44+s5+$0x0], $0xffff;
	[tilespmem:s6+$0x0] =	vst v3  }
0x280: {  	s9 =	sadd.s32 $0x18780, s7;
	v6 =	vadd.s32 $0x590, v1;
	v3 =	vadd.bf16 v4, v54;
	v4 =	vadd.s32 $0x5DD, v2;
	v54 =	vld.idx.msk [tilespmem:v47+s5+$0x0], $0xffff;
	v62 =	vmovc v8;
	v8 =	vmovc v19  }
0x281: {  	s1 =	sor.u32 s16, s9;
	v19 =	vmovc v24;
	v24 =	vmovc v40;
	v40 =	vld.idx.msk [tilespmem:v12+s5+$0x0], $0xffff;
	v12 =	vmov v25;
	v25 =	vmov v55;
	v55 =	vunpack.i.l.bf16.f32 v5;
	[tilespmem:s13+$0x0] =	vst v51  }
0x282: {  	s29 =	sadd.s32 $0x19380, s7;
	v51 =	vld.idx.msk [tilespmem:v56+s5+$0x0], $0xffff;
	v3 =	vadd.bf16 v48, v3;
	[tilespmem:s1+$0x0] =	vst v55  }
0x283: {  	s0 =	sadd.s32 $0x2, s0;
	s26 =	sor.u32 s15, s30;
	s30 =	sor.u32 s16, s29;
	v50 =	vadd.bf16 v61, v49;
	v5 =	vunpack.i.u.bf16.f32 v5;
	v56 =	vadd.s32 $0x62A, v0;
	[tilespmem:s10+$0x0] =	vst v52  }
0x284: {  	p0 =	slt.u32 s0, $0xBE;
	v49 =	vld.idx.msk [tilespmem:v53+s5+$0x0], $0xffff;
	[tilespmem:s30+$0x0] =	vst v5;
	v60 =	vunpack.i.u.bf16.f32 v3;
	v3 =	vunpack.i.l.bf16.f32 v3  }
.Ltmp4:
0x285: {  	v43 =	vadd.bf16 v43, v57;
	v5 =	vadd.bf16 v59, v50;
	v47 =	vld.idx.msk [tilespmem:v6+s5+$0x0], $0xffff;
	[tilespmem:s24+$0x0] =	vst v3;
	(pc) =	sbr.rel @p0 .LBB2_9-.Ltmp4, $4  }
0x286: {  	s11 =	sadd.s32 $0x20, s11;
	s28 =	sor.u32 s15, s31;
	v48 =	vld.idx.msk [tilespmem:v4+s5+$0x0], $0xffff;
	[tilespmem:s25+$0x0] =	vst v60  }
0x287: {  	v31 =	vmovc v63;
	s18 =	sor.u32 s14, s9;
	s31 =	rddreg [dreg:$0x15];
	s6 =	sor.u32 s14, s29;
	[tilespmem:$0x1FFE0] =	vst v8;
	v3 =	vunpack.i.u.bf16.f32 v5;
	v4 =	vunpack.i.l.bf16.f32 v5;
	v5 =	vadd.bf16 v44, v43;
	v44 =	vld.idx.msk [tilespmem:v11+s5+$0x0], $0xffff  }
0x288: {  	v63 =	vmovc v9;
	v61 =	vmovc v7;
	v7 =	vmov v10;
	s13 =	smov.u32 s21;
	s21 =	smov.u32 s22;
	s10 =	smov.u32 s20;
	v11 =	vmov v27;
	v27 =	vmov v58;
	v46 =	vld.idx.msk [tilespmem:v56+s5+$0x0], $0xffff;
	[tilespmem:s3+$0x0] =	vst v4  }
0x289: {  	s3 =	smov.u32 s2;
	s2 =	smov.u32 s23;
	v51 =	vadd.bf16 v51, v54;
	v50 =	vunpack.i.u.bf16.f32 v5;
	v52 =	vunpack.i.l.bf16.f32 v5;
	v43 =	vld.idx.msk [tilespmem:v29+s5+$0x0], $0xffff;
	[tilespmem:s4+$0x0] =	vst v3;
	v29 =	vmovc v45;
	s4 =	smov.u32 s31  }
0x28a: {  	_ =	sdelay $0x1  }
0x28b: {  	[tilespmem:s26+$0x0] =	vst v52;
	v4 =	vadd.s32 $0x2DB, v18;
	v3 =	vadd.bf16 v49, v51  }
0x28c: {  	s0 =	sadd.s32 $0x13F80, s8;
	v6 =	vadd.s32 $0x328, v17;
	[tilespmem:s28+$0x0] =	vst v50  }
0x28d: {  	s1 =	sadd.s32 $0x14B80, s8;
	s9 =	sor.u32 s17, s0;
	v5 =	vld.idx.msk [tilespmem:v39+s5+$0x0], $0xffff;
	v9 =	vunpack.i.l.bf16.f32 v3  }
0x28e: {  	v10 =	vadd.s32 $0x375, v14;
	s20 =	sor.u32 s17, s1;
	v38 =	vld.idx.msk [tilespmem:v38+s5+$0x0], $0xffff;
	v3 =	vunpack.i.u.bf16.f32 v3;
	[tilespmem:s9+$0x0] =	vst v9  }
0x28f: {  	v45 =	vld.idx.msk [tilespmem:v36+s5+$0x0], $0xffff;
	[tilespmem:s20+$0x0] =	vst v3  }
0x290: {  	v4 =	vld.idx.msk [tilespmem:v4+s5+$0x0], $0xffff  }
0x291: {  	v6 =	vld.idx.msk [tilespmem:v6+s5+$0x0], $0xffff;
	_ =	sdelay $0x1  }
0x292: {  	v49 =	vld.idx.msk [tilespmem:v10+s5+$0x0], $0xffff;
	v5 =	vadd.bf16 v38, v5;
	_ =	sdelay $0x1  }
0x293: {  	v3 =	vadd.bf16 v45, v5  }
0x294: {  	v4 =	vadd.bf16 v6, v4  }
0x295: {  	s0 =	sor.u32 s15, s0;
	v5 =	vunpack.i.l.bf16.f32 v3  }
0x296: {  	s1 =	sor.u32 s15, s1;
	v50 =	vadd.s32 $0x3C2, v18;
	v3 =	vunpack.i.u.bf16.f32 v3;
	[tilespmem:s0+$0x0] =	vst v5;
	v4 =	vadd.bf16 v49, v4  }
0x297: {  	s22 =	sadd.s32 $0x15780, s8;
	v51 =	vadd.s32 $0x40F, v17;
	[tilespmem:s1+$0x0] =	vst v3  }
0x298: {  	s23 =	sadd.s32 $0x16380, s8;
	s24 =	sor.u32 s17, s22;
	v52 =	vld.idx.msk [tilespmem:v30+s5+$0x0], $0xffff;
	v53 =	vunpack.i.l.bf16.f32 v4  }
0x299: {  	v54 =	vadd.s32 $0x45C, v14;
	s25 =	sor.u32 s17, s23;
	v32 =	vld.idx.msk [tilespmem:v32+s5+$0x0], $0xffff;
	v4 =	vunpack.i.u.bf16.f32 v4;
	[tilespmem:s24+$0x0] =	vst v53  }
0x29a: {  	v55 =	vld.idx.msk [tilespmem:v31+s5+$0x0], $0xffff;
	[tilespmem:s25+$0x0] =	vst v4  }
0x29b: {  	v5 =	vld.idx.msk [tilespmem:v50+s5+$0x0], $0xffff  }
0x29c: {  	v3 =	vld.idx.msk [tilespmem:v51+s5+$0x0], $0xffff;
	_ =	sdelay $0x1  }
0x29d: {  	v30 =	vld.idx.msk [tilespmem:v54+s5+$0x0], $0xffff;
	v6 =	vadd.bf16 v32, v52;
	_ =	sdelay $0x1  }
0x29e: {  	v57 =	vld.idx.msk [tilespmem:v23+s5+$0x0], $0xffff;
	v4 =	vadd.bf16 v55, v6  }
0x29f: {  	v3 =	vadd.bf16 v3, v5  }
0x2a0: {  	v58 =	vld.idx.msk [tilespmem:v22+s5+$0x0], $0xffff;
	s0 =	sor.u32 s15, s22;
	v56 =	vunpack.i.l.bf16.f32 v4  }
0x2a1: {  	v59 =	vadd.s32 $0x4A9, v18;
	s1 =	sor.u32 s15, s23;
	v4 =	vunpack.i.u.bf16.f32 v4;
	[tilespmem:s0+$0x0] =	vst v56;
	v3 =	vadd.bf16 v30, v3  }
0x2a2: {  	s26 =	sadd.s32 $0x16F80, s8;
	v60 =	vadd.s32 $0x4F6, v17;
	[tilespmem:s1+$0x0] =	vst v4  }
0x2a3: {  	s28 =	sadd.s32 $0x17B80, s8;
	s29 =	sor.u32 s17, s26;
	v6 =	vadd.bf16 v57, v43;
	v9 =	vld.idx.msk [tilespmem:v29+s5+$0x0], $0xffff;
	v30 =	vunpack.i.l.bf16.f32 v3  }
0x2a4: {  	s30 =	sor.u32 s17, s28;
	v38 =	vadd.s32 $0x543, v14;
	v36 =	vld.idx.msk [tilespmem:v42+s5+$0x0], $0xffff;
	v3 =	vunpack.i.u.bf16.f32 v3;
	[tilespmem:s29+$0x0] =	vst v30  }
0x2a5: {  	v5 =	vadd.bf16 v58, v6;
	v39 =	vld.idx.msk [tilespmem:v41+s5+$0x0], $0xffff;
	[tilespmem:s30+$0x0] =	vst v3  }
0x2a6: {  	v22 =	vld.idx.msk [tilespmem:v59+s5+$0x0], $0xffff  }
0x2a7: {  	v43 =	vunpack.i.l.bf16.f32 v5;
	v4 =	vld.idx.msk [tilespmem:v60+s5+$0x0], $0xffff  }
0x2a8: {  	v10 =	vadd.bf16 v48, v47;
	v5 =	vunpack.i.u.bf16.f32 v5;
	[tilespmem:s12+$0x0] =	vst v43  }
0x2a9: {  	[tilespmem:s19+$0x0] =	vst v5;
	v45 =	vld.idx.msk [tilespmem:v38+s5+$0x0], $0xffff;
	v23 =	vadd.bf16 v36, v9  }
0x2aa: {  	v29 =	vadd.bf16 v46, v10;
	v5 =	vld.idx.msk [tilespmem:v15+s5+$0x0], $0xffff  }
0x2ab: {  	s11 =	sadd.s32 $0x19F80, s7;
	v47 =	vld.idx.msk [tilespmem:v16+s5+$0x0], $0xffff;
	v3 =	vadd.bf16 v39, v23  }
0x2ac: {  	s20 =	sor.u32 s16, s11;
	v41 =	vunpack.i.l.bf16.f32 v29;
	v4 =	vadd.bf16 v4, v22  }
0x2ad: {  	s1 =	sor.u32 s15, s26;
	v48 =	vld.idx.msk [tilespmem:v20+s5+$0x0], $0xffff;
	[tilespmem:s20+$0x0] =	vst v41;
	v46 =	vunpack.i.l.bf16.f32 v3  }
0x2ae: {  	s9 =	sor.u32 s15, s28;
	v49 =	vadd.s32 $0x590, v18;
	v3 =	vunpack.i.u.bf16.f32 v3;
	[tilespmem:s1+$0x0] =	vst v46;
	v4 =	vadd.bf16 v45, v4  }
0x2af: {  	v61 =	vld.idx.msk [tilespmem:v61+s5+$0x0], $0xffff;
	v50 =	vadd.s32 $0x5DD, v17;
	s20 =	sadd.s32 $0x18780, s8;
	[tilespmem:s9+$0x0] =	vst v3  }
0x2b0: {  	s22 =	sadd.s32 $0x19380, s8;
	s23 =	sor.u32 s17, s20;
	v55 =	vadd.bf16 v47, v5;
	v51 =	vld.idx.msk [tilespmem:v34+s5+$0x0], $0xffff;
	v52 =	vunpack.i.l.bf16.f32 v4  }
0x2b1: {  	s24 =	sor.u32 s17, s22;
	v54 =	vadd.s32 $0x62A, v14;
	v53 =	vld.idx.msk [tilespmem:v35+s5+$0x0], $0xffff;
	v4 =	vunpack.i.u.bf16.f32 v4;
	[tilespmem:s23+$0x0] =	vst v52  }
0x2b2: {  	v56 =	vld.idx.msk [tilespmem:v33+s5+$0x0], $0xffff;
	[tilespmem:s24+$0x0] =	vst v4;
	v4 =	vadd.bf16 v48, v55  }
0x2b3: {  	v57 =	vld.idx.msk [tilespmem:v49+s5+$0x0], $0xffff  }
0x2b4: {  	v3 =	vld.idx.msk [tilespmem:v50+s5+$0x0], $0xffff;
	v59 =	vunpack.i.l.bf16.f32 v4  }
0x2b5: {  	v58 =	vld.idx.msk [tilespmem:v7+s5+$0x0], $0xffff;
	v4 =	vunpack.i.u.bf16.f32 v4;
	[tilespmem:s18+$0x0] =	vst v59  }
0x2b6: {  	v1 =	vadd.s32 $0x677, v1;
	v60 =	vld.idx.msk [tilespmem:v54+s5+$0x0], $0xffff;
	[tilespmem:s6+$0x0] =	vst v4  }
0x2b7: {  	v2 =	vadd.s32 $0x6C4, v2;
	v9 =	vadd.bf16 v53, v51;
	v4 =	vld.idx.msk [tilespmem:v12+s5+$0x0], $0xffff  }
0x2b8: {  	v0 =	vadd.s32 $0x711, v0;
	s0 =	sadd.s32 $0x1AB80, s7;
	v11 =	vld.idx.msk [tilespmem:v11+s5+$0x0], $0xffff  }
0x2b9: {  	v63 =	vld.idx.msk [tilespmem:v63+s5+$0x0], $0xffff;
	s31 =	sor.u32 s16, s0;
	v42 =	vunpack.i.u.bf16.f32 v29;
	v5 =	vadd.bf16 v56, v9;
	v3 =	vadd.bf16 v3, v57  }
0x2ba: {  	[tilespmem:s31+$0x0] =	vst v42;
	v30 =	vld.idx.msk [tilespmem:v21+s5+$0x0], $0xffff  }
0x2bb: {  	v31 =	vadd.bf16 v44, v40;
	v1 =	vld.idx.msk [tilespmem:v1+s5+$0x0], $0xffff;
	s1 =	sor.u32 s15, s20;
	v23 =	vunpack.i.l.bf16.f32 v5;
	v3 =	vadd.bf16 v60, v3  }
0x2bc: {  	s25 =	sor.u32 s15, s22;
	s26 =	sadd.s32 $0x19F80, s8;
	v2 =	vld.idx.msk [tilespmem:v2+s5+$0x0], $0xffff;
	v5 =	vunpack.i.u.bf16.f32 v5;
	[tilespmem:s1+$0x0] =	vst v23  }
0x2bd: {  	s28 =	sadd.s32 $0x1AB80, s8;
	s29 =	sor.u32 s17, s26;
	v0 =	vld.idx.msk [tilespmem:v0+s5+$0x0], $0xffff;
	[tilespmem:s25+$0x0] =	vst v5;
	v5 =	vadd.bf16 v58, v31;
	v20 =	vunpack.i.l.bf16.f32 v3;
	v38 =	vadd.bf16 v11, v4  }
0x2be: {  	s30 =	sor.u32 s17, s28;
	v36 =	vld.idx.msk [tilespmem:v62+s5+$0x0], $0xffff;
	v3 =	vunpack.i.u.bf16.f32 v3;
	[tilespmem:s29+$0x0] =	vst v20  }
0x2bf: {  	v33 =	vld.idx.msk [tilespmem:v25+s5+$0x0], $0xffff;
	v40 =	vunpack.i.l.bf16.f32 v5;
	[tilespmem:s30+$0x0] =	vst v3;
	v3 =	vadd.bf16 v30, v38  }
0x2c0: {  	v35 =	vld.idx.msk [tilespmem:v27+s5+$0x0], $0xffff;
	v5 =	vunpack.i.u.bf16.f32 v5;
	[tilespmem:s13+$0x0] =	vst v40  }
0x2c1: {  	v29 =	vadd.s32 $0x677, v18;
	s31 =	sor.u32 s14, s11;
	v39 =	vld.idx.msk [tilespmem:v37+s5+$0x0], $0xffff;
	[tilespmem:s10+$0x0] =	vst v5;
	v15 =	vunpack.i.l.bf16.f32 v3  }
0x2c2: {  	v32 =	vadd.s32 $0x6C4, v17;
	s0 =	sor.u32 s14, s0;
	v44 =	vld [tilespmem:$0x1FFC0];
	v3 =	vunpack.i.u.bf16.f32 v3;
	[tilespmem:s31+$0x0] =	vst v15  }
0x2c3: {  	v34 =	vadd.s32 $0x711, v14;
	v8 =	vld [tilespmem:$0x1FFD0];
	[tilespmem:s0+$0x0] =	vst v3  }
0x2c4: {  	v46 =	vld [tilespmem:$0x1FFE0]  }
0x2c5: {  	v3 =	vld [tilespmem:$0x1FFF0]  }
0x2c6: {  	v12 =	vld.idx.msk [tilespmem:v29+s5+$0x0], $0xffff  }
0x2c7: {  	v41 =	vld.idx.msk [tilespmem:v32+s5+$0x0], $0xffff  }
0x2c8: {  	v1 =	vadd.bf16 v2, v1;
	v42 =	vld.idx.msk [tilespmem:v34+s5+$0x0], $0xffff  }
0x2c9: {  	v48 =	vadd.bf16 v63, v61;
	v49 =	vld.idx.msk [tilespmem:v13+s5+$0x0], $0xffff  }
0x2ca: {  	v0 =	vadd.bf16 v0, v1;
	v7 =	vld.idx.msk [tilespmem:v44+s5+$0x0], $0xffff  }
0x2cb: {  	s11 =	sadd.s32 $0x1B780, s7;
	v1 =	vadd.bf16 v36, v48;
	v45 =	vld.idx.msk [tilespmem:v8+s5+$0x0], $0xffff  }
0x2cc: {  	v51 =	vunpack.i.l.bf16.f32 v0;
	s13 =	sor.u32 s16, s11;
	v43 =	vadd.bf16 v35, v33;
	v2 =	vld.idx.msk [tilespmem:v46+s5+$0x0], $0xffff  }
0x2cd: {  	s12 =	sadd.s32 $0x1C380, s7;
	v54 =	vunpack.i.l.bf16.f32 v1;
	[tilespmem:s13+$0x0] =	vst v51;
	v3 =	vld.idx.msk [tilespmem:v3+s5+$0x0], $0xffff  }
0x2ce: {  	v0 =	vunpack.i.u.bf16.f32 v0;
	s16 =	sor.u32 s16, s12;
	v4 =	vadd.bf16 v39, v43;
	[tilespmem:s3+$0x0] =	vst v54;
	v52 =	vadd.bf16 v41, v12  }
0x2cf: {  	v1 =	vunpack.i.u.bf16.f32 v1;
	v50 =	vld.idx.msk [tilespmem:v19+s5+$0x0], $0xffff;
	[tilespmem:s16+$0x0] =	vst v0  }
0x2d0: {  	s9 =	sor.u32 s15, s26;
	v47 =	vunpack.i.l.bf16.f32 v4;
	[tilespmem:s4+$0x0] =	vst v1;
	v5 =	vadd.bf16 v42, v52;
	v55 =	vadd.bf16 v45, v7  }
0x2d1: {  	s18 =	sadd.s32 $0x1B780, s8;
	s10 =	sor.u32 s15, s28;
	v4 =	vunpack.i.u.bf16.f32 v4;
	[tilespmem:s9+$0x0] =	vst v47  }
0x2d2: {  	s19 =	sadd.s32 $0x1C380, s8;
	s20 =	sor.u32 s17, s18;
	[tilespmem:s10+$0x0] =	vst v4;
	v57 =	vunpack.i.l.bf16.f32 v5;
	v3 =	vadd.bf16 v49, v3;
	v2 =	vadd.bf16 v2, v55  }
0x2d3: {  	s22 =	sor.u32 s17, s19;
	v10 =	vld.idx.msk [tilespmem:v28+s5+$0x0], $0xffff;
	v58 =	vunpack.i.u.bf16.f32 v5;
	[tilespmem:s20+$0x0] =	vst v57  }
0x2d4: {  	v53 =	vld.idx.msk [tilespmem:v26+s5+$0x0], $0xffff;
	[tilespmem:s22+$0x0] =	vst v58;
	v3 =	vadd.bf16 v50, v3;
	v59 =	vunpack.i.l.bf16.f32 v2  }
0x2d5: {  	v60 =	vunpack.i.u.bf16.f32 v2;
	[tilespmem:s2+$0x0] =	vst v59  }
0x2d6: {  	s0 =	sor.u32 s14, s11;
	v56 =	vld.idx.msk [tilespmem:v24+s5+$0x0], $0xffff;
	v61 =	vunpack.i.l.bf16.f32 v3;
	[tilespmem:s21+$0x0] =	vst v60  }
0x2d7: {  	[tilespmem:s0+$0x0] =	vst v61  }
0x2d8: {  	s0 =	sld [smem:$0x7F4]  }
0x2d9: {  	v4 =	vadd.bf16 v53, v10;
	s2 =	sld [smem:$0x7F1];
	_ =	sdelay $0x1  }
0x2da: {  	v0 =	vadd.bf16 v56, v4  }
0x2db: {  	s1 =	sor.u32 s14, s12;
	v62 =	vunpack.i.u.bf16.f32 v3;
	s0 =	sadd.s32 s0, s2  }
0x2dc: {  	s26 =	simm.s32 $0x10F80;
	s23 =	sor.u32 s15, s18;
	v63 =	vunpack.i.l.bf16.f32 v0;
	[tilespmem:s1+$0x0] =	vst v62;
	s0 =	sadd.s32 $0x6000, s0  }
0x2dd: {  	s24 =	sor.u32 s15, s19;
	s25 =	rddreg [dreg:$0x2];
	v0 =	vunpack.i.u.bf16.f32 v0;
	[tilespmem:s23+$0x0] =	vst v63;
	s0 =	sshrl.u32 s0, $0x3  }
0x2de: {  	s3 =	simm.s32 $0x2000;
	[tilespmem:s24+$0x0] =	vst v0;
	s2 =	simm.s32 $0x400;
	s0 =	sadd.s32 s25, s0  }
0x2df: {  	[hbm4b:s0+s2] =	stream.strided.scatter [tilespmem:s26], [sflag:$0x4], $0xC00, s3, s2, $0x38;
	[tilespmem:$0x1CF80] =	vst v63  }
0x2e0: {  	s29 =	simm.s32 $0x11B80;
	s28 =	sadd.s32 $0x48000, s0  }
0x2e1: {  	[hbm4b:s28+s2] =	stream.strided.scatter [tilespmem:s29], [sflag:$0x4], $0xC00, s3, s2, $0x38;
	[tilespmem:$0x1CF80] =	vst v63  }
0x2e2: {  	s31 =	simm.s32 $0x12780;
	s30 =	sadd.s32 $0x90000, s0  }
0x2e3: {  	[hbm4b:s30+s2] =	stream.strided.scatter [tilespmem:s31], [sflag:$0x4], $0xC00, s3, s2, $0x38;
	[tilespmem:$0x1CF80] =	vst v63  }
0x2e4: {  	s7 =	simm.s32 $0x13380;
	s6 =	sadd.s32 $0xD8000, s0  }
0x2e5: {  	[hbm4b:s6+s2] =	stream.strided.scatter [tilespmem:s7], [sflag:$0x4], $0xC00, s3, s2, $0x38;
	[tilespmem:$0x1CF80] =	vst v63  }
0x2e6: {  	s9 =	simm.s32 $0x13F80;
	s8 =	sadd.s32 $0x120000, s0  }
0x2e7: {  	[hbm4b:s8+s2] =	stream.strided.scatter [tilespmem:s9], [sflag:$0x4], $0xC00, s3, s2, $0x38;
	[tilespmem:$0x1CF80] =	vst v63  }
0x2e8: {  	s11 =	simm.s32 $0x14B80;
	s10 =	sadd.s32 $0x168000, s0  }
0x2e9: {  	[hbm4b:s10+s2] =	stream.strided.scatter [tilespmem:s11], [sflag:$0x4], $0xC00, s3, s2, $0x38;
	[tilespmem:$0x1CF80] =	vst v63  }
0x2ea: {  	s13 =	simm.s32 $0x15780;
	s12 =	sadd.s32 $0x1B0000, s0  }
0x2eb: {  	[hbm4b:s12+s2] =	stream.strided.scatter [tilespmem:s13], [sflag:$0x4], $0xC00, s3, s2, $0x38;
	[tilespmem:$0x1CF80] =	vst v63  }
0x2ec: {  	s15 =	simm.s32 $0x16380;
	s14 =	sadd.s32 $0x1F8000, s0  }
0x2ed: {  	[hbm4b:s14+s2] =	stream.strided.scatter [tilespmem:s15], [sflag:$0x4], $0xC00, s3, s2, $0x38;
	[tilespmem:$0x1CF80] =	vst v63  }
0x2ee: {  	s17 =	simm.s32 $0x16F80;
	s16 =	sadd.s32 $0x240000, s0  }
0x2ef: {  	[hbm4b:s16+s2] =	stream.strided.scatter [tilespmem:s17], [sflag:$0x4], $0xC00, s3, s2, $0x38;
	[tilespmem:$0x1CF80] =	vst v63  }
0x2f0: {  	s19 =	simm.s32 $0x17B80;
	s18 =	sadd.s32 $0x288000, s0  }
0x2f1: {  	[hbm4b:s18+s2] =	stream.strided.scatter [tilespmem:s19], [sflag:$0x4], $0xC00, s3, s2, $0x38;
	[tilespmem:$0x1CF80] =	vst v63  }
0x2f2: {  	s21 =	simm.s32 $0x18780;
	s20 =	sadd.s32 $0x2D0000, s0;
	s6 =	sld [smem:$0x7F5]  }
0x2f3: {  	[hbm4b:s20+s2] =	stream.strided.scatter [tilespmem:s21], [sflag:$0x4], $0xC00, s3, s2, $0x38;
	[tilespmem:$0x1CF80] =	vst v63  }
0x2f4: {  	s23 =	simm.s32 $0x19380;
	s22 =	sadd.s32 $0x318000, s0  }
0x2f5: {  	[hbm4b:s22+s2] =	stream.strided.scatter [tilespmem:s23], [sflag:$0x4], $0xC00, s3, s2, $0x38;
	[tilespmem:$0x1CF80] =	vst v63  }
0x2f6: {  	s25 =	simm.s32 $0x19F80;
	s24 =	sadd.s32 $0x360000, s0;
	s6 =	sadd.s32 $0x1, s6  }
0x2f7: {  	[hbm4b:s24+s2] =	stream.strided.scatter [tilespmem:s25], [sflag:$0x4], $0xC00, s3, s2, $0x38;
	[tilespmem:$0x1CF80] =	vst v63  }
0x2f8: {  	s26 =	sadd.s32 $0x3A8000, s0;
	s28 =	simm.s32 $0x1AB80;
	p0 =	sne.s32 s6, $0xC  }
0x2f9: {  	[hbm4b:s26+s2] =	stream.strided.scatter [tilespmem:s28], [sflag:$0x4], $0xC00, s3, s2, $0x38;
	[tilespmem:$0x1CF80] =	vst v63  }
.Ltmp5:
0x2fa: {  	_ = 	snop;
	(pc) =	sbr.rel @p0 .LBB2_2-.Ltmp5, $4  }
0x2fb: {  	s29 =	sadd.s32 $0x3F0000, s0;
	s30 =	simm.s32 $0x1B780  }
0x2fc: {  	[hbm4b:s29+s2] =	stream.strided.scatter [tilespmem:s30], [sflag:$0x4], $0xC00, s3, s2, $0x38;
	[tilespmem:$0x1CF80] =	vst v63  }
0x2fd: {  	s0 =	sadd.s32 $0x438000, s0;
	s31 =	simm.s32 $0x1C380  }
0x2fe: {  	[hbm4b:s0+s2] =	stream.strided.scatter [tilespmem:s31], [sflag:$0x4], $0xC00, s3, s2, $0x38;
	[tilespmem:$0x1CF80] =	vst v63  }
0x2ff: {  	s0 =	simm.s32 $0x3  }
0x300: {  	_ =	swait.ge [sflag:s0], $0xC000  }
0x301: {  	[sflag:s0] =	ssyncset.done $0x0  }
0x302: {  	s1 =	simm.s32 $0x4;
	[sflag:s0] =	ssyncadd.s32 $0xFFFF4000  }
0x303: {  	_ =	swait.ge [sflag:s1], $0xC000  }
0x304: {  	s4 =	sld [smem:$0x7F6]  }
0x305: {  	s31 =	sld [smem:$0x7FA];
	_ =	sdelay $0x1  }
0x306: {  	s4 =	sadd.s32 $0x1, s4  }
0x307: {  	p0 =	sne.s32 s4, s31  }
.Ltmp6:
0x308: {  	_ = 	snop;
	(pc) =	sbr.rel @p0 .LBB2_1-.Ltmp6, $3  }
0x309: {  	_ =	sdelay $0x1  }
0x30a: {  	[sflag:s1] =	ssyncset.done $0x0  }
0x30b: {  	[sflag:s1] =	ssyncadd.s32 $0xFFFF4000  }
0x30c: {  	_ =	sfence.sel $0x180000  }
0x30d: {  	[bflag:$0x0] =	sbarrier.arrive $0xFFFF  }
0x30e: {  	_ =	strace $0x90000047  }
0x30f: {  	s0 =	stileid.u32;
	[bflag:$0x2] =	sbarrier.arrive $0xFFFF  }
0x310: {  	p0 =	sne.s32 s0, $0x0;
	s0 =	rddreg [dreg:$0x3]  }
0x311: {  	s0 =	sadd.s32 @!p0 $0x100000, s0  }
0x312: {  	[sflag:s0] =	ssyncadd.tile.s32 @!p0 $0x1;
	_ =	shalt  }
.Lfunc_end2:
_tile_overlayer_lowered:
.L_overlay_start_2:
0x313: {  	(tag) =	ssettag $0x2  }
0x314: {  	s0 =	rddreg [dreg:$0x0];
	s2 =	stileid.u32  }
0x315: {  	s1 =	rddreg [dreg:$0x1];
	p0 =	sne.s32 s2, $0x0  }
0x316: {  	s3 =	rddreg [dreg:$0x2];
	[bflag:$0x3] =	sbarrier.arrive $0xFFFF;
	s2 =	simm.s32 @!p0 $0x1C05  }
0x317: {  	[timem:s3], [sflag:s2] =	dma.local @!p0 [hbm:s0], s1  }
0x318: {  	s0 =	simm.s32 @!p0 $0x5  }
0x319: {  	_ =	swait.ge @!p0 [sflag:s0], s1  }
0x31a: {  	s1 =	ssub.s32 @!p0 $0x0, s1;
	[sflag:s0] =	ssyncset.done @!p0 $0x0  }
0x31b: {  	[sflag:s0] =	ssyncadd.s32 @!p0 s1  }
0x31c: {  	[bflag:$0x3] =	sbarrier.arrive $0xFFFF  }
0x31d: {  	_ =	shalt  }

</sc_bundles>
